<compile_context>
chip_gen: v7x
topology: tpu7x:2x2x1
jax: 0.10.2.dev20260603
libtpu: 0.0.44.dev20260713+nightly
codegen_flags: <defaults>
</compile_context>

<pallas_src>
import jax
import jax.numpy as jnp
from jax import lax
from jax.experimental import pallas as pl
from jax.experimental.pallas import tpu as pltpu
from jax.experimental.pallas import tpu_sc as plsc

N = 10000
E = 320000
D = 128
G = 16
EPS = 1e-5

NC = 2
NS = 16
K = 80
NP = 10240
ROWS_PER_TILE = NP // NS
CHUNKS = E // (NC * NS * K)
F32 = jnp.float32


def _make_sc_scatter(with_count: bool):
    NB = 3 if with_count else 4
    A = NB - 2
    IB = 5
    STAGES = CHUNKS // IB
    out_type = [jax.ShapeDtypeStruct((NC, NP, D), F32)]
    scratch = [
        pltpu.VMEM((3 * IB, K), jnp.int32),
        pltpu.VMEM((3 * IB, K), jnp.int32),
        pltpu.VMEM((NB, K, D), F32),
        pltpu.VMEM_SHARED((NP, D), F32),
        pltpu.SemaphoreType.DMA((NB,)),
        pltpu.SemaphoreType.DMA((NB,)),
        pltpu.SemaphoreType.DMA((3,)),
    ]
    if with_count:
        out_type.append(jax.ShapeDtypeStruct((NC * NS, NP // 128, 128), F32))
        scratch.append(pltpu.VMEM((NP // 128, 128), F32))

    mesh = plsc.VectorSubcoreMesh(core_axis_name="c", subcore_axis_name="s")

    NZ = ROWS_PER_TILE // K

    CH = CHUNKS

    def body(h, src_i, dst_i, zrow, *rest):
        if with_count:
            (out, cnt_out, src_v, dst_v, rows_v, acc_sp, sem, ssem, isem,
             cnt_v) = rest
        else:
            (out, src_v, dst_v, rows_v, acc_sp, sem, ssem, isem) = rest
        c = lax.axis_index("c")
        s = lax.axis_index("s")
        r0 = s * ROWS_PER_TILE
        pltpu.sync_copy(zrow, rows_v.at[0])
        if with_count:
            pltpu.sync_copy(zrow, cnt_v)

        def zfire(i, carry):
            pltpu.async_copy(rows_v.at[0], acc_sp.at[pl.ds(r0 + i * K, K)],
                             ssem.at[0])
            return carry

        lax.fori_loop(0, NZ, zfire, 0)

        def zdrain(i, carry):
            pltpu.make_async_copy(rows_v.at[0], acc_sp.at[pl.ds(r0, K)],
                                  ssem.at[0]).wait()
            return carry

        lax.fori_loop(0, NZ, zdrain, 0)
        w = c * NS + s
        plsc.subcore_barrier()
        ones16 = jnp.full((16,), 1.0, F32)

        def _slab_fire(t, slot):
            pltpu.async_copy(src_i.at[w * STAGES + t],
                             src_v.at[pl.ds(slot * IB, IB)], isem.at[slot])
            pltpu.async_copy(dst_i.at[w * STAGES + t],
                             dst_v.at[pl.ds(slot * IB, IB)], isem.at[slot])

        def _slab_wait(slot):
            pltpu.make_async_copy(src_i.at[w * STAGES],
                                  src_v.at[pl.ds(slot * IB, IB)],
                                  isem.at[slot]).wait()
            pltpu.make_async_copy(dst_i.at[w * STAGES],
                                  dst_v.at[pl.ds(slot * IB, IB)],
                                  isem.at[slot]).wait()

        _slab_fire(0, 0)
        _slab_wait(0)
        _slab_fire(1, 1)
        _slab_fire(2, 2)
        for p in range(A):
            pltpu.async_copy(h.at[src_v.at[p]], rows_v.at[p], sem.at[p])

        def step(j, c2):
            slot = lax.rem(j, NB)
            tgt = lax.rem(j + A, NB)
            jn = j + A

            @pl.when(j >= 2)
            def _drain():
                pltpu.make_async_copy(zrow, rows_v.at[tgt],
                                      ssem.at[tgt]).wait()

            @pl.when((lax.rem(jn, IB) == 0) & (jn < CH))
            def _slab_step():
                _slab_wait(lax.rem(jn // IB, 3))

            @pl.when((lax.rem(jn, IB) == 2 + A) & (jn >= IB))
            def _slab_pref():
                sl2 = jn // IB + 2

                @pl.when(sl2 < STAGES)
                def _pref():
                    _slab_fire(sl2, lax.rem(sl2, 3))

            @pl.when(jn < CH)
            def _fire():
                row = lax.rem(jn // IB, 3) * IB + lax.rem(jn, IB)
                pltpu.async_copy(h.at[src_v.at[row]], rows_v.at[tgt],
                                 sem.at[tgt])

            pltpu.make_async_copy(h.at[src_v.at[0]], rows_v.at[slot],
                                  sem.at[slot]).wait()
            drow = lax.rem(j // IB, 3) * IB + lax.rem(j, IB)
            pltpu.async_copy(rows_v.at[slot], acc_sp.at[dst_v.at[drow]],
                             ssem.at[slot], add=True)
            if with_count:
                for g in range(K // 16):
                    dv = dst_v[drow, pl.ds(g * 16, 16)]
                    plsc.addupdate_scatter(
                        cnt_v, [dv >> 7, dv & 127], ones16)
            return c2

        lax.fori_loop(0, CH, step, 0)
        pltpu.make_async_copy(
            zrow, rows_v.at[(CH - 2) % NB], ssem.at[(CH - 2) % NB]).wait()
        pltpu.make_async_copy(
            zrow, rows_v.at[(CH - 1) % NB], ssem.at[(CH - 1) % NB]).wait()

        if with_count:
            pltpu.sync_copy(cnt_v, cnt_out.at[w])
        plsc.subcore_barrier()

        def wstep(i, carry):
            slot = lax.rem(i, 2)

            @pl.when(i >= 2)
            def _drain():
                pltpu.make_async_copy(zrow, rows_v.at[slot],
                                      sem.at[slot]).wait()

            pltpu.sync_copy(acc_sp.at[pl.ds(r0 + i * K, K)], rows_v.at[slot])
            pltpu.async_copy(rows_v.at[slot], out.at[c, pl.ds(r0 + i * K, K)],
                             sem.at[slot])
            return carry

        lax.fori_loop(0, NZ, wstep, 0)
        pltpu.make_async_copy(zrow, rows_v.at[0], sem.at[0]).wait()
        pltpu.make_async_copy(zrow, rows_v.at[1], sem.at[1]).wait()

    return pl.kernel(
        body, out_type=out_type, mesh=mesh, scratch_types=scratch,
        compiler_params=pltpu.CompilerParams(needs_layout_passes=False))


_SC_SCATTER_CNT = _make_sc_scatter(True)
_SC_SCATTER = _make_sc_scatter(False)


def _tc_pre(x, wlr, b):
    def body(x_ref, w_ref, b_ref, h_ref, r_ref):
        m = jnp.dot(x_ref[...], w_ref[...], preferred_element_type=F32)
        h_ref[...] = m[:, :D]
        r_ref[...] = m[:, D:] + b_ref[...]
    return pl.pallas_call(
        body,
        out_shape=[jax.ShapeDtypeStruct((N, D), F32),
                   jax.ShapeDtypeStruct((N, D), F32)],
    )(x, wlr, b.reshape(1, D))


def _bn_relu(y, gamma, beta):
    mu = jnp.mean(y, axis=0, keepdims=True)
    var = jnp.mean(y * y, axis=0, keepdims=True) - mu * mu
    xn = (y - mu) * lax.rsqrt(var + EPS)
    return jnp.maximum(gamma * xn + beta, 0.0)


def _tc_cnt(cnt_parts):
    def body(c_ref, o_ref):
        o_ref[...] = 1.0 / jnp.maximum(jnp.sum(c_ref[...], axis=0), 1.0)
    return pl.pallas_call(
        body,
        out_shape=jax.ShapeDtypeStruct((NP // 128, 128), F32),
    )(cnt_parts)


def _tc_mid(acc, denom, r, gamma, beta, wlr, b):
    def body(acc_ref, c_ref, r_ref, g_ref, bt_ref, w_ref, b_ref,
             x_ref, h_ref, rn_ref):
        a = acc_ref[...]
        y = (a[0, :N] + a[1, :N]) * c_ref[...] + r_ref[...]
        xo = _bn_relu(y, g_ref[...], bt_ref[...])
        x_ref[...] = xo
        m = jnp.dot(xo, w_ref[...], preferred_element_type=F32)
        h_ref[...] = m[:, :D]
        rn_ref[...] = m[:, D:] + b_ref[...]
    return pl.pallas_call(
        body,
        out_shape=[jax.ShapeDtypeStruct((N, D), F32),
                   jax.ShapeDtypeStruct((N, D), F32),
                   jax.ShapeDtypeStruct((N, D), F32)],
    )(acc, denom, r, gamma.reshape(1, D), beta.reshape(1, D), wlr,
      b.reshape(1, D))


def _tc_final(acc, denom, r, gamma, beta, x1, x2, batch2d):
    def body(acc_ref, c_ref, r_ref, g_ref, bt_ref, x1_ref, x2_ref, b_ref,
             o_ref):
        a = acc_ref[...]
        y = (a[0, :N] + a[1, :N]) * c_ref[...] + r_ref[...]
        x3 = _bn_relu(y, g_ref[...], bt_ref[...])
        iota = lax.broadcasted_iota(jnp.int32, (G, N), 0)
        oh = (iota == b_ref[...]).astype(F32)
        p1 = jnp.dot(oh, x1_ref[...], preferred_element_type=F32)
        p2 = jnp.dot(oh, x2_ref[...], preferred_element_type=F32)
        p3 = jnp.dot(oh, x3, preferred_element_type=F32)
        counts = jnp.sum(oh, axis=1, keepdims=True)
        o_ref[...] = (jnp.concatenate([p1, p2, p3], axis=1)
                      / jnp.maximum(counts, 1.0))
    return pl.pallas_call(
        body,
        out_shape=jax.ShapeDtypeStruct((G, 3 * D), F32),
    )(acc, denom, r, gamma.reshape(1, D), beta.reshape(1, D), x1, x2,
      batch2d)


def kernel(x, edge_index, batch, Wl1, Wr1, b1, g1, bt1, Wl2, Wr2, b2, g2,
           bt2, Wl3, Wr3, b3, g3, bt3):
    src2 = edge_index[0].reshape(NC * NS * CHUNKS // 5, 5, K)
    dst2 = edge_index[1].reshape(NC * NS * CHUNKS // 5, 5, K)
    zrow = jnp.zeros((K, D), F32)
    batch2d = batch.reshape(1, N)

    h1, r1 = _tc_pre(x, jnp.concatenate([Wl1, Wr1], axis=1), b1)
    acc1, cnt_parts = _SC_SCATTER_CNT(h1, src2, dst2, zrow)
    denom = _tc_cnt(cnt_parts).reshape(NP, 1)[:N]
    x1, h2, r2 = _tc_mid(acc1, denom, r1, g1, bt1,
                         jnp.concatenate([Wl2, Wr2], axis=1), b2)
    (acc2,) = _SC_SCATTER(h2, src2, dst2, zrow)
    x2, h3, r3 = _tc_mid(acc2, denom, r2, g2, bt2,
                         jnp.concatenate([Wl3, Wr3], axis=1), b3)
    (acc3,) = _SC_SCATTER(h3, src2, dst2, zrow)
    return _tc_final(acc3, denom, r3, g3, bt3, x1, x2, batch2d)

# --- scband reference (transcript-rebuilt; emitter-appended) ---
"""Pipeline reference for scband-sage-module-15908558864473 (READ-ONLY COPY).

The authoritative reference and input builder live on the scoring server;
editing this copy changes nothing except your own understanding.
"""

import jax, jax.numpy as jnp
import numpy as np

N = 10000
E = 320000
D = 128
C = [128, 128, 128]
NUM_GRAPHS = 16
EPS = 1e-5


def _init_lin(key, fan_in, fan_out):
    k1, k2 = jax.random.split(key)
    bound = 1.0 / np.sqrt(fan_in)
    W = jax.random.uniform(k1, (fan_in, fan_out), minval=-bound, maxval=bound, dtype=jnp.float32)
    b = jax.random.uniform(k2, (fan_out,), minval=-bound, maxval=bound, dtype=jnp.float32)
    return W, b


def setup_inputs(seed: int = 0):
    key = jax.random.key(seed)
    ks = jax.random.split(key, 12)
    x = jax.random.normal(ks[0], (N, D), dtype=jnp.float32)
    edge_index = jax.random.randint(ks[1], (2, E), 0, N, dtype=jnp.int32)
    batch = jnp.sort(jax.random.randint(ks[2], (N,), 0, NUM_GRAPHS, dtype=jnp.int32))
    inp = {"x": x, "edge_index": edge_index, "batch": batch}
    dims = [D] + C
    for i in range(3):
        Wl, b = _init_lin(ks[3 + 2 * i], dims[i], dims[i + 1])
        Wr, _ = _init_lin(ks[4 + 2 * i], dims[i], dims[i + 1])
        inp[f"Wl{i+1}"] = Wl
        inp[f"Wr{i+1}"] = Wr
        inp[f"b{i+1}"] = b
        inp[f"g{i+1}"] = jnp.ones((dims[i + 1],), dtype=jnp.float32)
        inp[f"bt{i+1}"] = jnp.zeros((dims[i + 1],), dtype=jnp.float32)
    return inp


def _sage_conv(x, edge_index, Wl, Wr, b):
    # PyG SAGEConv: out = lin_l(mean_{j in N(i)} x_j) + lin_r(x_i)
    src = edge_index[0]
    dst = edge_index[1]
    msgs = jnp.take(x, src, axis=0)
    agg_sum = jax.ops.segment_sum(msgs, dst, num_segments=x.shape[0])
    cnt = jax.ops.segment_sum(jnp.ones((edge_index.shape[1],), x.dtype), dst, num_segments=x.shape[0])
    agg = agg_sum / jnp.maximum(cnt, 1.0)[:, None]
    return agg @ Wl + b + x @ Wr


def _batch_norm(x, gamma, beta):
    mu = jnp.mean(x, axis=0)
    var = jnp.var(x, axis=0)
    return gamma * (x - mu) / jnp.sqrt(var + EPS) + beta


def reference(x, edge_index, batch, Wl1, Wr1, b1, g1, bt1, Wl2, Wr2, b2, g2, bt2, Wl3, Wr3, b3, g3, bt3):
    x1 = jax.nn.relu(_batch_norm(_sage_conv(x, edge_index, Wl1, Wr1, b1), g1, bt1))
    x2 = jax.nn.relu(_batch_norm(_sage_conv(x1, edge_index, Wl2, Wr2, b2), g2, bt2))
    x3 = jax.nn.relu(_batch_norm(_sage_conv(x2, edge_index, Wl3, Wr3, b3), g3, bt3))
    xc = jnp.concatenate([x1, x2, x3], axis=1)
    pooled_sum = jax.ops.segment_sum(xc, batch, num_segments=NUM_GRAPHS)
    counts = jax.ops.segment_sum(jnp.ones((xc.shape[0],), xc.dtype), batch, num_segments=NUM_GRAPHS)
    return pooled_sum / jnp.maximum(counts, 1.0)[:, None]

if __name__ == "__main__":
    import jax
    _d = setup_inputs()
    print(jax.jit(kernel)(*tuple(_d.values())))

</pallas_src>

<mosaic_0001>
#map = affine_map<(d0, d1) -> (0, 0)>
#map1 = affine_map<(d0, d1) -> (0, 0, 0)>
module attributes {stable_mosaic.version = 14 : i64} {
  func.func @body(%arg0: i32, %arg1: i32, %arg2: memref<10000x128xf32, #tpu.memory_space<hbm>>, %arg3: memref<800x5x80xi32, #tpu.memory_space<hbm>>, %arg4: memref<800x5x80xi32, #tpu.memory_space<hbm>>, %arg5: memref<80x128xf32, #tpu.memory_space<hbm>>, %arg6: memref<2x10240x128xf32, #tpu.memory_space<hbm>>, %arg7: memref<32x80x128xf32, #tpu.memory_space<hbm>>, %arg8: memref<15x80xi32, #tpu.memory_space<vmem>>, %arg9: memref<15x80xi32, #tpu.memory_space<vmem>>, %arg10: memref<3x80x128xf32, #tpu.memory_space<vmem>>, %arg11: memref<10240x128xf32, #tpu.memory_space<vmem_shared>>, %arg12: memref<3x!tpu.dma_semaphore, #tpu.memory_space<semaphore_mem>>, %arg13: memref<3x!tpu.dma_semaphore, #tpu.memory_space<semaphore_mem>>, %arg14: memref<3x!tpu.dma_semaphore, #tpu.memory_space<semaphore_mem>>, %arg15: memref<80x128xf32, #tpu.memory_space<vmem>>) attributes {dimension_semantics = [#tpu.dimension_semantics<core_parallel>, #tpu.dimension_semantics<subcore_parallel>], iteration_bounds = array<i64: 2, 16>, scalar_prefetch = 0 : i64, scratch_operands = 8 : i64, tpu.core_type = #tpu.core_type<sc_vector_subcore>, window_params = [{transform_indices = #map}, {transform_indices = #map1}, {transform_indices = #map1}, {transform_indices = #map}, {transform_indices = #map1}, {transform_indices = #map1}]} {
    %mul3A = arith.constant 640 : i32
    %mul3A_0 = arith.muli %arg1, %mul3A : i32
    %run_scoped3A = arith.constant 0 : i32
    "tpu.region"() ({
      %run_scoped3A_253 = tpu.sem_alloc : memref<!tpu.dma_semaphore, #tpu.memory_space<semaphore_mem>>
      %dma_start3A_254 = arith.constant 0 : i32
      %dma_start3A_255 = arith.constant 0 : i32
      %dma_start3A_256 = tpu.memref_slice %arg10[%run_scoped3A, %dma_start3A_254, %dma_start3A_255] : memref<3x80x128xf32, #tpu.memory_space<vmem>> -> memref<1x80x128xf32, #tpu.memory_space<vmem>>
      %dma_start3A_257 = tpu.memref_squeeze %dma_start3A_256 : memref<1x80x128xf32, #tpu.memory_space<vmem>> -> memref<80x128xf32, #tpu.memory_space<vmem>>
      %dma_start3A_258 = arith.constant 0 : i32
      %dma_start3A_259 = arith.constant 0 : i32
      %dma_start3A_260 = tpu.memref_slice %arg10[%run_scoped3A, %dma_start3A_258, %dma_start3A_259] : memref<3x80x128xf32, #tpu.memory_space<vmem>> -> memref<1x80x128xf32, #tpu.memory_space<vmem>>
      %dma_start3A_261 = tpu.memref_squeeze %dma_start3A_260 : memref<1x80x128xf32, #tpu.memory_space<vmem>> -> memref<80x128xf32, #tpu.memory_space<vmem>>
      tpu.enqueue_dma source(%arg5 : memref<80x128xf32, #tpu.memory_space<hbm>>) target(%dma_start3A_261 : memref<80x128xf32, #tpu.memory_space<vmem>>) target_semaphore(%run_scoped3A_253 : memref<!tpu.dma_semaphore, #tpu.memory_space<semaphore_mem>>)
      %dma_wait3A_262 = arith.constant 0 : i32
      %dma_wait3A_263 = arith.constant 0 : i32
      %dma_wait3A_264 = tpu.memref_slice %arg10[%run_scoped3A, %dma_wait3A_262, %dma_wait3A_263] : memref<3x80x128xf32, #tpu.memory_space<vmem>> -> memref<1x80x128xf32, #tpu.memory_space<vmem>>
      %dma_wait3A_265 = tpu.memref_squeeze %dma_wait3A_264 : memref<1x80x128xf32, #tpu.memory_space<vmem>> -> memref<80x128xf32, #tpu.memory_space<vmem>>
      %dma_wait3A_266 = arith.constant 0 : i32
      %dma_wait3A_267 = arith.constant 0 : i32
      %dma_wait3A_268 = tpu.memref_slice %arg10[%run_scoped3A, %dma_wait3A_266, %dma_wait3A_267] : memref<3x80x128xf32, #tpu.memory_space<vmem>> -> memref<1x80x128xf32, #tpu.memory_space<vmem>>
      %dma_wait3A_269 = tpu.memref_squeeze %dma_wait3A_268 : memref<1x80x128xf32, #tpu.memory_space<vmem>> -> memref<80x128xf32, #tpu.memory_space<vmem>>
      tpu.wait_dma2 semaphore(%run_scoped3A_253 : memref<!tpu.dma_semaphore, #tpu.memory_space<semaphore_mem>>) src(%arg5 : memref<80x128xf32, #tpu.memory_space<hbm>>) dst(%dma_wait3A_269 : memref<80x128xf32, #tpu.memory_space<vmem>>)
      tpu.yield
    }) : () -> ()
    "tpu.region"() ({
      %run_scoped3A_253 = tpu.sem_alloc : memref<!tpu.dma_semaphore, #tpu.memory_space<semaphore_mem>>
      tpu.enqueue_dma source(%arg5 : memref<80x128xf32, #tpu.memory_space<hbm>>) target(%arg15 : memref<80x128xf32, #tpu.memory_space<vmem>>) target_semaphore(%run_scoped3A_253 : memref<!tpu.dma_semaphore, #tpu.memory_space<semaphore_mem>>)
      tpu.wait_dma2 semaphore(%run_scoped3A_253 : memref<!tpu.dma_semaphore, #tpu.memory_space<semaphore_mem>>) src(%arg5 : memref<80x128xf32, #tpu.memory_space<hbm>>) dst(%arg15 : memref<80x128xf32, #tpu.memory_space<vmem>>)
      tpu.yield
    }) : () -> ()
    %scan3A = arith.constant 0 : i32
    %scan3A_1 = arith.constant 0 : i32
    %scan3A_2 = arith.constant 8 : i32
    %scan3A_3 = arith.addi %scan3A_1, %scan3A_2 : i32
    %scan3A_4 = arith.constant 1 : i32
    scf.for %scan3A_253 = %scan3A_1 to %scan3A_3 step %scan3A_4  : i32 {
      %mul3A_254 = arith.constant 80 : i32
      %mul3A_255 = arith.muli %scan3A_253, %mul3A_254 : i32
      %add3A_256 = arith.addi %mul3A_0, %mul3A_255 : i32
      %dma_start3A_257 = arith.constant 0 : i32
      %dma_start3A_258 = arith.constant 0 : i32
      %dma_start3A_259 = arith.constant 0 : i32
      %dma_start3A_260 = arith.constant 0 : i32
      %dma_start3A_261 = tpu.memref_slice %arg10[%dma_start3A_257, %dma_start3A_259, %dma_start3A_260] : memref<3x80x128xf32, #tpu.memory_space<vmem>> -> memref<1x80x128xf32, #tpu.memory_space<vmem>>
      %dma_start3A_262 = tpu.memref_squeeze %dma_start3A_261 : memref<1x80x128xf32, #tpu.memory_space<vmem>> -> memref<80x128xf32, #tpu.memory_space<vmem>>
      %dma_start3A_263 = arith.constant 0 : i32
      %dma_start3A_264 = tpu.memref_slice %arg11[%add3A_256, %dma_start3A_263] : memref<10240x128xf32, #tpu.memory_space<vmem_shared>> -> memref<80x128xf32, #tpu.memory_space<vmem_shared>>
      %dma_start3A_265 = tpu.memref_slice %arg13[%dma_start3A_258] : memref<3x!tpu.dma_semaphore, #tpu.memory_space<semaphore_mem>> -> memref<1x!tpu.dma_semaphore, #tpu.memory_space<semaphore_mem>>
      %dma_start3A_266 = tpu.memref_squeeze %dma_start3A_265 : memref<1x!tpu.dma_semaphore, #tpu.memory_space<semaphore_mem>> -> memref<!tpu.dma_semaphore, #tpu.memory_space<semaphore_mem>>
      %dma_start3A_267 = arith.constant 0 : i32
      %dma_start3A_268 = tpu.memref_slice %arg11[%add3A_256, %dma_start3A_267] : memref<10240x128xf32, #tpu.memory_space<vmem_shared>> -> memref<80x128xf32, #tpu.memory_space<vmem_shared>>
      %dma_start3A_269 = arith.constant 0 : i32
      %dma_start3A_270 = arith.constant 0 : i32
      %dma_start3A_271 = tpu.memref_slice %arg10[%dma_start3A_257, %dma_start3A_269, %dma_start3A_270] : memref<3x80x128xf32, #tpu.memory_space<vmem>> -> memref<1x80x128xf32, #tpu.memory_space<vmem>>
      %dma_start3A_272 = tpu.memref_squeeze %dma_start3A_271 : memref<1x80x128xf32, #tpu.memory_space<vmem>> -> memref<80x128xf32, #tpu.memory_space<vmem>>
      tpu.enqueue_dma source(%dma_start3A_272 : memref<80x128xf32, #tpu.memory_space<vmem>>) target(%dma_start3A_268 : memref<80x128xf32, #tpu.memory_space<vmem_shared>>) target_semaphore(%dma_start3A_266 : memref<!tpu.dma_semaphore, #tpu.memory_space<semaphore_mem>>)
    }
    %scan3A_5 = arith.constant 8 : i32
    %scan3A_6 = arith.constant 0 : i32
    %scan3A_7 = arith.constant 0 : i32
    %scan3A_8 = arith.constant 8 : i32
    %scan3A_9 = arith.addi %scan3A_7, %scan3A_8 : i32
    %scan3A_10 = arith.constant 1 : i32
    scf.for %scan3A_253 = %scan3A_7 to %scan3A_9 step %scan3A_10  : i32 {
      %dma_wait3A_254 = arith.constant 0 : i32
      %dma_wait3A_255 = arith.constant 0 : i32
      %dma_wait3A_256 = arith.constant 0 : i32
      %dma_wait3A_257 = arith.constant 0 : i32
      %dma_wait3A_258 = tpu.memref_slice %arg10[%dma_wait3A_254, %dma_wait3A_256, %dma_wait3A_257] : memref<3x80x128xf32, #tpu.memory_space<vmem>> -> memref<1x80x128xf32, #tpu.memory_space<vmem>>
      %dma_wait3A_259 = tpu.memref_squeeze %dma_wait3A_258 : memref<1x80x128xf32, #tpu.memory_space<vmem>> -> memref<80x128xf32, #tpu.memory_space<vmem>>
      %dma_wait3A_260 = arith.constant 0 : i32
      %dma_wait3A_261 = tpu.memref_slice %arg11[%mul3A_0, %dma_wait3A_260] : memref<10240x128xf32, #tpu.memory_space<vmem_shared>> -> memref<80x128xf32, #tpu.memory_space<vmem_shared>>
      %dma_wait3A_262 = tpu.memref_slice %arg13[%dma_wait3A_255] : memref<3x!tpu.dma_semaphore, #tpu.memory_space<semaphore_mem>> -> memref<1x!tpu.dma_semaphore, #tpu.memory_space<semaphore_mem>>
      %dma_wait3A_263 = tpu.memref_squeeze %dma_wait3A_262 : memref<1x!tpu.dma_semaphore, #tpu.memory_space<semaphore_mem>> -> memref<!tpu.dma_semaphore, #tpu.memory_space<semaphore_mem>>
      %dma_wait3A_264 = arith.constant 0 : i32
      %dma_wait3A_265 = tpu.memref_slice %arg11[%mul3A_0, %dma_wait3A_264] : memref<10240x128xf32, #tpu.memory_space<vmem_shared>> -> memref<80x128xf32, #tpu.memory_space<vmem_shared>>
      %dma_wait3A_266 = arith.constant 0 : i32
      %dma_wait3A_267 = arith.constant 0 : i32
      %dma_wait3A_268 = tpu.memref_slice %arg10[%dma_wait3A_254, %dma_wait3A_266, %dma_wait3A_267] : memref<3x80x128xf32, #tpu.memory_space<vmem>> -> memref<1x80x128xf32, #tpu.memory_space<vmem>>
      %dma_wait3A_269 = tpu.memref_squeeze %dma_wait3A_268 : memref<1x80x128xf32, #tpu.memory_space<vmem>> -> memref<80x128xf32, #tpu.memory_space<vmem>>
      tpu.wait_dma2 semaphore(%dma_wait3A_263 : memref<!tpu.dma_semaphore, #tpu.memory_space<semaphore_mem>>) src(%dma_wait3A_269 : memref<80x128xf32, #tpu.memory_space<vmem>>) dst(%dma_wait3A_265 : memref<80x128xf32, #tpu.memory_space<vmem_shared>>)
    }
    %scan3A_11 = arith.constant 8 : i32
    %mul3A_12 = arith.constant 16 : i32
    %mul3A_13 = arith.muli %arg0, %mul3A_12 : i32
    %add3A = arith.addi %mul3A_13, %arg1 : i32
    %barrier3A = arith.constant 0 : index
    tpu.barrier barrier_id(%barrier3A)
    %broadcast_in_dim3A = arith.constant 1.000000e+00 : f32
    %broadcast_in_dim3A_14 = vector.broadcast %broadcast_in_dim3A : f32 to vector<16xf32>
    %mul3A_15 = arith.constant 25 : i32
    %mul3A_16 = arith.muli %add3A, %mul3A_15 : i32
    %add3A_17 = arith.constant 0 : i32
    %add3A_18 = arith.addi %mul3A_16, %add3A_17 : i32
    %dma_start3A = arith.constant 0 : i32
    %dma_start3A_19 = arith.constant 0 : i32
    %dma_start3A_20 = arith.constant 0 : i32
    %dma_start3A_21 = tpu.memref_slice %arg8[%dma_start3A_19, %dma_start3A_20] : memref<15x80xi32, #tpu.memory_space<vmem>> -> memref<5x80xi32, #tpu.memory_space<vmem>>
    %dma_start3A_22 = arith.constant 0 : i32
    %dma_start3A_23 = arith.constant 0 : i32
    %dma_start3A_24 = tpu.memref_slice %arg3[%add3A_18, %dma_start3A_22, %dma_start3A_23] : memref<800x5x80xi32, #tpu.memory_space<hbm>> -> memref<1x5x80xi32, #tpu.memory_space<hbm>>
    %dma_start3A_25 = tpu.memref_squeeze %dma_start3A_24 : memref<1x5x80xi32, #tpu.memory_space<hbm>> -> memref<5x80xi32, #tpu.memory_space<hbm>>
    %dma_start3A_26 = tpu.memref_slice %arg14[%dma_start3A] : memref<3x!tpu.dma_semaphore, #tpu.memory_space<semaphore_mem>> -> memref<1x!tpu.dma_semaphore, #tpu.memory_space<semaphore_mem>>
    %dma_start3A_27 = tpu.memref_squeeze %dma_start3A_26 : memref<1x!tpu.dma_semaphore, #tpu.memory_space<semaphore_mem>> -> memref<!tpu.dma_semaphore, #tpu.memory_space<semaphore_mem>>
    %dma_start3A_28 = arith.constant 0 : i32
    %dma_start3A_29 = arith.constant 0 : i32
    %dma_start3A_30 = tpu.memref_slice %arg8[%dma_start3A_28, %dma_start3A_29] : memref<15x80xi32, #tpu.memory_space<vmem>> -> memref<5x80xi32, #tpu.memory_space<vmem>>
    %dma_start3A_31 = arith.constant 0 : i32
    %dma_start3A_32 = arith.constant 0 : i32
    %dma_start3A_33 = tpu.memref_slice %arg3[%add3A_18, %dma_start3A_31, %dma_start3A_32] : memref<800x5x80xi32, #tpu.memory_space<hbm>> -> memref<1x5x80xi32, #tpu.memory_space<hbm>>
    %dma_start3A_34 = tpu.memref_squeeze %dma_start3A_33 : memref<1x5x80xi32, #tpu.memory_space<hbm>> -> memref<5x80xi32, #tpu.memory_space<hbm>>
    tpu.enqueue_dma source(%dma_start3A_34 : memref<5x80xi32, #tpu.memory_space<hbm>>) target(%dma_start3A_30 : memref<5x80xi32, #tpu.memory_space<vmem>>) target_semaphore(%dma_start3A_27 : memref<!tpu.dma_semaphore, #tpu.memory_space<semaphore_mem>>)
    %mul3A_35 = arith.constant 25 : i32
    %mul3A_36 = arith.muli %add3A, %mul3A_35 : i32
    %add3A_37 = arith.constant 0 : i32
    %add3A_38 = arith.addi %mul3A_36, %add3A_37 : i32
    %dma_start3A_39 = arith.constant 0 : i32
    %dma_start3A_40 = arith.constant 0 : i32
    %dma_start3A_41 = arith.constant 0 : i32
    %dma_start3A_42 = tpu.memref_slice %arg9[%dma_start3A_40, %dma_start3A_41] : memref<15x80xi32, #tpu.memory_space<vmem>> -> memref<5x80xi32, #tpu.memory_space<vmem>>
    %dma_start3A_43 = arith.constant 0 : i32
    %dma_start3A_44 = arith.constant 0 : i32
    %dma_start3A_45 = tpu.memref_slice %arg4[%add3A_38, %dma_start3A_43, %dma_start3A_44] : memref<800x5x80xi32, #tpu.memory_space<hbm>> -> memref<1x5x80xi32, #tpu.memory_space<hbm>>
    %dma_start3A_46 = tpu.memref_squeeze %dma_start3A_45 : memref<1x5x80xi32, #tpu.memory_space<hbm>> -> memref<5x80xi32, #tpu.memory_space<hbm>>
    %dma_start3A_47 = tpu.memref_slice %arg14[%dma_start3A_39] : memref<3x!tpu.dma_semaphore, #tpu.memory_space<semaphore_mem>> -> memref<1x!tpu.dma_semaphore, #tpu.memory_space<semaphore_mem>>
    %dma_start3A_48 = tpu.memref_squeeze %dma_start3A_47 : memref<1x!tpu.dma_semaphore, #tpu.memory_space<semaphore_mem>> -> memref<!tpu.dma_semaphore, #tpu.memory_space<semaphore_mem>>
    %dma_start3A_49 = arith.constant 0 : i32
    %dma_start3A_50 = arith.constant 0 : i32
    %dma_start3A_51 = tpu.memref_slice %arg9[%dma_start3A_49, %dma_start3A_50] : memref<15x80xi32, #tpu.memory_space<vmem>> -> memref<5x80xi32, #tpu.memory_space<vmem>>
    %dma_start3A_52 = arith.constant 0 : i32
    %dma_start3A_53 = arith.constant 0 : i32
    %dma_start3A_54 = tpu.memref_slice %arg4[%add3A_38, %dma_start3A_52, %dma_start3A_53] : memref<800x5x80xi32, #tpu.memory_space<hbm>> -> memref<1x5x80xi32, #tpu.memory_space<hbm>>
    %dma_start3A_55 = tpu.memref_squeeze %dma_start3A_54 : memref<1x5x80xi32, #tpu.memory_space<hbm>> -> memref<5x80xi32, #tpu.memory_space<hbm>>
    tpu.enqueue_dma source(%dma_start3A_55 : memref<5x80xi32, #tpu.memory_space<hbm>>) target(%dma_start3A_51 : memref<5x80xi32, #tpu.memory_space<vmem>>) target_semaphore(%dma_start3A_48 : memref<!tpu.dma_semaphore, #tpu.memory_space<semaphore_mem>>)
    %mul3A_56 = arith.constant 25 : i32
    %mul3A_57 = arith.muli %add3A, %mul3A_56 : i32
    %dma_wait3A = arith.constant 0 : i32
    %dma_wait3A_58 = arith.constant 0 : i32
    %dma_wait3A_59 = arith.constant 0 : i32
    %dma_wait3A_60 = tpu.memref_slice %arg8[%dma_wait3A_58, %dma_wait3A_59] : memref<15x80xi32, #tpu.memory_space<vmem>> -> memref<5x80xi32, #tpu.memory_space<vmem>>
    %dma_wait3A_61 = arith.constant 0 : i32
    %dma_wait3A_62 = arith.constant 0 : i32
    %dma_wait3A_63 = tpu.memref_slice %arg3[%mul3A_57, %dma_wait3A_61, %dma_wait3A_62] : memref<800x5x80xi32, #tpu.memory_space<hbm>> -> memref<1x5x80xi32, #tpu.memory_space<hbm>>
    %dma_wait3A_64 = tpu.memref_squeeze %dma_wait3A_63 : memref<1x5x80xi32, #tpu.memory_space<hbm>> -> memref<5x80xi32, #tpu.memory_space<hbm>>
    %dma_wait3A_65 = tpu.memref_slice %arg14[%dma_wait3A] : memref<3x!tpu.dma_semaphore, #tpu.memory_space<semaphore_mem>> -> memref<1x!tpu.dma_semaphore, #tpu.memory_space<semaphore_mem>>
    %dma_wait3A_66 = tpu.memref_squeeze %dma_wait3A_65 : memref<1x!tpu.dma_semaphore, #tpu.memory_space<semaphore_mem>> -> memref<!tpu.dma_semaphore, #tpu.memory_space<semaphore_mem>>
    %dma_wait3A_67 = arith.constant 0 : i32
    %dma_wait3A_68 = arith.constant 0 : i32
    %dma_wait3A_69 = tpu.memref_slice %arg8[%dma_wait3A_67, %dma_wait3A_68] : memref<15x80xi32, #tpu.memory_space<vmem>> -> memref<5x80xi32, #tpu.memory_space<vmem>>
    %dma_wait3A_70 = arith.constant 0 : i32
    %dma_wait3A_71 = arith.constant 0 : i32
    %dma_wait3A_72 = tpu.memref_slice %arg3[%mul3A_57, %dma_wait3A_70, %dma_wait3A_71] : memref<800x5x80xi32, #tpu.memory_space<hbm>> -> memref<1x5x80xi32, #tpu.memory_space<hbm>>
    %dma_wait3A_73 = tpu.memref_squeeze %dma_wait3A_72 : memref<1x5x80xi32, #tpu.memory_space<hbm>> -> memref<5x80xi32, #tpu.memory_space<hbm>>
    tpu.wait_dma2 semaphore(%dma_wait3A_66 : memref<!tpu.dma_semaphore, #tpu.memory_space<semaphore_mem>>) src(%dma_wait3A_73 : memref<5x80xi32, #tpu.memory_space<hbm>>) dst(%dma_wait3A_69 : memref<5x80xi32, #tpu.memory_space<vmem>>)
    %mul3A_74 = arith.constant 25 : i32
    %mul3A_75 = arith.muli %add3A, %mul3A_74 : i32
    %dma_wait3A_76 = arith.constant 0 : i32
    %dma_wait3A_77 = arith.constant 0 : i32
    %dma_wait3A_78 = arith.constant 0 : i32
    %dma_wait3A_79 = tpu.memref_slice %arg9[%dma_wait3A_77, %dma_wait3A_78] : memref<15x80xi32, #tpu.memory_space<vmem>> -> memref<5x80xi32, #tpu.memory_space<vmem>>
    %dma_wait3A_80 = arith.constant 0 : i32
    %dma_wait3A_81 = arith.constant 0 : i32
    %dma_wait3A_82 = tpu.memref_slice %arg4[%mul3A_75, %dma_wait3A_80, %dma_wait3A_81] : memref<800x5x80xi32, #tpu.memory_space<hbm>> -> memref<1x5x80xi32, #tpu.memory_space<hbm>>
    %dma_wait3A_83 = tpu.memref_squeeze %dma_wait3A_82 : memref<1x5x80xi32, #tpu.memory_space<hbm>> -> memref<5x80xi32, #tpu.memory_space<hbm>>
    %dma_wait3A_84 = tpu.memref_slice %arg14[%dma_wait3A_76] : memref<3x!tpu.dma_semaphore, #tpu.memory_space<semaphore_mem>> -> memref<1x!tpu.dma_semaphore, #tpu.memory_space<semaphore_mem>>
    %dma_wait3A_85 = tpu.memref_squeeze %dma_wait3A_84 : memref<1x!tpu.dma_semaphore, #tpu.memory_space<semaphore_mem>> -> memref<!tpu.dma_semaphore, #tpu.memory_space<semaphore_mem>>
    %dma_wait3A_86 = arith.constant 0 : i32
    %dma_wait3A_87 = arith.constant 0 : i32
    %dma_wait3A_88 = tpu.memref_slice %arg9[%dma_wait3A_86, %dma_wait3A_87] : memref<15x80xi32, #tpu.memory_space<vmem>> -> memref<5x80xi32, #tpu.memory_space<vmem>>
    %dma_wait3A_89 = arith.constant 0 : i32
    %dma_wait3A_90 = arith.constant 0 : i32
    %dma_wait3A_91 = tpu.memref_slice %arg4[%mul3A_75, %dma_wait3A_89, %dma_wait3A_90] : memref<800x5x80xi32, #tpu.memory_space<hbm>> -> memref<1x5x80xi32, #tpu.memory_space<hbm>>
    %dma_wait3A_92 = tpu.memref_squeeze %dma_wait3A_91 : memref<1x5x80xi32, #tpu.memory_space<hbm>> -> memref<5x80xi32, #tpu.memory_space<hbm>>
    tpu.wait_dma2 semaphore(%dma_wait3A_85 : memref<!tpu.dma_semaphore, #tpu.memory_space<semaphore_mem>>) src(%dma_wait3A_92 : memref<5x80xi32, #tpu.memory_space<hbm>>) dst(%dma_wait3A_88 : memref<5x80xi32, #tpu.memory_space<vmem>>)
    %mul3A_93 = arith.constant 25 : i32
    %mul3A_94 = arith.muli %add3A, %mul3A_93 : i32
    %add3A_95 = arith.constant 1 : i32
    %add3A_96 = arith.addi %mul3A_94, %add3A_95 : i32
    %dma_start3A_97 = arith.constant 1 : i32
    %dma_start3A_98 = arith.constant 5 : i32
    %dma_start3A_99 = arith.constant 0 : i32
    %dma_start3A_100 = tpu.memref_slice %arg8[%dma_start3A_98, %dma_start3A_99] : memref<15x80xi32, #tpu.memory_space<vmem>> -> memref<5x80xi32, #tpu.memory_space<vmem>>
    %dma_start3A_101 = arith.constant 0 : i32
    %dma_start3A_102 = arith.constant 0 : i32
    %dma_start3A_103 = tpu.memref_slice %arg3[%add3A_96, %dma_start3A_101, %dma_start3A_102] : memref<800x5x80xi32, #tpu.memory_space<hbm>> -> memref<1x5x80xi32, #tpu.memory_space<hbm>>
    %dma_start3A_104 = tpu.memref_squeeze %dma_start3A_103 : memref<1x5x80xi32, #tpu.memory_space<hbm>> -> memref<5x80xi32, #tpu.memory_space<hbm>>
    %dma_start3A_105 = tpu.memref_slice %arg14[%dma_start3A_97] : memref<3x!tpu.dma_semaphore, #tpu.memory_space<semaphore_mem>> -> memref<1x!tpu.dma_semaphore, #tpu.memory_space<semaphore_mem>>
    %dma_start3A_106 = tpu.memref_squeeze %dma_start3A_105 : memref<1x!tpu.dma_semaphore, #tpu.memory_space<semaphore_mem>> -> memref<!tpu.dma_semaphore, #tpu.memory_space<semaphore_mem>>
    %dma_start3A_107 = arith.constant 5 : i32
    %dma_start3A_108 = arith.constant 0 : i32
    %dma_start3A_109 = tpu.memref_slice %arg8[%dma_start3A_107, %dma_start3A_108] : memref<15x80xi32, #tpu.memory_space<vmem>> -> memref<5x80xi32, #tpu.memory_space<vmem>>
    %dma_start3A_110 = arith.constant 0 : i32
    %dma_start3A_111 = arith.constant 0 : i32
    %dma_start3A_112 = tpu.memref_slice %arg3[%add3A_96, %dma_start3A_110, %dma_start3A_111] : memref<800x5x80xi32, #tpu.memory_space<hbm>> -> memref<1x5x80xi32, #tpu.memory_space<hbm>>
    %dma_start3A_113 = tpu.memref_squeeze %dma_start3A_112 : memref<1x5x80xi32, #tpu.memory_space<hbm>> -> memref<5x80xi32, #tpu.memory_space<hbm>>
    tpu.enqueue_dma source(%dma_start3A_113 : memref<5x80xi32, #tpu.memory_space<hbm>>) target(%dma_start3A_109 : memref<5x80xi32, #tpu.memory_space<vmem>>) target_semaphore(%dma_start3A_106 : memref<!tpu.dma_semaphore, #tpu.memory_space<semaphore_mem>>)
    %mul3A_114 = arith.constant 25 : i32
    %mul3A_115 = arith.muli %add3A, %mul3A_114 : i32
    %add3A_116 = arith.constant 1 : i32
    %add3A_117 = arith.addi %mul3A_115, %add3A_116 : i32
    %dma_start3A_118 = arith.constant 1 : i32
    %dma_start3A_119 = arith.constant 5 : i32
    %dma_start3A_120 = arith.constant 0 : i32
    %dma_start3A_121 = tpu.memref_slice %arg9[%dma_start3A_119, %dma_start3A_120] : memref<15x80xi32, #tpu.memory_space<vmem>> -> memref<5x80xi32, #tpu.memory_space<vmem>>
    %dma_start3A_122 = arith.constant 0 : i32
    %dma_start3A_123 = arith.constant 0 : i32
    %dma_start3A_124 = tpu.memref_slice %arg4[%add3A_117, %dma_start3A_122, %dma_start3A_123] : memref<800x5x80xi32, #tpu.memory_space<hbm>> -> memref<1x5x80xi32, #tpu.memory_space<hbm>>
    %dma_start3A_125 = tpu.memref_squeeze %dma_start3A_124 : memref<1x5x80xi32, #tpu.memory_space<hbm>> -> memref<5x80xi32, #tpu.memory_space<hbm>>
    %dma_start3A_126 = tpu.memref_slice %arg14[%dma_start3A_118] : memref<3x!tpu.dma_semaphore, #tpu.memory_space<semaphore_mem>> -> memref<1x!tpu.dma_semaphore, #tpu.memory_space<semaphore_mem>>
    %dma_start3A_127 = tpu.memref_squeeze %dma_start3A_126 : memref<1x!tpu.dma_semaphore, #tpu.memory_space<semaphore_mem>> -> memref<!tpu.dma_semaphore, #tpu.memory_space<semaphore_mem>>
    %dma_start3A_128 = arith.constant 5 : i32
    %dma_start3A_129 = arith.constant 0 : i32
    %dma_start3A_130 = tpu.memref_slice %arg9[%dma_start3A_128, %dma_start3A_129] : memref<15x80xi32, #tpu.memory_space<vmem>> -> memref<5x80xi32, #tpu.memory_space<vmem>>
    %dma_start3A_131 = arith.constant 0 : i32
    %dma_start3A_132 = arith.constant 0 : i32
    %dma_start3A_133 = tpu.memref_slice %arg4[%add3A_117, %dma_start3A_131, %dma_start3A_132] : memref<800x5x80xi32, #tpu.memory_space<hbm>> -> memref<1x5x80xi32, #tpu.memory_space<hbm>>
    %dma_start3A_134 = tpu.memref_squeeze %dma_start3A_133 : memref<1x5x80xi32, #tpu.memory_space<hbm>> -> memref<5x80xi32, #tpu.memory_space<hbm>>
    tpu.enqueue_dma source(%dma_start3A_134 : memref<5x80xi32, #tpu.memory_space<hbm>>) target(%dma_start3A_130 : memref<5x80xi32, #tpu.memory_space<vmem>>) target_semaphore(%dma_start3A_127 : memref<!tpu.dma_semaphore, #tpu.memory_space<semaphore_mem>>)
    %mul3A_135 = arith.constant 25 : i32
    %mul3A_136 = arith.muli %add3A, %mul3A_135 : i32
    %add3A_137 = arith.constant 2 : i32
    %add3A_138 = arith.addi %mul3A_136, %add3A_137 : i32
    %dma_start3A_139 = arith.constant 2 : i32
    %dma_start3A_140 = arith.constant 10 : i32
    %dma_start3A_141 = arith.constant 0 : i32
    %dma_start3A_142 = tpu.memref_slice %arg8[%dma_start3A_140, %dma_start3A_141] : memref<15x80xi32, #tpu.memory_space<vmem>> -> memref<5x80xi32, #tpu.memory_space<vmem>>
    %dma_start3A_143 = arith.constant 0 : i32
    %dma_start3A_144 = arith.constant 0 : i32
    %dma_start3A_145 = tpu.memref_slice %arg3[%add3A_138, %dma_start3A_143, %dma_start3A_144] : memref<800x5x80xi32, #tpu.memory_space<hbm>> -> memref<1x5x80xi32, #tpu.memory_space<hbm>>
    %dma_start3A_146 = tpu.memref_squeeze %dma_start3A_145 : memref<1x5x80xi32, #tpu.memory_space<hbm>> -> memref<5x80xi32, #tpu.memory_space<hbm>>
    %dma_start3A_147 = tpu.memref_slice %arg14[%dma_start3A_139] : memref<3x!tpu.dma_semaphore, #tpu.memory_space<semaphore_mem>> -> memref<1x!tpu.dma_semaphore, #tpu.memory_space<semaphore_mem>>
    %dma_start3A_148 = tpu.memref_squeeze %dma_start3A_147 : memref<1x!tpu.dma_semaphore, #tpu.memory_space<semaphore_mem>> -> memref<!tpu.dma_semaphore, #tpu.memory_space<semaphore_mem>>
    %dma_start3A_149 = arith.constant 10 : i32
    %dma_start3A_150 = arith.constant 0 : i32
    %dma_start3A_151 = tpu.memref_slice %arg8[%dma_start3A_149, %dma_start3A_150] : memref<15x80xi32, #tpu.memory_space<vmem>> -> memref<5x80xi32, #tpu.memory_space<vmem>>
    %dma_start3A_152 = arith.constant 0 : i32
    %dma_start3A_153 = arith.constant 0 : i32
    %dma_start3A_154 = tpu.memref_slice %arg3[%add3A_138, %dma_start3A_152, %dma_start3A_153] : memref<800x5x80xi32, #tpu.memory_space<hbm>> -> memref<1x5x80xi32, #tpu.memory_space<hbm>>
    %dma_start3A_155 = tpu.memref_squeeze %dma_start3A_154 : memref<1x5x80xi32, #tpu.memory_space<hbm>> -> memref<5x80xi32, #tpu.memory_space<hbm>>
    tpu.enqueue_dma source(%dma_start3A_155 : memref<5x80xi32, #tpu.memory_space<hbm>>) target(%dma_start3A_151 : memref<5x80xi32, #tpu.memory_space<vmem>>) target_semaphore(%dma_start3A_148 : memref<!tpu.dma_semaphore, #tpu.memory_space<semaphore_mem>>)
    %mul3A_156 = arith.constant 25 : i32
    %mul3A_157 = arith.muli %add3A, %mul3A_156 : i32
    %add3A_158 = arith.constant 2 : i32
    %add3A_159 = arith.addi %mul3A_157, %add3A_158 : i32
    %dma_start3A_160 = arith.constant 2 : i32
    %dma_start3A_161 = arith.constant 10 : i32
    %dma_start3A_162 = arith.constant 0 : i32
    %dma_start3A_163 = tpu.memref_slice %arg9[%dma_start3A_161, %dma_start3A_162] : memref<15x80xi32, #tpu.memory_space<vmem>> -> memref<5x80xi32, #tpu.memory_space<vmem>>
    %dma_start3A_164 = arith.constant 0 : i32
    %dma_start3A_165 = arith.constant 0 : i32
    %dma_start3A_166 = tpu.memref_slice %arg4[%add3A_159, %dma_start3A_164, %dma_start3A_165] : memref<800x5x80xi32, #tpu.memory_space<hbm>> -> memref<1x5x80xi32, #tpu.memory_space<hbm>>
    %dma_start3A_167 = tpu.memref_squeeze %dma_start3A_166 : memref<1x5x80xi32, #tpu.memory_space<hbm>> -> memref<5x80xi32, #tpu.memory_space<hbm>>
    %dma_start3A_168 = tpu.memref_slice %arg14[%dma_start3A_160] : memref<3x!tpu.dma_semaphore, #tpu.memory_space<semaphore_mem>> -> memref<1x!tpu.dma_semaphore, #tpu.memory_space<semaphore_mem>>
    %dma_start3A_169 = tpu.memref_squeeze %dma_start3A_168 : memref<1x!tpu.dma_semaphore, #tpu.memory_space<semaphore_mem>> -> memref<!tpu.dma_semaphore, #tpu.memory_space<semaphore_mem>>
    %dma_start3A_170 = arith.constant 10 : i32
    %dma_start3A_171 = arith.constant 0 : i32
    %dma_start3A_172 = tpu.memref_slice %arg9[%dma_start3A_170, %dma_start3A_171] : memref<15x80xi32, #tpu.memory_space<vmem>> -> memref<5x80xi32, #tpu.memory_space<vmem>>
    %dma_start3A_173 = arith.constant 0 : i32
    %dma_start3A_174 = arith.constant 0 : i32
    %dma_start3A_175 = tpu.memref_slice %arg4[%add3A_159, %dma_start3A_173, %dma_start3A_174] : memref<800x5x80xi32, #tpu.memory_space<hbm>> -> memref<1x5x80xi32, #tpu.memory_space<hbm>>
    %dma_start3A_176 = tpu.memref_squeeze %dma_start3A_175 : memref<1x5x80xi32, #tpu.memory_space<hbm>> -> memref<5x80xi32, #tpu.memory_space<hbm>>
    tpu.enqueue_dma source(%dma_start3A_176 : memref<5x80xi32, #tpu.memory_space<hbm>>) target(%dma_start3A_172 : memref<5x80xi32, #tpu.memory_space<vmem>>) target_semaphore(%dma_start3A_169 : memref<!tpu.dma_semaphore, #tpu.memory_space<semaphore_mem>>)
    %dma_start3A_177 = arith.constant 0 : i32
    %dma_start3A_178 = arith.constant 0 : i32
    %dma_start3A_179 = arith.constant 0 : i32
    %dma_start3A_180 = arith.constant 0 : i32
    %dma_start3A_181 = arith.constant 0 : i32
    %dma_start3A_182 = tpu.memref_slice %arg10[%dma_start3A_178, %dma_start3A_180, %dma_start3A_181] : memref<3x80x128xf32, #tpu.memory_space<vmem>> -> memref<1x80x128xf32, #tpu.memory_space<vmem>>
    %dma_start3A_183 = tpu.memref_squeeze %dma_start3A_182 : memref<1x80x128xf32, #tpu.memory_space<vmem>> -> memref<80x128xf32, #tpu.memory_space<vmem>>
    %dma_start3A_184 = arith.constant 0 : i32
    %dma_start3A_185 = tpu.memref_slice %arg8[%dma_start3A_177, %dma_start3A_184] : memref<15x80xi32, #tpu.memory_space<vmem>> -> memref<1x80xi32, #tpu.memory_space<vmem>>
    %dma_start3A_186 = tpu.memref_squeeze %dma_start3A_185 : memref<1x80xi32, #tpu.memory_space<vmem>> -> memref<80xi32, #tpu.memory_space<vmem>>
    %dma_start3A_187 = arith.constant 0 : i32
    %dma_start3A_188 = arith.constant 0 : i32
    %dma_start3A_189 = tpu.memref_slice %arg2[%dma_start3A_187, %dma_start3A_188] : memref<10000x128xf32, #tpu.memory_space<hbm>> -> memref<10000x128xf32, #tpu.memory_space<hbm>>
    %dma_start3A_190 = tpu.memref_slice %arg12[%dma_start3A_179] : memref<3x!tpu.dma_semaphore, #tpu.memory_space<semaphore_mem>> -> memref<1x!tpu.dma_semaphore, #tpu.memory_space<semaphore_mem>>
    %dma_start3A_191 = tpu.memref_squeeze %dma_start3A_190 : memref<1x!tpu.dma_semaphore, #tpu.memory_space<semaphore_mem>> -> memref<!tpu.dma_semaphore, #tpu.memory_space<semaphore_mem>>
    tpu.enqueue_indirect_dma source(%dma_start3A_189 : memref<10000x128xf32, #tpu.memory_space<hbm>>) target(%dma_start3A_183 : memref<80x128xf32, #tpu.memory_space<vmem>>) offsets(%dma_start3A_186 : memref<80xi32, #tpu.memory_space<vmem>>) semaphore(%dma_start3A_191 : memref<!tpu.dma_semaphore, #tpu.memory_space<semaphore_mem>>)
    %scan3A_192 = arith.constant 0 : i32
    %scan3A_193 = arith.constant 0 : i32
    %scan3A_194 = arith.constant 125 : i32
    %scan3A_195 = arith.addi %scan3A_193, %scan3A_194 : i32
    %scan3A_196 = arith.constant 1 : i32
    scf.for %scan3A_253 = %scan3A_193 to %scan3A_195 step %scan3A_196  : i32 {
      %rem3A = arith.constant 3 : i32
      %rem3A_254 = arith.remsi %scan3A_253, %rem3A : i32
      %add3A_255 = arith.constant 1 : i32
      %add3A_256 = arith.addi %scan3A_253, %add3A_255 : i32
      %rem3A_257 = arith.constant 3 : i32
      %rem3A_258 = arith.remsi %add3A_256, %rem3A_257 : i32
      %add3A_259 = arith.constant 1 : i32
      %add3A_260 = arith.addi %scan3A_253, %add3A_259 : i32
      %ge3A = arith.constant 2 : i32
      %ge3A_261 = arith.cmpi sge, %scan3A_253, %ge3A : i32
      %convert_element_type3A = arith.extui %ge3A_261 : i1 to i32
      %cond3A = arith.constant 0 : i32
      %cond3A_262 = arith.cmpi ne, %convert_element_type3A, %cond3A : i32
      scf.if %cond3A_262 {
        %dma_wait3A_378 = arith.constant 0 : i32
        %dma_wait3A_379 = arith.constant 0 : i32
        %dma_wait3A_380 = tpu.memref_slice %arg10[%rem3A_258, %dma_wait3A_378, %dma_wait3A_379] : memref<3x80x128xf32, #tpu.memory_space<vmem>> -> memref<1x80x128xf32, #tpu.memory_space<vmem>>
        %dma_wait3A_381 = tpu.memref_squeeze %dma_wait3A_380 : memref<1x80x128xf32, #tpu.memory_space<vmem>> -> memref<80x128xf32, #tpu.memory_space<vmem>>
        %dma_wait3A_382 = tpu.memref_slice %arg13[%rem3A_258] : memref<3x!tpu.dma_semaphore, #tpu.memory_space<semaphore_mem>> -> memref<1x!tpu.dma_semaphore, #tpu.memory_space<semaphore_mem>>
        %dma_wait3A_383 = tpu.memref_squeeze %dma_wait3A_382 : memref<1x!tpu.dma_semaphore, #tpu.memory_space<semaphore_mem>> -> memref<!tpu.dma_semaphore, #tpu.memory_space<semaphore_mem>>
        %dma_wait3A_384 = arith.constant 0 : i32
        %dma_wait3A_385 = arith.constant 0 : i32
        %dma_wait3A_386 = tpu.memref_slice %arg10[%rem3A_258, %dma_wait3A_384, %dma_wait3A_385] : memref<3x80x128xf32, #tpu.memory_space<vmem>> -> memref<1x80x128xf32, #tpu.memory_space<vmem>>
        %dma_wait3A_387 = tpu.memref_squeeze %dma_wait3A_386 : memref<1x80x128xf32, #tpu.memory_space<vmem>> -> memref<80x128xf32, #tpu.memory_space<vmem>>
        tpu.wait_dma2 semaphore(%dma_wait3A_383 : memref<!tpu.dma_semaphore, #tpu.memory_space<semaphore_mem>>) src(%arg5 : memref<80x128xf32, #tpu.memory_space<hbm>>) dst(%dma_wait3A_387 : memref<80x128xf32, #tpu.memory_space<vmem>>)
      } else {
      }
      %rem3A_263 = arith.constant 5 : i32
      %rem3A_264 = arith.remsi %add3A_260, %rem3A_263 : i32
      %eq3A = arith.constant 0 : i32
      %eq3A_265 = arith.cmpi eq, %rem3A_264, %eq3A : i32
      %lt3A = arith.constant 125 : i32
      %lt3A_266 = arith.cmpi slt, %add3A_260, %lt3A : i32
      %and3A = arith.andi %eq3A_265, %lt3A_266 : i1
      %convert_element_type3A_267 = arith.extui %and3A : i1 to i32
      %cond3A_268 = arith.constant 0 : i32
      %cond3A_269 = arith.cmpi ne, %convert_element_type3A_267, %cond3A_268 : i32
      scf.if %cond3A_269 {
        %jit3A_378 = arith.constant 5 : i32
        %div3A_379 = arith.divsi %add3A_260, %jit3A_378 : i32
        %sign3A_380 = arith.constant 0 : i32
        %sign3A_381 = arith.cmpi sgt, %add3A_260, %sign3A_380 : i32
        %sign3A_382 = arith.extui %sign3A_381 : i1 to i32
        %sign3A_383 = arith.constant 0 : i32
        %sign3A_384 = arith.cmpi slt, %add3A_260, %sign3A_383 : i32
        %sign3A_385 = arith.extui %sign3A_384 : i1 to i32
        %sign3A_386 = arith.subi %sign3A_382, %sign3A_385 : i32
        %sign3A_387 = arith.constant 0 : i32
        %sign3A_388 = arith.cmpi sgt, %jit3A_378, %sign3A_387 : i32
        %sign3A_389 = arith.extui %sign3A_388 : i1 to i32
        %sign3A_390 = arith.constant 0 : i32
        %sign3A_391 = arith.cmpi slt, %jit3A_378, %sign3A_390 : i32
        %sign3A_392 = arith.extui %sign3A_391 : i1 to i32
        %sign3A_393 = arith.subi %sign3A_389, %sign3A_392 : i32
        %ne3A_394 = arith.cmpi ne, %sign3A_386, %sign3A_393 : i32
        %rem3A_395 = arith.remsi %add3A_260, %jit3A_378 : i32
        %ne3A_396 = arith.constant 0 : i32
        %ne3A_397 = arith.cmpi ne, %rem3A_395, %ne3A_396 : i32
        %and3A_398 = arith.andi %ne3A_394, %ne3A_397 : i1
        %sub3A_399 = arith.constant 1 : i32
        %sub3A_400 = arith.subi %div3A_379, %sub3A_399 : i32
        %select_n3A_401 = arith.select %and3A_398, %sub3A_400, %div3A_379 : i32
        %rem3A_402 = arith.constant 3 : i32
        %rem3A_403 = arith.remsi %select_n3A_401, %rem3A_402 : i32
        %mul3A_404 = arith.constant 25 : i32
        %mul3A_405 = arith.muli %add3A, %mul3A_404 : i32
        %mul3A_406 = arith.constant 5 : i32
        %mul3A_407 = arith.muli %rem3A_403, %mul3A_406 : i32
        %dma_wait3A_408 = arith.constant 0 : i32
        %dma_wait3A_409 = tpu.memref_slice %arg8[%mul3A_407, %dma_wait3A_408] : memref<15x80xi32, #tpu.memory_space<vmem>> -> memref<5x80xi32, #tpu.memory_space<vmem>>
        %dma_wait3A_410 = arith.constant 0 : i32
        %dma_wait3A_411 = arith.constant 0 : i32
        %dma_wait3A_412 = tpu.memref_slice %arg3[%mul3A_405, %dma_wait3A_410, %dma_wait3A_411] : memref<800x5x80xi32, #tpu.memory_space<hbm>> -> memref<1x5x80xi32, #tpu.memory_space<hbm>>
        %dma_wait3A_413 = tpu.memref_squeeze %dma_wait3A_412 : memref<1x5x80xi32, #tpu.memory_space<hbm>> -> memref<5x80xi32, #tpu.memory_space<hbm>>
        %dma_wait3A_414 = tpu.memref_slice %arg14[%rem3A_403] : memref<3x!tpu.dma_semaphore, #tpu.memory_space<semaphore_mem>> -> memref<1x!tpu.dma_semaphore, #tpu.memory_space<semaphore_mem>>
        %dma_wait3A_415 = tpu.memref_squeeze %dma_wait3A_414 : memref<1x!tpu.dma_semaphore, #tpu.memory_space<semaphore_mem>> -> memref<!tpu.dma_semaphore, #tpu.memory_space<semaphore_mem>>
        %dma_wait3A_416 = arith.constant 0 : i32
        %dma_wait3A_417 = tpu.memref_slice %arg8[%mul3A_407, %dma_wait3A_416] : memref<15x80xi32, #tpu.memory_space<vmem>> -> memref<5x80xi32, #tpu.memory_space<vmem>>
        %dma_wait3A_418 = arith.constant 0 : i32
        %dma_wait3A_419 = arith.constant 0 : i32
        %dma_wait3A_420 = tpu.memref_slice %arg3[%mul3A_405, %dma_wait3A_418, %dma_wait3A_419] : memref<800x5x80xi32, #tpu.memory_space<hbm>> -> memref<1x5x80xi32, #tpu.memory_space<hbm>>
        %dma_wait3A_421 = tpu.memref_squeeze %dma_wait3A_420 : memref<1x5x80xi32, #tpu.memory_space<hbm>> -> memref<5x80xi32, #tpu.memory_space<hbm>>
        tpu.wait_dma2 semaphore(%dma_wait3A_415 : memref<!tpu.dma_semaphore, #tpu.memory_space<semaphore_mem>>) src(%dma_wait3A_421 : memref<5x80xi32, #tpu.memory_space<hbm>>) dst(%dma_wait3A_417 : memref<5x80xi32, #tpu.memory_space<vmem>>)
        %mul3A_422 = arith.constant 25 : i32
        %mul3A_423 = arith.muli %add3A, %mul3A_422 : i32
        %mul3A_424 = arith.constant 5 : i32
        %mul3A_425 = arith.muli %rem3A_403, %mul3A_424 : i32
        %dma_wait3A_426 = arith.constant 0 : i32
        %dma_wait3A_427 = tpu.memref_slice %arg9[%mul3A_425, %dma_wait3A_426] : memref<15x80xi32, #tpu.memory_space<vmem>> -> memref<5x80xi32, #tpu.memory_space<vmem>>
        %dma_wait3A_428 = arith.constant 0 : i32
        %dma_wait3A_429 = arith.constant 0 : i32
        %dma_wait3A_430 = tpu.memref_slice %arg4[%mul3A_423, %dma_wait3A_428, %dma_wait3A_429] : memref<800x5x80xi32, #tpu.memory_space<hbm>> -> memref<1x5x80xi32, #tpu.memory_space<hbm>>
        %dma_wait3A_431 = tpu.memref_squeeze %dma_wait3A_430 : memref<1x5x80xi32, #tpu.memory_space<hbm>> -> memref<5x80xi32, #tpu.memory_space<hbm>>
        %dma_wait3A_432 = tpu.memref_slice %arg14[%rem3A_403] : memref<3x!tpu.dma_semaphore, #tpu.memory_space<semaphore_mem>> -> memref<1x!tpu.dma_semaphore, #tpu.memory_space<semaphore_mem>>
        %dma_wait3A_433 = tpu.memref_squeeze %dma_wait3A_432 : memref<1x!tpu.dma_semaphore, #tpu.memory_space<semaphore_mem>> -> memref<!tpu.dma_semaphore, #tpu.memory_space<semaphore_mem>>
        %dma_wait3A_434 = arith.constant 0 : i32
        %dma_wait3A_435 = tpu.memref_slice %arg9[%mul3A_425, %dma_wait3A_434] : memref<15x80xi32, #tpu.memory_space<vmem>> -> memref<5x80xi32, #tpu.memory_space<vmem>>
        %dma_wait3A_436 = arith.constant 0 : i32
        %dma_wait3A_437 = arith.constant 0 : i32
        %dma_wait3A_438 = tpu.memref_slice %arg4[%mul3A_423, %dma_wait3A_436, %dma_wait3A_437] : memref<800x5x80xi32, #tpu.memory_space<hbm>> -> memref<1x5x80xi32, #tpu.memory_space<hbm>>
        %dma_wait3A_439 = tpu.memref_squeeze %dma_wait3A_438 : memref<1x5x80xi32, #tpu.memory_space<hbm>> -> memref<5x80xi32, #tpu.memory_space<hbm>>
        tpu.wait_dma2 semaphore(%dma_wait3A_433 : memref<!tpu.dma_semaphore, #tpu.memory_space<semaphore_mem>>) src(%dma_wait3A_439 : memref<5x80xi32, #tpu.memory_space<hbm>>) dst(%dma_wait3A_435 : memref<5x80xi32, #tpu.memory_space<vmem>>)
      } else {
      }
      %rem3A_270 = arith.constant 5 : i32
      %rem3A_271 = arith.remsi %add3A_260, %rem3A_270 : i32
      %eq3A_272 = arith.constant 3 : i32
      %eq3A_273 = arith.cmpi eq, %rem3A_271, %eq3A_272 : i32
      %ge3A_274 = arith.constant 5 : i32
      %ge3A_275 = arith.cmpi sge, %add3A_260, %ge3A_274 : i32
      %and3A_276 = arith.andi %eq3A_273, %ge3A_275 : i1
      %convert_element_type3A_277 = arith.extui %and3A_276 : i1 to i32
      %cond3A_278 = arith.constant 0 : i32
      %cond3A_279 = arith.cmpi ne, %convert_element_type3A_277, %cond3A_278 : i32
      scf.if %cond3A_279 {
        %jit3A_378 = arith.constant 5 : i32
        %div3A_379 = arith.divsi %add3A_260, %jit3A_378 : i32
        %sign3A_380 = arith.constant 0 : i32
        %sign3A_381 = arith.cmpi sgt, %add3A_260, %sign3A_380 : i32
        %sign3A_382 = arith.extui %sign3A_381 : i1 to i32
        %sign3A_383 = arith.constant 0 : i32
        %sign3A_384 = arith.cmpi slt, %add3A_260, %sign3A_383 : i32
        %sign3A_385 = arith.extui %sign3A_384 : i1 to i32
        %sign3A_386 = arith.subi %sign3A_382, %sign3A_385 : i32
        %sign3A_387 = arith.constant 0 : i32
        %sign3A_388 = arith.cmpi sgt, %jit3A_378, %sign3A_387 : i32
        %sign3A_389 = arith.extui %sign3A_388 : i1 to i32
        %sign3A_390 = arith.constant 0 : i32
        %sign3A_391 = arith.cmpi slt, %jit3A_378, %sign3A_390 : i32
        %sign3A_392 = arith.extui %sign3A_391 : i1 to i32
        %sign3A_393 = arith.subi %sign3A_389, %sign3A_392 : i32
        %ne3A_394 = arith.cmpi ne, %sign3A_386, %sign3A_393 : i32
        %rem3A_395 = arith.remsi %add3A_260, %jit3A_378 : i32
        %ne3A_396 = arith.constant 0 : i32
        %ne3A_397 = arith.cmpi ne, %rem3A_395, %ne3A_396 : i32
        %and3A_398 = arith.andi %ne3A_394, %ne3A_397 : i1
        %sub3A_399 = arith.constant 1 : i32
        %sub3A_400 = arith.subi %div3A_379, %sub3A_399 : i32
        %select_n3A_401 = arith.select %and3A_398, %sub3A_400, %div3A_379 : i32
        %add3A_402 = arith.constant 2 : i32
        %add3A_403 = arith.addi %select_n3A_401, %add3A_402 : i32
        %lt3A_404 = arith.constant 25 : i32
        %lt3A_405 = arith.cmpi slt, %add3A_403, %lt3A_404 : i32
        %convert_element_type3A_406 = arith.extui %lt3A_405 : i1 to i32
        %cond3A_407 = arith.constant 0 : i32
        %cond3A_408 = arith.cmpi ne, %convert_element_type3A_406, %cond3A_407 : i32
        scf.if %cond3A_408 {
          %rem3A_409 = arith.constant 3 : i32
          %rem3A_410 = arith.remsi %add3A_403, %rem3A_409 : i32
          %mul3A_411 = arith.constant 25 : i32
          %mul3A_412 = arith.muli %add3A, %mul3A_411 : i32
          %add3A_413 = arith.addi %mul3A_412, %add3A_403 : i32
          %mul3A_414 = arith.constant 5 : i32
          %mul3A_415 = arith.muli %rem3A_410, %mul3A_414 : i32
          %dma_start3A_416 = arith.constant 0 : i32
          %dma_start3A_417 = tpu.memref_slice %arg8[%mul3A_415, %dma_start3A_416] : memref<15x80xi32, #tpu.memory_space<vmem>> -> memref<5x80xi32, #tpu.memory_space<vmem>>
          %dma_start3A_418 = arith.constant 0 : i32
          %dma_start3A_419 = arith.constant 0 : i32
          %dma_start3A_420 = tpu.memref_slice %arg3[%add3A_413, %dma_start3A_418, %dma_start3A_419] : memref<800x5x80xi32, #tpu.memory_space<hbm>> -> memref<1x5x80xi32, #tpu.memory_space<hbm>>
          %dma_start3A_421 = tpu.memref_squeeze %dma_start3A_420 : memref<1x5x80xi32, #tpu.memory_space<hbm>> -> memref<5x80xi32, #tpu.memory_space<hbm>>
          %dma_start3A_422 = tpu.memref_slice %arg14[%rem3A_410] : memref<3x!tpu.dma_semaphore, #tpu.memory_space<semaphore_mem>> -> memref<1x!tpu.dma_semaphore, #tpu.memory_space<semaphore_mem>>
          %dma_start3A_423 = tpu.memref_squeeze %dma_start3A_422 : memref<1x!tpu.dma_semaphore, #tpu.memory_space<semaphore_mem>> -> memref<!tpu.dma_semaphore, #tpu.memory_space<semaphore_mem>>
          %dma_start3A_424 = arith.constant 0 : i32
          %dma_start3A_425 = tpu.memref_slice %arg8[%mul3A_415, %dma_start3A_424] : memref<15x80xi32, #tpu.memory_space<vmem>> -> memref<5x80xi32, #tpu.memory_space<vmem>>
          %dma_start3A_426 = arith.constant 0 : i32
          %dma_start3A_427 = arith.constant 0 : i32
          %dma_start3A_428 = tpu.memref_slice %arg3[%add3A_413, %dma_start3A_426, %dma_start3A_427] : memref<800x5x80xi32, #tpu.memory_space<hbm>> -> memref<1x5x80xi32, #tpu.memory_space<hbm>>
          %dma_start3A_429 = tpu.memref_squeeze %dma_start3A_428 : memref<1x5x80xi32, #tpu.memory_space<hbm>> -> memref<5x80xi32, #tpu.memory_space<hbm>>
          tpu.enqueue_dma source(%dma_start3A_429 : memref<5x80xi32, #tpu.memory_space<hbm>>) target(%dma_start3A_425 : memref<5x80xi32, #tpu.memory_space<vmem>>) target_semaphore(%dma_start3A_423 : memref<!tpu.dma_semaphore, #tpu.memory_space<semaphore_mem>>)
          %mul3A_430 = arith.constant 25 : i32
          %mul3A_431 = arith.muli %add3A, %mul3A_430 : i32
          %add3A_432 = arith.addi %mul3A_431, %add3A_403 : i32
          %mul3A_433 = arith.constant 5 : i32
          %mul3A_434 = arith.muli %rem3A_410, %mul3A_433 : i32
          %dma_start3A_435 = arith.constant 0 : i32
          %dma_start3A_436 = tpu.memref_slice %arg9[%mul3A_434, %dma_start3A_435] : memref<15x80xi32, #tpu.memory_space<vmem>> -> memref<5x80xi32, #tpu.memory_space<vmem>>
          %dma_start3A_437 = arith.constant 0 : i32
          %dma_start3A_438 = arith.constant 0 : i32
          %dma_start3A_439 = tpu.memref_slice %arg4[%add3A_432, %dma_start3A_437, %dma_start3A_438] : memref<800x5x80xi32, #tpu.memory_space<hbm>> -> memref<1x5x80xi32, #tpu.memory_space<hbm>>
          %dma_start3A_440 = tpu.memref_squeeze %dma_start3A_439 : memref<1x5x80xi32, #tpu.memory_space<hbm>> -> memref<5x80xi32, #tpu.memory_space<hbm>>
          %dma_start3A_441 = tpu.memref_slice %arg14[%rem3A_410] : memref<3x!tpu.dma_semaphore, #tpu.memory_space<semaphore_mem>> -> memref<1x!tpu.dma_semaphore, #tpu.memory_space<semaphore_mem>>
          %dma_start3A_442 = tpu.memref_squeeze %dma_start3A_441 : memref<1x!tpu.dma_semaphore, #tpu.memory_space<semaphore_mem>> -> memref<!tpu.dma_semaphore, #tpu.memory_space<semaphore_mem>>
          %dma_start3A_443 = arith.constant 0 : i32
          %dma_start3A_444 = tpu.memref_slice %arg9[%mul3A_434, %dma_start3A_443] : memref<15x80xi32, #tpu.memory_space<vmem>> -> memref<5x80xi32, #tpu.memory_space<vmem>>
          %dma_start3A_445 = arith.constant 0 : i32
          %dma_start3A_446 = arith.constant 0 : i32
          %dma_start3A_447 = tpu.memref_slice %arg4[%add3A_432, %dma_start3A_445, %dma_start3A_446] : memref<800x5x80xi32, #tpu.memory_space<hbm>> -> memref<1x5x80xi32, #tpu.memory_space<hbm>>
          %dma_start3A_448 = tpu.memref_squeeze %dma_start3A_447 : memref<1x5x80xi32, #tpu.memory_space<hbm>> -> memref<5x80xi32, #tpu.memory_space<hbm>>
          tpu.enqueue_dma source(%dma_start3A_448 : memref<5x80xi32, #tpu.memory_space<hbm>>) target(%dma_start3A_444 : memref<5x80xi32, #tpu.memory_space<vmem>>) target_semaphore(%dma_start3A_442 : memref<!tpu.dma_semaphore, #tpu.memory_space<semaphore_mem>>)
        } else {
        }
      } else {
      }
      %lt3A_280 = arith.constant 125 : i32
      %lt3A_281 = arith.cmpi slt, %add3A_260, %lt3A_280 : i32
      %convert_element_type3A_282 = arith.extui %lt3A_281 : i1 to i32
      %cond3A_283 = arith.constant 0 : i32
      %cond3A_284 = arith.cmpi ne, %convert_element_type3A_282, %cond3A_283 : i32
      scf.if %cond3A_284 {
        %jit3A_378 = arith.constant 5 : i32
        %div3A_379 = arith.divsi %add3A_260, %jit3A_378 : i32
        %sign3A_380 = arith.constant 0 : i32
        %sign3A_381 = arith.cmpi sgt, %add3A_260, %sign3A_380 : i32
        %sign3A_382 = arith.extui %sign3A_381 : i1 to i32
        %sign3A_383 = arith.constant 0 : i32
        %sign3A_384 = arith.cmpi slt, %add3A_260, %sign3A_383 : i32
        %sign3A_385 = arith.extui %sign3A_384 : i1 to i32
        %sign3A_386 = arith.subi %sign3A_382, %sign3A_385 : i32
        %sign3A_387 = arith.constant 0 : i32
        %sign3A_388 = arith.cmpi sgt, %jit3A_378, %sign3A_387 : i32
        %sign3A_389 = arith.extui %sign3A_388 : i1 to i32
        %sign3A_390 = arith.constant 0 : i32
        %sign3A_391 = arith.cmpi slt, %jit3A_378, %sign3A_390 : i32
        %sign3A_392 = arith.extui %sign3A_391 : i1 to i32
        %sign3A_393 = arith.subi %sign3A_389, %sign3A_392 : i32
        %ne3A_394 = arith.cmpi ne, %sign3A_386, %sign3A_393 : i32
        %rem3A_395 = arith.remsi %add3A_260, %jit3A_378 : i32
        %ne3A_396 = arith.constant 0 : i32
        %ne3A_397 = arith.cmpi ne, %rem3A_395, %ne3A_396 : i32
        %and3A_398 = arith.andi %ne3A_394, %ne3A_397 : i1
        %sub3A_399 = arith.constant 1 : i32
        %sub3A_400 = arith.subi %div3A_379, %sub3A_399 : i32
        %select_n3A_401 = arith.select %and3A_398, %sub3A_400, %div3A_379 : i32
        %rem3A_402 = arith.constant 3 : i32
        %rem3A_403 = arith.remsi %select_n3A_401, %rem3A_402 : i32
        %mul3A_404 = arith.constant 5 : i32
        %mul3A_405 = arith.muli %rem3A_403, %mul3A_404 : i32
        %rem3A_406 = arith.constant 5 : i32
        %rem3A_407 = arith.remsi %add3A_260, %rem3A_406 : i32
        %add3A_408 = arith.addi %mul3A_405, %rem3A_407 : i32
        %dma_start3A_409 = arith.constant 0 : i32
        %dma_start3A_410 = arith.constant 0 : i32
        %dma_start3A_411 = tpu.memref_slice %arg10[%rem3A_258, %dma_start3A_409, %dma_start3A_410] : memref<3x80x128xf32, #tpu.memory_space<vmem>> -> memref<1x80x128xf32, #tpu.memory_space<vmem>>
        %dma_start3A_412 = tpu.memref_squeeze %dma_start3A_411 : memref<1x80x128xf32, #tpu.memory_space<vmem>> -> memref<80x128xf32, #tpu.memory_space<vmem>>
        %dma_start3A_413 = arith.constant 0 : i32
        %dma_start3A_414 = tpu.memref_slice %arg8[%add3A_408, %dma_start3A_413] : memref<15x80xi32, #tpu.memory_space<vmem>> -> memref<1x80xi32, #tpu.memory_space<vmem>>
        %dma_start3A_415 = tpu.memref_squeeze %dma_start3A_414 : memref<1x80xi32, #tpu.memory_space<vmem>> -> memref<80xi32, #tpu.memory_space<vmem>>
        %dma_start3A_416 = arith.constant 0 : i32
        %dma_start3A_417 = arith.constant 0 : i32
        %dma_start3A_418 = tpu.memref_slice %arg2[%dma_start3A_416, %dma_start3A_417] : memref<10000x128xf32, #tpu.memory_space<hbm>> -> memref<10000x128xf32, #tpu.memory_space<hbm>>
        %dma_start3A_419 = tpu.memref_slice %arg12[%rem3A_258] : memref<3x!tpu.dma_semaphore, #tpu.memory_space<semaphore_mem>> -> memref<1x!tpu.dma_semaphore, #tpu.memory_space<semaphore_mem>>
        %dma_start3A_420 = tpu.memref_squeeze %dma_start3A_419 : memref<1x!tpu.dma_semaphore, #tpu.memory_space<semaphore_mem>> -> memref<!tpu.dma_semaphore, #tpu.memory_space<semaphore_mem>>
        tpu.enqueue_indirect_dma source(%dma_start3A_418 : memref<10000x128xf32, #tpu.memory_space<hbm>>) target(%dma_start3A_412 : memref<80x128xf32, #tpu.memory_space<vmem>>) offsets(%dma_start3A_415 : memref<80xi32, #tpu.memory_space<vmem>>) semaphore(%dma_start3A_420 : memref<!tpu.dma_semaphore, #tpu.memory_space<semaphore_mem>>)
      } else {
      }
      %dma_wait3A_285 = arith.constant 0 : i32
      %dma_wait3A_286 = arith.constant 0 : i32
      %dma_wait3A_287 = arith.constant 0 : i32
      %dma_wait3A_288 = tpu.memref_slice %arg10[%rem3A_254, %dma_wait3A_286, %dma_wait3A_287] : memref<3x80x128xf32, #tpu.memory_space<vmem>> -> memref<1x80x128xf32, #tpu.memory_space<vmem>>
      %dma_wait3A_289 = tpu.memref_squeeze %dma_wait3A_288 : memref<1x80x128xf32, #tpu.memory_space<vmem>> -> memref<80x128xf32, #tpu.memory_space<vmem>>
      %dma_wait3A_290 = arith.constant 0 : i32
      %dma_wait3A_291 = tpu.memref_slice %arg8[%dma_wait3A_285, %dma_wait3A_290] : memref<15x80xi32, #tpu.memory_space<vmem>> -> memref<1x80xi32, #tpu.memory_space<vmem>>
      %dma_wait3A_292 = tpu.memref_squeeze %dma_wait3A_291 : memref<1x80xi32, #tpu.memory_space<vmem>> -> memref<80xi32, #tpu.memory_space<vmem>>
      %dma_wait3A_293 = arith.constant 0 : i32
      %dma_wait3A_294 = arith.constant 0 : i32
      %dma_wait3A_295 = tpu.memref_slice %arg2[%dma_wait3A_293, %dma_wait3A_294] : memref<10000x128xf32, #tpu.memory_space<hbm>> -> memref<10000x128xf32, #tpu.memory_space<hbm>>
      %dma_wait3A_296 = tpu.memref_slice %arg12[%rem3A_254] : memref<3x!tpu.dma_semaphore, #tpu.memory_space<semaphore_mem>> -> memref<1x!tpu.dma_semaphore, #tpu.memory_space<semaphore_mem>>
      %dma_wait3A_297 = tpu.memref_squeeze %dma_wait3A_296 : memref<1x!tpu.dma_semaphore, #tpu.memory_space<semaphore_mem>> -> memref<!tpu.dma_semaphore, #tpu.memory_space<semaphore_mem>>
      tpu.wait_indirect_dma semaphore(%dma_wait3A_297 : memref<!tpu.dma_semaphore, #tpu.memory_space<semaphore_mem>>) src(%dma_wait3A_295 : memref<10000x128xf32, #tpu.memory_space<hbm>>) dst(%dma_wait3A_289 : memref<80x128xf32, #tpu.memory_space<vmem>>)
      %jit3A = arith.constant 5 : i32
      %div3A = arith.divsi %scan3A_253, %jit3A : i32
      %sign3A = arith.constant 0 : i32
      %sign3A_298 = arith.cmpi sgt, %scan3A_253, %sign3A : i32
      %sign3A_299 = arith.extui %sign3A_298 : i1 to i32
      %sign3A_300 = arith.constant 0 : i32
      %sign3A_301 = arith.cmpi slt, %scan3A_253, %sign3A_300 : i32
      %sign3A_302 = arith.extui %sign3A_301 : i1 to i32
      %sign3A_303 = arith.subi %sign3A_299, %sign3A_302 : i32
      %sign3A_304 = arith.constant 0 : i32
      %sign3A_305 = arith.cmpi sgt, %jit3A, %sign3A_304 : i32
      %sign3A_306 = arith.extui %sign3A_305 : i1 to i32
      %sign3A_307 = arith.constant 0 : i32
      %sign3A_308 = arith.cmpi slt, %jit3A, %sign3A_307 : i32
      %sign3A_309 = arith.extui %sign3A_308 : i1 to i32
      %sign3A_310 = arith.subi %sign3A_306, %sign3A_309 : i32
      %ne3A = arith.cmpi ne, %sign3A_303, %sign3A_310 : i32
      %rem3A_311 = arith.remsi %scan3A_253, %jit3A : i32
      %ne3A_312 = arith.constant 0 : i32
      %ne3A_313 = arith.cmpi ne, %rem3A_311, %ne3A_312 : i32
      %and3A_314 = arith.andi %ne3A, %ne3A_313 : i1
      %sub3A = arith.constant 1 : i32
      %sub3A_315 = arith.subi %div3A, %sub3A : i32
      %select_n3A = arith.select %and3A_314, %sub3A_315, %div3A : i32
      %rem3A_316 = arith.constant 3 : i32
      %rem3A_317 = arith.remsi %select_n3A, %rem3A_316 : i32
      %mul3A_318 = arith.constant 5 : i32
      %mul3A_319 = arith.muli %rem3A_317, %mul3A_318 : i32
      %rem3A_320 = arith.constant 5 : i32
      %rem3A_321 = arith.remsi %scan3A_253, %rem3A_320 : i32
      %add3A_322 = arith.addi %mul3A_319, %rem3A_321 : i32
      %dma_start3A_323 = arith.constant 0 : i32
      %dma_start3A_324 = arith.constant 0 : i32
      %dma_start3A_325 = tpu.memref_slice %arg10[%rem3A_254, %dma_start3A_323, %dma_start3A_324] : memref<3x80x128xf32, #tpu.memory_space<vmem>> -> memref<1x80x128xf32, #tpu.memory_space<vmem>>
      %dma_start3A_326 = tpu.memref_squeeze %dma_start3A_325 : memref<1x80x128xf32, #tpu.memory_space<vmem>> -> memref<80x128xf32, #tpu.memory_space<vmem>>
      %dma_start3A_327 = arith.constant 0 : i32
      %dma_start3A_328 = tpu.memref_slice %arg9[%add3A_322, %dma_start3A_327] : memref<15x80xi32, #tpu.memory_space<vmem>> -> memref<1x80xi32, #tpu.memory_space<vmem>>
      %dma_start3A_329 = tpu.memref_squeeze %dma_start3A_328 : memref<1x80xi32, #tpu.memory_space<vmem>> -> memref<80xi32, #tpu.memory_space<vmem>>
      %dma_start3A_330 = arith.constant 0 : i32
      %dma_start3A_331 = arith.constant 0 : i32
      %dma_start3A_332 = tpu.memref_slice %arg11[%dma_start3A_330, %dma_start3A_331] : memref<10240x128xf32, #tpu.memory_space<vmem_shared>> -> memref<10240x128xf32, #tpu.memory_space<vmem_shared>>
      %dma_start3A_333 = tpu.memref_slice %arg13[%rem3A_254] : memref<3x!tpu.dma_semaphore, #tpu.memory_space<semaphore_mem>> -> memref<1x!tpu.dma_semaphore, #tpu.memory_space<semaphore_mem>>
      %dma_start3A_334 = tpu.memref_squeeze %dma_start3A_333 : memref<1x!tpu.dma_semaphore, #tpu.memory_space<semaphore_mem>> -> memref<!tpu.dma_semaphore, #tpu.memory_space<semaphore_mem>>
      tpu.enqueue_indirect_dma source(%dma_start3A_326 : memref<80x128xf32, #tpu.memory_space<vmem>>) target(%dma_start3A_332 : memref<10240x128xf32, #tpu.memory_space<vmem_shared>>) offsets(%dma_start3A_329 : memref<80xi32, #tpu.memory_space<vmem>>) semaphore(%dma_start3A_334 : memref<!tpu.dma_semaphore, #tpu.memory_space<semaphore_mem>>) {add = true}
      %get3A = arith.index_cast %add3A_322 : i32 to index
      %get3A_335 = arith.constant 0 : index
      %get3A_336 = tpu.vector_load %arg9[%get3A, %get3A_335] {strides = array<i32>} : memref<15x80xi32, #tpu.memory_space<vmem>>, vector<16xi32>,
      %shift_right_arithmetic3A = arith.constant 7 : i32
      %shift_right_arithmetic3A_337 = vector.broadcast %shift_right_arithmetic3A : i32 to vector<16xi32>
      %shift_right_arithmetic3A_338 = arith.shrsi %get3A_336, %shift_right_arithmetic3A_337 : vector<16xi32>
      %and3A_339 = arith.constant 127 : i32
      %and3A_340 = vector.broadcast %and3A_339 : i32 to vector<16xi32>
      %and3A_341 = arith.andi %get3A_336, %and3A_340 : vector<16xi32>
      tpu.vector_store_idx %arg15[%shift_right_arithmetic3A_338, %and3A_341], %broadcast_in_dim3A_14 {add = true} : memref<80x128xf32, #tpu.memory_space<vmem>>[vector<16xi32>, vector<16xi32>], vector<16xf32>,
      %get3A_342 = arith.index_cast %add3A_322 : i32 to index
      %get3A_343 = arith.constant 16 : index
      %get3A_344 = tpu.vector_load %arg9[%get3A_342, %get3A_343] {strides = array<i32>} : memref<15x80xi32, #tpu.memory_space<vmem>>, vector<16xi32>,
      %shift_right_arithmetic3A_345 = arith.constant 7 : i32
      %shift_right_arithmetic3A_346 = vector.broadcast %shift_right_arithmetic3A_345 : i32 to vector<16xi32>
      %shift_right_arithmetic3A_347 = arith.shrsi %get3A_344, %shift_right_arithmetic3A_346 : vector<16xi32>
      %and3A_348 = arith.constant 127 : i32
      %and3A_349 = vector.broadcast %and3A_348 : i32 to vector<16xi32>
      %and3A_350 = arith.andi %get3A_344, %and3A_349 : vector<16xi32>
      tpu.vector_store_idx %arg15[%shift_right_arithmetic3A_347, %and3A_350], %broadcast_in_dim3A_14 {add = true} : memref<80x128xf32, #tpu.memory_space<vmem>>[vector<16xi32>, vector<16xi32>], vector<16xf32>,
      %get3A_351 = arith.index_cast %add3A_322 : i32 to index
      %get3A_352 = arith.constant 32 : index
      %get3A_353 = tpu.vector_load %arg9[%get3A_351, %get3A_352] {strides = array<i32>} : memref<15x80xi32, #tpu.memory_space<vmem>>, vector<16xi32>,
      %shift_right_arithmetic3A_354 = arith.constant 7 : i32
      %shift_right_arithmetic3A_355 = vector.broadcast %shift_right_arithmetic3A_354 : i32 to vector<16xi32>
      %shift_right_arithmetic3A_356 = arith.shrsi %get3A_353, %shift_right_arithmetic3A_355 : vector<16xi32>
      %and3A_357 = arith.constant 127 : i32
      %and3A_358 = vector.broadcast %and3A_357 : i32 to vector<16xi32>
      %and3A_359 = arith.andi %get3A_353, %and3A_358 : vector<16xi32>
      tpu.vector_store_idx %arg15[%shift_right_arithmetic3A_356, %and3A_359], %broadcast_in_dim3A_14 {add = true} : memref<80x128xf32, #tpu.memory_space<vmem>>[vector<16xi32>, vector<16xi32>], vector<16xf32>,
      %get3A_360 = arith.index_cast %add3A_322 : i32 to index
      %get3A_361 = arith.constant 48 : index
      %get3A_362 = tpu.vector_load %arg9[%get3A_360, %get3A_361] {strides = array<i32>} : memref<15x80xi32, #tpu.memory_space<vmem>>, vector<16xi32>,
      %shift_right_arithmetic3A_363 = arith.constant 7 : i32
      %shift_right_arithmetic3A_364 = vector.broadcast %shift_right_arithmetic3A_363 : i32 to vector<16xi32>
      %shift_right_arithmetic3A_365 = arith.shrsi %get3A_362, %shift_right_arithmetic3A_364 : vector<16xi32>
      %and3A_366 = arith.constant 127 : i32
      %and3A_367 = vector.broadcast %and3A_366 : i32 to vector<16xi32>
      %and3A_368 = arith.andi %get3A_362, %and3A_367 : vector<16xi32>
      tpu.vector_store_idx %arg15[%shift_right_arithmetic3A_365, %and3A_368], %broadcast_in_dim3A_14 {add = true} : memref<80x128xf32, #tpu.memory_space<vmem>>[vector<16xi32>, vector<16xi32>], vector<16xf32>,
      %get3A_369 = arith.index_cast %add3A_322 : i32 to index
      %get3A_370 = arith.constant 64 : index
      %get3A_371 = tpu.vector_load %arg9[%get3A_369, %get3A_370] {strides = array<i32>} : memref<15x80xi32, #tpu.memory_space<vmem>>, vector<16xi32>,
      %shift_right_arithmetic3A_372 = arith.constant 7 : i32
      %shift_right_arithmetic3A_373 = vector.broadcast %shift_right_arithmetic3A_372 : i32 to vector<16xi32>
      %shift_right_arithmetic3A_374 = arith.shrsi %get3A_371, %shift_right_arithmetic3A_373 : vector<16xi32>
      %and3A_375 = arith.constant 127 : i32
      %and3A_376 = vector.broadcast %and3A_375 : i32 to vector<16xi32>
      %and3A_377 = arith.andi %get3A_371, %and3A_376 : vector<16xi32>
      tpu.vector_store_idx %arg15[%shift_right_arithmetic3A_374, %and3A_377], %broadcast_in_dim3A_14 {add = true} : memref<80x128xf32, #tpu.memory_space<vmem>>[vector<16xi32>, vector<16xi32>], vector<16xf32>,
    }
    %scan3A_197 = arith.constant 125 : i32
    %dma_wait3A_198 = arith.constant 0 : i32
    %dma_wait3A_199 = arith.constant 0 : i32
    %dma_wait3A_200 = arith.constant 0 : i32
    %dma_wait3A_201 = arith.constant 0 : i32
    %dma_wait3A_202 = tpu.memref_slice %arg10[%dma_wait3A_198, %dma_wait3A_200, %dma_wait3A_201] : memref<3x80x128xf32, #tpu.memory_space<vmem>> -> memref<1x80x128xf32, #tpu.memory_space<vmem>>
    %dma_wait3A_203 = tpu.memref_squeeze %dma_wait3A_202 : memref<1x80x128xf32, #tpu.memory_space<vmem>> -> memref<80x128xf32, #tpu.memory_space<vmem>>
    %dma_wait3A_204 = tpu.memref_slice %arg13[%dma_wait3A_199] : memref<3x!tpu.dma_semaphore, #tpu.memory_space<semaphore_mem>> -> memref<1x!tpu.dma_semaphore, #tpu.memory_space<semaphore_mem>>
    %dma_wait3A_205 = tpu.memref_squeeze %dma_wait3A_204 : memref<1x!tpu.dma_semaphore, #tpu.memory_space<semaphore_mem>> -> memref<!tpu.dma_semaphore, #tpu.memory_space<semaphore_mem>>
    %dma_wait3A_206 = arith.constant 0 : i32
    %dma_wait3A_207 = arith.constant 0 : i32
    %dma_wait3A_208 = tpu.memref_slice %arg10[%dma_wait3A_198, %dma_wait3A_206, %dma_wait3A_207] : memref<3x80x128xf32, #tpu.memory_space<vmem>> -> memref<1x80x128xf32, #tpu.memory_space<vmem>>
    %dma_wait3A_209 = tpu.memref_squeeze %dma_wait3A_208 : memref<1x80x128xf32, #tpu.memory_space<vmem>> -> memref<80x128xf32, #tpu.memory_space<vmem>>
    tpu.wait_dma2 semaphore(%dma_wait3A_205 : memref<!tpu.dma_semaphore, #tpu.memory_space<semaphore_mem>>) src(%arg5 : memref<80x128xf32, #tpu.memory_space<hbm>>) dst(%dma_wait3A_209 : memref<80x128xf32, #tpu.memory_space<vmem>>)
    %dma_wait3A_210 = arith.constant 1 : i32
    %dma_wait3A_211 = arith.constant 1 : i32
    %dma_wait3A_212 = arith.constant 0 : i32
    %dma_wait3A_213 = arith.constant 0 : i32
    %dma_wait3A_214 = tpu.memref_slice %arg10[%dma_wait3A_210, %dma_wait3A_212, %dma_wait3A_213] : memref<3x80x128xf32, #tpu.memory_space<vmem>> -> memref<1x80x128xf32, #tpu.memory_space<vmem>>
    %dma_wait3A_215 = tpu.memref_squeeze %dma_wait3A_214 : memref<1x80x128xf32, #tpu.memory_space<vmem>> -> memref<80x128xf32, #tpu.memory_space<vmem>>
    %dma_wait3A_216 = tpu.memref_slice %arg13[%dma_wait3A_211] : memref<3x!tpu.dma_semaphore, #tpu.memory_space<semaphore_mem>> -> memref<1x!tpu.dma_semaphore, #tpu.memory_space<semaphore_mem>>
    %dma_wait3A_217 = tpu.memref_squeeze %dma_wait3A_216 : memref<1x!tpu.dma_semaphore, #tpu.memory_space<semaphore_mem>> -> memref<!tpu.dma_semaphore, #tpu.memory_space<semaphore_mem>>
    %dma_wait3A_218 = arith.constant 0 : i32
    %dma_wait3A_219 = arith.constant 0 : i32
    %dma_wait3A_220 = tpu.memref_slice %arg10[%dma_wait3A_210, %dma_wait3A_218, %dma_wait3A_219] : memref<3x80x128xf32, #tpu.memory_space<vmem>> -> memref<1x80x128xf32, #tpu.memory_space<vmem>>
    %dma_wait3A_221 = tpu.memref_squeeze %dma_wait3A_220 : memref<1x80x128xf32, #tpu.memory_space<vmem>> -> memref<80x128xf32, #tpu.memory_space<vmem>>
    tpu.wait_dma2 semaphore(%dma_wait3A_217 : memref<!tpu.dma_semaphore, #tpu.memory_space<semaphore_mem>>) src(%arg5 : memref<80x128xf32, #tpu.memory_space<hbm>>) dst(%dma_wait3A_221 : memref<80x128xf32, #tpu.memory_space<vmem>>)
    "tpu.region"() ({
      %run_scoped3A_253 = tpu.sem_alloc : memref<!tpu.dma_semaphore, #tpu.memory_space<semaphore_mem>>
      %dma_start3A_254 = arith.constant 0 : i32
      %dma_start3A_255 = arith.constant 0 : i32
      %dma_start3A_256 = tpu.memref_slice %arg7[%add3A, %dma_start3A_254, %dma_start3A_255] : memref<32x80x128xf32, #tpu.memory_space<hbm>> -> memref<1x80x128xf32, #tpu.memory_space<hbm>>
      %dma_start3A_257 = tpu.memref_squeeze %dma_start3A_256 : memref<1x80x128xf32, #tpu.memory_space<hbm>> -> memref<80x128xf32, #tpu.memory_space<hbm>>
      %dma_start3A_258 = arith.constant 0 : i32
      %dma_start3A_259 = arith.constant 0 : i32
      %dma_start3A_260 = tpu.memref_slice %arg7[%add3A, %dma_start3A_258, %dma_start3A_259] : memref<32x80x128xf32, #tpu.memory_space<hbm>> -> memref<1x80x128xf32, #tpu.memory_space<hbm>>
      %dma_start3A_261 = tpu.memref_squeeze %dma_start3A_260 : memref<1x80x128xf32, #tpu.memory_space<hbm>> -> memref<80x128xf32, #tpu.memory_space<hbm>>
      tpu.enqueue_dma source(%arg15 : memref<80x128xf32, #tpu.memory_space<vmem>>) target(%dma_start3A_261 : memref<80x128xf32, #tpu.memory_space<hbm>>) target_semaphore(%run_scoped3A_253 : memref<!tpu.dma_semaphore, #tpu.memory_space<semaphore_mem>>)
      %dma_wait3A_262 = arith.constant 0 : i32
      %dma_wait3A_263 = arith.constant 0 : i32
      %dma_wait3A_264 = tpu.memref_slice %arg7[%add3A, %dma_wait3A_262, %dma_wait3A_263] : memref<32x80x128xf32, #tpu.memory_space<hbm>> -> memref<1x80x128xf32, #tpu.memory_space<hbm>>
      %dma_wait3A_265 = tpu.memref_squeeze %dma_wait3A_264 : memref<1x80x128xf32, #tpu.memory_space<hbm>> -> memref<80x128xf32, #tpu.memory_space<hbm>>
      %dma_wait3A_266 = arith.constant 0 : i32
      %dma_wait3A_267 = arith.constant 0 : i32
      %dma_wait3A_268 = tpu.memref_slice %arg7[%add3A, %dma_wait3A_266, %dma_wait3A_267] : memref<32x80x128xf32, #tpu.memory_space<hbm>> -> memref<1x80x128xf32, #tpu.memory_space<hbm>>
      %dma_wait3A_269 = tpu.memref_squeeze %dma_wait3A_268 : memref<1x80x128xf32, #tpu.memory_space<hbm>> -> memref<80x128xf32, #tpu.memory_space<hbm>>
      tpu.wait_dma2 semaphore(%run_scoped3A_253 : memref<!tpu.dma_semaphore, #tpu.memory_space<semaphore_mem>>) src(%arg15 : memref<80x128xf32, #tpu.memory_space<vmem>>) dst(%dma_wait3A_269 : memref<80x128xf32, #tpu.memory_space<hbm>>)
      tpu.yield
    }) : () -> ()
    %barrier3A_222 = arith.constant 0 : index
    tpu.barrier barrier_id(%barrier3A_222)
    %scan3A_223 = arith.constant 0 : i32
    %scan3A_224 = arith.constant 0 : i32
    %scan3A_225 = arith.constant 8 : i32
    %scan3A_226 = arith.addi %scan3A_224, %scan3A_225 : i32
    %scan3A_227 = arith.constant 1 : i32
    scf.for %scan3A_253 = %scan3A_224 to %scan3A_226 step %scan3A_227  : i32 {
      %rem3A = arith.constant 2 : i32
      %rem3A_254 = arith.remsi %scan3A_253, %rem3A : i32
      %ge3A = arith.constant 2 : i32
      %ge3A_255 = arith.cmpi sge, %scan3A_253, %ge3A : i32
      %convert_element_type3A = arith.extui %ge3A_255 : i1 to i32
      %cond3A = arith.constant 0 : i32
      %cond3A_256 = arith.cmpi ne, %convert_element_type3A, %cond3A : i32
      scf.if %cond3A_256 {
        %dma_wait3A_279 = arith.constant 0 : i32
        %dma_wait3A_280 = arith.constant 0 : i32
        %dma_wait3A_281 = tpu.memref_slice %arg10[%rem3A_254, %dma_wait3A_279, %dma_wait3A_280] : memref<3x80x128xf32, #tpu.memory_space<vmem>> -> memref<1x80x128xf32, #tpu.memory_space<vmem>>
        %dma_wait3A_282 = tpu.memref_squeeze %dma_wait3A_281 : memref<1x80x128xf32, #tpu.memory_space<vmem>> -> memref<80x128xf32, #tpu.memory_space<vmem>>
        %dma_wait3A_283 = tpu.memref_slice %arg12[%rem3A_254] : memref<3x!tpu.dma_semaphore, #tpu.memory_space<semaphore_mem>> -> memref<1x!tpu.dma_semaphore, #tpu.memory_space<semaphore_mem>>
        %dma_wait3A_284 = tpu.memref_squeeze %dma_wait3A_283 : memref<1x!tpu.dma_semaphore, #tpu.memory_space<semaphore_mem>> -> memref<!tpu.dma_semaphore, #tpu.memory_space<semaphore_mem>>
        %dma_wait3A_285 = arith.constant 0 : i32
        %dma_wait3A_286 = arith.constant 0 : i32
        %dma_wait3A_287 = tpu.memref_slice %arg10[%rem3A_254, %dma_wait3A_285, %dma_wait3A_286] : memref<3x80x128xf32, #tpu.memory_space<vmem>> -> memref<1x80x128xf32, #tpu.memory_space<vmem>>
        %dma_wait3A_288 = tpu.memref_squeeze %dma_wait3A_287 : memref<1x80x128xf32, #tpu.memory_space<vmem>> -> memref<80x128xf32, #tpu.memory_space<vmem>>
        tpu.wait_dma2 semaphore(%dma_wait3A_284 : memref<!tpu.dma_semaphore, #tpu.memory_space<semaphore_mem>>) src(%arg5 : memref<80x128xf32, #tpu.memory_space<hbm>>) dst(%dma_wait3A_288 : memref<80x128xf32, #tpu.memory_space<vmem>>)
      } else {
      }
      %mul3A_257 = arith.constant 80 : i32
      %mul3A_258 = arith.muli %scan3A_253, %mul3A_257 : i32
      %add3A_259 = arith.addi %mul3A_0, %mul3A_258 : i32
      "tpu.region"() ({
        %run_scoped3A_279 = tpu.sem_alloc : memref<!tpu.dma_semaphore, #tpu.memory_space<semaphore_mem>>
        %dma_start3A_280 = arith.constant 0 : i32
        %dma_start3A_281 = arith.constant 0 : i32
        %dma_start3A_282 = tpu.memref_slice %arg10[%rem3A_254, %dma_start3A_280, %dma_start3A_281] : memref<3x80x128xf32, #tpu.memory_space<vmem>> -> memref<1x80x128xf32, #tpu.memory_space<vmem>>
        %dma_start3A_283 = tpu.memref_squeeze %dma_start3A_282 : memref<1x80x128xf32, #tpu.memory_space<vmem>> -> memref<80x128xf32, #tpu.memory_space<vmem>>
        %dma_start3A_284 = arith.constant 0 : i32
        %dma_start3A_285 = tpu.memref_slice %arg11[%add3A_259, %dma_start3A_284] : memref<10240x128xf32, #tpu.memory_space<vmem_shared>> -> memref<80x128xf32, #tpu.memory_space<vmem_shared>>
        %dma_start3A_286 = arith.constant 0 : i32
        %dma_start3A_287 = arith.constant 0 : i32
        %dma_start3A_288 = tpu.memref_slice %arg10[%rem3A_254, %dma_start3A_286, %dma_start3A_287] : memref<3x80x128xf32, #tpu.memory_space<vmem>> -> memref<1x80x128xf32, #tpu.memory_space<vmem>>
        %dma_start3A_289 = tpu.memref_squeeze %dma_start3A_288 : memref<1x80x128xf32, #tpu.memory_space<vmem>> -> memref<80x128xf32, #tpu.memory_space<vmem>>
        %dma_start3A_290 = arith.constant 0 : i32
        %dma_start3A_291 = tpu.memref_slice %arg11[%add3A_259, %dma_start3A_290] : memref<10240x128xf32, #tpu.memory_space<vmem_shared>> -> memref<80x128xf32, #tpu.memory_space<vmem_shared>>
        tpu.enqueue_dma source(%dma_start3A_291 : memref<80x128xf32, #tpu.memory_space<vmem_shared>>) target(%dma_start3A_289 : memref<80x128xf32, #tpu.memory_space<vmem>>) target_semaphore(%run_scoped3A_279 : memref<!tpu.dma_semaphore, #tpu.memory_space<semaphore_mem>>)
        %dma_wait3A_292 = arith.constant 0 : i32
        %dma_wait3A_293 = arith.constant 0 : i32
        %dma_wait3A_294 = tpu.memref_slice %arg10[%rem3A_254, %dma_wait3A_292, %dma_wait3A_293] : memref<3x80x128xf32, #tpu.memory_space<vmem>> -> memref<1x80x128xf32, #tpu.memory_space<vmem>>
        %dma_wait3A_295 = tpu.memref_squeeze %dma_wait3A_294 : memref<1x80x128xf32, #tpu.memory_space<vmem>> -> memref<80x128xf32, #tpu.memory_space<vmem>>
        %dma_wait3A_296 = arith.constant 0 : i32
        %dma_wait3A_297 = tpu.memref_slice %arg11[%add3A_259, %dma_wait3A_296] : memref<10240x128xf32, #tpu.memory_space<vmem_shared>> -> memref<80x128xf32, #tpu.memory_space<vmem_shared>>
        %dma_wait3A_298 = arith.constant 0 : i32
        %dma_wait3A_299 = arith.constant 0 : i32
        %dma_wait3A_300 = tpu.memref_slice %arg10[%rem3A_254, %dma_wait3A_298, %dma_wait3A_299] : memref<3x80x128xf32, #tpu.memory_space<vmem>> -> memref<1x80x128xf32, #tpu.memory_space<vmem>>
        %dma_wait3A_301 = tpu.memref_squeeze %dma_wait3A_300 : memref<1x80x128xf32, #tpu.memory_space<vmem>> -> memref<80x128xf32, #tpu.memory_space<vmem>>
        %dma_wait3A_302 = arith.constant 0 : i32
        %dma_wait3A_303 = tpu.memref_slice %arg11[%add3A_259, %dma_wait3A_302] : memref<10240x128xf32, #tpu.memory_space<vmem_shared>> -> memref<80x128xf32, #tpu.memory_space<vmem_shared>>
        tpu.wait_dma2 semaphore(%run_scoped3A_279 : memref<!tpu.dma_semaphore, #tpu.memory_space<semaphore_mem>>) src(%dma_wait3A_303 : memref<80x128xf32, #tpu.memory_space<vmem_shared>>) dst(%dma_wait3A_301 : memref<80x128xf32, #tpu.memory_space<vmem>>)
        tpu.yield
      }) : () -> ()
      %mul3A_260 = arith.constant 80 : i32
      %mul3A_261 = arith.muli %scan3A_253, %mul3A_260 : i32
      %add3A_262 = arith.addi %mul3A_0, %mul3A_261 : i32
      %dma_start3A_263 = arith.constant 0 : i32
      %dma_start3A_264 = arith.constant 0 : i32
      %dma_start3A_265 = tpu.memref_slice %arg10[%rem3A_254, %dma_start3A_263, %dma_start3A_264] : memref<3x80x128xf32, #tpu.memory_space<vmem>> -> memref<1x80x128xf32, #tpu.memory_space<vmem>>
      %dma_start3A_266 = tpu.memref_squeeze %dma_start3A_265 : memref<1x80x128xf32, #tpu.memory_space<vmem>> -> memref<80x128xf32, #tpu.memory_space<vmem>>
      %dma_start3A_267 = arith.constant 0 : i32
      %dma_start3A_268 = tpu.memref_slice %arg6[%arg0, %add3A_262, %dma_start3A_267] : memref<2x10240x128xf32, #tpu.memory_space<hbm>> -> memref<1x80x128xf32, #tpu.memory_space<hbm>>
      %dma_start3A_269 = tpu.memref_squeeze %dma_start3A_268 : memref<1x80x128xf32, #tpu.memory_space<hbm>> -> memref<80x128xf32, #tpu.memory_space<hbm>>
      %dma_start3A_270 = tpu.memref_slice %arg12[%rem3A_254] : memref<3x!tpu.dma_semaphore, #tpu.memory_space<semaphore_mem>> -> memref<1x!tpu.dma_semaphore, #tpu.memory_space<semaphore_mem>>
      %dma_start3A_271 = tpu.memref_squeeze %dma_start3A_270 : memref<1x!tpu.dma_semaphore, #tpu.memory_space<semaphore_mem>> -> memref<!tpu.dma_semaphore, #tpu.memory_space<semaphore_mem>>
      %dma_start3A_272 = arith.constant 0 : i32
      %dma_start3A_273 = tpu.memref_slice %arg6[%arg0, %add3A_262, %dma_start3A_272] : memref<2x10240x128xf32, #tpu.memory_space<hbm>> -> memref<1x80x128xf32, #tpu.memory_space<hbm>>
      %dma_start3A_274 = tpu.memref_squeeze %dma_start3A_273 : memref<1x80x128xf32, #tpu.memory_space<hbm>> -> memref<80x128xf32, #tpu.memory_space<hbm>>
      %dma_start3A_275 = arith.constant 0 : i32
      %dma_start3A_276 = arith.constant 0 : i32
      %dma_start3A_277 = tpu.memref_slice %arg10[%rem3A_254, %dma_start3A_275, %dma_start3A_276] : memref<3x80x128xf32, #tpu.memory_space<vmem>> -> memref<1x80x128xf32, #tpu.memory_space<vmem>>
      %dma_start3A_278 = tpu.memref_squeeze %dma_start3A_277 : memref<1x80x128xf32, #tpu.memory_space<vmem>> -> memref<80x128xf32, #tpu.memory_space<vmem>>
      tpu.enqueue_dma source(%dma_start3A_278 : memref<80x128xf32, #tpu.memory_space<vmem>>) target(%dma_start3A_274 : memref<80x128xf32, #tpu.memory_space<hbm>>) target_semaphore(%dma_start3A_271 : memref<!tpu.dma_semaphore, #tpu.memory_space<semaphore_mem>>)
    }
    %scan3A_228 = arith.constant 8 : i32
    %dma_wait3A_229 = arith.constant 0 : i32
    %dma_wait3A_230 = arith.constant 0 : i32
    %dma_wait3A_231 = arith.constant 0 : i32
    %dma_wait3A_232 = arith.constant 0 : i32
    %dma_wait3A_233 = tpu.memref_slice %arg10[%dma_wait3A_229, %dma_wait3A_231, %dma_wait3A_232] : memref<3x80x128xf32, #tpu.memory_space<vmem>> -> memref<1x80x128xf32, #tpu.memory_space<vmem>>
    %dma_wait3A_234 = tpu.memref_squeeze %dma_wait3A_233 : memref<1x80x128xf32, #tpu.memory_space<vmem>> -> memref<80x128xf32, #tpu.memory_space<vmem>>
    %dma_wait3A_235 = tpu.memref_slice %arg12[%dma_wait3A_230] : memref<3x!tpu.dma_semaphore, #tpu.memory_space<semaphore_mem>> -> memref<1x!tpu.dma_semaphore, #tpu.memory_space<semaphore_mem>>
    %dma_wait3A_236 = tpu.memref_squeeze %dma_wait3A_235 : memref<1x!tpu.dma_semaphore, #tpu.memory_space<semaphore_mem>> -> memref<!tpu.dma_semaphore, #tpu.memory_space<semaphore_mem>>
    %dma_wait3A_237 = arith.constant 0 : i32
    %dma_wait3A_238 = arith.constant 0 : i32
    %dma_wait3A_239 = tpu.memref_slice %arg10[%dma_wait3A_229, %dma_wait3A_237, %dma_wait3A_238] : memref<3x80x128xf32, #tpu.memory_space<vmem>> -> memref<1x80x128xf32, #tpu.memory_space<vmem>>
    %dma_wait3A_240 = tpu.memref_squeeze %dma_wait3A_239 : memref<1x80x128xf32, #tpu.memory_space<vmem>> -> memref<80x128xf32, #tpu.memory_space<vmem>>
    tpu.wait_dma2 semaphore(%dma_wait3A_236 : memref<!tpu.dma_semaphore, #tpu.memory_space<semaphore_mem>>) src(%arg5 : memref<80x128xf32, #tpu.memory_space<hbm>>) dst(%dma_wait3A_240 : memref<80x128xf32, #tpu.memory_space<vmem>>)
    %dma_wait3A_241 = arith.constant 1 : i32
    %dma_wait3A_242 = arith.constant 1 : i32
    %dma_wait3A_243 = arith.constant 0 : i32
    %dma_wait3A_244 = arith.constant 0 : i32
    %dma_wait3A_245 = tpu.memref_slice %arg10[%dma_wait3A_241, %dma_wait3A_243, %dma_wait3A_244] : memref<3x80x128xf32, #tpu.memory_space<vmem>> -> memref<1x80x128xf32, #tpu.memory_space<vmem>>
    %dma_wait3A_246 = tpu.memref_squeeze %dma_wait3A_245 : memref<1x80x128xf32, #tpu.memory_space<vmem>> -> memref<80x128xf32, #tpu.memory_space<vmem>>
    %dma_wait3A_247 = tpu.memref_slice %arg12[%dma_wait3A_242] : memref<3x!tpu.dma_semaphore, #tpu.memory_space<semaphore_mem>> -> memref<1x!tpu.dma_semaphore, #tpu.memory_space<semaphore_mem>>
    %dma_wait3A_248 = tpu.memref_squeeze %dma_wait3A_247 : memref<1x!tpu.dma_semaphore, #tpu.memory_space<semaphore_mem>> -> memref<!tpu.dma_semaphore, #tpu.memory_space<semaphore_mem>>
    %dma_wait3A_249 = arith.constant 0 : i32
    %dma_wait3A_250 = arith.constant 0 : i32
    %dma_wait3A_251 = tpu.memref_slice %arg10[%dma_wait3A_241, %dma_wait3A_249, %dma_wait3A_250] : memref<3x80x128xf32, #tpu.memory_space<vmem>> -> memref<1x80x128xf32, #tpu.memory_space<vmem>>
    %dma_wait3A_252 = tpu.memref_squeeze %dma_wait3A_251 : memref<1x80x128xf32, #tpu.memory_space<vmem>> -> memref<80x128xf32, #tpu.memory_space<vmem>>
    tpu.wait_dma2 semaphore(%dma_wait3A_248 : memref<!tpu.dma_semaphore, #tpu.memory_space<semaphore_mem>>) src(%arg5 : memref<80x128xf32, #tpu.memory_space<hbm>>) dst(%dma_wait3A_252 : memref<80x128xf32, #tpu.memory_space<vmem>>)
    return
  }
}

#map = affine_map<(d0, d1) -> (0, 0)>
#map1 = affine_map<(d0, d1) -> (0, 0, 0)>
module attributes {stable_mosaic.version = 14 : i64} {
  func.func @body(%arg0: i32, %arg1: i32, %arg2: memref<10000x128xf32, #tpu.memory_space<hbm>>, %arg3: memref<800x5x80xi32, #tpu.memory_space<hbm>>, %arg4: memref<800x5x80xi32, #tpu.memory_space<hbm>>, %arg5: memref<80x128xf32, #tpu.memory_space<hbm>>, %arg6: memref<2x10240x128xf32, #tpu.memory_space<hbm>>, %arg7: memref<15x80xi32, #tpu.memory_space<vmem>>, %arg8: memref<15x80xi32, #tpu.memory_space<vmem>>, %arg9: memref<4x80x128xf32, #tpu.memory_space<vmem>>, %arg10: memref<10240x128xf32, #tpu.memory_space<vmem_shared>>, %arg11: memref<4x!tpu.dma_semaphore, #tpu.memory_space<semaphore_mem>>, %arg12: memref<4x!tpu.dma_semaphore, #tpu.memory_space<semaphore_mem>>, %arg13: memref<3x!tpu.dma_semaphore, #tpu.memory_space<semaphore_mem>>) attributes {dimension_semantics = [#tpu.dimension_semantics<core_parallel>, #tpu.dimension_semantics<subcore_parallel>], iteration_bounds = array<i64: 2, 16>, scalar_prefetch = 0 : i64, scratch_operands = 7 : i64, tpu.core_type = #tpu.core_type<sc_vector_subcore>, window_params = [{transform_indices = #map}, {transform_indices = #map1}, {transform_indices = #map1}, {transform_indices = #map}, {transform_indices = #map1}]} {
    %mul3A = arith.constant 640 : i32
    %mul3A_0 = arith.muli %arg1, %mul3A : i32
    %run_scoped3A = arith.constant 0 : i32
    "tpu.region"() ({
      %run_scoped3A_268 = tpu.sem_alloc : memref<!tpu.dma_semaphore, #tpu.memory_space<semaphore_mem>>
      %dma_start3A_269 = arith.constant 0 : i32
      %dma_start3A_270 = arith.constant 0 : i32
      %dma_start3A_271 = tpu.memref_slice %arg9[%run_scoped3A, %dma_start3A_269, %dma_start3A_270] : memref<4x80x128xf32, #tpu.memory_space<vmem>> -> memref<1x80x128xf32, #tpu.memory_space<vmem>>
      %dma_start3A_272 = tpu.memref_squeeze %dma_start3A_271 : memref<1x80x128xf32, #tpu.memory_space<vmem>> -> memref<80x128xf32, #tpu.memory_space<vmem>>
      %dma_start3A_273 = arith.constant 0 : i32
      %dma_start3A_274 = arith.constant 0 : i32
      %dma_start3A_275 = tpu.memref_slice %arg9[%run_scoped3A, %dma_start3A_273, %dma_start3A_274] : memref<4x80x128xf32, #tpu.memory_space<vmem>> -> memref<1x80x128xf32, #tpu.memory_space<vmem>>
      %dma_start3A_276 = tpu.memref_squeeze %dma_start3A_275 : memref<1x80x128xf32, #tpu.memory_space<vmem>> -> memref<80x128xf32, #tpu.memory_space<vmem>>
      tpu.enqueue_dma source(%arg5 : memref<80x128xf32, #tpu.memory_space<hbm>>) target(%dma_start3A_276 : memref<80x128xf32, #tpu.memory_space<vmem>>) target_semaphore(%run_scoped3A_268 : memref<!tpu.dma_semaphore, #tpu.memory_space<semaphore_mem>>)
      %dma_wait3A_277 = arith.constant 0 : i32
      %dma_wait3A_278 = arith.constant 0 : i32
      %dma_wait3A_279 = tpu.memref_slice %arg9[%run_scoped3A, %dma_wait3A_277, %dma_wait3A_278] : memref<4x80x128xf32, #tpu.memory_space<vmem>> -> memref<1x80x128xf32, #tpu.memory_space<vmem>>
      %dma_wait3A_280 = tpu.memref_squeeze %dma_wait3A_279 : memref<1x80x128xf32, #tpu.memory_space<vmem>> -> memref<80x128xf32, #tpu.memory_space<vmem>>
      %dma_wait3A_281 = arith.constant 0 : i32
      %dma_wait3A_282 = arith.constant 0 : i32
      %dma_wait3A_283 = tpu.memref_slice %arg9[%run_scoped3A, %dma_wait3A_281, %dma_wait3A_282] : memref<4x80x128xf32, #tpu.memory_space<vmem>> -> memref<1x80x128xf32, #tpu.memory_space<vmem>>
      %dma_wait3A_284 = tpu.memref_squeeze %dma_wait3A_283 : memref<1x80x128xf32, #tpu.memory_space<vmem>> -> memref<80x128xf32, #tpu.memory_space<vmem>>
      tpu.wait_dma2 semaphore(%run_scoped3A_268 : memref<!tpu.dma_semaphore, #tpu.memory_space<semaphore_mem>>) src(%arg5 : memref<80x128xf32, #tpu.memory_space<hbm>>) dst(%dma_wait3A_284 : memref<80x128xf32, #tpu.memory_space<vmem>>)
      tpu.yield
    }) : () -> ()
    %scan3A = arith.constant 0 : i32
    %scan3A_1 = arith.constant 0 : i32
    %scan3A_2 = arith.constant 8 : i32
    %scan3A_3 = arith.addi %scan3A_1, %scan3A_2 : i32
    %scan3A_4 = arith.constant 1 : i32
    scf.for %scan3A_268 = %scan3A_1 to %scan3A_3 step %scan3A_4  : i32 {
      %mul3A_269 = arith.constant 80 : i32
      %mul3A_270 = arith.muli %scan3A_268, %mul3A_269 : i32
      %add3A_271 = arith.addi %mul3A_0, %mul3A_270 : i32
      %dma_start3A_272 = arith.constant 0 : i32
      %dma_start3A_273 = arith.constant 0 : i32
      %dma_start3A_274 = arith.constant 0 : i32
      %dma_start3A_275 = arith.constant 0 : i32
      %dma_start3A_276 = tpu.memref_slice %arg9[%dma_start3A_272, %dma_start3A_274, %dma_start3A_275] : memref<4x80x128xf32, #tpu.memory_space<vmem>> -> memref<1x80x128xf32, #tpu.memory_space<vmem>>
      %dma_start3A_277 = tpu.memref_squeeze %dma_start3A_276 : memref<1x80x128xf32, #tpu.memory_space<vmem>> -> memref<80x128xf32, #tpu.memory_space<vmem>>
      %dma_start3A_278 = arith.constant 0 : i32
      %dma_start3A_279 = tpu.memref_slice %arg10[%add3A_271, %dma_start3A_278] : memref<10240x128xf32, #tpu.memory_space<vmem_shared>> -> memref<80x128xf32, #tpu.memory_space<vmem_shared>>
      %dma_start3A_280 = tpu.memref_slice %arg12[%dma_start3A_273] : memref<4x!tpu.dma_semaphore, #tpu.memory_space<semaphore_mem>> -> memref<1x!tpu.dma_semaphore, #tpu.memory_space<semaphore_mem>>
      %dma_start3A_281 = tpu.memref_squeeze %dma_start3A_280 : memref<1x!tpu.dma_semaphore, #tpu.memory_space<semaphore_mem>> -> memref<!tpu.dma_semaphore, #tpu.memory_space<semaphore_mem>>
      %dma_start3A_282 = arith.constant 0 : i32
      %dma_start3A_283 = tpu.memref_slice %arg10[%add3A_271, %dma_start3A_282] : memref<10240x128xf32, #tpu.memory_space<vmem_shared>> -> memref<80x128xf32, #tpu.memory_space<vmem_shared>>
      %dma_start3A_284 = arith.constant 0 : i32
      %dma_start3A_285 = arith.constant 0 : i32
      %dma_start3A_286 = tpu.memref_slice %arg9[%dma_start3A_272, %dma_start3A_284, %dma_start3A_285] : memref<4x80x128xf32, #tpu.memory_space<vmem>> -> memref<1x80x128xf32, #tpu.memory_space<vmem>>
      %dma_start3A_287 = tpu.memref_squeeze %dma_start3A_286 : memref<1x80x128xf32, #tpu.memory_space<vmem>> -> memref<80x128xf32, #tpu.memory_space<vmem>>
      tpu.enqueue_dma source(%dma_start3A_287 : memref<80x128xf32, #tpu.memory_space<vmem>>) target(%dma_start3A_283 : memref<80x128xf32, #tpu.memory_space<vmem_shared>>) target_semaphore(%dma_start3A_281 : memref<!tpu.dma_semaphore, #tpu.memory_space<semaphore_mem>>)
    }
    %scan3A_5 = arith.constant 8 : i32
    %scan3A_6 = arith.constant 0 : i32
    %scan3A_7 = arith.constant 0 : i32
    %scan3A_8 = arith.constant 8 : i32
    %scan3A_9 = arith.addi %scan3A_7, %scan3A_8 : i32
    %scan3A_10 = arith.constant 1 : i32
    scf.for %scan3A_268 = %scan3A_7 to %scan3A_9 step %scan3A_10  : i32 {
      %dma_wait3A_269 = arith.constant 0 : i32
      %dma_wait3A_270 = arith.constant 0 : i32
      %dma_wait3A_271 = arith.constant 0 : i32
      %dma_wait3A_272 = arith.constant 0 : i32
      %dma_wait3A_273 = tpu.memref_slice %arg9[%dma_wait3A_269, %dma_wait3A_271, %dma_wait3A_272] : memref<4x80x128xf32, #tpu.memory_space<vmem>> -> memref<1x80x128xf32, #tpu.memory_space<vmem>>
      %dma_wait3A_274 = tpu.memref_squeeze %dma_wait3A_273 : memref<1x80x128xf32, #tpu.memory_space<vmem>> -> memref<80x128xf32, #tpu.memory_space<vmem>>
      %dma_wait3A_275 = arith.constant 0 : i32
      %dma_wait3A_276 = tpu.memref_slice %arg10[%mul3A_0, %dma_wait3A_275] : memref<10240x128xf32, #tpu.memory_space<vmem_shared>> -> memref<80x128xf32, #tpu.memory_space<vmem_shared>>
      %dma_wait3A_277 = tpu.memref_slice %arg12[%dma_wait3A_270] : memref<4x!tpu.dma_semaphore, #tpu.memory_space<semaphore_mem>> -> memref<1x!tpu.dma_semaphore, #tpu.memory_space<semaphore_mem>>
      %dma_wait3A_278 = tpu.memref_squeeze %dma_wait3A_277 : memref<1x!tpu.dma_semaphore, #tpu.memory_space<semaphore_mem>> -> memref<!tpu.dma_semaphore, #tpu.memory_space<semaphore_mem>>
      %dma_wait3A_279 = arith.constant 0 : i32
      %dma_wait3A_280 = tpu.memref_slice %arg10[%mul3A_0, %dma_wait3A_279] : memref<10240x128xf32, #tpu.memory_space<vmem_shared>> -> memref<80x128xf32, #tpu.memory_space<vmem_shared>>
      %dma_wait3A_281 = arith.constant 0 : i32
      %dma_wait3A_282 = arith.constant 0 : i32
      %dma_wait3A_283 = tpu.memref_slice %arg9[%dma_wait3A_269, %dma_wait3A_281, %dma_wait3A_282] : memref<4x80x128xf32, #tpu.memory_space<vmem>> -> memref<1x80x128xf32, #tpu.memory_space<vmem>>
      %dma_wait3A_284 = tpu.memref_squeeze %dma_wait3A_283 : memref<1x80x128xf32, #tpu.memory_space<vmem>> -> memref<80x128xf32, #tpu.memory_space<vmem>>
      tpu.wait_dma2 semaphore(%dma_wait3A_278 : memref<!tpu.dma_semaphore, #tpu.memory_space<semaphore_mem>>) src(%dma_wait3A_284 : memref<80x128xf32, #tpu.memory_space<vmem>>) dst(%dma_wait3A_280 : memref<80x128xf32, #tpu.memory_space<vmem_shared>>)
    }
    %scan3A_11 = arith.constant 8 : i32
    %mul3A_12 = arith.constant 16 : i32
    %mul3A_13 = arith.muli %arg0, %mul3A_12 : i32
    %add3A = arith.addi %mul3A_13, %arg1 : i32
    %barrier3A = arith.constant 0 : index
    tpu.barrier barrier_id(%barrier3A)
    %broadcast_in_dim3A = arith.constant 1.000000e+00 : f32
    %broadcast_in_dim3A_14 = vector.broadcast %broadcast_in_dim3A : f32 to vector<16xf32>
    %mul3A_15 = arith.constant 25 : i32
    %mul3A_16 = arith.muli %add3A, %mul3A_15 : i32
    %add3A_17 = arith.constant 0 : i32
    %add3A_18 = arith.addi %mul3A_16, %add3A_17 : i32
    %dma_start3A = arith.constant 0 : i32
    %dma_start3A_19 = arith.constant 0 : i32
    %dma_start3A_20 = arith.constant 0 : i32
    %dma_start3A_21 = tpu.memref_slice %arg7[%dma_start3A_19, %dma_start3A_20] : memref<15x80xi32, #tpu.memory_space<vmem>> -> memref<5x80xi32, #tpu.memory_space<vmem>>
    %dma_start3A_22 = arith.constant 0 : i32
    %dma_start3A_23 = arith.constant 0 : i32
    %dma_start3A_24 = tpu.memref_slice %arg3[%add3A_18, %dma_start3A_22, %dma_start3A_23] : memref<800x5x80xi32, #tpu.memory_space<hbm>> -> memref<1x5x80xi32, #tpu.memory_space<hbm>>
    %dma_start3A_25 = tpu.memref_squeeze %dma_start3A_24 : memref<1x5x80xi32, #tpu.memory_space<hbm>> -> memref<5x80xi32, #tpu.memory_space<hbm>>
    %dma_start3A_26 = tpu.memref_slice %arg13[%dma_start3A] : memref<3x!tpu.dma_semaphore, #tpu.memory_space<semaphore_mem>> -> memref<1x!tpu.dma_semaphore, #tpu.memory_space<semaphore_mem>>
    %dma_start3A_27 = tpu.memref_squeeze %dma_start3A_26 : memref<1x!tpu.dma_semaphore, #tpu.memory_space<semaphore_mem>> -> memref<!tpu.dma_semaphore, #tpu.memory_space<semaphore_mem>>
    %dma_start3A_28 = arith.constant 0 : i32
    %dma_start3A_29 = arith.constant 0 : i32
    %dma_start3A_30 = tpu.memref_slice %arg7[%dma_start3A_28, %dma_start3A_29] : memref<15x80xi32, #tpu.memory_space<vmem>> -> memref<5x80xi32, #tpu.memory_space<vmem>>
    %dma_start3A_31 = arith.constant 0 : i32
    %dma_start3A_32 = arith.constant 0 : i32
    %dma_start3A_33 = tpu.memref_slice %arg3[%add3A_18, %dma_start3A_31, %dma_start3A_32] : memref<800x5x80xi32, #tpu.memory_space<hbm>> -> memref<1x5x80xi32, #tpu.memory_space<hbm>>
    %dma_start3A_34 = tpu.memref_squeeze %dma_start3A_33 : memref<1x5x80xi32, #tpu.memory_space<hbm>> -> memref<5x80xi32, #tpu.memory_space<hbm>>
    tpu.enqueue_dma source(%dma_start3A_34 : memref<5x80xi32, #tpu.memory_space<hbm>>) target(%dma_start3A_30 : memref<5x80xi32, #tpu.memory_space<vmem>>) target_semaphore(%dma_start3A_27 : memref<!tpu.dma_semaphore, #tpu.memory_space<semaphore_mem>>)
    %mul3A_35 = arith.constant 25 : i32
    %mul3A_36 = arith.muli %add3A, %mul3A_35 : i32
    %add3A_37 = arith.constant 0 : i32
    %add3A_38 = arith.addi %mul3A_36, %add3A_37 : i32
    %dma_start3A_39 = arith.constant 0 : i32
    %dma_start3A_40 = arith.constant 0 : i32
    %dma_start3A_41 = arith.constant 0 : i32
    %dma_start3A_42 = tpu.memref_slice %arg8[%dma_start3A_40, %dma_start3A_41] : memref<15x80xi32, #tpu.memory_space<vmem>> -> memref<5x80xi32, #tpu.memory_space<vmem>>
    %dma_start3A_43 = arith.constant 0 : i32
    %dma_start3A_44 = arith.constant 0 : i32
    %dma_start3A_45 = tpu.memref_slice %arg4[%add3A_38, %dma_start3A_43, %dma_start3A_44] : memref<800x5x80xi32, #tpu.memory_space<hbm>> -> memref<1x5x80xi32, #tpu.memory_space<hbm>>
    %dma_start3A_46 = tpu.memref_squeeze %dma_start3A_45 : memref<1x5x80xi32, #tpu.memory_space<hbm>> -> memref<5x80xi32, #tpu.memory_space<hbm>>
    %dma_start3A_47 = tpu.memref_slice %arg13[%dma_start3A_39] : memref<3x!tpu.dma_semaphore, #tpu.memory_space<semaphore_mem>> -> memref<1x!tpu.dma_semaphore, #tpu.memory_space<semaphore_mem>>
    %dma_start3A_48 = tpu.memref_squeeze %dma_start3A_47 : memref<1x!tpu.dma_semaphore, #tpu.memory_space<semaphore_mem>> -> memref<!tpu.dma_semaphore, #tpu.memory_space<semaphore_mem>>
    %dma_start3A_49 = arith.constant 0 : i32
    %dma_start3A_50 = arith.constant 0 : i32
    %dma_start3A_51 = tpu.memref_slice %arg8[%dma_start3A_49, %dma_start3A_50] : memref<15x80xi32, #tpu.memory_space<vmem>> -> memref<5x80xi32, #tpu.memory_space<vmem>>
    %dma_start3A_52 = arith.constant 0 : i32
    %dma_start3A_53 = arith.constant 0 : i32
    %dma_start3A_54 = tpu.memref_slice %arg4[%add3A_38, %dma_start3A_52, %dma_start3A_53] : memref<800x5x80xi32, #tpu.memory_space<hbm>> -> memref<1x5x80xi32, #tpu.memory_space<hbm>>
    %dma_start3A_55 = tpu.memref_squeeze %dma_start3A_54 : memref<1x5x80xi32, #tpu.memory_space<hbm>> -> memref<5x80xi32, #tpu.memory_space<hbm>>
    tpu.enqueue_dma source(%dma_start3A_55 : memref<5x80xi32, #tpu.memory_space<hbm>>) target(%dma_start3A_51 : memref<5x80xi32, #tpu.memory_space<vmem>>) target_semaphore(%dma_start3A_48 : memref<!tpu.dma_semaphore, #tpu.memory_space<semaphore_mem>>)
    %mul3A_56 = arith.constant 25 : i32
    %mul3A_57 = arith.muli %add3A, %mul3A_56 : i32
    %dma_wait3A = arith.constant 0 : i32
    %dma_wait3A_58 = arith.constant 0 : i32
    %dma_wait3A_59 = arith.constant 0 : i32
    %dma_wait3A_60 = tpu.memref_slice %arg7[%dma_wait3A_58, %dma_wait3A_59] : memref<15x80xi32, #tpu.memory_space<vmem>> -> memref<5x80xi32, #tpu.memory_space<vmem>>
    %dma_wait3A_61 = arith.constant 0 : i32
    %dma_wait3A_62 = arith.constant 0 : i32
    %dma_wait3A_63 = tpu.memref_slice %arg3[%mul3A_57, %dma_wait3A_61, %dma_wait3A_62] : memref<800x5x80xi32, #tpu.memory_space<hbm>> -> memref<1x5x80xi32, #tpu.memory_space<hbm>>
    %dma_wait3A_64 = tpu.memref_squeeze %dma_wait3A_63 : memref<1x5x80xi32, #tpu.memory_space<hbm>> -> memref<5x80xi32, #tpu.memory_space<hbm>>
    %dma_wait3A_65 = tpu.memref_slice %arg13[%dma_wait3A] : memref<3x!tpu.dma_semaphore, #tpu.memory_space<semaphore_mem>> -> memref<1x!tpu.dma_semaphore, #tpu.memory_space<semaphore_mem>>
    %dma_wait3A_66 = tpu.memref_squeeze %dma_wait3A_65 : memref<1x!tpu.dma_semaphore, #tpu.memory_space<semaphore_mem>> -> memref<!tpu.dma_semaphore, #tpu.memory_space<semaphore_mem>>
    %dma_wait3A_67 = arith.constant 0 : i32
    %dma_wait3A_68 = arith.constant 0 : i32
    %dma_wait3A_69 = tpu.memref_slice %arg7[%dma_wait3A_67, %dma_wait3A_68] : memref<15x80xi32, #tpu.memory_space<vmem>> -> memref<5x80xi32, #tpu.memory_space<vmem>>
    %dma_wait3A_70 = arith.constant 0 : i32
    %dma_wait3A_71 = arith.constant 0 : i32
    %dma_wait3A_72 = tpu.memref_slice %arg3[%mul3A_57, %dma_wait3A_70, %dma_wait3A_71] : memref<800x5x80xi32, #tpu.memory_space<hbm>> -> memref<1x5x80xi32, #tpu.memory_space<hbm>>
    %dma_wait3A_73 = tpu.memref_squeeze %dma_wait3A_72 : memref<1x5x80xi32, #tpu.memory_space<hbm>> -> memref<5x80xi32, #tpu.memory_space<hbm>>
    tpu.wait_dma2 semaphore(%dma_wait3A_66 : memref<!tpu.dma_semaphore, #tpu.memory_space<semaphore_mem>>) src(%dma_wait3A_73 : memref<5x80xi32, #tpu.memory_space<hbm>>) dst(%dma_wait3A_69 : memref<5x80xi32, #tpu.memory_space<vmem>>)
    %mul3A_74 = arith.constant 25 : i32
    %mul3A_75 = arith.muli %add3A, %mul3A_74 : i32
    %dma_wait3A_76 = arith.constant 0 : i32
    %dma_wait3A_77 = arith.constant 0 : i32
    %dma_wait3A_78 = arith.constant 0 : i32
    %dma_wait3A_79 = tpu.memref_slice %arg8[%dma_wait3A_77, %dma_wait3A_78] : memref<15x80xi32, #tpu.memory_space<vmem>> -> memref<5x80xi32, #tpu.memory_space<vmem>>
    %dma_wait3A_80 = arith.constant 0 : i32
    %dma_wait3A_81 = arith.constant 0 : i32
    %dma_wait3A_82 = tpu.memref_slice %arg4[%mul3A_75, %dma_wait3A_80, %dma_wait3A_81] : memref<800x5x80xi32, #tpu.memory_space<hbm>> -> memref<1x5x80xi32, #tpu.memory_space<hbm>>
    %dma_wait3A_83 = tpu.memref_squeeze %dma_wait3A_82 : memref<1x5x80xi32, #tpu.memory_space<hbm>> -> memref<5x80xi32, #tpu.memory_space<hbm>>
    %dma_wait3A_84 = tpu.memref_slice %arg13[%dma_wait3A_76] : memref<3x!tpu.dma_semaphore, #tpu.memory_space<semaphore_mem>> -> memref<1x!tpu.dma_semaphore, #tpu.memory_space<semaphore_mem>>
    %dma_wait3A_85 = tpu.memref_squeeze %dma_wait3A_84 : memref<1x!tpu.dma_semaphore, #tpu.memory_space<semaphore_mem>> -> memref<!tpu.dma_semaphore, #tpu.memory_space<semaphore_mem>>
    %dma_wait3A_86 = arith.constant 0 : i32
    %dma_wait3A_87 = arith.constant 0 : i32
    %dma_wait3A_88 = tpu.memref_slice %arg8[%dma_wait3A_86, %dma_wait3A_87] : memref<15x80xi32, #tpu.memory_space<vmem>> -> memref<5x80xi32, #tpu.memory_space<vmem>>
    %dma_wait3A_89 = arith.constant 0 : i32
    %dma_wait3A_90 = arith.constant 0 : i32
    %dma_wait3A_91 = tpu.memref_slice %arg4[%mul3A_75, %dma_wait3A_89, %dma_wait3A_90] : memref<800x5x80xi32, #tpu.memory_space<hbm>> -> memref<1x5x80xi32, #tpu.memory_space<hbm>>
    %dma_wait3A_92 = tpu.memref_squeeze %dma_wait3A_91 : memref<1x5x80xi32, #tpu.memory_space<hbm>> -> memref<5x80xi32, #tpu.memory_space<hbm>>
    tpu.wait_dma2 semaphore(%dma_wait3A_85 : memref<!tpu.dma_semaphore, #tpu.memory_space<semaphore_mem>>) src(%dma_wait3A_92 : memref<5x80xi32, #tpu.memory_space<hbm>>) dst(%dma_wait3A_88 : memref<5x80xi32, #tpu.memory_space<vmem>>)
    %mul3A_93 = arith.constant 25 : i32
    %mul3A_94 = arith.muli %add3A, %mul3A_93 : i32
    %add3A_95 = arith.constant 1 : i32
    %add3A_96 = arith.addi %mul3A_94, %add3A_95 : i32
    %dma_start3A_97 = arith.constant 1 : i32
    %dma_start3A_98 = arith.constant 5 : i32
    %dma_start3A_99 = arith.constant 0 : i32
    %dma_start3A_100 = tpu.memref_slice %arg7[%dma_start3A_98, %dma_start3A_99] : memref<15x80xi32, #tpu.memory_space<vmem>> -> memref<5x80xi32, #tpu.memory_space<vmem>>
    %dma_start3A_101 = arith.constant 0 : i32
    %dma_start3A_102 = arith.constant 0 : i32
    %dma_start3A_103 = tpu.memref_slice %arg3[%add3A_96, %dma_start3A_101, %dma_start3A_102] : memref<800x5x80xi32, #tpu.memory_space<hbm>> -> memref<1x5x80xi32, #tpu.memory_space<hbm>>
    %dma_start3A_104 = tpu.memref_squeeze %dma_start3A_103 : memref<1x5x80xi32, #tpu.memory_space<hbm>> -> memref<5x80xi32, #tpu.memory_space<hbm>>
    %dma_start3A_105 = tpu.memref_slice %arg13[%dma_start3A_97] : memref<3x!tpu.dma_semaphore, #tpu.memory_space<semaphore_mem>> -> memref<1x!tpu.dma_semaphore, #tpu.memory_space<semaphore_mem>>
    %dma_start3A_106 = tpu.memref_squeeze %dma_start3A_105 : memref<1x!tpu.dma_semaphore, #tpu.memory_space<semaphore_mem>> -> memref<!tpu.dma_semaphore, #tpu.memory_space<semaphore_mem>>
    %dma_start3A_107 = arith.constant 5 : i32
    %dma_start3A_108 = arith.constant 0 : i32
    %dma_start3A_109 = tpu.memref_slice %arg7[%dma_start3A_107, %dma_start3A_108] : memref<15x80xi32, #tpu.memory_space<vmem>> -> memref<5x80xi32, #tpu.memory_space<vmem>>
    %dma_start3A_110 = arith.constant 0 : i32
    %dma_start3A_111 = arith.constant 0 : i32
    %dma_start3A_112 = tpu.memref_slice %arg3[%add3A_96, %dma_start3A_110, %dma_start3A_111] : memref<800x5x80xi32, #tpu.memory_space<hbm>> -> memref<1x5x80xi32, #tpu.memory_space<hbm>>
    %dma_start3A_113 = tpu.memref_squeeze %dma_start3A_112 : memref<1x5x80xi32, #tpu.memory_space<hbm>> -> memref<5x80xi32, #tpu.memory_space<hbm>>
    tpu.enqueue_dma source(%dma_start3A_113 : memref<5x80xi32, #tpu.memory_space<hbm>>) target(%dma_start3A_109 : memref<5x80xi32, #tpu.memory_space<vmem>>) target_semaphore(%dma_start3A_106 : memref<!tpu.dma_semaphore, #tpu.memory_space<semaphore_mem>>)
    %mul3A_114 = arith.constant 25 : i32
    %mul3A_115 = arith.muli %add3A, %mul3A_114 : i32
    %add3A_116 = arith.constant 1 : i32
    %add3A_117 = arith.addi %mul3A_115, %add3A_116 : i32
    %dma_start3A_118 = arith.constant 1 : i32
    %dma_start3A_119 = arith.constant 5 : i32
    %dma_start3A_120 = arith.constant 0 : i32
    %dma_start3A_121 = tpu.memref_slice %arg8[%dma_start3A_119, %dma_start3A_120] : memref<15x80xi32, #tpu.memory_space<vmem>> -> memref<5x80xi32, #tpu.memory_space<vmem>>
    %dma_start3A_122 = arith.constant 0 : i32
    %dma_start3A_123 = arith.constant 0 : i32
    %dma_start3A_124 = tpu.memref_slice %arg4[%add3A_117, %dma_start3A_122, %dma_start3A_123] : memref<800x5x80xi32, #tpu.memory_space<hbm>> -> memref<1x5x80xi32, #tpu.memory_space<hbm>>
    %dma_start3A_125 = tpu.memref_squeeze %dma_start3A_124 : memref<1x5x80xi32, #tpu.memory_space<hbm>> -> memref<5x80xi32, #tpu.memory_space<hbm>>
    %dma_start3A_126 = tpu.memref_slice %arg13[%dma_start3A_118] : memref<3x!tpu.dma_semaphore, #tpu.memory_space<semaphore_mem>> -> memref<1x!tpu.dma_semaphore, #tpu.memory_space<semaphore_mem>>
    %dma_start3A_127 = tpu.memref_squeeze %dma_start3A_126 : memref<1x!tpu.dma_semaphore, #tpu.memory_space<semaphore_mem>> -> memref<!tpu.dma_semaphore, #tpu.memory_space<semaphore_mem>>
    %dma_start3A_128 = arith.constant 5 : i32
    %dma_start3A_129 = arith.constant 0 : i32
    %dma_start3A_130 = tpu.memref_slice %arg8[%dma_start3A_128, %dma_start3A_129] : memref<15x80xi32, #tpu.memory_space<vmem>> -> memref<5x80xi32, #tpu.memory_space<vmem>>
    %dma_start3A_131 = arith.constant 0 : i32
    %dma_start3A_132 = arith.constant 0 : i32
    %dma_start3A_133 = tpu.memref_slice %arg4[%add3A_117, %dma_start3A_131, %dma_start3A_132] : memref<800x5x80xi32, #tpu.memory_space<hbm>> -> memref<1x5x80xi32, #tpu.memory_space<hbm>>
    %dma_start3A_134 = tpu.memref_squeeze %dma_start3A_133 : memref<1x5x80xi32, #tpu.memory_space<hbm>> -> memref<5x80xi32, #tpu.memory_space<hbm>>
    tpu.enqueue_dma source(%dma_start3A_134 : memref<5x80xi32, #tpu.memory_space<hbm>>) target(%dma_start3A_130 : memref<5x80xi32, #tpu.memory_space<vmem>>) target_semaphore(%dma_start3A_127 : memref<!tpu.dma_semaphore, #tpu.memory_space<semaphore_mem>>)
    %mul3A_135 = arith.constant 25 : i32
    %mul3A_136 = arith.muli %add3A, %mul3A_135 : i32
    %add3A_137 = arith.constant 2 : i32
    %add3A_138 = arith.addi %mul3A_136, %add3A_137 : i32
    %dma_start3A_139 = arith.constant 2 : i32
    %dma_start3A_140 = arith.constant 10 : i32
    %dma_start3A_141 = arith.constant 0 : i32
    %dma_start3A_142 = tpu.memref_slice %arg7[%dma_start3A_140, %dma_start3A_141] : memref<15x80xi32, #tpu.memory_space<vmem>> -> memref<5x80xi32, #tpu.memory_space<vmem>>
    %dma_start3A_143 = arith.constant 0 : i32
    %dma_start3A_144 = arith.constant 0 : i32
    %dma_start3A_145 = tpu.memref_slice %arg3[%add3A_138, %dma_start3A_143, %dma_start3A_144] : memref<800x5x80xi32, #tpu.memory_space<hbm>> -> memref<1x5x80xi32, #tpu.memory_space<hbm>>
    %dma_start3A_146 = tpu.memref_squeeze %dma_start3A_145 : memref<1x5x80xi32, #tpu.memory_space<hbm>> -> memref<5x80xi32, #tpu.memory_space<hbm>>
    %dma_start3A_147 = tpu.memref_slice %arg13[%dma_start3A_139] : memref<3x!tpu.dma_semaphore, #tpu.memory_space<semaphore_mem>> -> memref<1x!tpu.dma_semaphore, #tpu.memory_space<semaphore_mem>>
    %dma_start3A_148 = tpu.memref_squeeze %dma_start3A_147 : memref<1x!tpu.dma_semaphore, #tpu.memory_space<semaphore_mem>> -> memref<!tpu.dma_semaphore, #tpu.memory_space<semaphore_mem>>
    %dma_start3A_149 = arith.constant 10 : i32
    %dma_start3A_150 = arith.constant 0 : i32
    %dma_start3A_151 = tpu.memref_slice %arg7[%dma_start3A_149, %dma_start3A_150] : memref<15x80xi32, #tpu.memory_space<vmem>> -> memref<5x80xi32, #tpu.memory_space<vmem>>
    %dma_start3A_152 = arith.constant 0 : i32
    %dma_start3A_153 = arith.constant 0 : i32
    %dma_start3A_154 = tpu.memref_slice %arg3[%add3A_138, %dma_start3A_152, %dma_start3A_153] : memref<800x5x80xi32, #tpu.memory_space<hbm>> -> memref<1x5x80xi32, #tpu.memory_space<hbm>>
    %dma_start3A_155 = tpu.memref_squeeze %dma_start3A_154 : memref<1x5x80xi32, #tpu.memory_space<hbm>> -> memref<5x80xi32, #tpu.memory_space<hbm>>
    tpu.enqueue_dma source(%dma_start3A_155 : memref<5x80xi32, #tpu.memory_space<hbm>>) target(%dma_start3A_151 : memref<5x80xi32, #tpu.memory_space<vmem>>) target_semaphore(%dma_start3A_148 : memref<!tpu.dma_semaphore, #tpu.memory_space<semaphore_mem>>)
    %mul3A_156 = arith.constant 25 : i32
    %mul3A_157 = arith.muli %add3A, %mul3A_156 : i32
    %add3A_158 = arith.constant 2 : i32
    %add3A_159 = arith.addi %mul3A_157, %add3A_158 : i32
    %dma_start3A_160 = arith.constant 2 : i32
    %dma_start3A_161 = arith.constant 10 : i32
    %dma_start3A_162 = arith.constant 0 : i32
    %dma_start3A_163 = tpu.memref_slice %arg8[%dma_start3A_161, %dma_start3A_162] : memref<15x80xi32, #tpu.memory_space<vmem>> -> memref<5x80xi32, #tpu.memory_space<vmem>>
    %dma_start3A_164 = arith.constant 0 : i32
    %dma_start3A_165 = arith.constant 0 : i32
    %dma_start3A_166 = tpu.memref_slice %arg4[%add3A_159, %dma_start3A_164, %dma_start3A_165] : memref<800x5x80xi32, #tpu.memory_space<hbm>> -> memref<1x5x80xi32, #tpu.memory_space<hbm>>
    %dma_start3A_167 = tpu.memref_squeeze %dma_start3A_166 : memref<1x5x80xi32, #tpu.memory_space<hbm>> -> memref<5x80xi32, #tpu.memory_space<hbm>>
    %dma_start3A_168 = tpu.memref_slice %arg13[%dma_start3A_160] : memref<3x!tpu.dma_semaphore, #tpu.memory_space<semaphore_mem>> -> memref<1x!tpu.dma_semaphore, #tpu.memory_space<semaphore_mem>>
    %dma_start3A_169 = tpu.memref_squeeze %dma_start3A_168 : memref<1x!tpu.dma_semaphore, #tpu.memory_space<semaphore_mem>> -> memref<!tpu.dma_semaphore, #tpu.memory_space<semaphore_mem>>
    %dma_start3A_170 = arith.constant 10 : i32
    %dma_start3A_171 = arith.constant 0 : i32
    %dma_start3A_172 = tpu.memref_slice %arg8[%dma_start3A_170, %dma_start3A_171] : memref<15x80xi32, #tpu.memory_space<vmem>> -> memref<5x80xi32, #tpu.memory_space<vmem>>
    %dma_start3A_173 = arith.constant 0 : i32
    %dma_start3A_174 = arith.constant 0 : i32
    %dma_start3A_175 = tpu.memref_slice %arg4[%add3A_159, %dma_start3A_173, %dma_start3A_174] : memref<800x5x80xi32, #tpu.memory_space<hbm>> -> memref<1x5x80xi32, #tpu.memory_space<hbm>>
    %dma_start3A_176 = tpu.memref_squeeze %dma_start3A_175 : memref<1x5x80xi32, #tpu.memory_space<hbm>> -> memref<5x80xi32, #tpu.memory_space<hbm>>
    tpu.enqueue_dma source(%dma_start3A_176 : memref<5x80xi32, #tpu.memory_space<hbm>>) target(%dma_start3A_172 : memref<5x80xi32, #tpu.memory_space<vmem>>) target_semaphore(%dma_start3A_169 : memref<!tpu.dma_semaphore, #tpu.memory_space<semaphore_mem>>)
    %dma_start3A_177 = arith.constant 0 : i32
    %dma_start3A_178 = arith.constant 0 : i32
    %dma_start3A_179 = arith.constant 0 : i32
    %dma_start3A_180 = arith.constant 0 : i32
    %dma_start3A_181 = arith.constant 0 : i32
    %dma_start3A_182 = tpu.memref_slice %arg9[%dma_start3A_178, %dma_start3A_180, %dma_start3A_181] : memref<4x80x128xf32, #tpu.memory_space<vmem>> -> memref<1x80x128xf32, #tpu.memory_space<vmem>>
    %dma_start3A_183 = tpu.memref_squeeze %dma_start3A_182 : memref<1x80x128xf32, #tpu.memory_space<vmem>> -> memref<80x128xf32, #tpu.memory_space<vmem>>
    %dma_start3A_184 = arith.constant 0 : i32
    %dma_start3A_185 = tpu.memref_slice %arg7[%dma_start3A_177, %dma_start3A_184] : memref<15x80xi32, #tpu.memory_space<vmem>> -> memref<1x80xi32, #tpu.memory_space<vmem>>
    %dma_start3A_186 = tpu.memref_squeeze %dma_start3A_185 : memref<1x80xi32, #tpu.memory_space<vmem>> -> memref<80xi32, #tpu.memory_space<vmem>>
    %dma_start3A_187 = arith.constant 0 : i32
    %dma_start3A_188 = arith.constant 0 : i32
    %dma_start3A_189 = tpu.memref_slice %arg2[%dma_start3A_187, %dma_start3A_188] : memref<10000x128xf32, #tpu.memory_space<hbm>> -> memref<10000x128xf32, #tpu.memory_space<hbm>>
    %dma_start3A_190 = tpu.memref_slice %arg11[%dma_start3A_179] : memref<4x!tpu.dma_semaphore, #tpu.memory_space<semaphore_mem>> -> memref<1x!tpu.dma_semaphore, #tpu.memory_space<semaphore_mem>>
    %dma_start3A_191 = tpu.memref_squeeze %dma_start3A_190 : memref<1x!tpu.dma_semaphore, #tpu.memory_space<semaphore_mem>> -> memref<!tpu.dma_semaphore, #tpu.memory_space<semaphore_mem>>
    tpu.enqueue_indirect_dma source(%dma_start3A_189 : memref<10000x128xf32, #tpu.memory_space<hbm>>) target(%dma_start3A_183 : memref<80x128xf32, #tpu.memory_space<vmem>>) offsets(%dma_start3A_186 : memref<80xi32, #tpu.memory_space<vmem>>) semaphore(%dma_start3A_191 : memref<!tpu.dma_semaphore, #tpu.memory_space<semaphore_mem>>)
    %dma_start3A_192 = arith.constant 1 : i32
    %dma_start3A_193 = arith.constant 1 : i32
    %dma_start3A_194 = arith.constant 1 : i32
    %dma_start3A_195 = arith.constant 0 : i32
    %dma_start3A_196 = arith.constant 0 : i32
    %dma_start3A_197 = tpu.memref_slice %arg9[%dma_start3A_193, %dma_start3A_195, %dma_start3A_196] : memref<4x80x128xf32, #tpu.memory_space<vmem>> -> memref<1x80x128xf32, #tpu.memory_space<vmem>>
    %dma_start3A_198 = tpu.memref_squeeze %dma_start3A_197 : memref<1x80x128xf32, #tpu.memory_space<vmem>> -> memref<80x128xf32, #tpu.memory_space<vmem>>
    %dma_start3A_199 = arith.constant 0 : i32
    %dma_start3A_200 = tpu.memref_slice %arg7[%dma_start3A_192, %dma_start3A_199] : memref<15x80xi32, #tpu.memory_space<vmem>> -> memref<1x80xi32, #tpu.memory_space<vmem>>
    %dma_start3A_201 = tpu.memref_squeeze %dma_start3A_200 : memref<1x80xi32, #tpu.memory_space<vmem>> -> memref<80xi32, #tpu.memory_space<vmem>>
    %dma_start3A_202 = arith.constant 0 : i32
    %dma_start3A_203 = arith.constant 0 : i32
    %dma_start3A_204 = tpu.memref_slice %arg2[%dma_start3A_202, %dma_start3A_203] : memref<10000x128xf32, #tpu.memory_space<hbm>> -> memref<10000x128xf32, #tpu.memory_space<hbm>>
    %dma_start3A_205 = tpu.memref_slice %arg11[%dma_start3A_194] : memref<4x!tpu.dma_semaphore, #tpu.memory_space<semaphore_mem>> -> memref<1x!tpu.dma_semaphore, #tpu.memory_space<semaphore_mem>>
    %dma_start3A_206 = tpu.memref_squeeze %dma_start3A_205 : memref<1x!tpu.dma_semaphore, #tpu.memory_space<semaphore_mem>> -> memref<!tpu.dma_semaphore, #tpu.memory_space<semaphore_mem>>
    tpu.enqueue_indirect_dma source(%dma_start3A_204 : memref<10000x128xf32, #tpu.memory_space<hbm>>) target(%dma_start3A_198 : memref<80x128xf32, #tpu.memory_space<vmem>>) offsets(%dma_start3A_201 : memref<80xi32, #tpu.memory_space<vmem>>) semaphore(%dma_start3A_206 : memref<!tpu.dma_semaphore, #tpu.memory_space<semaphore_mem>>)
    %scan3A_207 = arith.constant 0 : i32
    %scan3A_208 = arith.constant 0 : i32
    %scan3A_209 = arith.constant 125 : i32
    %scan3A_210 = arith.addi %scan3A_208, %scan3A_209 : i32
    %scan3A_211 = arith.constant 1 : i32
    scf.for %scan3A_268 = %scan3A_208 to %scan3A_210 step %scan3A_211  : i32 {
      %rem3A = arith.constant 4 : i32
      %rem3A_269 = arith.remsi %scan3A_268, %rem3A : i32
      %add3A_270 = arith.constant 2 : i32
      %add3A_271 = arith.addi %scan3A_268, %add3A_270 : i32
      %rem3A_272 = arith.constant 4 : i32
      %rem3A_273 = arith.remsi %add3A_271, %rem3A_272 : i32
      %add3A_274 = arith.constant 2 : i32
      %add3A_275 = arith.addi %scan3A_268, %add3A_274 : i32
      %ge3A = arith.constant 2 : i32
      %ge3A_276 = arith.cmpi sge, %scan3A_268, %ge3A : i32
      %convert_element_type3A = arith.extui %ge3A_276 : i1 to i32
      %cond3A = arith.constant 0 : i32
      %cond3A_277 = arith.cmpi ne, %convert_element_type3A, %cond3A : i32
      scf.if %cond3A_277 {
        %dma_wait3A_350 = arith.constant 0 : i32
        %dma_wait3A_351 = arith.constant 0 : i32
        %dma_wait3A_352 = tpu.memref_slice %arg9[%rem3A_273, %dma_wait3A_350, %dma_wait3A_351] : memref<4x80x128xf32, #tpu.memory_space<vmem>> -> memref<1x80x128xf32, #tpu.memory_space<vmem>>
        %dma_wait3A_353 = tpu.memref_squeeze %dma_wait3A_352 : memref<1x80x128xf32, #tpu.memory_space<vmem>> -> memref<80x128xf32, #tpu.memory_space<vmem>>
        %dma_wait3A_354 = tpu.memref_slice %arg12[%rem3A_273] : memref<4x!tpu.dma_semaphore, #tpu.memory_space<semaphore_mem>> -> memref<1x!tpu.dma_semaphore, #tpu.memory_space<semaphore_mem>>
        %dma_wait3A_355 = tpu.memref_squeeze %dma_wait3A_354 : memref<1x!tpu.dma_semaphore, #tpu.memory_space<semaphore_mem>> -> memref<!tpu.dma_semaphore, #tpu.memory_space<semaphore_mem>>
        %dma_wait3A_356 = arith.constant 0 : i32
        %dma_wait3A_357 = arith.constant 0 : i32
        %dma_wait3A_358 = tpu.memref_slice %arg9[%rem3A_273, %dma_wait3A_356, %dma_wait3A_357] : memref<4x80x128xf32, #tpu.memory_space<vmem>> -> memref<1x80x128xf32, #tpu.memory_space<vmem>>
        %dma_wait3A_359 = tpu.memref_squeeze %dma_wait3A_358 : memref<1x80x128xf32, #tpu.memory_space<vmem>> -> memref<80x128xf32, #tpu.memory_space<vmem>>
        tpu.wait_dma2 semaphore(%dma_wait3A_355 : memref<!tpu.dma_semaphore, #tpu.memory_space<semaphore_mem>>) src(%arg5 : memref<80x128xf32, #tpu.memory_space<hbm>>) dst(%dma_wait3A_359 : memref<80x128xf32, #tpu.memory_space<vmem>>)
      } else {
      }
      %rem3A_278 = arith.constant 5 : i32
      %rem3A_279 = arith.remsi %add3A_275, %rem3A_278 : i32
      %eq3A = arith.constant 0 : i32
      %eq3A_280 = arith.cmpi eq, %rem3A_279, %eq3A : i32
      %lt3A = arith.constant 125 : i32
      %lt3A_281 = arith.cmpi slt, %add3A_275, %lt3A : i32
      %and3A = arith.andi %eq3A_280, %lt3A_281 : i1
      %convert_element_type3A_282 = arith.extui %and3A : i1 to i32
      %cond3A_283 = arith.constant 0 : i32
      %cond3A_284 = arith.cmpi ne, %convert_element_type3A_282, %cond3A_283 : i32
      scf.if %cond3A_284 {
        %jit3A_350 = arith.constant 5 : i32
        %div3A_351 = arith.divsi %add3A_275, %jit3A_350 : i32
        %sign3A_352 = arith.constant 0 : i32
        %sign3A_353 = arith.cmpi sgt, %add3A_275, %sign3A_352 : i32
        %sign3A_354 = arith.extui %sign3A_353 : i1 to i32
        %sign3A_355 = arith.constant 0 : i32
        %sign3A_356 = arith.cmpi slt, %add3A_275, %sign3A_355 : i32
        %sign3A_357 = arith.extui %sign3A_356 : i1 to i32
        %sign3A_358 = arith.subi %sign3A_354, %sign3A_357 : i32
        %sign3A_359 = arith.constant 0 : i32
        %sign3A_360 = arith.cmpi sgt, %jit3A_350, %sign3A_359 : i32
        %sign3A_361 = arith.extui %sign3A_360 : i1 to i32
        %sign3A_362 = arith.constant 0 : i32
        %sign3A_363 = arith.cmpi slt, %jit3A_350, %sign3A_362 : i32
        %sign3A_364 = arith.extui %sign3A_363 : i1 to i32
        %sign3A_365 = arith.subi %sign3A_361, %sign3A_364 : i32
        %ne3A_366 = arith.cmpi ne, %sign3A_358, %sign3A_365 : i32
        %rem3A_367 = arith.remsi %add3A_275, %jit3A_350 : i32
        %ne3A_368 = arith.constant 0 : i32
        %ne3A_369 = arith.cmpi ne, %rem3A_367, %ne3A_368 : i32
        %and3A_370 = arith.andi %ne3A_366, %ne3A_369 : i1
        %sub3A_371 = arith.constant 1 : i32
        %sub3A_372 = arith.subi %div3A_351, %sub3A_371 : i32
        %select_n3A_373 = arith.select %and3A_370, %sub3A_372, %div3A_351 : i32
        %rem3A_374 = arith.constant 3 : i32
        %rem3A_375 = arith.remsi %select_n3A_373, %rem3A_374 : i32
        %mul3A_376 = arith.constant 25 : i32
        %mul3A_377 = arith.muli %add3A, %mul3A_376 : i32
        %mul3A_378 = arith.constant 5 : i32
        %mul3A_379 = arith.muli %rem3A_375, %mul3A_378 : i32
        %dma_wait3A_380 = arith.constant 0 : i32
        %dma_wait3A_381 = tpu.memref_slice %arg7[%mul3A_379, %dma_wait3A_380] : memref<15x80xi32, #tpu.memory_space<vmem>> -> memref<5x80xi32, #tpu.memory_space<vmem>>
        %dma_wait3A_382 = arith.constant 0 : i32
        %dma_wait3A_383 = arith.constant 0 : i32
        %dma_wait3A_384 = tpu.memref_slice %arg3[%mul3A_377, %dma_wait3A_382, %dma_wait3A_383] : memref<800x5x80xi32, #tpu.memory_space<hbm>> -> memref<1x5x80xi32, #tpu.memory_space<hbm>>
        %dma_wait3A_385 = tpu.memref_squeeze %dma_wait3A_384 : memref<1x5x80xi32, #tpu.memory_space<hbm>> -> memref<5x80xi32, #tpu.memory_space<hbm>>
        %dma_wait3A_386 = tpu.memref_slice %arg13[%rem3A_375] : memref<3x!tpu.dma_semaphore, #tpu.memory_space<semaphore_mem>> -> memref<1x!tpu.dma_semaphore, #tpu.memory_space<semaphore_mem>>
        %dma_wait3A_387 = tpu.memref_squeeze %dma_wait3A_386 : memref<1x!tpu.dma_semaphore, #tpu.memory_space<semaphore_mem>> -> memref<!tpu.dma_semaphore, #tpu.memory_space<semaphore_mem>>
        %dma_wait3A_388 = arith.constant 0 : i32
        %dma_wait3A_389 = tpu.memref_slice %arg7[%mul3A_379, %dma_wait3A_388] : memref<15x80xi32, #tpu.memory_space<vmem>> -> memref<5x80xi32, #tpu.memory_space<vmem>>
        %dma_wait3A_390 = arith.constant 0 : i32
        %dma_wait3A_391 = arith.constant 0 : i32
        %dma_wait3A_392 = tpu.memref_slice %arg3[%mul3A_377, %dma_wait3A_390, %dma_wait3A_391] : memref<800x5x80xi32, #tpu.memory_space<hbm>> -> memref<1x5x80xi32, #tpu.memory_space<hbm>>
        %dma_wait3A_393 = tpu.memref_squeeze %dma_wait3A_392 : memref<1x5x80xi32, #tpu.memory_space<hbm>> -> memref<5x80xi32, #tpu.memory_space<hbm>>
        tpu.wait_dma2 semaphore(%dma_wait3A_387 : memref<!tpu.dma_semaphore, #tpu.memory_space<semaphore_mem>>) src(%dma_wait3A_393 : memref<5x80xi32, #tpu.memory_space<hbm>>) dst(%dma_wait3A_389 : memref<5x80xi32, #tpu.memory_space<vmem>>)
        %mul3A_394 = arith.constant 25 : i32
        %mul3A_395 = arith.muli %add3A, %mul3A_394 : i32
        %mul3A_396 = arith.constant 5 : i32
        %mul3A_397 = arith.muli %rem3A_375, %mul3A_396 : i32
        %dma_wait3A_398 = arith.constant 0 : i32
        %dma_wait3A_399 = tpu.memref_slice %arg8[%mul3A_397, %dma_wait3A_398] : memref<15x80xi32, #tpu.memory_space<vmem>> -> memref<5x80xi32, #tpu.memory_space<vmem>>
        %dma_wait3A_400 = arith.constant 0 : i32
        %dma_wait3A_401 = arith.constant 0 : i32
        %dma_wait3A_402 = tpu.memref_slice %arg4[%mul3A_395, %dma_wait3A_400, %dma_wait3A_401] : memref<800x5x80xi32, #tpu.memory_space<hbm>> -> memref<1x5x80xi32, #tpu.memory_space<hbm>>
        %dma_wait3A_403 = tpu.memref_squeeze %dma_wait3A_402 : memref<1x5x80xi32, #tpu.memory_space<hbm>> -> memref<5x80xi32, #tpu.memory_space<hbm>>
        %dma_wait3A_404 = tpu.memref_slice %arg13[%rem3A_375] : memref<3x!tpu.dma_semaphore, #tpu.memory_space<semaphore_mem>> -> memref<1x!tpu.dma_semaphore, #tpu.memory_space<semaphore_mem>>
        %dma_wait3A_405 = tpu.memref_squeeze %dma_wait3A_404 : memref<1x!tpu.dma_semaphore, #tpu.memory_space<semaphore_mem>> -> memref<!tpu.dma_semaphore, #tpu.memory_space<semaphore_mem>>
        %dma_wait3A_406 = arith.constant 0 : i32
        %dma_wait3A_407 = tpu.memref_slice %arg8[%mul3A_397, %dma_wait3A_406] : memref<15x80xi32, #tpu.memory_space<vmem>> -> memref<5x80xi32, #tpu.memory_space<vmem>>
        %dma_wait3A_408 = arith.constant 0 : i32
        %dma_wait3A_409 = arith.constant 0 : i32
        %dma_wait3A_410 = tpu.memref_slice %arg4[%mul3A_395, %dma_wait3A_408, %dma_wait3A_409] : memref<800x5x80xi32, #tpu.memory_space<hbm>> -> memref<1x5x80xi32, #tpu.memory_space<hbm>>
        %dma_wait3A_411 = tpu.memref_squeeze %dma_wait3A_410 : memref<1x5x80xi32, #tpu.memory_space<hbm>> -> memref<5x80xi32, #tpu.memory_space<hbm>>
        tpu.wait_dma2 semaphore(%dma_wait3A_405 : memref<!tpu.dma_semaphore, #tpu.memory_space<semaphore_mem>>) src(%dma_wait3A_411 : memref<5x80xi32, #tpu.memory_space<hbm>>) dst(%dma_wait3A_407 : memref<5x80xi32, #tpu.memory_space<vmem>>)
      } else {
      }
      %rem3A_285 = arith.constant 5 : i32
      %rem3A_286 = arith.remsi %add3A_275, %rem3A_285 : i32
      %eq3A_287 = arith.constant 4 : i32
      %eq3A_288 = arith.cmpi eq, %rem3A_286, %eq3A_287 : i32
      %ge3A_289 = arith.constant 5 : i32
      %ge3A_290 = arith.cmpi sge, %add3A_275, %ge3A_289 : i32
      %and3A_291 = arith.andi %eq3A_288, %ge3A_290 : i1
      %convert_element_type3A_292 = arith.extui %and3A_291 : i1 to i32
      %cond3A_293 = arith.constant 0 : i32
      %cond3A_294 = arith.cmpi ne, %convert_element_type3A_292, %cond3A_293 : i32
      scf.if %cond3A_294 {
        %jit3A_350 = arith.constant 5 : i32
        %div3A_351 = arith.divsi %add3A_275, %jit3A_350 : i32
        %sign3A_352 = arith.constant 0 : i32
        %sign3A_353 = arith.cmpi sgt, %add3A_275, %sign3A_352 : i32
        %sign3A_354 = arith.extui %sign3A_353 : i1 to i32
        %sign3A_355 = arith.constant 0 : i32
        %sign3A_356 = arith.cmpi slt, %add3A_275, %sign3A_355 : i32
        %sign3A_357 = arith.extui %sign3A_356 : i1 to i32
        %sign3A_358 = arith.subi %sign3A_354, %sign3A_357 : i32
        %sign3A_359 = arith.constant 0 : i32
        %sign3A_360 = arith.cmpi sgt, %jit3A_350, %sign3A_359 : i32
        %sign3A_361 = arith.extui %sign3A_360 : i1 to i32
        %sign3A_362 = arith.constant 0 : i32
        %sign3A_363 = arith.cmpi slt, %jit3A_350, %sign3A_362 : i32
        %sign3A_364 = arith.extui %sign3A_363 : i1 to i32
        %sign3A_365 = arith.subi %sign3A_361, %sign3A_364 : i32
        %ne3A_366 = arith.cmpi ne, %sign3A_358, %sign3A_365 : i32
        %rem3A_367 = arith.remsi %add3A_275, %jit3A_350 : i32
        %ne3A_368 = arith.constant 0 : i32
        %ne3A_369 = arith.cmpi ne, %rem3A_367, %ne3A_368 : i32
        %and3A_370 = arith.andi %ne3A_366, %ne3A_369 : i1
        %sub3A_371 = arith.constant 1 : i32
        %sub3A_372 = arith.subi %div3A_351, %sub3A_371 : i32
        %select_n3A_373 = arith.select %and3A_370, %sub3A_372, %div3A_351 : i32
        %add3A_374 = arith.constant 2 : i32
        %add3A_375 = arith.addi %select_n3A_373, %add3A_374 : i32
        %lt3A_376 = arith.constant 25 : i32
        %lt3A_377 = arith.cmpi slt, %add3A_375, %lt3A_376 : i32
        %convert_element_type3A_378 = arith.extui %lt3A_377 : i1 to i32
        %cond3A_379 = arith.constant 0 : i32
        %cond3A_380 = arith.cmpi ne, %convert_element_type3A_378, %cond3A_379 : i32
        scf.if %cond3A_380 {
          %rem3A_381 = arith.constant 3 : i32
          %rem3A_382 = arith.remsi %add3A_375, %rem3A_381 : i32
          %mul3A_383 = arith.constant 25 : i32
          %mul3A_384 = arith.muli %add3A, %mul3A_383 : i32
          %add3A_385 = arith.addi %mul3A_384, %add3A_375 : i32
          %mul3A_386 = arith.constant 5 : i32
          %mul3A_387 = arith.muli %rem3A_382, %mul3A_386 : i32
          %dma_start3A_388 = arith.constant 0 : i32
          %dma_start3A_389 = tpu.memref_slice %arg7[%mul3A_387, %dma_start3A_388] : memref<15x80xi32, #tpu.memory_space<vmem>> -> memref<5x80xi32, #tpu.memory_space<vmem>>
          %dma_start3A_390 = arith.constant 0 : i32
          %dma_start3A_391 = arith.constant 0 : i32
          %dma_start3A_392 = tpu.memref_slice %arg3[%add3A_385, %dma_start3A_390, %dma_start3A_391] : memref<800x5x80xi32, #tpu.memory_space<hbm>> -> memref<1x5x80xi32, #tpu.memory_space<hbm>>
          %dma_start3A_393 = tpu.memref_squeeze %dma_start3A_392 : memref<1x5x80xi32, #tpu.memory_space<hbm>> -> memref<5x80xi32, #tpu.memory_space<hbm>>
          %dma_start3A_394 = tpu.memref_slice %arg13[%rem3A_382] : memref<3x!tpu.dma_semaphore, #tpu.memory_space<semaphore_mem>> -> memref<1x!tpu.dma_semaphore, #tpu.memory_space<semaphore_mem>>
          %dma_start3A_395 = tpu.memref_squeeze %dma_start3A_394 : memref<1x!tpu.dma_semaphore, #tpu.memory_space<semaphore_mem>> -> memref<!tpu.dma_semaphore, #tpu.memory_space<semaphore_mem>>
          %dma_start3A_396 = arith.constant 0 : i32
          %dma_start3A_397 = tpu.memref_slice %arg7[%mul3A_387, %dma_start3A_396] : memref<15x80xi32, #tpu.memory_space<vmem>> -> memref<5x80xi32, #tpu.memory_space<vmem>>
          %dma_start3A_398 = arith.constant 0 : i32
          %dma_start3A_399 = arith.constant 0 : i32
          %dma_start3A_400 = tpu.memref_slice %arg3[%add3A_385, %dma_start3A_398, %dma_start3A_399] : memref<800x5x80xi32, #tpu.memory_space<hbm>> -> memref<1x5x80xi32, #tpu.memory_space<hbm>>
          %dma_start3A_401 = tpu.memref_squeeze %dma_start3A_400 : memref<1x5x80xi32, #tpu.memory_space<hbm>> -> memref<5x80xi32, #tpu.memory_space<hbm>>
          tpu.enqueue_dma source(%dma_start3A_401 : memref<5x80xi32, #tpu.memory_space<hbm>>) target(%dma_start3A_397 : memref<5x80xi32, #tpu.memory_space<vmem>>) target_semaphore(%dma_start3A_395 : memref<!tpu.dma_semaphore, #tpu.memory_space<semaphore_mem>>)
          %mul3A_402 = arith.constant 25 : i32
          %mul3A_403 = arith.muli %add3A, %mul3A_402 : i32
          %add3A_404 = arith.addi %mul3A_403, %add3A_375 : i32
          %mul3A_405 = arith.constant 5 : i32
          %mul3A_406 = arith.muli %rem3A_382, %mul3A_405 : i32
          %dma_start3A_407 = arith.constant 0 : i32
          %dma_start3A_408 = tpu.memref_slice %arg8[%mul3A_406, %dma_start3A_407] : memref<15x80xi32, #tpu.memory_space<vmem>> -> memref<5x80xi32, #tpu.memory_space<vmem>>
          %dma_start3A_409 = arith.constant 0 : i32
          %dma_start3A_410 = arith.constant 0 : i32
          %dma_start3A_411 = tpu.memref_slice %arg4[%add3A_404, %dma_start3A_409, %dma_start3A_410] : memref<800x5x80xi32, #tpu.memory_space<hbm>> -> memref<1x5x80xi32, #tpu.memory_space<hbm>>
          %dma_start3A_412 = tpu.memref_squeeze %dma_start3A_411 : memref<1x5x80xi32, #tpu.memory_space<hbm>> -> memref<5x80xi32, #tpu.memory_space<hbm>>
          %dma_start3A_413 = tpu.memref_slice %arg13[%rem3A_382] : memref<3x!tpu.dma_semaphore, #tpu.memory_space<semaphore_mem>> -> memref<1x!tpu.dma_semaphore, #tpu.memory_space<semaphore_mem>>
          %dma_start3A_414 = tpu.memref_squeeze %dma_start3A_413 : memref<1x!tpu.dma_semaphore, #tpu.memory_space<semaphore_mem>> -> memref<!tpu.dma_semaphore, #tpu.memory_space<semaphore_mem>>
          %dma_start3A_415 = arith.constant 0 : i32
          %dma_start3A_416 = tpu.memref_slice %arg8[%mul3A_406, %dma_start3A_415] : memref<15x80xi32, #tpu.memory_space<vmem>> -> memref<5x80xi32, #tpu.memory_space<vmem>>
          %dma_start3A_417 = arith.constant 0 : i32
          %dma_start3A_418 = arith.constant 0 : i32
          %dma_start3A_419 = tpu.memref_slice %arg4[%add3A_404, %dma_start3A_417, %dma_start3A_418] : memref<800x5x80xi32, #tpu.memory_space<hbm>> -> memref<1x5x80xi32, #tpu.memory_space<hbm>>
          %dma_start3A_420 = tpu.memref_squeeze %dma_start3A_419 : memref<1x5x80xi32, #tpu.memory_space<hbm>> -> memref<5x80xi32, #tpu.memory_space<hbm>>
          tpu.enqueue_dma source(%dma_start3A_420 : memref<5x80xi32, #tpu.memory_space<hbm>>) target(%dma_start3A_416 : memref<5x80xi32, #tpu.memory_space<vmem>>) target_semaphore(%dma_start3A_414 : memref<!tpu.dma_semaphore, #tpu.memory_space<semaphore_mem>>)
        } else {
        }
      } else {
      }
      %lt3A_295 = arith.constant 125 : i32
      %lt3A_296 = arith.cmpi slt, %add3A_275, %lt3A_295 : i32
      %convert_element_type3A_297 = arith.extui %lt3A_296 : i1 to i32
      %cond3A_298 = arith.constant 0 : i32
      %cond3A_299 = arith.cmpi ne, %convert_element_type3A_297, %cond3A_298 : i32
      scf.if %cond3A_299 {
        %jit3A_350 = arith.constant 5 : i32
        %div3A_351 = arith.divsi %add3A_275, %jit3A_350 : i32
        %sign3A_352 = arith.constant 0 : i32
        %sign3A_353 = arith.cmpi sgt, %add3A_275, %sign3A_352 : i32
        %sign3A_354 = arith.extui %sign3A_353 : i1 to i32
        %sign3A_355 = arith.constant 0 : i32
        %sign3A_356 = arith.cmpi slt, %add3A_275, %sign3A_355 : i32
        %sign3A_357 = arith.extui %sign3A_356 : i1 to i32
        %sign3A_358 = arith.subi %sign3A_354, %sign3A_357 : i32
        %sign3A_359 = arith.constant 0 : i32
        %sign3A_360 = arith.cmpi sgt, %jit3A_350, %sign3A_359 : i32
        %sign3A_361 = arith.extui %sign3A_360 : i1 to i32
        %sign3A_362 = arith.constant 0 : i32
        %sign3A_363 = arith.cmpi slt, %jit3A_350, %sign3A_362 : i32
        %sign3A_364 = arith.extui %sign3A_363 : i1 to i32
        %sign3A_365 = arith.subi %sign3A_361, %sign3A_364 : i32
        %ne3A_366 = arith.cmpi ne, %sign3A_358, %sign3A_365 : i32
        %rem3A_367 = arith.remsi %add3A_275, %jit3A_350 : i32
        %ne3A_368 = arith.constant 0 : i32
        %ne3A_369 = arith.cmpi ne, %rem3A_367, %ne3A_368 : i32
        %and3A_370 = arith.andi %ne3A_366, %ne3A_369 : i1
        %sub3A_371 = arith.constant 1 : i32
        %sub3A_372 = arith.subi %div3A_351, %sub3A_371 : i32
        %select_n3A_373 = arith.select %and3A_370, %sub3A_372, %div3A_351 : i32
        %rem3A_374 = arith.constant 3 : i32
        %rem3A_375 = arith.remsi %select_n3A_373, %rem3A_374 : i32
        %mul3A_376 = arith.constant 5 : i32
        %mul3A_377 = arith.muli %rem3A_375, %mul3A_376 : i32
        %rem3A_378 = arith.constant 5 : i32
        %rem3A_379 = arith.remsi %add3A_275, %rem3A_378 : i32
        %add3A_380 = arith.addi %mul3A_377, %rem3A_379 : i32
        %dma_start3A_381 = arith.constant 0 : i32
        %dma_start3A_382 = arith.constant 0 : i32
        %dma_start3A_383 = tpu.memref_slice %arg9[%rem3A_273, %dma_start3A_381, %dma_start3A_382] : memref<4x80x128xf32, #tpu.memory_space<vmem>> -> memref<1x80x128xf32, #tpu.memory_space<vmem>>
        %dma_start3A_384 = tpu.memref_squeeze %dma_start3A_383 : memref<1x80x128xf32, #tpu.memory_space<vmem>> -> memref<80x128xf32, #tpu.memory_space<vmem>>
        %dma_start3A_385 = arith.constant 0 : i32
        %dma_start3A_386 = tpu.memref_slice %arg7[%add3A_380, %dma_start3A_385] : memref<15x80xi32, #tpu.memory_space<vmem>> -> memref<1x80xi32, #tpu.memory_space<vmem>>
        %dma_start3A_387 = tpu.memref_squeeze %dma_start3A_386 : memref<1x80xi32, #tpu.memory_space<vmem>> -> memref<80xi32, #tpu.memory_space<vmem>>
        %dma_start3A_388 = arith.constant 0 : i32
        %dma_start3A_389 = arith.constant 0 : i32
        %dma_start3A_390 = tpu.memref_slice %arg2[%dma_start3A_388, %dma_start3A_389] : memref<10000x128xf32, #tpu.memory_space<hbm>> -> memref<10000x128xf32, #tpu.memory_space<hbm>>
        %dma_start3A_391 = tpu.memref_slice %arg11[%rem3A_273] : memref<4x!tpu.dma_semaphore, #tpu.memory_space<semaphore_mem>> -> memref<1x!tpu.dma_semaphore, #tpu.memory_space<semaphore_mem>>
        %dma_start3A_392 = tpu.memref_squeeze %dma_start3A_391 : memref<1x!tpu.dma_semaphore, #tpu.memory_space<semaphore_mem>> -> memref<!tpu.dma_semaphore, #tpu.memory_space<semaphore_mem>>
        tpu.enqueue_indirect_dma source(%dma_start3A_390 : memref<10000x128xf32, #tpu.memory_space<hbm>>) target(%dma_start3A_384 : memref<80x128xf32, #tpu.memory_space<vmem>>) offsets(%dma_start3A_387 : memref<80xi32, #tpu.memory_space<vmem>>) semaphore(%dma_start3A_392 : memref<!tpu.dma_semaphore, #tpu.memory_space<semaphore_mem>>)
      } else {
      }
      %dma_wait3A_300 = arith.constant 0 : i32
      %dma_wait3A_301 = arith.constant 0 : i32
      %dma_wait3A_302 = arith.constant 0 : i32
      %dma_wait3A_303 = tpu.memref_slice %arg9[%rem3A_269, %dma_wait3A_301, %dma_wait3A_302] : memref<4x80x128xf32, #tpu.memory_space<vmem>> -> memref<1x80x128xf32, #tpu.memory_space<vmem>>
      %dma_wait3A_304 = tpu.memref_squeeze %dma_wait3A_303 : memref<1x80x128xf32, #tpu.memory_space<vmem>> -> memref<80x128xf32, #tpu.memory_space<vmem>>
      %dma_wait3A_305 = arith.constant 0 : i32
      %dma_wait3A_306 = tpu.memref_slice %arg7[%dma_wait3A_300, %dma_wait3A_305] : memref<15x80xi32, #tpu.memory_space<vmem>> -> memref<1x80xi32, #tpu.memory_space<vmem>>
      %dma_wait3A_307 = tpu.memref_squeeze %dma_wait3A_306 : memref<1x80xi32, #tpu.memory_space<vmem>> -> memref<80xi32, #tpu.memory_space<vmem>>
      %dma_wait3A_308 = arith.constant 0 : i32
      %dma_wait3A_309 = arith.constant 0 : i32
      %dma_wait3A_310 = tpu.memref_slice %arg2[%dma_wait3A_308, %dma_wait3A_309] : memref<10000x128xf32, #tpu.memory_space<hbm>> -> memref<10000x128xf32, #tpu.memory_space<hbm>>
      %dma_wait3A_311 = tpu.memref_slice %arg11[%rem3A_269] : memref<4x!tpu.dma_semaphore, #tpu.memory_space<semaphore_mem>> -> memref<1x!tpu.dma_semaphore, #tpu.memory_space<semaphore_mem>>
      %dma_wait3A_312 = tpu.memref_squeeze %dma_wait3A_311 : memref<1x!tpu.dma_semaphore, #tpu.memory_space<semaphore_mem>> -> memref<!tpu.dma_semaphore, #tpu.memory_space<semaphore_mem>>
      tpu.wait_indirect_dma semaphore(%dma_wait3A_312 : memref<!tpu.dma_semaphore, #tpu.memory_space<semaphore_mem>>) src(%dma_wait3A_310 : memref<10000x128xf32, #tpu.memory_space<hbm>>) dst(%dma_wait3A_304 : memref<80x128xf32, #tpu.memory_space<vmem>>)
      %jit3A = arith.constant 5 : i32
      %div3A = arith.divsi %scan3A_268, %jit3A : i32
      %sign3A = arith.constant 0 : i32
      %sign3A_313 = arith.cmpi sgt, %scan3A_268, %sign3A : i32
      %sign3A_314 = arith.extui %sign3A_313 : i1 to i32
      %sign3A_315 = arith.constant 0 : i32
      %sign3A_316 = arith.cmpi slt, %scan3A_268, %sign3A_315 : i32
      %sign3A_317 = arith.extui %sign3A_316 : i1 to i32
      %sign3A_318 = arith.subi %sign3A_314, %sign3A_317 : i32
      %sign3A_319 = arith.constant 0 : i32
      %sign3A_320 = arith.cmpi sgt, %jit3A, %sign3A_319 : i32
      %sign3A_321 = arith.extui %sign3A_320 : i1 to i32
      %sign3A_322 = arith.constant 0 : i32
      %sign3A_323 = arith.cmpi slt, %jit3A, %sign3A_322 : i32
      %sign3A_324 = arith.extui %sign3A_323 : i1 to i32
      %sign3A_325 = arith.subi %sign3A_321, %sign3A_324 : i32
      %ne3A = arith.cmpi ne, %sign3A_318, %sign3A_325 : i32
      %rem3A_326 = arith.remsi %scan3A_268, %jit3A : i32
      %ne3A_327 = arith.constant 0 : i32
      %ne3A_328 = arith.cmpi ne, %rem3A_326, %ne3A_327 : i32
      %and3A_329 = arith.andi %ne3A, %ne3A_328 : i1
      %sub3A = arith.constant 1 : i32
      %sub3A_330 = arith.subi %div3A, %sub3A : i32
      %select_n3A = arith.select %and3A_329, %sub3A_330, %div3A : i32
      %rem3A_331 = arith.constant 3 : i32
      %rem3A_332 = arith.remsi %select_n3A, %rem3A_331 : i32
      %mul3A_333 = arith.constant 5 : i32
      %mul3A_334 = arith.muli %rem3A_332, %mul3A_333 : i32
      %rem3A_335 = arith.constant 5 : i32
      %rem3A_336 = arith.remsi %scan3A_268, %rem3A_335 : i32
      %add3A_337 = arith.addi %mul3A_334, %rem3A_336 : i32
      %dma_start3A_338 = arith.constant 0 : i32
      %dma_start3A_339 = arith.constant 0 : i32
      %dma_start3A_340 = tpu.memref_slice %arg9[%rem3A_269, %dma_start3A_338, %dma_start3A_339] : memref<4x80x128xf32, #tpu.memory_space<vmem>> -> memref<1x80x128xf32, #tpu.memory_space<vmem>>
      %dma_start3A_341 = tpu.memref_squeeze %dma_start3A_340 : memref<1x80x128xf32, #tpu.memory_space<vmem>> -> memref<80x128xf32, #tpu.memory_space<vmem>>
      %dma_start3A_342 = arith.constant 0 : i32
      %dma_start3A_343 = tpu.memref_slice %arg8[%add3A_337, %dma_start3A_342] : memref<15x80xi32, #tpu.memory_space<vmem>> -> memref<1x80xi32, #tpu.memory_space<vmem>>
      %dma_start3A_344 = tpu.memref_squeeze %dma_start3A_343 : memref<1x80xi32, #tpu.memory_space<vmem>> -> memref<80xi32, #tpu.memory_space<vmem>>
      %dma_start3A_345 = arith.constant 0 : i32
      %dma_start3A_346 = arith.constant 0 : i32
      %dma_start3A_347 = tpu.memref_slice %arg10[%dma_start3A_345, %dma_start3A_346] : memref<10240x128xf32, #tpu.memory_space<vmem_shared>> -> memref<10240x128xf32, #tpu.memory_space<vmem_shared>>
      %dma_start3A_348 = tpu.memref_slice %arg12[%rem3A_269] : memref<4x!tpu.dma_semaphore, #tpu.memory_space<semaphore_mem>> -> memref<1x!tpu.dma_semaphore, #tpu.memory_space<semaphore_mem>>
      %dma_start3A_349 = tpu.memref_squeeze %dma_start3A_348 : memref<1x!tpu.dma_semaphore, #tpu.memory_space<semaphore_mem>> -> memref<!tpu.dma_semaphore, #tpu.memory_space<semaphore_mem>>
      tpu.enqueue_indirect_dma source(%dma_start3A_341 : memref<80x128xf32, #tpu.memory_space<vmem>>) target(%dma_start3A_347 : memref<10240x128xf32, #tpu.memory_space<vmem_shared>>) offsets(%dma_start3A_344 : memref<80xi32, #tpu.memory_space<vmem>>) semaphore(%dma_start3A_349 : memref<!tpu.dma_semaphore, #tpu.memory_space<semaphore_mem>>) {add = true}
    }
    %scan3A_212 = arith.constant 125 : i32
    %dma_wait3A_213 = arith.constant 3 : i32
    %dma_wait3A_214 = arith.constant 3 : i32
    %dma_wait3A_215 = arith.constant 0 : i32
    %dma_wait3A_216 = arith.constant 0 : i32
    %dma_wait3A_217 = tpu.memref_slice %arg9[%dma_wait3A_213, %dma_wait3A_215, %dma_wait3A_216] : memref<4x80x128xf32, #tpu.memory_space<vmem>> -> memref<1x80x128xf32, #tpu.memory_space<vmem>>
    %dma_wait3A_218 = tpu.memref_squeeze %dma_wait3A_217 : memref<1x80x128xf32, #tpu.memory_space<vmem>> -> memref<80x128xf32, #tpu.memory_space<vmem>>
    %dma_wait3A_219 = tpu.memref_slice %arg12[%dma_wait3A_214] : memref<4x!tpu.dma_semaphore, #tpu.memory_space<semaphore_mem>> -> memref<1x!tpu.dma_semaphore, #tpu.memory_space<semaphore_mem>>
    %dma_wait3A_220 = tpu.memref_squeeze %dma_wait3A_219 : memref<1x!tpu.dma_semaphore, #tpu.memory_space<semaphore_mem>> -> memref<!tpu.dma_semaphore, #tpu.memory_space<semaphore_mem>>
    %dma_wait3A_221 = arith.constant 0 : i32
    %dma_wait3A_222 = arith.constant 0 : i32
    %dma_wait3A_223 = tpu.memref_slice %arg9[%dma_wait3A_213, %dma_wait3A_221, %dma_wait3A_222] : memref<4x80x128xf32, #tpu.memory_space<vmem>> -> memref<1x80x128xf32, #tpu.memory_space<vmem>>
    %dma_wait3A_224 = tpu.memref_squeeze %dma_wait3A_223 : memref<1x80x128xf32, #tpu.memory_space<vmem>> -> memref<80x128xf32, #tpu.memory_space<vmem>>
    tpu.wait_dma2 semaphore(%dma_wait3A_220 : memref<!tpu.dma_semaphore, #tpu.memory_space<semaphore_mem>>) src(%arg5 : memref<80x128xf32, #tpu.memory_space<hbm>>) dst(%dma_wait3A_224 : memref<80x128xf32, #tpu.memory_space<vmem>>)
    %dma_wait3A_225 = arith.constant 0 : i32
    %dma_wait3A_226 = arith.constant 0 : i32
    %dma_wait3A_227 = arith.constant 0 : i32
    %dma_wait3A_228 = arith.constant 0 : i32
    %dma_wait3A_229 = tpu.memref_slice %arg9[%dma_wait3A_225, %dma_wait3A_227, %dma_wait3A_228] : memref<4x80x128xf32, #tpu.memory_space<vmem>> -> memref<1x80x128xf32, #tpu.memory_space<vmem>>
    %dma_wait3A_230 = tpu.memref_squeeze %dma_wait3A_229 : memref<1x80x128xf32, #tpu.memory_space<vmem>> -> memref<80x128xf32, #tpu.memory_space<vmem>>
    %dma_wait3A_231 = tpu.memref_slice %arg12[%dma_wait3A_226] : memref<4x!tpu.dma_semaphore, #tpu.memory_space<semaphore_mem>> -> memref<1x!tpu.dma_semaphore, #tpu.memory_space<semaphore_mem>>
    %dma_wait3A_232 = tpu.memref_squeeze %dma_wait3A_231 : memref<1x!tpu.dma_semaphore, #tpu.memory_space<semaphore_mem>> -> memref<!tpu.dma_semaphore, #tpu.memory_space<semaphore_mem>>
    %dma_wait3A_233 = arith.constant 0 : i32
    %dma_wait3A_234 = arith.constant 0 : i32
    %dma_wait3A_235 = tpu.memref_slice %arg9[%dma_wait3A_225, %dma_wait3A_233, %dma_wait3A_234] : memref<4x80x128xf32, #tpu.memory_space<vmem>> -> memref<1x80x128xf32, #tpu.memory_space<vmem>>
    %dma_wait3A_236 = tpu.memref_squeeze %dma_wait3A_235 : memref<1x80x128xf32, #tpu.memory_space<vmem>> -> memref<80x128xf32, #tpu.memory_space<vmem>>
    tpu.wait_dma2 semaphore(%dma_wait3A_232 : memref<!tpu.dma_semaphore, #tpu.memory_space<semaphore_mem>>) src(%arg5 : memref<80x128xf32, #tpu.memory_space<hbm>>) dst(%dma_wait3A_236 : memref<80x128xf32, #tpu.memory_space<vmem>>)
    %barrier3A_237 = arith.constant 0 : index
    tpu.barrier barrier_id(%barrier3A_237)
    %scan3A_238 = arith.constant 0 : i32
    %scan3A_239 = arith.constant 0 : i32
    %scan3A_240 = arith.constant 8 : i32
    %scan3A_241 = arith.addi %scan3A_239, %scan3A_240 : i32
    %scan3A_242 = arith.constant 1 : i32
    scf.for %scan3A_268 = %scan3A_239 to %scan3A_241 step %scan3A_242  : i32 {
      %rem3A = arith.constant 2 : i32
      %rem3A_269 = arith.remsi %scan3A_268, %rem3A : i32
      %ge3A = arith.constant 2 : i32
      %ge3A_270 = arith.cmpi sge, %scan3A_268, %ge3A : i32
      %convert_element_type3A = arith.extui %ge3A_270 : i1 to i32
      %cond3A = arith.constant 0 : i32
      %cond3A_271 = arith.cmpi ne, %convert_element_type3A, %cond3A : i32
      scf.if %cond3A_271 {
        %dma_wait3A_294 = arith.constant 0 : i32
        %dma_wait3A_295 = arith.constant 0 : i32
        %dma_wait3A_296 = tpu.memref_slice %arg9[%rem3A_269, %dma_wait3A_294, %dma_wait3A_295] : memref<4x80x128xf32, #tpu.memory_space<vmem>> -> memref<1x80x128xf32, #tpu.memory_space<vmem>>
        %dma_wait3A_297 = tpu.memref_squeeze %dma_wait3A_296 : memref<1x80x128xf32, #tpu.memory_space<vmem>> -> memref<80x128xf32, #tpu.memory_space<vmem>>
        %dma_wait3A_298 = tpu.memref_slice %arg11[%rem3A_269] : memref<4x!tpu.dma_semaphore, #tpu.memory_space<semaphore_mem>> -> memref<1x!tpu.dma_semaphore, #tpu.memory_space<semaphore_mem>>
        %dma_wait3A_299 = tpu.memref_squeeze %dma_wait3A_298 : memref<1x!tpu.dma_semaphore, #tpu.memory_space<semaphore_mem>> -> memref<!tpu.dma_semaphore, #tpu.memory_space<semaphore_mem>>
        %dma_wait3A_300 = arith.constant 0 : i32
        %dma_wait3A_301 = arith.constant 0 : i32
        %dma_wait3A_302 = tpu.memref_slice %arg9[%rem3A_269, %dma_wait3A_300, %dma_wait3A_301] : memref<4x80x128xf32, #tpu.memory_space<vmem>> -> memref<1x80x128xf32, #tpu.memory_space<vmem>>
        %dma_wait3A_303 = tpu.memref_squeeze %dma_wait3A_302 : memref<1x80x128xf32, #tpu.memory_space<vmem>> -> memref<80x128xf32, #tpu.memory_space<vmem>>
        tpu.wait_dma2 semaphore(%dma_wait3A_299 : memref<!tpu.dma_semaphore, #tpu.memory_space<semaphore_mem>>) src(%arg5 : memref<80x128xf32, #tpu.memory_space<hbm>>) dst(%dma_wait3A_303 : memref<80x128xf32, #tpu.memory_space<vmem>>)
      } else {
      }
      %mul3A_272 = arith.constant 80 : i32
      %mul3A_273 = arith.muli %scan3A_268, %mul3A_272 : i32
      %add3A_274 = arith.addi %mul3A_0, %mul3A_273 : i32
      "tpu.region"() ({
        %run_scoped3A_294 = tpu.sem_alloc : memref<!tpu.dma_semaphore, #tpu.memory_space<semaphore_mem>>
        %dma_start3A_295 = arith.constant 0 : i32
        %dma_start3A_296 = arith.constant 0 : i32
        %dma_start3A_297 = tpu.memref_slice %arg9[%rem3A_269, %dma_start3A_295, %dma_start3A_296] : memref<4x80x128xf32, #tpu.memory_space<vmem>> -> memref<1x80x128xf32, #tpu.memory_space<vmem>>
        %dma_start3A_298 = tpu.memref_squeeze %dma_start3A_297 : memref<1x80x128xf32, #tpu.memory_space<vmem>> -> memref<80x128xf32, #tpu.memory_space<vmem>>
        %dma_start3A_299 = arith.constant 0 : i32
        %dma_start3A_300 = tpu.memref_slice %arg10[%add3A_274, %dma_start3A_299] : memref<10240x128xf32, #tpu.memory_space<vmem_shared>> -> memref<80x128xf32, #tpu.memory_space<vmem_shared>>
        %dma_start3A_301 = arith.constant 0 : i32
        %dma_start3A_302 = arith.constant 0 : i32
        %dma_start3A_303 = tpu.memref_slice %arg9[%rem3A_269, %dma_start3A_301, %dma_start3A_302] : memref<4x80x128xf32, #tpu.memory_space<vmem>> -> memref<1x80x128xf32, #tpu.memory_space<vmem>>
        %dma_start3A_304 = tpu.memref_squeeze %dma_start3A_303 : memref<1x80x128xf32, #tpu.memory_space<vmem>> -> memref<80x128xf32, #tpu.memory_space<vmem>>
        %dma_start3A_305 = arith.constant 0 : i32
        %dma_start3A_306 = tpu.memref_slice %arg10[%add3A_274, %dma_start3A_305] : memref<10240x128xf32, #tpu.memory_space<vmem_shared>> -> memref<80x128xf32, #tpu.memory_space<vmem_shared>>
        tpu.enqueue_dma source(%dma_start3A_306 : memref<80x128xf32, #tpu.memory_space<vmem_shared>>) target(%dma_start3A_304 : memref<80x128xf32, #tpu.memory_space<vmem>>) target_semaphore(%run_scoped3A_294 : memref<!tpu.dma_semaphore, #tpu.memory_space<semaphore_mem>>)
        %dma_wait3A_307 = arith.constant 0 : i32
        %dma_wait3A_308 = arith.constant 0 : i32
        %dma_wait3A_309 = tpu.memref_slice %arg9[%rem3A_269, %dma_wait3A_307, %dma_wait3A_308] : memref<4x80x128xf32, #tpu.memory_space<vmem>> -> memref<1x80x128xf32, #tpu.memory_space<vmem>>
        %dma_wait3A_310 = tpu.memref_squeeze %dma_wait3A_309 : memref<1x80x128xf32, #tpu.memory_space<vmem>> -> memref<80x128xf32, #tpu.memory_space<vmem>>
        %dma_wait3A_311 = arith.constant 0 : i32
        %dma_wait3A_312 = tpu.memref_slice %arg10[%add3A_274, %dma_wait3A_311] : memref<10240x128xf32, #tpu.memory_space<vmem_shared>> -> memref<80x128xf32, #tpu.memory_space<vmem_shared>>
        %dma_wait3A_313 = arith.constant 0 : i32
        %dma_wait3A_314 = arith.constant 0 : i32
        %dma_wait3A_315 = tpu.memref_slice %arg9[%rem3A_269, %dma_wait3A_313, %dma_wait3A_314] : memref<4x80x128xf32, #tpu.memory_space<vmem>> -> memref<1x80x128xf32, #tpu.memory_space<vmem>>
        %dma_wait3A_316 = tpu.memref_squeeze %dma_wait3A_315 : memref<1x80x128xf32, #tpu.memory_space<vmem>> -> memref<80x128xf32, #tpu.memory_space<vmem>>
        %dma_wait3A_317 = arith.constant 0 : i32
        %dma_wait3A_318 = tpu.memref_slice %arg10[%add3A_274, %dma_wait3A_317] : memref<10240x128xf32, #tpu.memory_space<vmem_shared>> -> memref<80x128xf32, #tpu.memory_space<vmem_shared>>
        tpu.wait_dma2 semaphore(%run_scoped3A_294 : memref<!tpu.dma_semaphore, #tpu.memory_space<semaphore_mem>>) src(%dma_wait3A_318 : memref<80x128xf32, #tpu.memory_space<vmem_shared>>) dst(%dma_wait3A_316 : memref<80x128xf32, #tpu.memory_space<vmem>>)
        tpu.yield
      }) : () -> ()
      %mul3A_275 = arith.constant 80 : i32
      %mul3A_276 = arith.muli %scan3A_268, %mul3A_275 : i32
      %add3A_277 = arith.addi %mul3A_0, %mul3A_276 : i32
      %dma_start3A_278 = arith.constant 0 : i32
      %dma_start3A_279 = arith.constant 0 : i32
      %dma_start3A_280 = tpu.memref_slice %arg9[%rem3A_269, %dma_start3A_278, %dma_start3A_279] : memref<4x80x128xf32, #tpu.memory_space<vmem>> -> memref<1x80x128xf32, #tpu.memory_space<vmem>>
      %dma_start3A_281 = tpu.memref_squeeze %dma_start3A_280 : memref<1x80x128xf32, #tpu.memory_space<vmem>> -> memref<80x128xf32, #tpu.memory_space<vmem>>
      %dma_start3A_282 = arith.constant 0 : i32
      %dma_start3A_283 = tpu.memref_slice %arg6[%arg0, %add3A_277, %dma_start3A_282] : memref<2x10240x128xf32, #tpu.memory_space<hbm>> -> memref<1x80x128xf32, #tpu.memory_space<hbm>>
      %dma_start3A_284 = tpu.memref_squeeze %dma_start3A_283 : memref<1x80x128xf32, #tpu.memory_space<hbm>> -> memref<80x128xf32, #tpu.memory_space<hbm>>
      %dma_start3A_285 = tpu.memref_slice %arg11[%rem3A_269] : memref<4x!tpu.dma_semaphore, #tpu.memory_space<semaphore_mem>> -> memref<1x!tpu.dma_semaphore, #tpu.memory_space<semaphore_mem>>
      %dma_start3A_286 = tpu.memref_squeeze %dma_start3A_285 : memref<1x!tpu.dma_semaphore, #tpu.memory_space<semaphore_mem>> -> memref<!tpu.dma_semaphore, #tpu.memory_space<semaphore_mem>>
      %dma_start3A_287 = arith.constant 0 : i32
      %dma_start3A_288 = tpu.memref_slice %arg6[%arg0, %add3A_277, %dma_start3A_287] : memref<2x10240x128xf32, #tpu.memory_space<hbm>> -> memref<1x80x128xf32, #tpu.memory_space<hbm>>
      %dma_start3A_289 = tpu.memref_squeeze %dma_start3A_288 : memref<1x80x128xf32, #tpu.memory_space<hbm>> -> memref<80x128xf32, #tpu.memory_space<hbm>>
      %dma_start3A_290 = arith.constant 0 : i32
      %dma_start3A_291 = arith.constant 0 : i32
      %dma_start3A_292 = tpu.memref_slice %arg9[%rem3A_269, %dma_start3A_290, %dma_start3A_291] : memref<4x80x128xf32, #tpu.memory_space<vmem>> -> memref<1x80x128xf32, #tpu.memory_space<vmem>>
      %dma_start3A_293 = tpu.memref_squeeze %dma_start3A_292 : memref<1x80x128xf32, #tpu.memory_space<vmem>> -> memref<80x128xf32, #tpu.memory_space<vmem>>
      tpu.enqueue_dma source(%dma_start3A_293 : memref<80x128xf32, #tpu.memory_space<vmem>>) target(%dma_start3A_289 : memref<80x128xf32, #tpu.memory_space<hbm>>) target_semaphore(%dma_start3A_286 : memref<!tpu.dma_semaphore, #tpu.memory_space<semaphore_mem>>)
    }
    %scan3A_243 = arith.constant 8 : i32
    %dma_wait3A_244 = arith.constant 0 : i32
    %dma_wait3A_245 = arith.constant 0 : i32
    %dma_wait3A_246 = arith.constant 0 : i32
    %dma_wait3A_247 = arith.constant 0 : i32
    %dma_wait3A_248 = tpu.memref_slice %arg9[%dma_wait3A_244, %dma_wait3A_246, %dma_wait3A_247] : memref<4x80x128xf32, #tpu.memory_space<vmem>> -> memref<1x80x128xf32, #tpu.memory_space<vmem>>
    %dma_wait3A_249 = tpu.memref_squeeze %dma_wait3A_248 : memref<1x80x128xf32, #tpu.memory_space<vmem>> -> memref<80x128xf32, #tpu.memory_space<vmem>>
    %dma_wait3A_250 = tpu.memref_slice %arg11[%dma_wait3A_245] : memref<4x!tpu.dma_semaphore, #tpu.memory_space<semaphore_mem>> -> memref<1x!tpu.dma_semaphore, #tpu.memory_space<semaphore_mem>>
    %dma_wait3A_251 = tpu.memref_squeeze %dma_wait3A_250 : memref<1x!tpu.dma_semaphore, #tpu.memory_space<semaphore_mem>> -> memref<!tpu.dma_semaphore, #tpu.memory_space<semaphore_mem>>
    %dma_wait3A_252 = arith.constant 0 : i32
    %dma_wait3A_253 = arith.constant 0 : i32
    %dma_wait3A_254 = tpu.memref_slice %arg9[%dma_wait3A_244, %dma_wait3A_252, %dma_wait3A_253] : memref<4x80x128xf32, #tpu.memory_space<vmem>> -> memref<1x80x128xf32, #tpu.memory_space<vmem>>
    %dma_wait3A_255 = tpu.memref_squeeze %dma_wait3A_254 : memref<1x80x128xf32, #tpu.memory_space<vmem>> -> memref<80x128xf32, #tpu.memory_space<vmem>>
    tpu.wait_dma2 semaphore(%dma_wait3A_251 : memref<!tpu.dma_semaphore, #tpu.memory_space<semaphore_mem>>) src(%arg5 : memref<80x128xf32, #tpu.memory_space<hbm>>) dst(%dma_wait3A_255 : memref<80x128xf32, #tpu.memory_space<vmem>>)
    %dma_wait3A_256 = arith.constant 1 : i32
    %dma_wait3A_257 = arith.constant 1 : i32
    %dma_wait3A_258 = arith.constant 0 : i32
    %dma_wait3A_259 = arith.constant 0 : i32
    %dma_wait3A_260 = tpu.memref_slice %arg9[%dma_wait3A_256, %dma_wait3A_258, %dma_wait3A_259] : memref<4x80x128xf32, #tpu.memory_space<vmem>> -> memref<1x80x128xf32, #tpu.memory_space<vmem>>
    %dma_wait3A_261 = tpu.memref_squeeze %dma_wait3A_260 : memref<1x80x128xf32, #tpu.memory_space<vmem>> -> memref<80x128xf32, #tpu.memory_space<vmem>>
    %dma_wait3A_262 = tpu.memref_slice %arg11[%dma_wait3A_257] : memref<4x!tpu.dma_semaphore, #tpu.memory_space<semaphore_mem>> -> memref<1x!tpu.dma_semaphore, #tpu.memory_space<semaphore_mem>>
    %dma_wait3A_263 = tpu.memref_squeeze %dma_wait3A_262 : memref<1x!tpu.dma_semaphore, #tpu.memory_space<semaphore_mem>> -> memref<!tpu.dma_semaphore, #tpu.memory_space<semaphore_mem>>
    %dma_wait3A_264 = arith.constant 0 : i32
    %dma_wait3A_265 = arith.constant 0 : i32
    %dma_wait3A_266 = tpu.memref_slice %arg9[%dma_wait3A_256, %dma_wait3A_264, %dma_wait3A_265] : memref<4x80x128xf32, #tpu.memory_space<vmem>> -> memref<1x80x128xf32, #tpu.memory_space<vmem>>
    %dma_wait3A_267 = tpu.memref_squeeze %dma_wait3A_266 : memref<1x80x128xf32, #tpu.memory_space<vmem>> -> memref<80x128xf32, #tpu.memory_space<vmem>>
    tpu.wait_dma2 semaphore(%dma_wait3A_263 : memref<!tpu.dma_semaphore, #tpu.memory_space<semaphore_mem>>) src(%arg5 : memref<80x128xf32, #tpu.memory_space<hbm>>) dst(%dma_wait3A_267 : memref<80x128xf32, #tpu.memory_space<vmem>>)
    return
  }
}

#map = affine_map<(d0, d1) -> (0, 0)>
#map1 = affine_map<(d0, d1) -> (0, 0, 0)>
module attributes {stable_mosaic.version = 14 : i64} {
  func.func @body(%arg0: i32, %arg1: i32, %arg2: memref<10000x128xf32, #tpu.memory_space<hbm>>, %arg3: memref<800x5x80xi32, #tpu.memory_space<hbm>>, %arg4: memref<800x5x80xi32, #tpu.memory_space<hbm>>, %arg5: memref<80x128xf32, #tpu.memory_space<hbm>>, %arg6: memref<2x10240x128xf32, #tpu.memory_space<hbm>>, %arg7: memref<15x80xi32, #tpu.memory_space<vmem>>, %arg8: memref<15x80xi32, #tpu.memory_space<vmem>>, %arg9: memref<4x80x128xf32, #tpu.memory_space<vmem>>, %arg10: memref<10240x128xf32, #tpu.memory_space<vmem_shared>>, %arg11: memref<4x!tpu.dma_semaphore, #tpu.memory_space<semaphore_mem>>, %arg12: memref<4x!tpu.dma_semaphore, #tpu.memory_space<semaphore_mem>>, %arg13: memref<3x!tpu.dma_semaphore, #tpu.memory_space<semaphore_mem>>) attributes {dimension_semantics = [#tpu.dimension_semantics<core_parallel>, #tpu.dimension_semantics<subcore_parallel>], iteration_bounds = array<i64: 2, 16>, scalar_prefetch = 0 : i64, scratch_operands = 7 : i64, tpu.core_type = #tpu.core_type<sc_vector_subcore>, window_params = [{transform_indices = #map}, {transform_indices = #map1}, {transform_indices = #map1}, {transform_indices = #map}, {transform_indices = #map1}]} {
    %mul3A = arith.constant 640 : i32
    %mul3A_0 = arith.muli %arg1, %mul3A : i32
    %run_scoped3A = arith.constant 0 : i32
    "tpu.region"() ({
      %run_scoped3A_268 = tpu.sem_alloc : memref<!tpu.dma_semaphore, #tpu.memory_space<semaphore_mem>>
      %dma_start3A_269 = arith.constant 0 : i32
      %dma_start3A_270 = arith.constant 0 : i32
      %dma_start3A_271 = tpu.memref_slice %arg9[%run_scoped3A, %dma_start3A_269, %dma_start3A_270] : memref<4x80x128xf32, #tpu.memory_space<vmem>> -> memref<1x80x128xf32, #tpu.memory_space<vmem>>
      %dma_start3A_272 = tpu.memref_squeeze %dma_start3A_271 : memref<1x80x128xf32, #tpu.memory_space<vmem>> -> memref<80x128xf32, #tpu.memory_space<vmem>>
      %dma_start3A_273 = arith.constant 0 : i32
      %dma_start3A_274 = arith.constant 0 : i32
      %dma_start3A_275 = tpu.memref_slice %arg9[%run_scoped3A, %dma_start3A_273, %dma_start3A_274] : memref<4x80x128xf32, #tpu.memory_space<vmem>> -> memref<1x80x128xf32, #tpu.memory_space<vmem>>
      %dma_start3A_276 = tpu.memref_squeeze %dma_start3A_275 : memref<1x80x128xf32, #tpu.memory_space<vmem>> -> memref<80x128xf32, #tpu.memory_space<vmem>>
      tpu.enqueue_dma source(%arg5 : memref<80x128xf32, #tpu.memory_space<hbm>>) target(%dma_start3A_276 : memref<80x128xf32, #tpu.memory_space<vmem>>) target_semaphore(%run_scoped3A_268 : memref<!tpu.dma_semaphore, #tpu.memory_space<semaphore_mem>>)
      %dma_wait3A_277 = arith.constant 0 : i32
      %dma_wait3A_278 = arith.constant 0 : i32
      %dma_wait3A_279 = tpu.memref_slice %arg9[%run_scoped3A, %dma_wait3A_277, %dma_wait3A_278] : memref<4x80x128xf32, #tpu.memory_space<vmem>> -> memref<1x80x128xf32, #tpu.memory_space<vmem>>
      %dma_wait3A_280 = tpu.memref_squeeze %dma_wait3A_279 : memref<1x80x128xf32, #tpu.memory_space<vmem>> -> memref<80x128xf32, #tpu.memory_space<vmem>>
      %dma_wait3A_281 = arith.constant 0 : i32
      %dma_wait3A_282 = arith.constant 0 : i32
      %dma_wait3A_283 = tpu.memref_slice %arg9[%run_scoped3A, %dma_wait3A_281, %dma_wait3A_282] : memref<4x80x128xf32, #tpu.memory_space<vmem>> -> memref<1x80x128xf32, #tpu.memory_space<vmem>>
      %dma_wait3A_284 = tpu.memref_squeeze %dma_wait3A_283 : memref<1x80x128xf32, #tpu.memory_space<vmem>> -> memref<80x128xf32, #tpu.memory_space<vmem>>
      tpu.wait_dma2 semaphore(%run_scoped3A_268 : memref<!tpu.dma_semaphore, #tpu.memory_space<semaphore_mem>>) src(%arg5 : memref<80x128xf32, #tpu.memory_space<hbm>>) dst(%dma_wait3A_284 : memref<80x128xf32, #tpu.memory_space<vmem>>)
      tpu.yield
    }) : () -> ()
    %scan3A = arith.constant 0 : i32
    %scan3A_1 = arith.constant 0 : i32
    %scan3A_2 = arith.constant 8 : i32
    %scan3A_3 = arith.addi %scan3A_1, %scan3A_2 : i32
    %scan3A_4 = arith.constant 1 : i32
    scf.for %scan3A_268 = %scan3A_1 to %scan3A_3 step %scan3A_4  : i32 {
      %mul3A_269 = arith.constant 80 : i32
      %mul3A_270 = arith.muli %scan3A_268, %mul3A_269 : i32
      %add3A_271 = arith.addi %mul3A_0, %mul3A_270 : i32
      %dma_start3A_272 = arith.constant 0 : i32
      %dma_start3A_273 = arith.constant 0 : i32
      %dma_start3A_274 = arith.constant 0 : i32
      %dma_start3A_275 = arith.constant 0 : i32
      %dma_start3A_276 = tpu.memref_slice %arg9[%dma_start3A_272, %dma_start3A_274, %dma_start3A_275] : memref<4x80x128xf32, #tpu.memory_space<vmem>> -> memref<1x80x128xf32, #tpu.memory_space<vmem>>
      %dma_start3A_277 = tpu.memref_squeeze %dma_start3A_276 : memref<1x80x128xf32, #tpu.memory_space<vmem>> -> memref<80x128xf32, #tpu.memory_space<vmem>>
      %dma_start3A_278 = arith.constant 0 : i32
      %dma_start3A_279 = tpu.memref_slice %arg10[%add3A_271, %dma_start3A_278] : memref<10240x128xf32, #tpu.memory_space<vmem_shared>> -> memref<80x128xf32, #tpu.memory_space<vmem_shared>>
      %dma_start3A_280 = tpu.memref_slice %arg12[%dma_start3A_273] : memref<4x!tpu.dma_semaphore, #tpu.memory_space<semaphore_mem>> -> memref<1x!tpu.dma_semaphore, #tpu.memory_space<semaphore_mem>>
      %dma_start3A_281 = tpu.memref_squeeze %dma_start3A_280 : memref<1x!tpu.dma_semaphore, #tpu.memory_space<semaphore_mem>> -> memref<!tpu.dma_semaphore, #tpu.memory_space<semaphore_mem>>
      %dma_start3A_282 = arith.constant 0 : i32
      %dma_start3A_283 = tpu.memref_slice %arg10[%add3A_271, %dma_start3A_282] : memref<10240x128xf32, #tpu.memory_space<vmem_shared>> -> memref<80x128xf32, #tpu.memory_space<vmem_shared>>
      %dma_start3A_284 = arith.constant 0 : i32
      %dma_start3A_285 = arith.constant 0 : i32
      %dma_start3A_286 = tpu.memref_slice %arg9[%dma_start3A_272, %dma_start3A_284, %dma_start3A_285] : memref<4x80x128xf32, #tpu.memory_space<vmem>> -> memref<1x80x128xf32, #tpu.memory_space<vmem>>
      %dma_start3A_287 = tpu.memref_squeeze %dma_start3A_286 : memref<1x80x128xf32, #tpu.memory_space<vmem>> -> memref<80x128xf32, #tpu.memory_space<vmem>>
      tpu.enqueue_dma source(%dma_start3A_287 : memref<80x128xf32, #tpu.memory_space<vmem>>) target(%dma_start3A_283 : memref<80x128xf32, #tpu.memory_space<vmem_shared>>) target_semaphore(%dma_start3A_281 : memref<!tpu.dma_semaphore, #tpu.memory_space<semaphore_mem>>)
    }
    %scan3A_5 = arith.constant 8 : i32
    %scan3A_6 = arith.constant 0 : i32
    %scan3A_7 = arith.constant 0 : i32
    %scan3A_8 = arith.constant 8 : i32
    %scan3A_9 = arith.addi %scan3A_7, %scan3A_8 : i32
    %scan3A_10 = arith.constant 1 : i32
    scf.for %scan3A_268 = %scan3A_7 to %scan3A_9 step %scan3A_10  : i32 {
      %dma_wait3A_269 = arith.constant 0 : i32
      %dma_wait3A_270 = arith.constant 0 : i32
      %dma_wait3A_271 = arith.constant 0 : i32
      %dma_wait3A_272 = arith.constant 0 : i32
      %dma_wait3A_273 = tpu.memref_slice %arg9[%dma_wait3A_269, %dma_wait3A_271, %dma_wait3A_272] : memref<4x80x128xf32, #tpu.memory_space<vmem>> -> memref<1x80x128xf32, #tpu.memory_space<vmem>>
      %dma_wait3A_274 = tpu.memref_squeeze %dma_wait3A_273 : memref<1x80x128xf32, #tpu.memory_space<vmem>> -> memref<80x128xf32, #tpu.memory_space<vmem>>
      %dma_wait3A_275 = arith.constant 0 : i32
      %dma_wait3A_276 = tpu.memref_slice %arg10[%mul3A_0, %dma_wait3A_275] : memref<10240x128xf32, #tpu.memory_space<vmem_shared>> -> memref<80x128xf32, #tpu.memory_space<vmem_shared>>
      %dma_wait3A_277 = tpu.memref_slice %arg12[%dma_wait3A_270] : memref<4x!tpu.dma_semaphore, #tpu.memory_space<semaphore_mem>> -> memref<1x!tpu.dma_semaphore, #tpu.memory_space<semaphore_mem>>
      %dma_wait3A_278 = tpu.memref_squeeze %dma_wait3A_277 : memref<1x!tpu.dma_semaphore, #tpu.memory_space<semaphore_mem>> -> memref<!tpu.dma_semaphore, #tpu.memory_space<semaphore_mem>>
      %dma_wait3A_279 = arith.constant 0 : i32
      %dma_wait3A_280 = tpu.memref_slice %arg10[%mul3A_0, %dma_wait3A_279] : memref<10240x128xf32, #tpu.memory_space<vmem_shared>> -> memref<80x128xf32, #tpu.memory_space<vmem_shared>>
      %dma_wait3A_281 = arith.constant 0 : i32
      %dma_wait3A_282 = arith.constant 0 : i32
      %dma_wait3A_283 = tpu.memref_slice %arg9[%dma_wait3A_269, %dma_wait3A_281, %dma_wait3A_282] : memref<4x80x128xf32, #tpu.memory_space<vmem>> -> memref<1x80x128xf32, #tpu.memory_space<vmem>>
      %dma_wait3A_284 = tpu.memref_squeeze %dma_wait3A_283 : memref<1x80x128xf32, #tpu.memory_space<vmem>> -> memref<80x128xf32, #tpu.memory_space<vmem>>
      tpu.wait_dma2 semaphore(%dma_wait3A_278 : memref<!tpu.dma_semaphore, #tpu.memory_space<semaphore_mem>>) src(%dma_wait3A_284 : memref<80x128xf32, #tpu.memory_space<vmem>>) dst(%dma_wait3A_280 : memref<80x128xf32, #tpu.memory_space<vmem_shared>>)
    }
    %scan3A_11 = arith.constant 8 : i32
    %mul3A_12 = arith.constant 16 : i32
    %mul3A_13 = arith.muli %arg0, %mul3A_12 : i32
    %add3A = arith.addi %mul3A_13, %arg1 : i32
    %barrier3A = arith.constant 0 : index
    tpu.barrier barrier_id(%barrier3A)
    %broadcast_in_dim3A = arith.constant 1.000000e+00 : f32
    %broadcast_in_dim3A_14 = vector.broadcast %broadcast_in_dim3A : f32 to vector<16xf32>
    %mul3A_15 = arith.constant 25 : i32
    %mul3A_16 = arith.muli %add3A, %mul3A_15 : i32
    %add3A_17 = arith.constant 0 : i32
    %add3A_18 = arith.addi %mul3A_16, %add3A_17 : i32
    %dma_start3A = arith.constant 0 : i32
    %dma_start3A_19 = arith.constant 0 : i32
    %dma_start3A_20 = arith.constant 0 : i32
    %dma_start3A_21 = tpu.memref_slice %arg7[%dma_start3A_19, %dma_start3A_20] : memref<15x80xi32, #tpu.memory_space<vmem>> -> memref<5x80xi32, #tpu.memory_space<vmem>>
    %dma_start3A_22 = arith.constant 0 : i32
    %dma_start3A_23 = arith.constant 0 : i32
    %dma_start3A_24 = tpu.memref_slice %arg3[%add3A_18, %dma_start3A_22, %dma_start3A_23] : memref<800x5x80xi32, #tpu.memory_space<hbm>> -> memref<1x5x80xi32, #tpu.memory_space<hbm>>
    %dma_start3A_25 = tpu.memref_squeeze %dma_start3A_24 : memref<1x5x80xi32, #tpu.memory_space<hbm>> -> memref<5x80xi32, #tpu.memory_space<hbm>>
    %dma_start3A_26 = tpu.memref_slice %arg13[%dma_start3A] : memref<3x!tpu.dma_semaphore, #tpu.memory_space<semaphore_mem>> -> memref<1x!tpu.dma_semaphore, #tpu.memory_space<semaphore_mem>>
    %dma_start3A_27 = tpu.memref_squeeze %dma_start3A_26 : memref<1x!tpu.dma_semaphore, #tpu.memory_space<semaphore_mem>> -> memref<!tpu.dma_semaphore, #tpu.memory_space<semaphore_mem>>
    %dma_start3A_28 = arith.constant 0 : i32
    %dma_start3A_29 = arith.constant 0 : i32
    %dma_start3A_30 = tpu.memref_slice %arg7[%dma_start3A_28, %dma_start3A_29] : memref<15x80xi32, #tpu.memory_space<vmem>> -> memref<5x80xi32, #tpu.memory_space<vmem>>
    %dma_start3A_31 = arith.constant 0 : i32
    %dma_start3A_32 = arith.constant 0 : i32
    %dma_start3A_33 = tpu.memref_slice %arg3[%add3A_18, %dma_start3A_31, %dma_start3A_32] : memref<800x5x80xi32, #tpu.memory_space<hbm>> -> memref<1x5x80xi32, #tpu.memory_space<hbm>>
    %dma_start3A_34 = tpu.memref_squeeze %dma_start3A_33 : memref<1x5x80xi32, #tpu.memory_space<hbm>> -> memref<5x80xi32, #tpu.memory_space<hbm>>
    tpu.enqueue_dma source(%dma_start3A_34 : memref<5x80xi32, #tpu.memory_space<hbm>>) target(%dma_start3A_30 : memref<5x80xi32, #tpu.memory_space<vmem>>) target_semaphore(%dma_start3A_27 : memref<!tpu.dma_semaphore, #tpu.memory_space<semaphore_mem>>)
    %mul3A_35 = arith.constant 25 : i32
    %mul3A_36 = arith.muli %add3A, %mul3A_35 : i32
    %add3A_37 = arith.constant 0 : i32
    %add3A_38 = arith.addi %mul3A_36, %add3A_37 : i32
    %dma_start3A_39 = arith.constant 0 : i32
    %dma_start3A_40 = arith.constant 0 : i32
    %dma_start3A_41 = arith.constant 0 : i32
    %dma_start3A_42 = tpu.memref_slice %arg8[%dma_start3A_40, %dma_start3A_41] : memref<15x80xi32, #tpu.memory_space<vmem>> -> memref<5x80xi32, #tpu.memory_space<vmem>>
    %dma_start3A_43 = arith.constant 0 : i32
    %dma_start3A_44 = arith.constant 0 : i32
    %dma_start3A_45 = tpu.memref_slice %arg4[%add3A_38, %dma_start3A_43, %dma_start3A_44] : memref<800x5x80xi32, #tpu.memory_space<hbm>> -> memref<1x5x80xi32, #tpu.memory_space<hbm>>
    %dma_start3A_46 = tpu.memref_squeeze %dma_start3A_45 : memref<1x5x80xi32, #tpu.memory_space<hbm>> -> memref<5x80xi32, #tpu.memory_space<hbm>>
    %dma_start3A_47 = tpu.memref_slice %arg13[%dma_start3A_39] : memref<3x!tpu.dma_semaphore, #tpu.memory_space<semaphore_mem>> -> memref<1x!tpu.dma_semaphore, #tpu.memory_space<semaphore_mem>>
    %dma_start3A_48 = tpu.memref_squeeze %dma_start3A_47 : memref<1x!tpu.dma_semaphore, #tpu.memory_space<semaphore_mem>> -> memref<!tpu.dma_semaphore, #tpu.memory_space<semaphore_mem>>
    %dma_start3A_49 = arith.constant 0 : i32
    %dma_start3A_50 = arith.constant 0 : i32
    %dma_start3A_51 = tpu.memref_slice %arg8[%dma_start3A_49, %dma_start3A_50] : memref<15x80xi32, #tpu.memory_space<vmem>> -> memref<5x80xi32, #tpu.memory_space<vmem>>
    %dma_start3A_52 = arith.constant 0 : i32
    %dma_start3A_53 = arith.constant 0 : i32
    %dma_start3A_54 = tpu.memref_slice %arg4[%add3A_38, %dma_start3A_52, %dma_start3A_53] : memref<800x5x80xi32, #tpu.memory_space<hbm>> -> memref<1x5x80xi32, #tpu.memory_space<hbm>>
    %dma_start3A_55 = tpu.memref_squeeze %dma_start3A_54 : memref<1x5x80xi32, #tpu.memory_space<hbm>> -> memref<5x80xi32, #tpu.memory_space<hbm>>
    tpu.enqueue_dma source(%dma_start3A_55 : memref<5x80xi32, #tpu.memory_space<hbm>>) target(%dma_start3A_51 : memref<5x80xi32, #tpu.memory_space<vmem>>) target_semaphore(%dma_start3A_48 : memref<!tpu.dma_semaphore, #tpu.memory_space<semaphore_mem>>)
    %mul3A_56 = arith.constant 25 : i32
    %mul3A_57 = arith.muli %add3A, %mul3A_56 : i32
    %dma_wait3A = arith.constant 0 : i32
    %dma_wait3A_58 = arith.constant 0 : i32
    %dma_wait3A_59 = arith.constant 0 : i32
    %dma_wait3A_60 = tpu.memref_slice %arg7[%dma_wait3A_58, %dma_wait3A_59] : memref<15x80xi32, #tpu.memory_space<vmem>> -> memref<5x80xi32, #tpu.memory_space<vmem>>
    %dma_wait3A_61 = arith.constant 0 : i32
    %dma_wait3A_62 = arith.constant 0 : i32
    %dma_wait3A_63 = tpu.memref_slice %arg3[%mul3A_57, %dma_wait3A_61, %dma_wait3A_62] : memref<800x5x80xi32, #tpu.memory_space<hbm>> -> memref<1x5x80xi32, #tpu.memory_space<hbm>>
    %dma_wait3A_64 = tpu.memref_squeeze %dma_wait3A_63 : memref<1x5x80xi32, #tpu.memory_space<hbm>> -> memref<5x80xi32, #tpu.memory_space<hbm>>
    %dma_wait3A_65 = tpu.memref_slice %arg13[%dma_wait3A] : memref<3x!tpu.dma_semaphore, #tpu.memory_space<semaphore_mem>> -> memref<1x!tpu.dma_semaphore, #tpu.memory_space<semaphore_mem>>
    %dma_wait3A_66 = tpu.memref_squeeze %dma_wait3A_65 : memref<1x!tpu.dma_semaphore, #tpu.memory_space<semaphore_mem>> -> memref<!tpu.dma_semaphore, #tpu.memory_space<semaphore_mem>>
    %dma_wait3A_67 = arith.constant 0 : i32
    %dma_wait3A_68 = arith.constant 0 : i32
    %dma_wait3A_69 = tpu.memref_slice %arg7[%dma_wait3A_67, %dma_wait3A_68] : memref<15x80xi32, #tpu.memory_space<vmem>> -> memref<5x80xi32, #tpu.memory_space<vmem>>
    %dma_wait3A_70 = arith.constant 0 : i32
    %dma_wait3A_71 = arith.constant 0 : i32
    %dma_wait3A_72 = tpu.memref_slice %arg3[%mul3A_57, %dma_wait3A_70, %dma_wait3A_71] : memref<800x5x80xi32, #tpu.memory_space<hbm>> -> memref<1x5x80xi32, #tpu.memory_space<hbm>>
    %dma_wait3A_73 = tpu.memref_squeeze %dma_wait3A_72 : memref<1x5x80xi32, #tpu.memory_space<hbm>> -> memref<5x80xi32, #tpu.memory_space<hbm>>
    tpu.wait_dma2 semaphore(%dma_wait3A_66 : memref<!tpu.dma_semaphore, #tpu.memory_space<semaphore_mem>>) src(%dma_wait3A_73 : memref<5x80xi32, #tpu.memory_space<hbm>>) dst(%dma_wait3A_69 : memref<5x80xi32, #tpu.memory_space<vmem>>)
    %mul3A_74 = arith.constant 25 : i32
    %mul3A_75 = arith.muli %add3A, %mul3A_74 : i32
    %dma_wait3A_76 = arith.constant 0 : i32
    %dma_wait3A_77 = arith.constant 0 : i32
    %dma_wait3A_78 = arith.constant 0 : i32
    %dma_wait3A_79 = tpu.memref_slice %arg8[%dma_wait3A_77, %dma_wait3A_78] : memref<15x80xi32, #tpu.memory_space<vmem>> -> memref<5x80xi32, #tpu.memory_space<vmem>>
    %dma_wait3A_80 = arith.constant 0 : i32
    %dma_wait3A_81 = arith.constant 0 : i32
    %dma_wait3A_82 = tpu.memref_slice %arg4[%mul3A_75, %dma_wait3A_80, %dma_wait3A_81] : memref<800x5x80xi32, #tpu.memory_space<hbm>> -> memref<1x5x80xi32, #tpu.memory_space<hbm>>
    %dma_wait3A_83 = tpu.memref_squeeze %dma_wait3A_82 : memref<1x5x80xi32, #tpu.memory_space<hbm>> -> memref<5x80xi32, #tpu.memory_space<hbm>>
    %dma_wait3A_84 = tpu.memref_slice %arg13[%dma_wait3A_76] : memref<3x!tpu.dma_semaphore, #tpu.memory_space<semaphore_mem>> -> memref<1x!tpu.dma_semaphore, #tpu.memory_space<semaphore_mem>>
    %dma_wait3A_85 = tpu.memref_squeeze %dma_wait3A_84 : memref<1x!tpu.dma_semaphore, #tpu.memory_space<semaphore_mem>> -> memref<!tpu.dma_semaphore, #tpu.memory_space<semaphore_mem>>
    %dma_wait3A_86 = arith.constant 0 : i32
    %dma_wait3A_87 = arith.constant 0 : i32
    %dma_wait3A_88 = tpu.memref_slice %arg8[%dma_wait3A_86, %dma_wait3A_87] : memref<15x80xi32, #tpu.memory_space<vmem>> -> memref<5x80xi32, #tpu.memory_space<vmem>>
    %dma_wait3A_89 = arith.constant 0 : i32
    %dma_wait3A_90 = arith.constant 0 : i32
    %dma_wait3A_91 = tpu.memref_slice %arg4[%mul3A_75, %dma_wait3A_89, %dma_wait3A_90] : memref<800x5x80xi32, #tpu.memory_space<hbm>> -> memref<1x5x80xi32, #tpu.memory_space<hbm>>
    %dma_wait3A_92 = tpu.memref_squeeze %dma_wait3A_91 : memref<1x5x80xi32, #tpu.memory_space<hbm>> -> memref<5x80xi32, #tpu.memory_space<hbm>>
    tpu.wait_dma2 semaphore(%dma_wait3A_85 : memref<!tpu.dma_semaphore, #tpu.memory_space<semaphore_mem>>) src(%dma_wait3A_92 : memref<5x80xi32, #tpu.memory_space<hbm>>) dst(%dma_wait3A_88 : memref<5x80xi32, #tpu.memory_space<vmem>>)
    %mul3A_93 = arith.constant 25 : i32
    %mul3A_94 = arith.muli %add3A, %mul3A_93 : i32
    %add3A_95 = arith.constant 1 : i32
    %add3A_96 = arith.addi %mul3A_94, %add3A_95 : i32
    %dma_start3A_97 = arith.constant 1 : i32
    %dma_start3A_98 = arith.constant 5 : i32
    %dma_start3A_99 = arith.constant 0 : i32
    %dma_start3A_100 = tpu.memref_slice %arg7[%dma_start3A_98, %dma_start3A_99] : memref<15x80xi32, #tpu.memory_space<vmem>> -> memref<5x80xi32, #tpu.memory_space<vmem>>
    %dma_start3A_101 = arith.constant 0 : i32
    %dma_start3A_102 = arith.constant 0 : i32
    %dma_start3A_103 = tpu.memref_slice %arg3[%add3A_96, %dma_start3A_101, %dma_start3A_102] : memref<800x5x80xi32, #tpu.memory_space<hbm>> -> memref<1x5x80xi32, #tpu.memory_space<hbm>>
    %dma_start3A_104 = tpu.memref_squeeze %dma_start3A_103 : memref<1x5x80xi32, #tpu.memory_space<hbm>> -> memref<5x80xi32, #tpu.memory_space<hbm>>
    %dma_start3A_105 = tpu.memref_slice %arg13[%dma_start3A_97] : memref<3x!tpu.dma_semaphore, #tpu.memory_space<semaphore_mem>> -> memref<1x!tpu.dma_semaphore, #tpu.memory_space<semaphore_mem>>
    %dma_start3A_106 = tpu.memref_squeeze %dma_start3A_105 : memref<1x!tpu.dma_semaphore, #tpu.memory_space<semaphore_mem>> -> memref<!tpu.dma_semaphore, #tpu.memory_space<semaphore_mem>>
    %dma_start3A_107 = arith.constant 5 : i32
    %dma_start3A_108 = arith.constant 0 : i32
    %dma_start3A_109 = tpu.memref_slice %arg7[%dma_start3A_107, %dma_start3A_108] : memref<15x80xi32, #tpu.memory_space<vmem>> -> memref<5x80xi32, #tpu.memory_space<vmem>>
    %dma_start3A_110 = arith.constant 0 : i32
    %dma_start3A_111 = arith.constant 0 : i32
    %dma_start3A_112 = tpu.memref_slice %arg3[%add3A_96, %dma_start3A_110, %dma_start3A_111] : memref<800x5x80xi32, #tpu.memory_space<hbm>> -> memref<1x5x80xi32, #tpu.memory_space<hbm>>
    %dma_start3A_113 = tpu.memref_squeeze %dma_start3A_112 : memref<1x5x80xi32, #tpu.memory_space<hbm>> -> memref<5x80xi32, #tpu.memory_space<hbm>>
    tpu.enqueue_dma source(%dma_start3A_113 : memref<5x80xi32, #tpu.memory_space<hbm>>) target(%dma_start3A_109 : memref<5x80xi32, #tpu.memory_space<vmem>>) target_semaphore(%dma_start3A_106 : memref<!tpu.dma_semaphore, #tpu.memory_space<semaphore_mem>>)
    %mul3A_114 = arith.constant 25 : i32
    %mul3A_115 = arith.muli %add3A, %mul3A_114 : i32
    %add3A_116 = arith.constant 1 : i32
    %add3A_117 = arith.addi %mul3A_115, %add3A_116 : i32
    %dma_start3A_118 = arith.constant 1 : i32
    %dma_start3A_119 = arith.constant 5 : i32
    %dma_start3A_120 = arith.constant 0 : i32
    %dma_start3A_121 = tpu.memref_slice %arg8[%dma_start3A_119, %dma_start3A_120] : memref<15x80xi32, #tpu.memory_space<vmem>> -> memref<5x80xi32, #tpu.memory_space<vmem>>
    %dma_start3A_122 = arith.constant 0 : i32
    %dma_start3A_123 = arith.constant 0 : i32
    %dma_start3A_124 = tpu.memref_slice %arg4[%add3A_117, %dma_start3A_122, %dma_start3A_123] : memref<800x5x80xi32, #tpu.memory_space<hbm>> -> memref<1x5x80xi32, #tpu.memory_space<hbm>>
    %dma_start3A_125 = tpu.memref_squeeze %dma_start3A_124 : memref<1x5x80xi32, #tpu.memory_space<hbm>> -> memref<5x80xi32, #tpu.memory_space<hbm>>
    %dma_start3A_126 = tpu.memref_slice %arg13[%dma_start3A_118] : memref<3x!tpu.dma_semaphore, #tpu.memory_space<semaphore_mem>> -> memref<1x!tpu.dma_semaphore, #tpu.memory_space<semaphore_mem>>
    %dma_start3A_127 = tpu.memref_squeeze %dma_start3A_126 : memref<1x!tpu.dma_semaphore, #tpu.memory_space<semaphore_mem>> -> memref<!tpu.dma_semaphore, #tpu.memory_space<semaphore_mem>>
    %dma_start3A_128 = arith.constant 5 : i32
    %dma_start3A_129 = arith.constant 0 : i32
    %dma_start3A_130 = tpu.memref_slice %arg8[%dma_start3A_128, %dma_start3A_129] : memref<15x80xi32, #tpu.memory_space<vmem>> -> memref<5x80xi32, #tpu.memory_space<vmem>>
    %dma_start3A_131 = arith.constant 0 : i32
    %dma_start3A_132 = arith.constant 0 : i32
    %dma_start3A_133 = tpu.memref_slice %arg4[%add3A_117, %dma_start3A_131, %dma_start3A_132] : memref<800x5x80xi32, #tpu.memory_space<hbm>> -> memref<1x5x80xi32, #tpu.memory_space<hbm>>
    %dma_start3A_134 = tpu.memref_squeeze %dma_start3A_133 : memref<1x5x80xi32, #tpu.memory_space<hbm>> -> memref<5x80xi32, #tpu.memory_space<hbm>>
    tpu.enqueue_dma source(%dma_start3A_134 : memref<5x80xi32, #tpu.memory_space<hbm>>) target(%dma_start3A_130 : memref<5x80xi32, #tpu.memory_space<vmem>>) target_semaphore(%dma_start3A_127 : memref<!tpu.dma_semaphore, #tpu.memory_space<semaphore_mem>>)
    %mul3A_135 = arith.constant 25 : i32
    %mul3A_136 = arith.muli %add3A, %mul3A_135 : i32
    %add3A_137 = arith.constant 2 : i32
    %add3A_138 = arith.addi %mul3A_136, %add3A_137 : i32
    %dma_start3A_139 = arith.constant 2 : i32
    %dma_start3A_140 = arith.constant 10 : i32
    %dma_start3A_141 = arith.constant 0 : i32
    %dma_start3A_142 = tpu.memref_slice %arg7[%dma_start3A_140, %dma_start3A_141] : memref<15x80xi32, #tpu.memory_space<vmem>> -> memref<5x80xi32, #tpu.memory_space<vmem>>
    %dma_start3A_143 = arith.constant 0 : i32
    %dma_start3A_144 = arith.constant 0 : i32
    %dma_start3A_145 = tpu.memref_slice %arg3[%add3A_138, %dma_start3A_143, %dma_start3A_144] : memref<800x5x80xi32, #tpu.memory_space<hbm>> -> memref<1x5x80xi32, #tpu.memory_space<hbm>>
    %dma_start3A_146 = tpu.memref_squeeze %dma_start3A_145 : memref<1x5x80xi32, #tpu.memory_space<hbm>> -> memref<5x80xi32, #tpu.memory_space<hbm>>
    %dma_start3A_147 = tpu.memref_slice %arg13[%dma_start3A_139] : memref<3x!tpu.dma_semaphore, #tpu.memory_space<semaphore_mem>> -> memref<1x!tpu.dma_semaphore, #tpu.memory_space<semaphore_mem>>
    %dma_start3A_148 = tpu.memref_squeeze %dma_start3A_147 : memref<1x!tpu.dma_semaphore, #tpu.memory_space<semaphore_mem>> -> memref<!tpu.dma_semaphore, #tpu.memory_space<semaphore_mem>>
    %dma_start3A_149 = arith.constant 10 : i32
    %dma_start3A_150 = arith.constant 0 : i32
    %dma_start3A_151 = tpu.memref_slice %arg7[%dma_start3A_149, %dma_start3A_150] : memref<15x80xi32, #tpu.memory_space<vmem>> -> memref<5x80xi32, #tpu.memory_space<vmem>>
    %dma_start3A_152 = arith.constant 0 : i32
    %dma_start3A_153 = arith.constant 0 : i32
    %dma_start3A_154 = tpu.memref_slice %arg3[%add3A_138, %dma_start3A_152, %dma_start3A_153] : memref<800x5x80xi32, #tpu.memory_space<hbm>> -> memref<1x5x80xi32, #tpu.memory_space<hbm>>
    %dma_start3A_155 = tpu.memref_squeeze %dma_start3A_154 : memref<1x5x80xi32, #tpu.memory_space<hbm>> -> memref<5x80xi32, #tpu.memory_space<hbm>>
    tpu.enqueue_dma source(%dma_start3A_155 : memref<5x80xi32, #tpu.memory_space<hbm>>) target(%dma_start3A_151 : memref<5x80xi32, #tpu.memory_space<vmem>>) target_semaphore(%dma_start3A_148 : memref<!tpu.dma_semaphore, #tpu.memory_space<semaphore_mem>>)
    %mul3A_156 = arith.constant 25 : i32
    %mul3A_157 = arith.muli %add3A, %mul3A_156 : i32
    %add3A_158 = arith.constant 2 : i32
    %add3A_159 = arith.addi %mul3A_157, %add3A_158 : i32
    %dma_start3A_160 = arith.constant 2 : i32
    %dma_start3A_161 = arith.constant 10 : i32
    %dma_start3A_162 = arith.constant 0 : i32
    %dma_start3A_163 = tpu.memref_slice %arg8[%dma_start3A_161, %dma_start3A_162] : memref<15x80xi32, #tpu.memory_space<vmem>> -> memref<5x80xi32, #tpu.memory_space<vmem>>
    %dma_start3A_164 = arith.constant 0 : i32
    %dma_start3A_165 = arith.constant 0 : i32
    %dma_start3A_166 = tpu.memref_slice %arg4[%add3A_159, %dma_start3A_164, %dma_start3A_165] : memref<800x5x80xi32, #tpu.memory_space<hbm>> -> memref<1x5x80xi32, #tpu.memory_space<hbm>>
    %dma_start3A_167 = tpu.memref_squeeze %dma_start3A_166 : memref<1x5x80xi32, #tpu.memory_space<hbm>> -> memref<5x80xi32, #tpu.memory_space<hbm>>
    %dma_start3A_168 = tpu.memref_slice %arg13[%dma_start3A_160] : memref<3x!tpu.dma_semaphore, #tpu.memory_space<semaphore_mem>> -> memref<1x!tpu.dma_semaphore, #tpu.memory_space<semaphore_mem>>
    %dma_start3A_169 = tpu.memref_squeeze %dma_start3A_168 : memref<1x!tpu.dma_semaphore, #tpu.memory_space<semaphore_mem>> -> memref<!tpu.dma_semaphore, #tpu.memory_space<semaphore_mem>>
    %dma_start3A_170 = arith.constant 10 : i32
    %dma_start3A_171 = arith.constant 0 : i32
    %dma_start3A_172 = tpu.memref_slice %arg8[%dma_start3A_170, %dma_start3A_171] : memref<15x80xi32, #tpu.memory_space<vmem>> -> memref<5x80xi32, #tpu.memory_space<vmem>>
    %dma_start3A_173 = arith.constant 0 : i32
    %dma_start3A_174 = arith.constant 0 : i32
    %dma_start3A_175 = tpu.memref_slice %arg4[%add3A_159, %dma_start3A_173, %dma_start3A_174] : memref<800x5x80xi32, #tpu.memory_space<hbm>> -> memref<1x5x80xi32, #tpu.memory_space<hbm>>
    %dma_start3A_176 = tpu.memref_squeeze %dma_start3A_175 : memref<1x5x80xi32, #tpu.memory_space<hbm>> -> memref<5x80xi32, #tpu.memory_space<hbm>>
    tpu.enqueue_dma source(%dma_start3A_176 : memref<5x80xi32, #tpu.memory_space<hbm>>) target(%dma_start3A_172 : memref<5x80xi32, #tpu.memory_space<vmem>>) target_semaphore(%dma_start3A_169 : memref<!tpu.dma_semaphore, #tpu.memory_space<semaphore_mem>>)
    %dma_start3A_177 = arith.constant 0 : i32
    %dma_start3A_178 = arith.constant 0 : i32
    %dma_start3A_179 = arith.constant 0 : i32
    %dma_start3A_180 = arith.constant 0 : i32
    %dma_start3A_181 = arith.constant 0 : i32
    %dma_start3A_182 = tpu.memref_slice %arg9[%dma_start3A_178, %dma_start3A_180, %dma_start3A_181] : memref<4x80x128xf32, #tpu.memory_space<vmem>> -> memref<1x80x128xf32, #tpu.memory_space<vmem>>
    %dma_start3A_183 = tpu.memref_squeeze %dma_start3A_182 : memref<1x80x128xf32, #tpu.memory_space<vmem>> -> memref<80x128xf32, #tpu.memory_space<vmem>>
    %dma_start3A_184 = arith.constant 0 : i32
    %dma_start3A_185 = tpu.memref_slice %arg7[%dma_start3A_177, %dma_start3A_184] : memref<15x80xi32, #tpu.memory_space<vmem>> -> memref<1x80xi32, #tpu.memory_space<vmem>>
    %dma_start3A_186 = tpu.memref_squeeze %dma_start3A_185 : memref<1x80xi32, #tpu.memory_space<vmem>> -> memref<80xi32, #tpu.memory_space<vmem>>
    %dma_start3A_187 = arith.constant 0 : i32
    %dma_start3A_188 = arith.constant 0 : i32
    %dma_start3A_189 = tpu.memref_slice %arg2[%dma_start3A_187, %dma_start3A_188] : memref<10000x128xf32, #tpu.memory_space<hbm>> -> memref<10000x128xf32, #tpu.memory_space<hbm>>
    %dma_start3A_190 = tpu.memref_slice %arg11[%dma_start3A_179] : memref<4x!tpu.dma_semaphore, #tpu.memory_space<semaphore_mem>> -> memref<1x!tpu.dma_semaphore, #tpu.memory_space<semaphore_mem>>
    %dma_start3A_191 = tpu.memref_squeeze %dma_start3A_190 : memref<1x!tpu.dma_semaphore, #tpu.memory_space<semaphore_mem>> -> memref<!tpu.dma_semaphore, #tpu.memory_space<semaphore_mem>>
    tpu.enqueue_indirect_dma source(%dma_start3A_189 : memref<10000x128xf32, #tpu.memory_space<hbm>>) target(%dma_start3A_183 : memref<80x128xf32, #tpu.memory_space<vmem>>) offsets(%dma_start3A_186 : memref<80xi32, #tpu.memory_space<vmem>>) semaphore(%dma_start3A_191 : memref<!tpu.dma_semaphore, #tpu.memory_space<semaphore_mem>>)
    %dma_start3A_192 = arith.constant 1 : i32
    %dma_start3A_193 = arith.constant 1 : i32
    %dma_start3A_194 = arith.constant 1 : i32
    %dma_start3A_195 = arith.constant 0 : i32
    %dma_start3A_196 = arith.constant 0 : i32
    %dma_start3A_197 = tpu.memref_slice %arg9[%dma_start3A_193, %dma_start3A_195, %dma_start3A_196] : memref<4x80x128xf32, #tpu.memory_space<vmem>> -> memref<1x80x128xf32, #tpu.memory_space<vmem>>
    %dma_start3A_198 = tpu.memref_squeeze %dma_start3A_197 : memref<1x80x128xf32, #tpu.memory_space<vmem>> -> memref<80x128xf32, #tpu.memory_space<vmem>>
    %dma_start3A_199 = arith.constant 0 : i32
    %dma_start3A_200 = tpu.memref_slice %arg7[%dma_start3A_192, %dma_start3A_199] : memref<15x80xi32, #tpu.memory_space<vmem>> -> memref<1x80xi32, #tpu.memory_space<vmem>>
    %dma_start3A_201 = tpu.memref_squeeze %dma_start3A_200 : memref<1x80xi32, #tpu.memory_space<vmem>> -> memref<80xi32, #tpu.memory_space<vmem>>
    %dma_start3A_202 = arith.constant 0 : i32
    %dma_start3A_203 = arith.constant 0 : i32
    %dma_start3A_204 = tpu.memref_slice %arg2[%dma_start3A_202, %dma_start3A_203] : memref<10000x128xf32, #tpu.memory_space<hbm>> -> memref<10000x128xf32, #tpu.memory_space<hbm>>
    %dma_start3A_205 = tpu.memref_slice %arg11[%dma_start3A_194] : memref<4x!tpu.dma_semaphore, #tpu.memory_space<semaphore_mem>> -> memref<1x!tpu.dma_semaphore, #tpu.memory_space<semaphore_mem>>
    %dma_start3A_206 = tpu.memref_squeeze %dma_start3A_205 : memref<1x!tpu.dma_semaphore, #tpu.memory_space<semaphore_mem>> -> memref<!tpu.dma_semaphore, #tpu.memory_space<semaphore_mem>>
    tpu.enqueue_indirect_dma source(%dma_start3A_204 : memref<10000x128xf32, #tpu.memory_space<hbm>>) target(%dma_start3A_198 : memref<80x128xf32, #tpu.memory_space<vmem>>) offsets(%dma_start3A_201 : memref<80xi32, #tpu.memory_space<vmem>>) semaphore(%dma_start3A_206 : memref<!tpu.dma_semaphore, #tpu.memory_space<semaphore_mem>>)
    %scan3A_207 = arith.constant 0 : i32
    %scan3A_208 = arith.constant 0 : i32
    %scan3A_209 = arith.constant 125 : i32
    %scan3A_210 = arith.addi %scan3A_208, %scan3A_209 : i32
    %scan3A_211 = arith.constant 1 : i32
    scf.for %scan3A_268 = %scan3A_208 to %scan3A_210 step %scan3A_211  : i32 {
      %rem3A = arith.constant 4 : i32
      %rem3A_269 = arith.remsi %scan3A_268, %rem3A : i32
      %add3A_270 = arith.constant 2 : i32
      %add3A_271 = arith.addi %scan3A_268, %add3A_270 : i32
      %rem3A_272 = arith.constant 4 : i32
      %rem3A_273 = arith.remsi %add3A_271, %rem3A_272 : i32
      %add3A_274 = arith.constant 2 : i32
      %add3A_275 = arith.addi %scan3A_268, %add3A_274 : i32
      %ge3A = arith.constant 2 : i32
      %ge3A_276 = arith.cmpi sge, %scan3A_268, %ge3A : i32
      %convert_element_type3A = arith.extui %ge3A_276 : i1 to i32
      %cond3A = arith.constant 0 : i32
      %cond3A_277 = arith.cmpi ne, %convert_element_type3A, %cond3A : i32
      scf.if %cond3A_277 {
        %dma_wait3A_350 = arith.constant 0 : i32
        %dma_wait3A_351 = arith.constant 0 : i32
        %dma_wait3A_352 = tpu.memref_slice %arg9[%rem3A_273, %dma_wait3A_350, %dma_wait3A_351] : memref<4x80x128xf32, #tpu.memory_space<vmem>> -> memref<1x80x128xf32, #tpu.memory_space<vmem>>
        %dma_wait3A_353 = tpu.memref_squeeze %dma_wait3A_352 : memref<1x80x128xf32, #tpu.memory_space<vmem>> -> memref<80x128xf32, #tpu.memory_space<vmem>>
        %dma_wait3A_354 = tpu.memref_slice %arg12[%rem3A_273] : memref<4x!tpu.dma_semaphore, #tpu.memory_space<semaphore_mem>> -> memref<1x!tpu.dma_semaphore, #tpu.memory_space<semaphore_mem>>
        %dma_wait3A_355 = tpu.memref_squeeze %dma_wait3A_354 : memref<1x!tpu.dma_semaphore, #tpu.memory_space<semaphore_mem>> -> memref<!tpu.dma_semaphore, #tpu.memory_space<semaphore_mem>>
        %dma_wait3A_356 = arith.constant 0 : i32
        %dma_wait3A_357 = arith.constant 0 : i32
        %dma_wait3A_358 = tpu.memref_slice %arg9[%rem3A_273, %dma_wait3A_356, %dma_wait3A_357] : memref<4x80x128xf32, #tpu.memory_space<vmem>> -> memref<1x80x128xf32, #tpu.memory_space<vmem>>
        %dma_wait3A_359 = tpu.memref_squeeze %dma_wait3A_358 : memref<1x80x128xf32, #tpu.memory_space<vmem>> -> memref<80x128xf32, #tpu.memory_space<vmem>>
        tpu.wait_dma2 semaphore(%dma_wait3A_355 : memref<!tpu.dma_semaphore, #tpu.memory_space<semaphore_mem>>) src(%arg5 : memref<80x128xf32, #tpu.memory_space<hbm>>) dst(%dma_wait3A_359 : memref<80x128xf32, #tpu.memory_space<vmem>>)
      } else {
      }
      %rem3A_278 = arith.constant 5 : i32
      %rem3A_279 = arith.remsi %add3A_275, %rem3A_278 : i32
      %eq3A = arith.constant 0 : i32
      %eq3A_280 = arith.cmpi eq, %rem3A_279, %eq3A : i32
      %lt3A = arith.constant 125 : i32
      %lt3A_281 = arith.cmpi slt, %add3A_275, %lt3A : i32
      %and3A = arith.andi %eq3A_280, %lt3A_281 : i1
      %convert_element_type3A_282 = arith.extui %and3A : i1 to i32
      %cond3A_283 = arith.constant 0 : i32
      %cond3A_284 = arith.cmpi ne, %convert_element_type3A_282, %cond3A_283 : i32
      scf.if %cond3A_284 {
        %jit3A_350 = arith.constant 5 : i32
        %div3A_351 = arith.divsi %add3A_275, %jit3A_350 : i32
        %sign3A_352 = arith.constant 0 : i32
        %sign3A_353 = arith.cmpi sgt, %add3A_275, %sign3A_352 : i32
        %sign3A_354 = arith.extui %sign3A_353 : i1 to i32
        %sign3A_355 = arith.constant 0 : i32
        %sign3A_356 = arith.cmpi slt, %add3A_275, %sign3A_355 : i32
        %sign3A_357 = arith.extui %sign3A_356 : i1 to i32
        %sign3A_358 = arith.subi %sign3A_354, %sign3A_357 : i32
        %sign3A_359 = arith.constant 0 : i32
        %sign3A_360 = arith.cmpi sgt, %jit3A_350, %sign3A_359 : i32
        %sign3A_361 = arith.extui %sign3A_360 : i1 to i32
        %sign3A_362 = arith.constant 0 : i32
        %sign3A_363 = arith.cmpi slt, %jit3A_350, %sign3A_362 : i32
        %sign3A_364 = arith.extui %sign3A_363 : i1 to i32
        %sign3A_365 = arith.subi %sign3A_361, %sign3A_364 : i32
        %ne3A_366 = arith.cmpi ne, %sign3A_358, %sign3A_365 : i32
        %rem3A_367 = arith.remsi %add3A_275, %jit3A_350 : i32
        %ne3A_368 = arith.constant 0 : i32
        %ne3A_369 = arith.cmpi ne, %rem3A_367, %ne3A_368 : i32
        %and3A_370 = arith.andi %ne3A_366, %ne3A_369 : i1
        %sub3A_371 = arith.constant 1 : i32
        %sub3A_372 = arith.subi %div3A_351, %sub3A_371 : i32
        %select_n3A_373 = arith.select %and3A_370, %sub3A_372, %div3A_351 : i32
        %rem3A_374 = arith.constant 3 : i32
        %rem3A_375 = arith.remsi %select_n3A_373, %rem3A_374 : i32
        %mul3A_376 = arith.constant 25 : i32
        %mul3A_377 = arith.muli %add3A, %mul3A_376 : i32
        %mul3A_378 = arith.constant 5 : i32
        %mul3A_379 = arith.muli %rem3A_375, %mul3A_378 : i32
        %dma_wait3A_380 = arith.constant 0 : i32
        %dma_wait3A_381 = tpu.memref_slice %arg7[%mul3A_379, %dma_wait3A_380] : memref<15x80xi32, #tpu.memory_space<vmem>> -> memref<5x80xi32, #tpu.memory_space<vmem>>
        %dma_wait3A_382 = arith.constant 0 : i32
        %dma_wait3A_383 = arith.constant 0 : i32
        %dma_wait3A_384 = tpu.memref_slice %arg3[%mul3A_377, %dma_wait3A_382, %dma_wait3A_383] : memref<800x5x80xi32, #tpu.memory_space<hbm>> -> memref<1x5x80xi32, #tpu.memory_space<hbm>>
        %dma_wait3A_385 = tpu.memref_squeeze %dma_wait3A_384 : memref<1x5x80xi32, #tpu.memory_space<hbm>> -> memref<5x80xi32, #tpu.memory_space<hbm>>
        %dma_wait3A_386 = tpu.memref_slice %arg13[%rem3A_375] : memref<3x!tpu.dma_semaphore, #tpu.memory_space<semaphore_mem>> -> memref<1x!tpu.dma_semaphore, #tpu.memory_space<semaphore_mem>>
        %dma_wait3A_387 = tpu.memref_squeeze %dma_wait3A_386 : memref<1x!tpu.dma_semaphore, #tpu.memory_space<semaphore_mem>> -> memref<!tpu.dma_semaphore, #tpu.memory_space<semaphore_mem>>
        %dma_wait3A_388 = arith.constant 0 : i32
        %dma_wait3A_389 = tpu.memref_slice %arg7[%mul3A_379, %dma_wait3A_388] : memref<15x80xi32, #tpu.memory_space<vmem>> -> memref<5x80xi32, #tpu.memory_space<vmem>>
        %dma_wait3A_390 = arith.constant 0 : i32
        %dma_wait3A_391 = arith.constant 0 : i32
        %dma_wait3A_392 = tpu.memref_slice %arg3[%mul3A_377, %dma_wait3A_390, %dma_wait3A_391] : memref<800x5x80xi32, #tpu.memory_space<hbm>> -> memref<1x5x80xi32, #tpu.memory_space<hbm>>
        %dma_wait3A_393 = tpu.memref_squeeze %dma_wait3A_392 : memref<1x5x80xi32, #tpu.memory_space<hbm>> -> memref<5x80xi32, #tpu.memory_space<hbm>>
        tpu.wait_dma2 semaphore(%dma_wait3A_387 : memref<!tpu.dma_semaphore, #tpu.memory_space<semaphore_mem>>) src(%dma_wait3A_393 : memref<5x80xi32, #tpu.memory_space<hbm>>) dst(%dma_wait3A_389 : memref<5x80xi32, #tpu.memory_space<vmem>>)
        %mul3A_394 = arith.constant 25 : i32
        %mul3A_395 = arith.muli %add3A, %mul3A_394 : i32
        %mul3A_396 = arith.constant 5 : i32
        %mul3A_397 = arith.muli %rem3A_375, %mul3A_396 : i32
        %dma_wait3A_398 = arith.constant 0 : i32
        %dma_wait3A_399 = tpu.memref_slice %arg8[%mul3A_397, %dma_wait3A_398] : memref<15x80xi32, #tpu.memory_space<vmem>> -> memref<5x80xi32, #tpu.memory_space<vmem>>
        %dma_wait3A_400 = arith.constant 0 : i32
        %dma_wait3A_401 = arith.constant 0 : i32
        %dma_wait3A_402 = tpu.memref_slice %arg4[%mul3A_395, %dma_wait3A_400, %dma_wait3A_401] : memref<800x5x80xi32, #tpu.memory_space<hbm>> -> memref<1x5x80xi32, #tpu.memory_space<hbm>>
        %dma_wait3A_403 = tpu.memref_squeeze %dma_wait3A_402 : memref<1x5x80xi32, #tpu.memory_space<hbm>> -> memref<5x80xi32, #tpu.memory_space<hbm>>
        %dma_wait3A_404 = tpu.memref_slice %arg13[%rem3A_375] : memref<3x!tpu.dma_semaphore, #tpu.memory_space<semaphore_mem>> -> memref<1x!tpu.dma_semaphore, #tpu.memory_space<semaphore_mem>>
        %dma_wait3A_405 = tpu.memref_squeeze %dma_wait3A_404 : memref<1x!tpu.dma_semaphore, #tpu.memory_space<semaphore_mem>> -> memref<!tpu.dma_semaphore, #tpu.memory_space<semaphore_mem>>
        %dma_wait3A_406 = arith.constant 0 : i32
        %dma_wait3A_407 = tpu.memref_slice %arg8[%mul3A_397, %dma_wait3A_406] : memref<15x80xi32, #tpu.memory_space<vmem>> -> memref<5x80xi32, #tpu.memory_space<vmem>>
        %dma_wait3A_408 = arith.constant 0 : i32
        %dma_wait3A_409 = arith.constant 0 : i32
        %dma_wait3A_410 = tpu.memref_slice %arg4[%mul3A_395, %dma_wait3A_408, %dma_wait3A_409] : memref<800x5x80xi32, #tpu.memory_space<hbm>> -> memref<1x5x80xi32, #tpu.memory_space<hbm>>
        %dma_wait3A_411 = tpu.memref_squeeze %dma_wait3A_410 : memref<1x5x80xi32, #tpu.memory_space<hbm>> -> memref<5x80xi32, #tpu.memory_space<hbm>>
        tpu.wait_dma2 semaphore(%dma_wait3A_405 : memref<!tpu.dma_semaphore, #tpu.memory_space<semaphore_mem>>) src(%dma_wait3A_411 : memref<5x80xi32, #tpu.memory_space<hbm>>) dst(%dma_wait3A_407 : memref<5x80xi32, #tpu.memory_space<vmem>>)
      } else {
      }
      %rem3A_285 = arith.constant 5 : i32
      %rem3A_286 = arith.remsi %add3A_275, %rem3A_285 : i32
      %eq3A_287 = arith.constant 4 : i32
      %eq3A_288 = arith.cmpi eq, %rem3A_286, %eq3A_287 : i32
      %ge3A_289 = arith.constant 5 : i32
      %ge3A_290 = arith.cmpi sge, %add3A_275, %ge3A_289 : i32
      %and3A_291 = arith.andi %eq3A_288, %ge3A_290 : i1
      %convert_element_type3A_292 = arith.extui %and3A_291 : i1 to i32
      %cond3A_293 = arith.constant 0 : i32
      %cond3A_294 = arith.cmpi ne, %convert_element_type3A_292, %cond3A_293 : i32
      scf.if %cond3A_294 {
        %jit3A_350 = arith.constant 5 : i32
        %div3A_351 = arith.divsi %add3A_275, %jit3A_350 : i32
        %sign3A_352 = arith.constant 0 : i32
        %sign3A_353 = arith.cmpi sgt, %add3A_275, %sign3A_352 : i32
        %sign3A_354 = arith.extui %sign3A_353 : i1 to i32
        %sign3A_355 = arith.constant 0 : i32
        %sign3A_356 = arith.cmpi slt, %add3A_275, %sign3A_355 : i32
        %sign3A_357 = arith.extui %sign3A_356 : i1 to i32
        %sign3A_358 = arith.subi %sign3A_354, %sign3A_357 : i32
        %sign3A_359 = arith.constant 0 : i32
        %sign3A_360 = arith.cmpi sgt, %jit3A_350, %sign3A_359 : i32
        %sign3A_361 = arith.extui %sign3A_360 : i1 to i32
        %sign3A_362 = arith.constant 0 : i32
        %sign3A_363 = arith.cmpi slt, %jit3A_350, %sign3A_362 : i32
        %sign3A_364 = arith.extui %sign3A_363 : i1 to i32
        %sign3A_365 = arith.subi %sign3A_361, %sign3A_364 : i32
        %ne3A_366 = arith.cmpi ne, %sign3A_358, %sign3A_365 : i32
        %rem3A_367 = arith.remsi %add3A_275, %jit3A_350 : i32
        %ne3A_368 = arith.constant 0 : i32
        %ne3A_369 = arith.cmpi ne, %rem3A_367, %ne3A_368 : i32
        %and3A_370 = arith.andi %ne3A_366, %ne3A_369 : i1
        %sub3A_371 = arith.constant 1 : i32
        %sub3A_372 = arith.subi %div3A_351, %sub3A_371 : i32
        %select_n3A_373 = arith.select %and3A_370, %sub3A_372, %div3A_351 : i32
        %add3A_374 = arith.constant 2 : i32
        %add3A_375 = arith.addi %select_n3A_373, %add3A_374 : i32
        %lt3A_376 = arith.constant 25 : i32
        %lt3A_377 = arith.cmpi slt, %add3A_375, %lt3A_376 : i32
        %convert_element_type3A_378 = arith.extui %lt3A_377 : i1 to i32
        %cond3A_379 = arith.constant 0 : i32
        %cond3A_380 = arith.cmpi ne, %convert_element_type3A_378, %cond3A_379 : i32
        scf.if %cond3A_380 {
          %rem3A_381 = arith.constant 3 : i32
          %rem3A_382 = arith.remsi %add3A_375, %rem3A_381 : i32
          %mul3A_383 = arith.constant 25 : i32
          %mul3A_384 = arith.muli %add3A, %mul3A_383 : i32
          %add3A_385 = arith.addi %mul3A_384, %add3A_375 : i32
          %mul3A_386 = arith.constant 5 : i32
          %mul3A_387 = arith.muli %rem3A_382, %mul3A_386 : i32
          %dma_start3A_388 = arith.constant 0 : i32
          %dma_start3A_389 = tpu.memref_slice %arg7[%mul3A_387, %dma_start3A_388] : memref<15x80xi32, #tpu.memory_space<vmem>> -> memref<5x80xi32, #tpu.memory_space<vmem>>
          %dma_start3A_390 = arith.constant 0 : i32
          %dma_start3A_391 = arith.constant 0 : i32
          %dma_start3A_392 = tpu.memref_slice %arg3[%add3A_385, %dma_start3A_390, %dma_start3A_391] : memref<800x5x80xi32, #tpu.memory_space<hbm>> -> memref<1x5x80xi32, #tpu.memory_space<hbm>>
          %dma_start3A_393 = tpu.memref_squeeze %dma_start3A_392 : memref<1x5x80xi32, #tpu.memory_space<hbm>> -> memref<5x80xi32, #tpu.memory_space<hbm>>
          %dma_start3A_394 = tpu.memref_slice %arg13[%rem3A_382] : memref<3x!tpu.dma_semaphore, #tpu.memory_space<semaphore_mem>> -> memref<1x!tpu.dma_semaphore, #tpu.memory_space<semaphore_mem>>
          %dma_start3A_395 = tpu.memref_squeeze %dma_start3A_394 : memref<1x!tpu.dma_semaphore, #tpu.memory_space<semaphore_mem>> -> memref<!tpu.dma_semaphore, #tpu.memory_space<semaphore_mem>>
          %dma_start3A_396 = arith.constant 0 : i32
          %dma_start3A_397 = tpu.memref_slice %arg7[%mul3A_387, %dma_start3A_396] : memref<15x80xi32, #tpu.memory_space<vmem>> -> memref<5x80xi32, #tpu.memory_space<vmem>>
          %dma_start3A_398 = arith.constant 0 : i32
          %dma_start3A_399 = arith.constant 0 : i32
          %dma_start3A_400 = tpu.memref_slice %arg3[%add3A_385, %dma_start3A_398, %dma_start3A_399] : memref<800x5x80xi32, #tpu.memory_space<hbm>> -> memref<1x5x80xi32, #tpu.memory_space<hbm>>
          %dma_start3A_401 = tpu.memref_squeeze %dma_start3A_400 : memref<1x5x80xi32, #tpu.memory_space<hbm>> -> memref<5x80xi32, #tpu.memory_space<hbm>>
          tpu.enqueue_dma source(%dma_start3A_401 : memref<5x80xi32, #tpu.memory_space<hbm>>) target(%dma_start3A_397 : memref<5x80xi32, #tpu.memory_space<vmem>>) target_semaphore(%dma_start3A_395 : memref<!tpu.dma_semaphore, #tpu.memory_space<semaphore_mem>>)
          %mul3A_402 = arith.constant 25 : i32
          %mul3A_403 = arith.muli %add3A, %mul3A_402 : i32
          %add3A_404 = arith.addi %mul3A_403, %add3A_375 : i32
          %mul3A_405 = arith.constant 5 : i32
          %mul3A_406 = arith.muli %rem3A_382, %mul3A_405 : i32
          %dma_start3A_407 = arith.constant 0 : i32
          %dma_start3A_408 = tpu.memref_slice %arg8[%mul3A_406, %dma_start3A_407] : memref<15x80xi32, #tpu.memory_space<vmem>> -> memref<5x80xi32, #tpu.memory_space<vmem>>
          %dma_start3A_409 = arith.constant 0 : i32
          %dma_start3A_410 = arith.constant 0 : i32
          %dma_start3A_411 = tpu.memref_slice %arg4[%add3A_404, %dma_start3A_409, %dma_start3A_410] : memref<800x5x80xi32, #tpu.memory_space<hbm>> -> memref<1x5x80xi32, #tpu.memory_space<hbm>>
          %dma_start3A_412 = tpu.memref_squeeze %dma_start3A_411 : memref<1x5x80xi32, #tpu.memory_space<hbm>> -> memref<5x80xi32, #tpu.memory_space<hbm>>
          %dma_start3A_413 = tpu.memref_slice %arg13[%rem3A_382] : memref<3x!tpu.dma_semaphore, #tpu.memory_space<semaphore_mem>> -> memref<1x!tpu.dma_semaphore, #tpu.memory_space<semaphore_mem>>
          %dma_start3A_414 = tpu.memref_squeeze %dma_start3A_413 : memref<1x!tpu.dma_semaphore, #tpu.memory_space<semaphore_mem>> -> memref<!tpu.dma_semaphore, #tpu.memory_space<semaphore_mem>>
          %dma_start3A_415 = arith.constant 0 : i32
          %dma_start3A_416 = tpu.memref_slice %arg8[%mul3A_406, %dma_start3A_415] : memref<15x80xi32, #tpu.memory_space<vmem>> -> memref<5x80xi32, #tpu.memory_space<vmem>>
          %dma_start3A_417 = arith.constant 0 : i32
          %dma_start3A_418 = arith.constant 0 : i32
          %dma_start3A_419 = tpu.memref_slice %arg4[%add3A_404, %dma_start3A_417, %dma_start3A_418] : memref<800x5x80xi32, #tpu.memory_space<hbm>> -> memref<1x5x80xi32, #tpu.memory_space<hbm>>
          %dma_start3A_420 = tpu.memref_squeeze %dma_start3A_419 : memref<1x5x80xi32, #tpu.memory_space<hbm>> -> memref<5x80xi32, #tpu.memory_space<hbm>>
          tpu.enqueue_dma source(%dma_start3A_420 : memref<5x80xi32, #tpu.memory_space<hbm>>) target(%dma_start3A_416 : memref<5x80xi32, #tpu.memory_space<vmem>>) target_semaphore(%dma_start3A_414 : memref<!tpu.dma_semaphore, #tpu.memory_space<semaphore_mem>>)
        } else {
        }
      } else {
      }
      %lt3A_295 = arith.constant 125 : i32
      %lt3A_296 = arith.cmpi slt, %add3A_275, %lt3A_295 : i32
      %convert_element_type3A_297 = arith.extui %lt3A_296 : i1 to i32
      %cond3A_298 = arith.constant 0 : i32
      %cond3A_299 = arith.cmpi ne, %convert_element_type3A_297, %cond3A_298 : i32
      scf.if %cond3A_299 {
        %jit3A_350 = arith.constant 5 : i32
        %div3A_351 = arith.divsi %add3A_275, %jit3A_350 : i32
        %sign3A_352 = arith.constant 0 : i32
        %sign3A_353 = arith.cmpi sgt, %add3A_275, %sign3A_352 : i32
        %sign3A_354 = arith.extui %sign3A_353 : i1 to i32
        %sign3A_355 = arith.constant 0 : i32
        %sign3A_356 = arith.cmpi slt, %add3A_275, %sign3A_355 : i32
        %sign3A_357 = arith.extui %sign3A_356 : i1 to i32
        %sign3A_358 = arith.subi %sign3A_354, %sign3A_357 : i32
        %sign3A_359 = arith.constant 0 : i32
        %sign3A_360 = arith.cmpi sgt, %jit3A_350, %sign3A_359 : i32
        %sign3A_361 = arith.extui %sign3A_360 : i1 to i32
        %sign3A_362 = arith.constant 0 : i32
        %sign3A_363 = arith.cmpi slt, %jit3A_350, %sign3A_362 : i32
        %sign3A_364 = arith.extui %sign3A_363 : i1 to i32
        %sign3A_365 = arith.subi %sign3A_361, %sign3A_364 : i32
        %ne3A_366 = arith.cmpi ne, %sign3A_358, %sign3A_365 : i32
        %rem3A_367 = arith.remsi %add3A_275, %jit3A_350 : i32
        %ne3A_368 = arith.constant 0 : i32
        %ne3A_369 = arith.cmpi ne, %rem3A_367, %ne3A_368 : i32
        %and3A_370 = arith.andi %ne3A_366, %ne3A_369 : i1
        %sub3A_371 = arith.constant 1 : i32
        %sub3A_372 = arith.subi %div3A_351, %sub3A_371 : i32
        %select_n3A_373 = arith.select %and3A_370, %sub3A_372, %div3A_351 : i32
        %rem3A_374 = arith.constant 3 : i32
        %rem3A_375 = arith.remsi %select_n3A_373, %rem3A_374 : i32
        %mul3A_376 = arith.constant 5 : i32
        %mul3A_377 = arith.muli %rem3A_375, %mul3A_376 : i32
        %rem3A_378 = arith.constant 5 : i32
        %rem3A_379 = arith.remsi %add3A_275, %rem3A_378 : i32
        %add3A_380 = arith.addi %mul3A_377, %rem3A_379 : i32
        %dma_start3A_381 = arith.constant 0 : i32
        %dma_start3A_382 = arith.constant 0 : i32
        %dma_start3A_383 = tpu.memref_slice %arg9[%rem3A_273, %dma_start3A_381, %dma_start3A_382] : memref<4x80x128xf32, #tpu.memory_space<vmem>> -> memref<1x80x128xf32, #tpu.memory_space<vmem>>
        %dma_start3A_384 = tpu.memref_squeeze %dma_start3A_383 : memref<1x80x128xf32, #tpu.memory_space<vmem>> -> memref<80x128xf32, #tpu.memory_space<vmem>>
        %dma_start3A_385 = arith.constant 0 : i32
        %dma_start3A_386 = tpu.memref_slice %arg7[%add3A_380, %dma_start3A_385] : memref<15x80xi32, #tpu.memory_space<vmem>> -> memref<1x80xi32, #tpu.memory_space<vmem>>
        %dma_start3A_387 = tpu.memref_squeeze %dma_start3A_386 : memref<1x80xi32, #tpu.memory_space<vmem>> -> memref<80xi32, #tpu.memory_space<vmem>>
        %dma_start3A_388 = arith.constant 0 : i32
        %dma_start3A_389 = arith.constant 0 : i32
        %dma_start3A_390 = tpu.memref_slice %arg2[%dma_start3A_388, %dma_start3A_389] : memref<10000x128xf32, #tpu.memory_space<hbm>> -> memref<10000x128xf32, #tpu.memory_space<hbm>>
        %dma_start3A_391 = tpu.memref_slice %arg11[%rem3A_273] : memref<4x!tpu.dma_semaphore, #tpu.memory_space<semaphore_mem>> -> memref<1x!tpu.dma_semaphore, #tpu.memory_space<semaphore_mem>>
        %dma_start3A_392 = tpu.memref_squeeze %dma_start3A_391 : memref<1x!tpu.dma_semaphore, #tpu.memory_space<semaphore_mem>> -> memref<!tpu.dma_semaphore, #tpu.memory_space<semaphore_mem>>
        tpu.enqueue_indirect_dma source(%dma_start3A_390 : memref<10000x128xf32, #tpu.memory_space<hbm>>) target(%dma_start3A_384 : memref<80x128xf32, #tpu.memory_space<vmem>>) offsets(%dma_start3A_387 : memref<80xi32, #tpu.memory_space<vmem>>) semaphore(%dma_start3A_392 : memref<!tpu.dma_semaphore, #tpu.memory_space<semaphore_mem>>)
      } else {
      }
      %dma_wait3A_300 = arith.constant 0 : i32
      %dma_wait3A_301 = arith.constant 0 : i32
      %dma_wait3A_302 = arith.constant 0 : i32
      %dma_wait3A_303 = tpu.memref_slice %arg9[%rem3A_269, %dma_wait3A_301, %dma_wait3A_302] : memref<4x80x128xf32, #tpu.memory_space<vmem>> -> memref<1x80x128xf32, #tpu.memory_space<vmem>>
      %dma_wait3A_304 = tpu.memref_squeeze %dma_wait3A_303 : memref<1x80x128xf32, #tpu.memory_space<vmem>> -> memref<80x128xf32, #tpu.memory_space<vmem>>
      %dma_wait3A_305 = arith.constant 0 : i32
      %dma_wait3A_306 = tpu.memref_slice %arg7[%dma_wait3A_300, %dma_wait3A_305] : memref<15x80xi32, #tpu.memory_space<vmem>> -> memref<1x80xi32, #tpu.memory_space<vmem>>
      %dma_wait3A_307 = tpu.memref_squeeze %dma_wait3A_306 : memref<1x80xi32, #tpu.memory_space<vmem>> -> memref<80xi32, #tpu.memory_space<vmem>>
      %dma_wait3A_308 = arith.constant 0 : i32
      %dma_wait3A_309 = arith.constant 0 : i32
      %dma_wait3A_310 = tpu.memref_slice %arg2[%dma_wait3A_308, %dma_wait3A_309] : memref<10000x128xf32, #tpu.memory_space<hbm>> -> memref<10000x128xf32, #tpu.memory_space<hbm>>
      %dma_wait3A_311 = tpu.memref_slice %arg11[%rem3A_269] : memref<4x!tpu.dma_semaphore, #tpu.memory_space<semaphore_mem>> -> memref<1x!tpu.dma_semaphore, #tpu.memory_space<semaphore_mem>>
      %dma_wait3A_312 = tpu.memref_squeeze %dma_wait3A_311 : memref<1x!tpu.dma_semaphore, #tpu.memory_space<semaphore_mem>> -> memref<!tpu.dma_semaphore, #tpu.memory_space<semaphore_mem>>
      tpu.wait_indirect_dma semaphore(%dma_wait3A_312 : memref<!tpu.dma_semaphore, #tpu.memory_space<semaphore_mem>>) src(%dma_wait3A_310 : memref<10000x128xf32, #tpu.memory_space<hbm>>) dst(%dma_wait3A_304 : memref<80x128xf32, #tpu.memory_space<vmem>>)
      %jit3A = arith.constant 5 : i32
      %div3A = arith.divsi %scan3A_268, %jit3A : i32
      %sign3A = arith.constant 0 : i32
      %sign3A_313 = arith.cmpi sgt, %scan3A_268, %sign3A : i32
      %sign3A_314 = arith.extui %sign3A_313 : i1 to i32
      %sign3A_315 = arith.constant 0 : i32
      %sign3A_316 = arith.cmpi slt, %scan3A_268, %sign3A_315 : i32
      %sign3A_317 = arith.extui %sign3A_316 : i1 to i32
      %sign3A_318 = arith.subi %sign3A_314, %sign3A_317 : i32
      %sign3A_319 = arith.constant 0 : i32
      %sign3A_320 = arith.cmpi sgt, %jit3A, %sign3A_319 : i32
      %sign3A_321 = arith.extui %sign3A_320 : i1 to i32
      %sign3A_322 = arith.constant 0 : i32
      %sign3A_323 = arith.cmpi slt, %jit3A, %sign3A_322 : i32
      %sign3A_324 = arith.extui %sign3A_323 : i1 to i32
      %sign3A_325 = arith.subi %sign3A_321, %sign3A_324 : i32
      %ne3A = arith.cmpi ne, %sign3A_318, %sign3A_325 : i32
      %rem3A_326 = arith.remsi %scan3A_268, %jit3A : i32
      %ne3A_327 = arith.constant 0 : i32
      %ne3A_328 = arith.cmpi ne, %rem3A_326, %ne3A_327 : i32
      %and3A_329 = arith.andi %ne3A, %ne3A_328 : i1
      %sub3A = arith.constant 1 : i32
      %sub3A_330 = arith.subi %div3A, %sub3A : i32
      %select_n3A = arith.select %and3A_329, %sub3A_330, %div3A : i32
      %rem3A_331 = arith.constant 3 : i32
      %rem3A_332 = arith.remsi %select_n3A, %rem3A_331 : i32
      %mul3A_333 = arith.constant 5 : i32
      %mul3A_334 = arith.muli %rem3A_332, %mul3A_333 : i32
      %rem3A_335 = arith.constant 5 : i32
      %rem3A_336 = arith.remsi %scan3A_268, %rem3A_335 : i32
      %add3A_337 = arith.addi %mul3A_334, %rem3A_336 : i32
      %dma_start3A_338 = arith.constant 0 : i32
      %dma_start3A_339 = arith.constant 0 : i32
      %dma_start3A_340 = tpu.memref_slice %arg9[%rem3A_269, %dma_start3A_338, %dma_start3A_339] : memref<4x80x128xf32, #tpu.memory_space<vmem>> -> memref<1x80x128xf32, #tpu.memory_space<vmem>>
      %dma_start3A_341 = tpu.memref_squeeze %dma_start3A_340 : memref<1x80x128xf32, #tpu.memory_space<vmem>> -> memref<80x128xf32, #tpu.memory_space<vmem>>
      %dma_start3A_342 = arith.constant 0 : i32
      %dma_start3A_343 = tpu.memref_slice %arg8[%add3A_337, %dma_start3A_342] : memref<15x80xi32, #tpu.memory_space<vmem>> -> memref<1x80xi32, #tpu.memory_space<vmem>>
      %dma_start3A_344 = tpu.memref_squeeze %dma_start3A_343 : memref<1x80xi32, #tpu.memory_space<vmem>> -> memref<80xi32, #tpu.memory_space<vmem>>
      %dma_start3A_345 = arith.constant 0 : i32
      %dma_start3A_346 = arith.constant 0 : i32
      %dma_start3A_347 = tpu.memref_slice %arg10[%dma_start3A_345, %dma_start3A_346] : memref<10240x128xf32, #tpu.memory_space<vmem_shared>> -> memref<10240x128xf32, #tpu.memory_space<vmem_shared>>
      %dma_start3A_348 = tpu.memref_slice %arg12[%rem3A_269] : memref<4x!tpu.dma_semaphore, #tpu.memory_space<semaphore_mem>> -> memref<1x!tpu.dma_semaphore, #tpu.memory_space<semaphore_mem>>
      %dma_start3A_349 = tpu.memref_squeeze %dma_start3A_348 : memref<1x!tpu.dma_semaphore, #tpu.memory_space<semaphore_mem>> -> memref<!tpu.dma_semaphore, #tpu.memory_space<semaphore_mem>>
      tpu.enqueue_indirect_dma source(%dma_start3A_341 : memref<80x128xf32, #tpu.memory_space<vmem>>) target(%dma_start3A_347 : memref<10240x128xf32, #tpu.memory_space<vmem_shared>>) offsets(%dma_start3A_344 : memref<80xi32, #tpu.memory_space<vmem>>) semaphore(%dma_start3A_349 : memref<!tpu.dma_semaphore, #tpu.memory_space<semaphore_mem>>) {add = true}
    }
    %scan3A_212 = arith.constant 125 : i32
    %dma_wait3A_213 = arith.constant 3 : i32
    %dma_wait3A_214 = arith.constant 3 : i32
    %dma_wait3A_215 = arith.constant 0 : i32
    %dma_wait3A_216 = arith.constant 0 : i32
    %dma_wait3A_217 = tpu.memref_slice %arg9[%dma_wait3A_213, %dma_wait3A_215, %dma_wait3A_216] : memref<4x80x128xf32, #tpu.memory_space<vmem>> -> memref<1x80x128xf32, #tpu.memory_space<vmem>>
    %dma_wait3A_218 = tpu.memref_squeeze %dma_wait3A_217 : memref<1x80x128xf32, #tpu.memory_space<vmem>> -> memref<80x128xf32, #tpu.memory_space<vmem>>
    %dma_wait3A_219 = tpu.memref_slice %arg12[%dma_wait3A_214] : memref<4x!tpu.dma_semaphore, #tpu.memory_space<semaphore_mem>> -> memref<1x!tpu.dma_semaphore, #tpu.memory_space<semaphore_mem>>
    %dma_wait3A_220 = tpu.memref_squeeze %dma_wait3A_219 : memref<1x!tpu.dma_semaphore, #tpu.memory_space<semaphore_mem>> -> memref<!tpu.dma_semaphore, #tpu.memory_space<semaphore_mem>>
    %dma_wait3A_221 = arith.constant 0 : i32
    %dma_wait3A_222 = arith.constant 0 : i32
    %dma_wait3A_223 = tpu.memref_slice %arg9[%dma_wait3A_213, %dma_wait3A_221, %dma_wait3A_222] : memref<4x80x128xf32, #tpu.memory_space<vmem>> -> memref<1x80x128xf32, #tpu.memory_space<vmem>>
    %dma_wait3A_224 = tpu.memref_squeeze %dma_wait3A_223 : memref<1x80x128xf32, #tpu.memory_space<vmem>> -> memref<80x128xf32, #tpu.memory_space<vmem>>
    tpu.wait_dma2 semaphore(%dma_wait3A_220 : memref<!tpu.dma_semaphore, #tpu.memory_space<semaphore_mem>>) src(%arg5 : memref<80x128xf32, #tpu.memory_space<hbm>>) dst(%dma_wait3A_224 : memref<80x128xf32, #tpu.memory_space<vmem>>)
    %dma_wait3A_225 = arith.constant 0 : i32
    %dma_wait3A_226 = arith.constant 0 : i32
    %dma_wait3A_227 = arith.constant 0 : i32
    %dma_wait3A_228 = arith.constant 0 : i32
    %dma_wait3A_229 = tpu.memref_slice %arg9[%dma_wait3A_225, %dma_wait3A_227, %dma_wait3A_228] : memref<4x80x128xf32, #tpu.memory_space<vmem>> -> memref<1x80x128xf32, #tpu.memory_space<vmem>>
    %dma_wait3A_230 = tpu.memref_squeeze %dma_wait3A_229 : memref<1x80x128xf32, #tpu.memory_space<vmem>> -> memref<80x128xf32, #tpu.memory_space<vmem>>
    %dma_wait3A_231 = tpu.memref_slice %arg12[%dma_wait3A_226] : memref<4x!tpu.dma_semaphore, #tpu.memory_space<semaphore_mem>> -> memref<1x!tpu.dma_semaphore, #tpu.memory_space<semaphore_mem>>
    %dma_wait3A_232 = tpu.memref_squeeze %dma_wait3A_231 : memref<1x!tpu.dma_semaphore, #tpu.memory_space<semaphore_mem>> -> memref<!tpu.dma_semaphore, #tpu.memory_space<semaphore_mem>>
    %dma_wait3A_233 = arith.constant 0 : i32
    %dma_wait3A_234 = arith.constant 0 : i32
    %dma_wait3A_235 = tpu.memref_slice %arg9[%dma_wait3A_225, %dma_wait3A_233, %dma_wait3A_234] : memref<4x80x128xf32, #tpu.memory_space<vmem>> -> memref<1x80x128xf32, #tpu.memory_space<vmem>>
    %dma_wait3A_236 = tpu.memref_squeeze %dma_wait3A_235 : memref<1x80x128xf32, #tpu.memory_space<vmem>> -> memref<80x128xf32, #tpu.memory_space<vmem>>
    tpu.wait_dma2 semaphore(%dma_wait3A_232 : memref<!tpu.dma_semaphore, #tpu.memory_space<semaphore_mem>>) src(%arg5 : memref<80x128xf32, #tpu.memory_space<hbm>>) dst(%dma_wait3A_236 : memref<80x128xf32, #tpu.memory_space<vmem>>)
    %barrier3A_237 = arith.constant 0 : index
    tpu.barrier barrier_id(%barrier3A_237)
    %scan3A_238 = arith.constant 0 : i32
    %scan3A_239 = arith.constant 0 : i32
    %scan3A_240 = arith.constant 8 : i32
    %scan3A_241 = arith.addi %scan3A_239, %scan3A_240 : i32
    %scan3A_242 = arith.constant 1 : i32
    scf.for %scan3A_268 = %scan3A_239 to %scan3A_241 step %scan3A_242  : i32 {
      %rem3A = arith.constant 2 : i32
      %rem3A_269 = arith.remsi %scan3A_268, %rem3A : i32
      %ge3A = arith.constant 2 : i32
      %ge3A_270 = arith.cmpi sge, %scan3A_268, %ge3A : i32
      %convert_element_type3A = arith.extui %ge3A_270 : i1 to i32
      %cond3A = arith.constant 0 : i32
      %cond3A_271 = arith.cmpi ne, %convert_element_type3A, %cond3A : i32
      scf.if %cond3A_271 {
        %dma_wait3A_294 = arith.constant 0 : i32
        %dma_wait3A_295 = arith.constant 0 : i32
        %dma_wait3A_296 = tpu.memref_slice %arg9[%rem3A_269, %dma_wait3A_294, %dma_wait3A_295] : memref<4x80x128xf32, #tpu.memory_space<vmem>> -> memref<1x80x128xf32, #tpu.memory_space<vmem>>
        %dma_wait3A_297 = tpu.memref_squeeze %dma_wait3A_296 : memref<1x80x128xf32, #tpu.memory_space<vmem>> -> memref<80x128xf32, #tpu.memory_space<vmem>>
        %dma_wait3A_298 = tpu.memref_slice %arg11[%rem3A_269] : memref<4x!tpu.dma_semaphore, #tpu.memory_space<semaphore_mem>> -> memref<1x!tpu.dma_semaphore, #tpu.memory_space<semaphore_mem>>
        %dma_wait3A_299 = tpu.memref_squeeze %dma_wait3A_298 : memref<1x!tpu.dma_semaphore, #tpu.memory_space<semaphore_mem>> -> memref<!tpu.dma_semaphore, #tpu.memory_space<semaphore_mem>>
        %dma_wait3A_300 = arith.constant 0 : i32
        %dma_wait3A_301 = arith.constant 0 : i32
        %dma_wait3A_302 = tpu.memref_slice %arg9[%rem3A_269, %dma_wait3A_300, %dma_wait3A_301] : memref<4x80x128xf32, #tpu.memory_space<vmem>> -> memref<1x80x128xf32, #tpu.memory_space<vmem>>
        %dma_wait3A_303 = tpu.memref_squeeze %dma_wait3A_302 : memref<1x80x128xf32, #tpu.memory_space<vmem>> -> memref<80x128xf32, #tpu.memory_space<vmem>>
        tpu.wait_dma2 semaphore(%dma_wait3A_299 : memref<!tpu.dma_semaphore, #tpu.memory_space<semaphore_mem>>) src(%arg5 : memref<80x128xf32, #tpu.memory_space<hbm>>) dst(%dma_wait3A_303 : memref<80x128xf32, #tpu.memory_space<vmem>>)
      } else {
      }
      %mul3A_272 = arith.constant 80 : i32
      %mul3A_273 = arith.muli %scan3A_268, %mul3A_272 : i32
      %add3A_274 = arith.addi %mul3A_0, %mul3A_273 : i32
      "tpu.region"() ({
        %run_scoped3A_294 = tpu.sem_alloc : memref<!tpu.dma_semaphore, #tpu.memory_space<semaphore_mem>>
        %dma_start3A_295 = arith.constant 0 : i32
        %dma_start3A_296 = arith.constant 0 : i32
        %dma_start3A_297 = tpu.memref_slice %arg9[%rem3A_269, %dma_start3A_295, %dma_start3A_296] : memref<4x80x128xf32, #tpu.memory_space<vmem>> -> memref<1x80x128xf32, #tpu.memory_space<vmem>>
        %dma_start3A_298 = tpu.memref_squeeze %dma_start3A_297 : memref<1x80x128xf32, #tpu.memory_space<vmem>> -> memref<80x128xf32, #tpu.memory_space<vmem>>
        %dma_start3A_299 = arith.constant 0 : i32
        %dma_start3A_300 = tpu.memref_slice %arg10[%add3A_274, %dma_start3A_299] : memref<10240x128xf32, #tpu.memory_space<vmem_shared>> -> memref<80x128xf32, #tpu.memory_space<vmem_shared>>
        %dma_start3A_301 = arith.constant 0 : i32
        %dma_start3A_302 = arith.constant 0 : i32
        %dma_start3A_303 = tpu.memref_slice %arg9[%rem3A_269, %dma_start3A_301, %dma_start3A_302] : memref<4x80x128xf32, #tpu.memory_space<vmem>> -> memref<1x80x128xf32, #tpu.memory_space<vmem>>
        %dma_start3A_304 = tpu.memref_squeeze %dma_start3A_303 : memref<1x80x128xf32, #tpu.memory_space<vmem>> -> memref<80x128xf32, #tpu.memory_space<vmem>>
        %dma_start3A_305 = arith.constant 0 : i32
        %dma_start3A_306 = tpu.memref_slice %arg10[%add3A_274, %dma_start3A_305] : memref<10240x128xf32, #tpu.memory_space<vmem_shared>> -> memref<80x128xf32, #tpu.memory_space<vmem_shared>>
        tpu.enqueue_dma source(%dma_start3A_306 : memref<80x128xf32, #tpu.memory_space<vmem_shared>>) target(%dma_start3A_304 : memref<80x128xf32, #tpu.memory_space<vmem>>) target_semaphore(%run_scoped3A_294 : memref<!tpu.dma_semaphore, #tpu.memory_space<semaphore_mem>>)
        %dma_wait3A_307 = arith.constant 0 : i32
        %dma_wait3A_308 = arith.constant 0 : i32
        %dma_wait3A_309 = tpu.memref_slice %arg9[%rem3A_269, %dma_wait3A_307, %dma_wait3A_308] : memref<4x80x128xf32, #tpu.memory_space<vmem>> -> memref<1x80x128xf32, #tpu.memory_space<vmem>>
        %dma_wait3A_310 = tpu.memref_squeeze %dma_wait3A_309 : memref<1x80x128xf32, #tpu.memory_space<vmem>> -> memref<80x128xf32, #tpu.memory_space<vmem>>
        %dma_wait3A_311 = arith.constant 0 : i32
        %dma_wait3A_312 = tpu.memref_slice %arg10[%add3A_274, %dma_wait3A_311] : memref<10240x128xf32, #tpu.memory_space<vmem_shared>> -> memref<80x128xf32, #tpu.memory_space<vmem_shared>>
        %dma_wait3A_313 = arith.constant 0 : i32
        %dma_wait3A_314 = arith.constant 0 : i32
        %dma_wait3A_315 = tpu.memref_slice %arg9[%rem3A_269, %dma_wait3A_313, %dma_wait3A_314] : memref<4x80x128xf32, #tpu.memory_space<vmem>> -> memref<1x80x128xf32, #tpu.memory_space<vmem>>
        %dma_wait3A_316 = tpu.memref_squeeze %dma_wait3A_315 : memref<1x80x128xf32, #tpu.memory_space<vmem>> -> memref<80x128xf32, #tpu.memory_space<vmem>>
        %dma_wait3A_317 = arith.constant 0 : i32
        %dma_wait3A_318 = tpu.memref_slice %arg10[%add3A_274, %dma_wait3A_317] : memref<10240x128xf32, #tpu.memory_space<vmem_shared>> -> memref<80x128xf32, #tpu.memory_space<vmem_shared>>
        tpu.wait_dma2 semaphore(%run_scoped3A_294 : memref<!tpu.dma_semaphore, #tpu.memory_space<semaphore_mem>>) src(%dma_wait3A_318 : memref<80x128xf32, #tpu.memory_space<vmem_shared>>) dst(%dma_wait3A_316 : memref<80x128xf32, #tpu.memory_space<vmem>>)
        tpu.yield
      }) : () -> ()
      %mul3A_275 = arith.constant 80 : i32
      %mul3A_276 = arith.muli %scan3A_268, %mul3A_275 : i32
      %add3A_277 = arith.addi %mul3A_0, %mul3A_276 : i32
      %dma_start3A_278 = arith.constant 0 : i32
      %dma_start3A_279 = arith.constant 0 : i32
      %dma_start3A_280 = tpu.memref_slice %arg9[%rem3A_269, %dma_start3A_278, %dma_start3A_279] : memref<4x80x128xf32, #tpu.memory_space<vmem>> -> memref<1x80x128xf32, #tpu.memory_space<vmem>>
      %dma_start3A_281 = tpu.memref_squeeze %dma_start3A_280 : memref<1x80x128xf32, #tpu.memory_space<vmem>> -> memref<80x128xf32, #tpu.memory_space<vmem>>
      %dma_start3A_282 = arith.constant 0 : i32
      %dma_start3A_283 = tpu.memref_slice %arg6[%arg0, %add3A_277, %dma_start3A_282] : memref<2x10240x128xf32, #tpu.memory_space<hbm>> -> memref<1x80x128xf32, #tpu.memory_space<hbm>>
      %dma_start3A_284 = tpu.memref_squeeze %dma_start3A_283 : memref<1x80x128xf32, #tpu.memory_space<hbm>> -> memref<80x128xf32, #tpu.memory_space<hbm>>
      %dma_start3A_285 = tpu.memref_slice %arg11[%rem3A_269] : memref<4x!tpu.dma_semaphore, #tpu.memory_space<semaphore_mem>> -> memref<1x!tpu.dma_semaphore, #tpu.memory_space<semaphore_mem>>
      %dma_start3A_286 = tpu.memref_squeeze %dma_start3A_285 : memref<1x!tpu.dma_semaphore, #tpu.memory_space<semaphore_mem>> -> memref<!tpu.dma_semaphore, #tpu.memory_space<semaphore_mem>>
      %dma_start3A_287 = arith.constant 0 : i32
      %dma_start3A_288 = tpu.memref_slice %arg6[%arg0, %add3A_277, %dma_start3A_287] : memref<2x10240x128xf32, #tpu.memory_space<hbm>> -> memref<1x80x128xf32, #tpu.memory_space<hbm>>
      %dma_start3A_289 = tpu.memref_squeeze %dma_start3A_288 : memref<1x80x128xf32, #tpu.memory_space<hbm>> -> memref<80x128xf32, #tpu.memory_space<hbm>>
      %dma_start3A_290 = arith.constant 0 : i32
      %dma_start3A_291 = arith.constant 0 : i32
      %dma_start3A_292 = tpu.memref_slice %arg9[%rem3A_269, %dma_start3A_290, %dma_start3A_291] : memref<4x80x128xf32, #tpu.memory_space<vmem>> -> memref<1x80x128xf32, #tpu.memory_space<vmem>>
      %dma_start3A_293 = tpu.memref_squeeze %dma_start3A_292 : memref<1x80x128xf32, #tpu.memory_space<vmem>> -> memref<80x128xf32, #tpu.memory_space<vmem>>
      tpu.enqueue_dma source(%dma_start3A_293 : memref<80x128xf32, #tpu.memory_space<vmem>>) target(%dma_start3A_289 : memref<80x128xf32, #tpu.memory_space<hbm>>) target_semaphore(%dma_start3A_286 : memref<!tpu.dma_semaphore, #tpu.memory_space<semaphore_mem>>)
    }
    %scan3A_243 = arith.constant 8 : i32
    %dma_wait3A_244 = arith.constant 0 : i32
    %dma_wait3A_245 = arith.constant 0 : i32
    %dma_wait3A_246 = arith.constant 0 : i32
    %dma_wait3A_247 = arith.constant 0 : i32
    %dma_wait3A_248 = tpu.memref_slice %arg9[%dma_wait3A_244, %dma_wait3A_246, %dma_wait3A_247] : memref<4x80x128xf32, #tpu.memory_space<vmem>> -> memref<1x80x128xf32, #tpu.memory_space<vmem>>
    %dma_wait3A_249 = tpu.memref_squeeze %dma_wait3A_248 : memref<1x80x128xf32, #tpu.memory_space<vmem>> -> memref<80x128xf32, #tpu.memory_space<vmem>>
    %dma_wait3A_250 = tpu.memref_slice %arg11[%dma_wait3A_245] : memref<4x!tpu.dma_semaphore, #tpu.memory_space<semaphore_mem>> -> memref<1x!tpu.dma_semaphore, #tpu.memory_space<semaphore_mem>>
    %dma_wait3A_251 = tpu.memref_squeeze %dma_wait3A_250 : memref<1x!tpu.dma_semaphore, #tpu.memory_space<semaphore_mem>> -> memref<!tpu.dma_semaphore, #tpu.memory_space<semaphore_mem>>
    %dma_wait3A_252 = arith.constant 0 : i32
    %dma_wait3A_253 = arith.constant 0 : i32
    %dma_wait3A_254 = tpu.memref_slice %arg9[%dma_wait3A_244, %dma_wait3A_252, %dma_wait3A_253] : memref<4x80x128xf32, #tpu.memory_space<vmem>> -> memref<1x80x128xf32, #tpu.memory_space<vmem>>
    %dma_wait3A_255 = tpu.memref_squeeze %dma_wait3A_254 : memref<1x80x128xf32, #tpu.memory_space<vmem>> -> memref<80x128xf32, #tpu.memory_space<vmem>>
    tpu.wait_dma2 semaphore(%dma_wait3A_251 : memref<!tpu.dma_semaphore, #tpu.memory_space<semaphore_mem>>) src(%arg5 : memref<80x128xf32, #tpu.memory_space<hbm>>) dst(%dma_wait3A_255 : memref<80x128xf32, #tpu.memory_space<vmem>>)
    %dma_wait3A_256 = arith.constant 1 : i32
    %dma_wait3A_257 = arith.constant 1 : i32
    %dma_wait3A_258 = arith.constant 0 : i32
    %dma_wait3A_259 = arith.constant 0 : i32
    %dma_wait3A_260 = tpu.memref_slice %arg9[%dma_wait3A_256, %dma_wait3A_258, %dma_wait3A_259] : memref<4x80x128xf32, #tpu.memory_space<vmem>> -> memref<1x80x128xf32, #tpu.memory_space<vmem>>
    %dma_wait3A_261 = tpu.memref_squeeze %dma_wait3A_260 : memref<1x80x128xf32, #tpu.memory_space<vmem>> -> memref<80x128xf32, #tpu.memory_space<vmem>>
    %dma_wait3A_262 = tpu.memref_slice %arg11[%dma_wait3A_257] : memref<4x!tpu.dma_semaphore, #tpu.memory_space<semaphore_mem>> -> memref<1x!tpu.dma_semaphore, #tpu.memory_space<semaphore_mem>>
    %dma_wait3A_263 = tpu.memref_squeeze %dma_wait3A_262 : memref<1x!tpu.dma_semaphore, #tpu.memory_space<semaphore_mem>> -> memref<!tpu.dma_semaphore, #tpu.memory_space<semaphore_mem>>
    %dma_wait3A_264 = arith.constant 0 : i32
    %dma_wait3A_265 = arith.constant 0 : i32
    %dma_wait3A_266 = tpu.memref_slice %arg9[%dma_wait3A_256, %dma_wait3A_264, %dma_wait3A_265] : memref<4x80x128xf32, #tpu.memory_space<vmem>> -> memref<1x80x128xf32, #tpu.memory_space<vmem>>
    %dma_wait3A_267 = tpu.memref_squeeze %dma_wait3A_266 : memref<1x80x128xf32, #tpu.memory_space<vmem>> -> memref<80x128xf32, #tpu.memory_space<vmem>>
    tpu.wait_dma2 semaphore(%dma_wait3A_263 : memref<!tpu.dma_semaphore, #tpu.memory_space<semaphore_mem>>) src(%arg5 : memref<80x128xf32, #tpu.memory_space<hbm>>) dst(%dma_wait3A_267 : memref<80x128xf32, #tpu.memory_space<vmem>>)
    return
  }
}

module attributes {stable_mosaic.version = 14 : i64} {
  func.func @body(%arg0: memref<10000x128xf32, #tpu.memory_space<vmem>>, %arg1: memref<128x256xf32, #tpu.memory_space<vmem>>, %arg2: memref<1x128xf32, #tpu.memory_space<vmem>>, %arg3: memref<10000x128xf32, #tpu.memory_space<vmem>>, %arg4: memref<10000x128xf32, #tpu.memory_space<vmem>>) attributes {dimension_semantics = [], scalar_prefetch = 0 : i64, scratch_operands = 0 : i64, tpu.core_type = #tpu.core_type<tc>} {
    %get3A = arith.constant 0 : index
    %get3A_0 = arith.constant 0 : index
    %get3A_1 = vector.load %arg0[%get3A, %get3A_0] : memref<10000x128xf32, #tpu.memory_space<vmem>>, vector<10000x128xf32>
    %get3A_2 = arith.constant 0 : index
    %get3A_3 = arith.constant 0 : index
    %get3A_4 = vector.load %arg1[%get3A_2, %get3A_3] : memref<128x256xf32, #tpu.memory_space<vmem>>, vector<128x256xf32>
    %dot_general3A = arith.constant dense<0.000000e+00> : vector<10000x256xf32>
    %dot_general3A_5 = tpu.matmul %get3A_1, %get3A_4, %dot_general3A {dimension_numbers = #tpu.dot_dimension_numbers<[1], [0], [0], [1], [0, 0, 1, 1], [], []>, transpose_lhs_hint = false} : vector<10000x128xf32>, vector<128x256xf32>, vector<10000x256xf32> -> vector<10000x256xf32>
    %slice3A = vector.extract_strided_slice %dot_general3A_5 {offsets = [0, 0], sizes = [10000, 128], strides = [1, 1]} : vector<10000x256xf32> to vector<10000x128xf32>
    %swap3A = arith.constant 0 : index
    %swap3A_6 = arith.constant 0 : index
    %swap3A_7 = vector.load %arg3[%swap3A, %swap3A_6] : memref<10000x128xf32, #tpu.memory_space<vmem>>, vector<10000x128xf32>
    tpu.vector_store %arg3[%swap3A, %swap3A_6], %slice3A {strides = array<i32>} : memref<10000x128xf32, #tpu.memory_space<vmem>>, vector<10000x128xf32>,
    %slice3A_8 = vector.extract_strided_slice %dot_general3A_5 {offsets = [0, 128], sizes = [10000, 128], strides = [1, 1]} : vector<10000x256xf32> to vector<10000x128xf32>
    %get3A_9 = arith.constant 0 : index
    %get3A_10 = arith.constant 0 : index
    %get3A_11 = vector.load %arg2[%get3A_9, %get3A_10] : memref<1x128xf32, #tpu.memory_space<vmem>>, vector<1x128xf32>
    %add3A = vector.broadcast %get3A_11 : vector<1x128xf32> to vector<10000x128xf32>
    %add3A_12 = arith.addf %slice3A_8, %add3A : vector<10000x128xf32>
    %swap3A_13 = arith.constant 0 : index
    %swap3A_14 = arith.constant 0 : index
    %swap3A_15 = vector.load %arg4[%swap3A_13, %swap3A_14] : memref<10000x128xf32, #tpu.memory_space<vmem>>, vector<10000x128xf32>
    tpu.vector_store %arg4[%swap3A_13, %swap3A_14], %add3A_12 {strides = array<i32>} : memref<10000x128xf32, #tpu.memory_space<vmem>>, vector<10000x128xf32>,
    return
  }
}

module attributes {stable_mosaic.version = 14 : i64} {
  func.func @body(%arg0: memref<32x80x128xf32, #tpu.memory_space<vmem>>, %arg1: memref<80x128xf32, #tpu.memory_space<vmem>>) attributes {dimension_semantics = [], scalar_prefetch = 0 : i64, scratch_operands = 0 : i64, tpu.core_type = #tpu.core_type<tc>} {
    %get3A = arith.constant 0 : index
    %get3A_0 = arith.constant 0 : index
    %get3A_1 = arith.constant 0 : index
    %get3A_2 = vector.load %arg0[%get3A, %get3A_0, %get3A_1] : memref<32x80x128xf32, #tpu.memory_space<vmem>>, vector<32x80x128xf32>
    %reduce_sum3A = arith.constant dense<0.000000e+00> : vector<80x128xf32>
    %reduce_sum3A_3 = vector.multi_reduction <add>, %get3A_2, %reduce_sum3A [0] : vector<32x80x128xf32> to vector<80x128xf32>
    %max3A = arith.constant 1.000000e+00 : f32
    %max3A_4 = vector.broadcast %max3A : f32 to vector<80x128xf32>
    %max3A_5 = arith.maximumf %reduce_sum3A_3, %max3A_4 : vector<80x128xf32>
    %div3A = arith.constant 1.000000e+00 : f32
    %div3A_6 = vector.broadcast %div3A : f32 to vector<80x128xf32>
    %div3A_7 = arith.divf %div3A_6, %max3A_5 : vector<80x128xf32>
    %swap3A = arith.constant 0 : index
    %swap3A_8 = arith.constant 0 : index
    %swap3A_9 = vector.load %arg1[%swap3A, %swap3A_8] : memref<80x128xf32, #tpu.memory_space<vmem>>, vector<80x128xf32>
    tpu.vector_store %arg1[%swap3A, %swap3A_8], %div3A_7 {strides = array<i32>} : memref<80x128xf32, #tpu.memory_space<vmem>>, vector<80x128xf32>,
    return
  }
}

module attributes {stable_mosaic.version = 14 : i64} {
  func.func @body(%arg0: memref<2x10240x128xf32, #tpu.memory_space<vmem>>, %arg1: memref<10000x1xf32, #tpu.memory_space<vmem>>, %arg2: memref<10000x128xf32, #tpu.memory_space<vmem>>, %arg3: memref<1x128xf32, #tpu.memory_space<vmem>>, %arg4: memref<1x128xf32, #tpu.memory_space<vmem>>, %arg5: memref<128x256xf32, #tpu.memory_space<vmem>>, %arg6: memref<1x128xf32, #tpu.memory_space<vmem>>, %arg7: memref<10000x128xf32, #tpu.memory_space<vmem>>, %arg8: memref<10000x128xf32, #tpu.memory_space<vmem>>, %arg9: memref<10000x128xf32, #tpu.memory_space<vmem>>) attributes {dimension_semantics = [], scalar_prefetch = 0 : i64, scratch_operands = 0 : i64, tpu.core_type = #tpu.core_type<tc>} {
    %get3A = arith.constant 0 : index
    %get3A_0 = arith.constant 0 : index
    %get3A_1 = arith.constant 0 : index
    %get3A_2 = vector.load %arg0[%get3A, %get3A_0, %get3A_1] : memref<2x10240x128xf32, #tpu.memory_space<vmem>>, vector<2x10240x128xf32>
    %slice3A = vector.extract_strided_slice %get3A_2 {offsets = [0, 0, 0], sizes = [1, 10000, 128], strides = [1, 1, 1]} : vector<2x10240x128xf32> to vector<1x10000x128xf32>
    %squeeze3A = vector.shape_cast %slice3A : vector<1x10000x128xf32> to vector<10000x128xf32>
    %slice3A_3 = vector.extract_strided_slice %get3A_2 {offsets = [1, 0, 0], sizes = [1, 10000, 128], strides = [1, 1, 1]} : vector<2x10240x128xf32> to vector<1x10000x128xf32>
    %squeeze3A_4 = vector.shape_cast %slice3A_3 : vector<1x10000x128xf32> to vector<10000x128xf32>
    %add3A = arith.addf %squeeze3A, %squeeze3A_4 : vector<10000x128xf32>
    %get3A_5 = arith.constant 0 : index
    %get3A_6 = arith.constant 0 : index
    %get3A_7 = vector.load %arg1[%get3A_5, %get3A_6] : memref<10000x1xf32, #tpu.memory_space<vmem>>, vector<10000x1xf32>
    %mul3A = vector.broadcast %get3A_7 : vector<10000x1xf32> to vector<10000x128xf32>
    %mul3A_8 = arith.mulf %add3A, %mul3A : vector<10000x128xf32>
    %get3A_9 = arith.constant 0 : index
    %get3A_10 = arith.constant 0 : index
    %get3A_11 = vector.load %arg2[%get3A_9, %get3A_10] : memref<10000x128xf32, #tpu.memory_space<vmem>>, vector<10000x128xf32>
    %add3A_12 = arith.addf %mul3A_8, %get3A_11 : vector<10000x128xf32>
    %get3A_13 = arith.constant 0 : index
    %get3A_14 = arith.constant 0 : index
    %get3A_15 = vector.load %arg3[%get3A_13, %get3A_14] : memref<1x128xf32, #tpu.memory_space<vmem>>, vector<1x128xf32>
    %get3A_16 = arith.constant 0 : index
    %get3A_17 = arith.constant 0 : index
    %get3A_18 = vector.load %arg4[%get3A_16, %get3A_17] : memref<1x128xf32, #tpu.memory_space<vmem>>, vector<1x128xf32>
    %reduce_sum3A = arith.constant dense<0.000000e+00> : vector<128xf32>
    %reduce_sum3A_19 = vector.multi_reduction <add>, %add3A_12, %reduce_sum3A [0] : vector<10000x128xf32> to vector<128xf32>
    %broadcast_in_dim3A = vector.shape_cast %reduce_sum3A_19 : vector<128xf32> to vector<1x128xf32>
    %div3A = arith.constant 1.000000e+04 : f32
    %div3A_20 = vector.broadcast %div3A : f32 to vector<1x128xf32>
    %div3A_21 = arith.divf %broadcast_in_dim3A, %div3A_20 : vector<1x128xf32>
    %mul3A_22 = arith.mulf %add3A_12, %add3A_12 : vector<10000x128xf32>
    %reduce_sum3A_23 = arith.constant dense<0.000000e+00> : vector<128xf32>
    %reduce_sum3A_24 = vector.multi_reduction <add>, %mul3A_22, %reduce_sum3A_23 [0] : vector<10000x128xf32> to vector<128xf32>
    %broadcast_in_dim3A_25 = vector.shape_cast %reduce_sum3A_24 : vector<128xf32> to vector<1x128xf32>
    %div3A_26 = arith.constant 1.000000e+04 : f32
    %div3A_27 = vector.broadcast %div3A_26 : f32 to vector<1x128xf32>
    %div3A_28 = arith.divf %broadcast_in_dim3A_25, %div3A_27 : vector<1x128xf32>
    %mul3A_29 = arith.mulf %div3A_21, %div3A_21 : vector<1x128xf32>
    %sub3A = arith.subf %div3A_28, %mul3A_29 : vector<1x128xf32>
    %sub3A_30 = vector.broadcast %div3A_21 : vector<1x128xf32> to vector<10000x128xf32>
    %sub3A_31 = arith.subf %add3A_12, %sub3A_30 : vector<10000x128xf32>
    %add3A_32 = arith.constant 9.99999974E-6 : f32
    %add3A_33 = vector.broadcast %add3A_32 : f32 to vector<1x128xf32>
    %add3A_34 = arith.addf %sub3A, %add3A_33 : vector<1x128xf32>
    %rsqrt3A = math.rsqrt %add3A_34 : vector<1x128xf32>
    %mul3A_35 = vector.broadcast %rsqrt3A : vector<1x128xf32> to vector<10000x128xf32>
    %mul3A_36 = arith.mulf %sub3A_31, %mul3A_35 : vector<10000x128xf32>
    %mul3A_37 = vector.broadcast %get3A_15 : vector<1x128xf32> to vector<10000x128xf32>
    %mul3A_38 = arith.mulf %mul3A_37, %mul3A_36 : vector<10000x128xf32>
    %add3A_39 = vector.broadcast %get3A_18 : vector<1x128xf32> to vector<10000x128xf32>
    %add3A_40 = arith.addf %mul3A_38, %add3A_39 : vector<10000x128xf32>
    %max3A = arith.constant 0.000000e+00 : f32
    %max3A_41 = vector.broadcast %max3A : f32 to vector<10000x128xf32>
    %max3A_42 = arith.maximumf %add3A_40, %max3A_41 : vector<10000x128xf32>
    %swap3A = arith.constant 0 : index
    %swap3A_43 = arith.constant 0 : index
    %swap3A_44 = vector.load %arg7[%swap3A, %swap3A_43] : memref<10000x128xf32, #tpu.memory_space<vmem>>, vector<10000x128xf32>
    tpu.vector_store %arg7[%swap3A, %swap3A_43], %max3A_42 {strides = array<i32>} : memref<10000x128xf32, #tpu.memory_space<vmem>>, vector<10000x128xf32>,
    %get3A_45 = arith.constant 0 : index
    %get3A_46 = arith.constant 0 : index
    %get3A_47 = vector.load %arg5[%get3A_45, %get3A_46] : memref<128x256xf32, #tpu.memory_space<vmem>>, vector<128x256xf32>
    %dot_general3A = arith.constant dense<0.000000e+00> : vector<10000x256xf32>
    %dot_general3A_48 = tpu.matmul %max3A_42, %get3A_47, %dot_general3A {dimension_numbers = #tpu.dot_dimension_numbers<[1], [0], [0], [1], [0, 0, 1, 1], [], []>, transpose_lhs_hint = false} : vector<10000x128xf32>, vector<128x256xf32>, vector<10000x256xf32> -> vector<10000x256xf32>
    %slice3A_49 = vector.extract_strided_slice %dot_general3A_48 {offsets = [0, 0], sizes = [10000, 128], strides = [1, 1]} : vector<10000x256xf32> to vector<10000x128xf32>
    %swap3A_50 = arith.constant 0 : index
    %swap3A_51 = arith.constant 0 : index
    %swap3A_52 = vector.load %arg8[%swap3A_50, %swap3A_51] : memref<10000x128xf32, #tpu.memory_space<vmem>>, vector<10000x128xf32>
    tpu.vector_store %arg8[%swap3A_50, %swap3A_51], %slice3A_49 {strides = array<i32>} : memref<10000x128xf32, #tpu.memory_space<vmem>>, vector<10000x128xf32>,
    %slice3A_53 = vector.extract_strided_slice %dot_general3A_48 {offsets = [0, 128], sizes = [10000, 128], strides = [1, 1]} : vector<10000x256xf32> to vector<10000x128xf32>
    %get3A_54 = arith.constant 0 : index
    %get3A_55 = arith.constant 0 : index
    %get3A_56 = vector.load %arg6[%get3A_54, %get3A_55] : memref<1x128xf32, #tpu.memory_space<vmem>>, vector<1x128xf32>
    %add3A_57 = vector.broadcast %get3A_56 : vector<1x128xf32> to vector<10000x128xf32>
    %add3A_58 = arith.addf %slice3A_53, %add3A_57 : vector<10000x128xf32>
    %swap3A_59 = arith.constant 0 : index
    %swap3A_60 = arith.constant 0 : index
    %swap3A_61 = vector.load %arg9[%swap3A_59, %swap3A_60] : memref<10000x128xf32, #tpu.memory_space<vmem>>, vector<10000x128xf32>
    tpu.vector_store %arg9[%swap3A_59, %swap3A_60], %add3A_58 {strides = array<i32>} : memref<10000x128xf32, #tpu.memory_space<vmem>>, vector<10000x128xf32>,
    return
  }
}

module attributes {stable_mosaic.version = 14 : i64} {
  func.func @body(%arg0: memref<2x10240x128xf32, #tpu.memory_space<vmem>>, %arg1: memref<10000x1xf32, #tpu.memory_space<vmem>>, %arg2: memref<10000x128xf32, #tpu.memory_space<vmem>>, %arg3: memref<1x128xf32, #tpu.memory_space<vmem>>, %arg4: memref<1x128xf32, #tpu.memory_space<vmem>>, %arg5: memref<10000x128xf32, #tpu.memory_space<vmem>>, %arg6: memref<10000x128xf32, #tpu.memory_space<vmem>>, %arg7: memref<1x10000xi32, #tpu.memory_space<vmem>>, %arg8: memref<16x384xf32, #tpu.memory_space<vmem>>) attributes {dimension_semantics = [], scalar_prefetch = 0 : i64, scratch_operands = 0 : i64, tpu.core_type = #tpu.core_type<tc>} {
    %get3A = arith.constant 0 : index
    %get3A_0 = arith.constant 0 : index
    %get3A_1 = arith.constant 0 : index
    %get3A_2 = vector.load %arg0[%get3A, %get3A_0, %get3A_1] : memref<2x10240x128xf32, #tpu.memory_space<vmem>>, vector<2x10240x128xf32>
    %slice3A = vector.extract_strided_slice %get3A_2 {offsets = [0, 0, 0], sizes = [1, 10000, 128], strides = [1, 1, 1]} : vector<2x10240x128xf32> to vector<1x10000x128xf32>
    %squeeze3A = vector.shape_cast %slice3A : vector<1x10000x128xf32> to vector<10000x128xf32>
    %slice3A_3 = vector.extract_strided_slice %get3A_2 {offsets = [1, 0, 0], sizes = [1, 10000, 128], strides = [1, 1, 1]} : vector<2x10240x128xf32> to vector<1x10000x128xf32>
    %squeeze3A_4 = vector.shape_cast %slice3A_3 : vector<1x10000x128xf32> to vector<10000x128xf32>
    %add3A = arith.addf %squeeze3A, %squeeze3A_4 : vector<10000x128xf32>
    %get3A_5 = arith.constant 0 : index
    %get3A_6 = arith.constant 0 : index
    %get3A_7 = vector.load %arg1[%get3A_5, %get3A_6] : memref<10000x1xf32, #tpu.memory_space<vmem>>, vector<10000x1xf32>
    %mul3A = vector.broadcast %get3A_7 : vector<10000x1xf32> to vector<10000x128xf32>
    %mul3A_8 = arith.mulf %add3A, %mul3A : vector<10000x128xf32>
    %get3A_9 = arith.constant 0 : index
    %get3A_10 = arith.constant 0 : index
    %get3A_11 = vector.load %arg2[%get3A_9, %get3A_10] : memref<10000x128xf32, #tpu.memory_space<vmem>>, vector<10000x128xf32>
    %add3A_12 = arith.addf %mul3A_8, %get3A_11 : vector<10000x128xf32>
    %get3A_13 = arith.constant 0 : index
    %get3A_14 = arith.constant 0 : index
    %get3A_15 = vector.load %arg3[%get3A_13, %get3A_14] : memref<1x128xf32, #tpu.memory_space<vmem>>, vector<1x128xf32>
    %get3A_16 = arith.constant 0 : index
    %get3A_17 = arith.constant 0 : index
    %get3A_18 = vector.load %arg4[%get3A_16, %get3A_17] : memref<1x128xf32, #tpu.memory_space<vmem>>, vector<1x128xf32>
    %reduce_sum3A = arith.constant dense<0.000000e+00> : vector<128xf32>
    %reduce_sum3A_19 = vector.multi_reduction <add>, %add3A_12, %reduce_sum3A [0] : vector<10000x128xf32> to vector<128xf32>
    %broadcast_in_dim3A = vector.shape_cast %reduce_sum3A_19 : vector<128xf32> to vector<1x128xf32>
    %div3A = arith.constant 1.000000e+04 : f32
    %div3A_20 = vector.broadcast %div3A : f32 to vector<1x128xf32>
    %div3A_21 = arith.divf %broadcast_in_dim3A, %div3A_20 : vector<1x128xf32>
    %mul3A_22 = arith.mulf %add3A_12, %add3A_12 : vector<10000x128xf32>
    %reduce_sum3A_23 = arith.constant dense<0.000000e+00> : vector<128xf32>
    %reduce_sum3A_24 = vector.multi_reduction <add>, %mul3A_22, %reduce_sum3A_23 [0] : vector<10000x128xf32> to vector<128xf32>
    %broadcast_in_dim3A_25 = vector.shape_cast %reduce_sum3A_24 : vector<128xf32> to vector<1x128xf32>
    %div3A_26 = arith.constant 1.000000e+04 : f32
    %div3A_27 = vector.broadcast %div3A_26 : f32 to vector<1x128xf32>
    %div3A_28 = arith.divf %broadcast_in_dim3A_25, %div3A_27 : vector<1x128xf32>
    %mul3A_29 = arith.mulf %div3A_21, %div3A_21 : vector<1x128xf32>
    %sub3A = arith.subf %div3A_28, %mul3A_29 : vector<1x128xf32>
    %sub3A_30 = vector.broadcast %div3A_21 : vector<1x128xf32> to vector<10000x128xf32>
    %sub3A_31 = arith.subf %add3A_12, %sub3A_30 : vector<10000x128xf32>
    %add3A_32 = arith.constant 9.99999974E-6 : f32
    %add3A_33 = vector.broadcast %add3A_32 : f32 to vector<1x128xf32>
    %add3A_34 = arith.addf %sub3A, %add3A_33 : vector<1x128xf32>
    %rsqrt3A = math.rsqrt %add3A_34 : vector<1x128xf32>
    %mul3A_35 = vector.broadcast %rsqrt3A : vector<1x128xf32> to vector<10000x128xf32>
    %mul3A_36 = arith.mulf %sub3A_31, %mul3A_35 : vector<10000x128xf32>
    %mul3A_37 = vector.broadcast %get3A_15 : vector<1x128xf32> to vector<10000x128xf32>
    %mul3A_38 = arith.mulf %mul3A_37, %mul3A_36 : vector<10000x128xf32>
    %add3A_39 = vector.broadcast %get3A_18 : vector<1x128xf32> to vector<10000x128xf32>
    %add3A_40 = arith.addf %mul3A_38, %add3A_39 : vector<10000x128xf32>
    %max3A = arith.constant 0.000000e+00 : f32
    %max3A_41 = vector.broadcast %max3A : f32 to vector<10000x128xf32>
    %max3A_42 = arith.maximumf %add3A_40, %max3A_41 : vector<10000x128xf32>
    %iota3A = tpu.iota {dimensions = array<i32: 0>} : vector<16x10000xi32>
    %get3A_43 = arith.constant 0 : index
    %get3A_44 = arith.constant 0 : index
    %get3A_45 = vector.load %arg7[%get3A_43, %get3A_44] : memref<1x10000xi32, #tpu.memory_space<vmem>>, vector<1x10000xi32>
    %eq3A = vector.broadcast %get3A_45 : vector<1x10000xi32> to vector<16x10000xi32>
    %eq3A_46 = arith.cmpi eq, %iota3A, %eq3A : vector<16x10000xi32>
    %convert_element_type3A = arith.extui %eq3A_46 : vector<16x10000xi1> to vector<16x10000xi32>
    %convert_element_type3A_47 = arith.sitofp %convert_element_type3A : vector<16x10000xi32> to vector<16x10000xf32>
    %get3A_48 = arith.constant 0 : index
    %get3A_49 = arith.constant 0 : index
    %get3A_50 = vector.load %arg5[%get3A_48, %get3A_49] : memref<10000x128xf32, #tpu.memory_space<vmem>>, vector<10000x128xf32>
    %dot_general3A = arith.constant dense<0.000000e+00> : vector<16x128xf32>
    %dot_general3A_51 = tpu.matmul %convert_element_type3A_47, %get3A_50, %dot_general3A {dimension_numbers = #tpu.dot_dimension_numbers<[1], [0], [0], [1], [0, 0, 1, 1], [], []>, transpose_lhs_hint = false} : vector<16x10000xf32>, vector<10000x128xf32>, vector<16x128xf32> -> vector<16x128xf32>
    %get3A_52 = arith.constant 0 : index
    %get3A_53 = arith.constant 0 : index
    %get3A_54 = vector.load %arg6[%get3A_52, %get3A_53] : memref<10000x128xf32, #tpu.memory_space<vmem>>, vector<10000x128xf32>
    %dot_general3A_55 = arith.constant dense<0.000000e+00> : vector<16x128xf32>
    %dot_general3A_56 = tpu.matmul %convert_element_type3A_47, %get3A_54, %dot_general3A_55 {dimension_numbers = #tpu.dot_dimension_numbers<[1], [0], [0], [1], [0, 0, 1, 1], [], []>, transpose_lhs_hint = false} : vector<16x10000xf32>, vector<10000x128xf32>, vector<16x128xf32> -> vector<16x128xf32>
    %dot_general3A_57 = arith.constant dense<0.000000e+00> : vector<16x128xf32>
    %dot_general3A_58 = tpu.matmul %convert_element_type3A_47, %max3A_42, %dot_general3A_57 {dimension_numbers = #tpu.dot_dimension_numbers<[1], [0], [0], [1], [0, 0, 1, 1], [], []>, transpose_lhs_hint = false} : vector<16x10000xf32>, vector<10000x128xf32>, vector<16x128xf32> -> vector<16x128xf32>
    %reduce_sum3A_59 = arith.constant dense<0.000000e+00> : vector<16xf32>
    %reduce_sum3A_60 = vector.multi_reduction <add>, %convert_element_type3A_47, %reduce_sum3A_59 [1] : vector<16x10000xf32> to vector<16xf32>
    %broadcast_in_dim3A_61 = vector.shape_cast %reduce_sum3A_60 : vector<16xf32> to vector<16x1xf32>
    %concatenate3A = tpu.concatenate %dot_general3A_51, %dot_general3A_56, %dot_general3A_58 in 1 : vector<16x128xf32>, vector<16x128xf32>, vector<16x128xf32> -> vector<16x384xf32>
    %max3A_62 = arith.constant 1.000000e+00 : f32
    %max3A_63 = vector.broadcast %max3A_62 : f32 to vector<16x1xf32>
    %max3A_64 = arith.maximumf %broadcast_in_dim3A_61, %max3A_63 : vector<16x1xf32>
    %div3A_65 = vector.broadcast %max3A_64 : vector<16x1xf32> to vector<16x384xf32>
    %div3A_66 = arith.divf %concatenate3A, %div3A_65 : vector<16x384xf32>
    %swap3A = arith.constant 0 : index
    %swap3A_67 = arith.constant 0 : index
    %swap3A_68 = vector.load %arg8[%swap3A, %swap3A_67] : memref<16x384xf32, #tpu.memory_space<vmem>>, vector<16x384xf32>
    tpu.vector_store %arg8[%swap3A, %swap3A_67], %div3A_66 {strides = array<i32>} : memref<16x384xf32, #tpu.memory_space<vmem>>, vector<16x384xf32>,
    return
  }
}

</mosaic_0001>

<sc_bundles>
// kernel: kernel.10.cloned.1.call-start
scs
__scs_entry_jumppad:
0x0: {  	(pc) =	sbr.rel $0x88, $3  }
0x1: {  	(tag) =	ssettag $0x0;
	lr =	simm.s32 $0x1  }
0x2: {  	[smem:$0x3F8F] =	sst lr;
	_ =	strace $0xD0000000  }
0x3: {  	_ = 	snop  }
0x4: {  	_ = 	snop  }
0x5: {  	_ = 	snop  }
0x6: {  	_ = 	snop  }
0x7: {  	_ = 	snop  }
__scs_overlays_trampoline_lowered:
0x8: {  	[smem:$0x3F9E] =	sst s0  }
0x9: {  	[smem:$0x3F9F] =	sst s1  }
0xa: {  	[smem:$0x3FA0] =	sst s2  }
0xb: {  	[smem:$0x3FA1] =	sst s3  }
0xc: {  	[smem:$0x3FA2] =	sst s4  }
0xd: {  	[smem:$0x3FA3] =	sst s5  }
0xe: {  	[smem:$0x3FA4] =	sst s6  }
0xf: {  	[smem:$0x3FA5] =	sst s7  }
0x10: {  	[smem:$0x3FA6] =	sst s8  }
0x11: {  	[smem:$0x3FA7] =	sst s9;
	s0 =	simm.s32 @!p0 $0x0  }
0x12: {  	s1 =	sld [smem:$0x3F8D];
	s0 =	simm.s32 @p0 $0x1  }
0x13: {  	[smem:$0x3FA8] =	sst s0;
	s0 =	simm.s32 @!p1 $0x0  }
0x14: {  	s2 =	sld [smem:$0x3F8C];
	s0 =	simm.s32 @p1 $0x1  }
0x15: {  	[smem:$0x3FA9] =	sst s0;
	s0 =	simm.s32 @!p2 $0x0  }
0x16: {  	s3 =	sld [smem:$0x3FDB];
	s0 =	simm.s32 @p2 $0x1  }
0x17: {  	s4 =	simm.s32 $0x1BF5;
	[smem:$0x3FAB] =	sst s0  }
0x18: {  	s0 =	sld [smem:$0x3F8E];
	_ =	swait.ge [sflag:s4], $0x0  }
0x19: {  	s7 =	sld [smem:$0x3F8F]  }
0x1a: {  	s8 =	sadd.s32 $0xFFFFE003, lr  }
0x1b: {  	s9 =	sadd.s32 $0xFFFFFEF7, lr;
	s5 =	simm.s32 $0xFFFFFFFF;
	p2 =	slt.u32 s8, $0xFFFFF086  }
0x1c: {  	p1 =	slt.u32 s9, $0xF7A;
	s5 =	simm.s32 @!p2 $0x0  }
0x1d: {  	s5 =	simm.s32 @p1 $0x1;
	p0 =	seq.s32 s7, s2  }
0x1e: {  	s7 =	smul.u32 @!p0 $0xF7A, s2;
	p2 =	seq.s32 @!p0 s5, $0x0  }
0x1f: {  	s9 =	smul.u32 $0xF7A, s1;
	s8 =	simm.s32 @!p0 $0x1BF5;
	p2 =	por !p2, p0  }
0x20: {  	[sflag:s8] =	ssyncset.s32 @!p0 $0xFFFFF086;
	s6 =	sadd.s32 @!p0 s3, s7;
	s7 =	simm.s32 @!p0 $0x108  }
0x21: {  	s3 =	sadd.s32 s3, s9;
	s6 =	sadd.s32 @!p0 $0x88, s6;
	s7 =	simm.s32 @p2 $0x1082  }
0x22: {  	[simem:s7], [sflag:s8] =	dma.local @!p0 [hbm:s6], $0xF7A  }
0x23: {  	s9 =	sor.u32 $0xD0000000, s2;
	s6 =	simm.s32 $0x108;
	_ =	swait.ge @!p0 [sflag:s8], $0x0  }
0x24: {  	s3 =	sadd.s32 $0x88, s3;
	s6 =	simm.s32 @!p1 $0x1082;
	[sflag:s4] =	ssyncset.s32 $0xFFFFF086  }
0x25: {  	[simem:s6], [sflag:s4] =	dma.local [hbm:s3], $0xF7A  }
0x26: {  	[smem:$0x3F8F] =	sst s1;
	(tag) =	ssettag s2;
	_ =	strace s9  }
0x27: {  	s1 =	sld [smem:$0x3F9F]  }
0x28: {  	s2 =	sld [smem:$0x3FA0]  }
0x29: {  	s4 =	sld [smem:$0x3FA2]  }
0x2a: {  	p0 =	seq.s32 s5, $0x0;
	s5 =	sld [smem:$0x3FA3]  }
0x2b: {  	s6 =	sld [smem:$0x3FA4]  }
0x2c: {  	s7 =	sld [smem:$0x3FA5]  }
0x2d: {  	s3 =	simm.s32 $0x108;
	s8 =	sld [smem:$0x3FA6]  }
0x2e: {  	s3 =	simm.s32 @!p0 $0x1082;
	s9 =	sld [smem:$0x3FA7]  }
0x2f: {  	lr =	sadd.s32 s0, s3;
	s0 =	sld [smem:$0x3F9E]  }
0x30: {  	s3 =	sld [smem:$0x3FA1]  }
0x31: {  	[smem:$0x3FAA] =	sst s10  }
0x32: {  	s10 =	sld [smem:$0x3FA8];
	_ =	sdelay $0x3  }
0x33: {  	p0 =	seq.s32 s10, $0x1;
	s10 =	sld [smem:$0x3FAA];
	_ =	sdelay $0x3  }
0x34: {  	[smem:$0x3FAA] =	sst s10  }
0x35: {  	s10 =	sld [smem:$0x3FA9];
	_ =	sdelay $0x3  }
0x36: {  	p1 =	seq.s32 s10, $0x1;
	s10 =	sld [smem:$0x3FAA];
	_ =	sdelay $0x3  }
0x37: {  	[smem:$0x3FAA] =	sst s10  }
0x38: {  	s10 =	sld [smem:$0x3FAB]  }
0x39: {  	_ = 	snop;
	(pc) =	sbr.ind lr, $3  }
0x3a: {  	_ = 	snop  }
0x3b: {  	_ = 	snop  }
0x3c: {  	p2 =	seq.s32 s10, $0x1;
	s10 =	sld [smem:$0x3FAA]  }
0x3d: {  	_ =	shalt  }
0x3e: {  	_ =	shalt  }
0x3f: {  	_ =	shalt  }
0x40: {  	_ =	shalt  }
0x41: {  	_ =	shalt  }
0x42: {  	_ =	shalt  }
0x43: {  	_ =	shalt  }
0x44: {  	_ =	shalt  }
0x45: {  	_ =	shalt  }
0x46: {  	_ =	shalt  }
0x47: {  	_ =	shalt  }
0x48: {  	_ =	shalt  }
0x49: {  	_ =	shalt  }
0x4a: {  	_ =	shalt  }
0x4b: {  	_ =	shalt  }
0x4c: {  	_ =	shalt  }
0x4d: {  	_ =	shalt  }
0x4e: {  	_ =	shalt  }
0x4f: {  	_ =	shalt  }
0x50: {  	_ =	shalt  }
0x51: {  	_ =	shalt  }
0x52: {  	_ =	shalt  }
0x53: {  	_ =	shalt  }
0x54: {  	_ =	shalt  }
0x55: {  	_ =	shalt  }
0x56: {  	_ =	shalt  }
0x57: {  	_ =	shalt  }
0x58: {  	_ =	shalt  }
0x59: {  	_ =	shalt  }
0x5a: {  	_ =	shalt  }
0x5b: {  	_ =	shalt  }
0x5c: {  	_ =	shalt  }
0x5d: {  	_ =	shalt  }
0x5e: {  	_ =	shalt  }
0x5f: {  	_ =	shalt  }
0x60: {  	_ =	shalt  }
0x61: {  	_ =	shalt  }
0x62: {  	_ =	shalt  }
0x63: {  	_ =	shalt  }
0x64: {  	_ =	shalt  }
0x65: {  	_ =	shalt  }
0x66: {  	_ =	shalt  }
0x67: {  	_ =	shalt  }
0x68: {  	_ =	shalt  }
0x69: {  	_ =	shalt  }
0x6a: {  	_ =	shalt  }
0x6b: {  	_ =	shalt  }
0x6c: {  	_ =	shalt  }
0x6d: {  	_ =	shalt  }
0x6e: {  	_ =	shalt  }
0x6f: {  	_ =	shalt  }
0x70: {  	_ =	shalt  }
0x71: {  	_ =	shalt  }
0x72: {  	_ =	shalt  }
0x73: {  	_ =	shalt  }
0x74: {  	_ =	shalt  }
0x75: {  	_ =	shalt  }
0x76: {  	_ =	shalt  }
0x77: {  	_ =	shalt  }
0x78: {  	_ =	shalt  }
0x79: {  	_ =	shalt  }
0x7a: {  	_ =	shalt  }
0x7b: {  	_ =	shalt  }
0x7c: {  	_ =	shalt  }
0x7d: {  	_ =	shalt  }
0x7e: {  	_ =	shalt  }
0x7f: {  	_ =	shalt  }
0x80: {  	_ =	shalt  }
0x81: {  	_ =	shalt  }
0x82: {  	_ =	shalt  }
0x83: {  	_ =	shalt  }
0x84: {  	_ =	shalt  }
0x85: {  	_ =	shalt  }
0x86: {  	_ =	shalt  }
0x87: {  	_ =	shalt  }
.Lfunc_end0:
.L_simem_size_0:
called_computation_lowered:
.L_overlay_start_0:
0x88: {  	s2 =	sld [smem:$0x3FD9]  }
0x89: {  	s3 =	sld [smem:$0x3FFE];
	_ =	sdelay $0x1  }
0x8a: {  	s1 =	srdreg.scid  }
0x8b: {  	s0 =	sand.u32 $0x1, s1  }
0x8c: {  	s16 =	sshll.u32 s0, $0xA;
	s2 =	sadd.s32 s3, s2  }
0x8d: {  	s2 =	sadd.s32 s2, s16  }
0x8e: {  	[smem:$0x3FB6] =	sst s2  }
0x8f: {  	_ = 	snop  }
0x90: {  	(tm) =	ssettm $0x1  }
0x91: {  	s17 =	sld [smem:$0x3FFB];
	_ =	sdelay $0x3  }
0x92: {  	_ =	strace s17  }
0x93: {  	s2 =	sld [smem:$0x3FFC];
	_ =	sdelay $0x3  }
0x94: {  	_ =	strace s2  }
0x95: {  	s2 =	sld [smem:$0x3FFD];
	_ =	sdelay $0x3  }
0x96: {  	_ =	strace s2  }
0x97: {  	_ =	strace $0x8FFFFFFF  }
0x98: {  	s18 =	sld [smem:$0x3FDB];
	_ =	sdelay $0x1  }
0x99: {  	s19 =	simm.s32 $_scs_section_size  }
0x9a: {  	s4 =	simm.s32 $_size__tile_overlayer_lowered;
	s5 =	simm.s32 $_tile_overlayer_lowered  }
0x9b: {  	s22 =	simm.s32 $0x1BFF;
	s21 =	sshll.u32 s5, $0x1;
	s2 =	sadd.s32 s19, s18  }
0x9c: {  	s6 =	simm.s32 $0x0;
	s20 =	sshll.u32 s4, $0x1;
	s4 =	sadd.s32 s21, s2  }
0x9d: {  	[timem:s6], [sflag:s22] =	dma.local [hbm:s4], s20  }
0x9e: {  	_ =	swait.ge [sflag:s22], s20  }
0x9f: {  	s3 =	ssub.s32 $0x0, s20;
	[sflag:s22] =	ssyncset.done $0x0  }
0xa0: {  	[sflag:s22] =	ssyncadd.s32 s3;
	_ =	sdelay $0x1  }
0xa1: {  	s23 =	simm.s32 $0x1B8B  }
0xa2: {  	_ =	swait.ge [sflag:s23], $0x1  }
0xa3: {  	[sflag:s23] =	ssyncset.done $0x0  }
0xa4: {  	s25 =	simm.s32 $0x1B8E;
	s24 =	sld [smem:$0x3FFE];
	[sflag:s23] =	ssyncadd.s32 $0xFFFFFFFF  }
0xa5: {  	s26 =	simm.s32 $execute0_lowered;
	[smem:$0x3FD2] =	sst s25  }
0xa6: {  	s4 =	sshll.u32 s26, $0x1;
	_ =	strace $0x80000046;
	[dreg:$0x1] =	wrdreg $0xFFFFFFFF  }
0xa7: {  	s28 =	simm.s32 $_size_execute0_lowered;
	s2 =	sadd.s32 s2, s4;
	[dreg:$0x0] =	wrdreg $0x0  }
0xa8: {  	s4 =	sshll.u32 s28, $0x1;
	[dreg:$0x2] =	wrdreg s2  }
0xa9: {  	[dreg:$0x3] =	wrdreg s4  }
0xaa: {  	[dreg:$0x4] =	wrdreg $0xC0  }
0xab: {  	_ =	task [dreg:s6], $0x5FFFF  }
0xac: {  	[dreg:$0x1] =	wrdreg $0xFFFFFFFF  }
0xad: {  	[dreg:$0x0] =	wrdreg $0x60  }
0xae: {  	[dreg:$0x2] =	wrdreg s24  }
0xaf: {  	[dreg:$0x3] =	wrdreg $0x88000  }
0xb0: {  	[dreg:$0x4] =	wrdreg $0x9  }
0xb1: {  	_ =	task.clear_ibuf [dreg:s6], $0x5FFFF;
	_ =	strace $0x90000046  }
0xb2: {  	s29 =	simm.s32 $0x9;
	_ =	strace $0x80000048  }
0xb3: {  	_ =	swait.ge [sflag:s29], $0x1  }
0xb4: {  	[sflag:s29] =	ssyncadd.s32 $0xFFFFFFFF  }
0xb5: {  	_ =	strace $0x90000048  }
0xb6: {  	_ =	sfence  }
0xb7: {  	s30 =	sld [smem:$0x0];
	_ =	sdelay $0x2  }
0xb8: {  	s31 =	sshll.u32 s1, $0xD;
	s1 =	sshrl.u32 s1, $0x2  }
0xb9: {  	s3 =	sand.u32 $0x4000, s31;
	s1 =	sadd.s32 s1, s30  }
0xba: {  	s0 =	sor.u32 s3, s0;
	s1 =	sshll.u32 s1, $0x11  }
0xbb: {  	s0 =	sor.u32 s1, s0  }
0xbc: {  	s0 =	sadd.s32 $0x8F2B, s0  }
0xbd: {  	[sflag:s0] =	ssyncadd.remote.s32 $0x1  }
0xbe: {  	_ =	sfence.sel $0xFFFF  }
0xbf: {  	[dreg:$0x0] =	wrdreg $0xFFFFFFFF;
	(pc) =	sbr.abs _section_cstart, $3  }
0xc0: {  	[dreg:$0x1] =	wrdreg $0xFFFFFFFF  }
0xc1: {  	_ =	task.clear_ibuf [dreg:s6], $0x2FFFF;
	_ =	strace $0x9FFFFFFF  }
0xc2: {  	(tm) =	ssettm $0x7FFFFFFF  }
0xc3: {  	_ =	shalt  }
tec
execute0_lowered:
.L_overlay_start_1:
0x0: {  	(tag) =	ssettag $0x1  }
0x1: {  	s0 =	rddreg [dreg:$0x0]  }
0x2: {  	s1 =	rddreg [dreg:$0x1];
	s2 =	simm.s32 $0x0;
	s3 =	srdreg.scid  }
0x3: {  	s20 =	stileid.u32;
	[smem:$0x7FF] =	sst s2;
	s4 =	sadd.s32 $0x36200, s0  }
0x4: {  	s5 =	sadd.s32 $0x4200, s0;
	s3 =	sand.u32 $0x1, s3;
	s9 =	smul.u32 $0x14000, s20  }
0x5: {  	s10 =	sadd.s32 $0x8EC00, s0;
	_ =	strace $0x80000047;
	s6 =	sshll.u32 s3, $0x4  }
0x6: {  	s7 =	ssub.s32 $0x2, s3;
	s3 =	smul.u32 $0x140000, s3;
	s6 =	sor.u32 s20, s6  }
0x7: {  	s8 =	sshrl.u32 s7, $0x1;
	s12 =	sadd.s32 $0x5000, s9;
	s13 =	sadd.s32 $0x7800, s9  }
0x8: {  	s17 =	sadd.s32 $0xA000, s9;
	s18 =	sadd.s32 $0xC800, s9;
	s19 =	sadd.s32 $0xF000, s9  }
0x9: {  	s11 =	smul.u32 $0x500, s6;
	s7 =	ssub.s32 s7, s8;
	s8 =	sor.u32 $0x2800, s9  }
0xa: {  	s14 =	sadd.s32 s3, s9;
	s9 =	sadd.s32 $0x11800, s9;
	s21 =	sadd.s32 s3, s12  }
0xb: {  	s22 =	sadd.s32 s3, s13;
	s26 =	sadd.s32 s3, s18;
	s28 =	sadd.s32 s3, s19  }
0xc: {  	s30 =	smul.u32 $0x6400, s6;
	s15 =	sadd.s32 s3, s8;
	s14 =	sshrl.u32 s14, $0x3  }
0xd: {  	s23 =	sshrl.u32 s22, $0x3;
	s29 =	sshrl.u32 s28, $0x3;
	s15 =	sshrl.u32 s15, $0x3  }
0xe: {  	s14 =	sadd.s32 s10, s14;
	s31 =	sadd.s32 s11, s0;
	s11 =	simm.s32 $0x50  }
0xf: {  	[dreg:$0x3] =	wrdreg s14;
	s16 =	sadd.s32 s10, s15;
	s14 =	sshrl.u32 s21, $0x3  }
0x10: {  	s15 =	smul.u32 $0xC80, s6;
	s21 =	sshrl.u32 s30, $0x3;
	s30 =	smax.u32 s7, $0x1  }
0x11: {  	s7 =	simm.s32 $0xA;
	[dreg:$0x4] =	wrdreg s16;
	s16 =	sadd.s32 s3, s17  }
0x12: {  	s14 =	sadd.s32 s10, s14;
	s3 =	sadd.s32 s3, s9;
	[dreg:$0x13] =	wrdreg s30  }
0x13: {  	[dreg:$0x5] =	wrdreg s14;
	s24 =	sshrl.u32 s16, $0x3;
	s14 =	sadd.s32 s10, s23  }
0x14: {  	s3 =	sshrl.u32 s3, $0x3;
	s16 =	smul.u32 $0x19, s6;
	s22 =	sadd.s32 s5, s15  }
0x15: {  	s6 =	simm.s32 $0x1000;
	[dreg:$0x6] =	wrdreg s14;
	s25 =	sadd.s32 s10, s24  }
0x16: {  	s14 =	sshrl.u32 s26, $0x3;
	s3 =	sadd.s32 s10, s3;
	[dreg:$0xc] =	wrdreg s22  }
0x17: {  	s24 =	sadd.s32 $0x80, s21;
	s26 =	smul.u32 $0x50000, s20;
	[dreg:$0x7] =	wrdreg s25  }
0x18: {  	s20 =	sadd.s32 s8, s1;
	s14 =	sadd.s32 s10, s14;
	[dreg:$0xa] =	wrdreg s3  }
0x19: {  	s22 =	sadd.s32 s13, s1;
	s25 =	sadd.s32 s5, s24;
	[dreg:$0x8] =	wrdreg s14  }
0x1a: {  	s8 =	simm.s32 $0x1C800;
	s14 =	sadd.s32 s10, s29;
	[dreg:$0xe] =	wrdreg s25  }
0x1b: {  	s13 =	simm.s32 $0x3800;
	s29 =	sadd.s32 $0x84C00, s31;
	[dreg:$0x9] =	wrdreg s14  }
0x1c: {  	s14 =	sadd.s32 $0x1D200, s0;
	s0 =	sadd.s32 $0x84600, s0;
	[dreg:$0x12] =	wrdreg s29  }
0x1d: {  	s31 =	sshrl.u32 s26, $0x2;
	s10 =	simm.s32 $0x7;
	[dreg:$0xb] =	wrdreg s0  }
0x1e: {  	s23 =	sadd.s32 s14, s15;
	s0 =	sadd.s32 $0x100, s21;
	s3 =	sadd.s32 s14, s24  }
0x1f: {  	s15 =	sadd.s32 s31, s1;
	s21 =	sadd.s32 s12, s1;
	s24 =	sadd.s32 s18, s1  }
.Ltmp0:
0x20: {  	s18 =	simm.s32 $0x2;
	[dreg:$0xd] =	wrdreg s23;
	(pc) =	sbr.rel .LBB2_1-.Ltmp0, $4  }
0x21: {  	[dreg:$0xf] =	wrdreg s3;
	s28 =	sadd.s32 s5, s0;
	s0 =	sadd.s32 s14, s0  }
0x22: {  	s23 =	sadd.s32 s17, s1;
	s3 =	sadd.s32 s19, s1;
	[dreg:$0x10] =	wrdreg s28  }
0x23: {  	s17 =	simm.s32 $0x1;
	[dreg:$0x11] =	wrdreg s0;
	s0 =	sadd.s32 s9, s1  }
0x24: {  	v0 =	vimm.f32 $1.000000000e+00;
	s19 =	simm.s32 $0x0;
	s9 =	simm.s32 $0x4;
	[dreg:$0x14] =	wrdreg s0  }
.LBB2_9:
0x25: {  	_ =	swait.ge [sflag:s9], $0x2800  }
0x26: {  	[sflag:s9] =	ssyncset.done $0x0  }
0x27: {  	s12 =	simm.s32 $0x5;
	[sflag:s9] =	ssyncadd.s32 $0xFFFFD800  }
0x28: {  	_ =	swait.ge [sflag:s12], $0x2800  }
0x29: {  	[sflag:s12] =	ssyncset.done $0x0  }
0x2a: {  	s21 =	rddreg [dreg:$0x12];
	[sflag:s12] =	ssyncadd.s32 $0xFFFFD800  }
0x2b: {  	[hbm4b:s21+s2] =	stream.linear.scatter [tilespmem:s8], [sflag:$0xA], $0x2800, $0x38;
	[tilespmem:$0x1F000] =	vst v63  }
0x2c: {  	_ =	swait.ge [sflag:s7], $0x2800  }
0x2d: {  	[sflag:s7] =	ssyncset.done $0x0  }
0x2e: {  	[sflag:s7] =	ssyncadd.s32 $0xFFFFD800  }
0x2f: {  	[bflag:$0x0] =	sbarrier.arrive $0xFFFF  }
0x30: {  	[tilespmem:s6], [sflag:$0xA] =	stream.linear.gather [spmem:s26], $0x2800, $0x38;
	[tilespmem:$0x1F000] =	vst v63  }
0x31: {  	_ =	swait.ge [sflag:s7], $0x2800  }
0x32: {  	[sflag:s7] =	ssyncset.done $0x0  }
0x33: {  	s22 =	rddreg [dreg:$0x3];
	[sflag:s7] =	ssyncadd.s32 $0xFFFFD800  }
0x34: {  	[hbm4b:s22+s2] =	stream.linear.scatter [tilespmem:s6], [sflag:$0x1], $0x2800, $0x38;
	[tilespmem:$0x1F000] =	vst v63  }
0x35: {  	_ = 	snop  }
0x36: {  	[tilespmem:s13], [sflag:$0xA] =	stream.linear.gather [spmem:s28], $0x2800, $0x38;
	[tilespmem:$0x1F000] =	vst v63  }
0x37: {  	_ =	swait.ge [sflag:s7], $0x2800  }
0x38: {  	[sflag:s7] =	ssyncset.done $0x0  }
0x39: {  	s23 =	rddreg [dreg:$0x4];
	[sflag:s7] =	ssyncadd.s32 $0xFFFFD800  }
0x3a: {  	[hbm4b:s23+s2] =	stream.linear.scatter [tilespmem:s13], [sflag:$0x2], $0x2800, $0x38;
	[tilespmem:$0x1F000] =	vst v63  }
0x3b: {  	_ =	swait.ge [sflag:s17], $0x2800  }
0x3c: {  	[sflag:s17] =	ssyncset.done $0x0  }
0x3d: {  	[sflag:s17] =	ssyncadd.s32 $0xFFFFD800  }
0x3e: {  	[tilespmem:s6], [sflag:$0xA] =	stream.linear.gather [spmem:s29], $0x2800, $0x38;
	[tilespmem:$0x1F000] =	vst v63  }
0x3f: {  	_ =	swait.ge [sflag:s7], $0x2800  }
0x40: {  	[sflag:s7] =	ssyncset.done $0x0  }
0x41: {  	s24 =	rddreg [dreg:$0x5];
	[sflag:s7] =	ssyncadd.s32 $0xFFFFD800  }
0x42: {  	[hbm4b:s24+s2] =	stream.linear.scatter [tilespmem:s6], [sflag:$0x1], $0x2800, $0x38;
	[tilespmem:$0x1F000] =	vst v63  }
0x43: {  	_ =	swait.ge [sflag:s18], $0x2800  }
0x44: {  	[sflag:s18] =	ssyncset.done $0x0  }
0x45: {  	[sflag:s18] =	ssyncadd.s32 $0xFFFFD800  }
0x46: {  	[tilespmem:s13], [sflag:$0xA] =	stream.linear.gather [spmem:s30], $0x2800, $0x38;
	[tilespmem:$0x1F000] =	vst v63  }
0x47: {  	_ =	swait.ge [sflag:s7], $0x2800  }
0x48: {  	[sflag:s7] =	ssyncset.done $0x0  }
0x49: {  	s25 =	rddreg [dreg:$0x6];
	[sflag:s7] =	ssyncadd.s32 $0xFFFFD800  }
0x4a: {  	[hbm4b:s25+s2] =	stream.linear.scatter [tilespmem:s13], [sflag:$0x2], $0x2800, $0x38;
	[tilespmem:$0x1F000] =	vst v63  }
0x4b: {  	_ =	swait.ge [sflag:s17], $0x2800  }
0x4c: {  	[sflag:s17] =	ssyncset.done $0x0  }
0x4d: {  	[sflag:s17] =	ssyncadd.s32 $0xFFFFD800  }
0x4e: {  	[tilespmem:s6], [sflag:$0xA] =	stream.linear.gather [spmem:s31], $0x2800, $0x38;
	[tilespmem:$0x1F000] =	vst v63  }
0x4f: {  	_ =	swait.ge [sflag:s7], $0x2800  }
0x50: {  	[sflag:s7] =	ssyncset.done $0x0  }
0x51: {  	s15 =	smov.u32 s26;
	s26 =	rddreg [dreg:$0x7];
	[sflag:s7] =	ssyncadd.s32 $0xFFFFD800  }
0x52: {  	[hbm4b:s26+s2] =	stream.linear.scatter [tilespmem:s6], [sflag:$0x1], $0x2800, $0x38;
	[tilespmem:$0x1F000] =	vst v63  }
0x53: {  	_ =	swait.ge [sflag:s18], $0x2800  }
0x54: {  	[sflag:s18] =	ssyncset.done $0x0  }
0x55: {  	[sflag:s18] =	ssyncadd.s32 $0xFFFFD800  }
0x56: {  	[tilespmem:s13], [sflag:$0xA] =	stream.linear.gather [spmem:s0], $0x2800, $0x38;
	[tilespmem:$0x1F000] =	vst v63  }
0x57: {  	_ =	swait.ge [sflag:s7], $0x2800  }
0x58: {  	[sflag:s7] =	ssyncset.done $0x0  }
0x59: {  	s20 =	smov.u32 s28;
	s28 =	rddreg [dreg:$0x8];
	[sflag:s7] =	ssyncadd.s32 $0xFFFFD800  }
0x5a: {  	[hbm4b:s28+s2] =	stream.linear.scatter [tilespmem:s13], [sflag:$0x2], $0x2800, $0x38;
	[tilespmem:$0x1F000] =	vst v63  }
0x5b: {  	_ =	swait.ge [sflag:s17], $0x2800  }
0x5c: {  	[sflag:s17] =	ssyncset.done $0x0  }
0x5d: {  	[sflag:s17] =	ssyncadd.s32 $0xFFFFD800  }
0x5e: {  	[tilespmem:s6], [sflag:$0xA] =	stream.linear.gather [spmem:s3], $0x2800, $0x38;
	[tilespmem:$0x1F000] =	vst v63  }
0x5f: {  	_ =	swait.ge [sflag:s7], $0x2800  }
0x60: {  	[sflag:s7] =	ssyncset.done $0x0  }
0x61: {  	s21 =	smov.u32 s29;
	s29 =	rddreg [dreg:$0x9];
	[sflag:s7] =	ssyncadd.s32 $0xFFFFD800  }
0x62: {  	[hbm4b:s29+s2] =	stream.linear.scatter [tilespmem:s6], [sflag:$0x1], $0x2800, $0x38;
	[tilespmem:$0x1F000] =	vst v63  }
0x63: {  	_ =	swait.ge [sflag:s18], $0x2800  }
0x64: {  	[sflag:s18] =	ssyncset.done $0x0  }
0x65: {  	s24 =	smov.u32 s0;
	s0 =	rddreg [dreg:$0x14];
	[sflag:s18] =	ssyncadd.s32 $0xFFFFD800  }
0x66: {  	[tilespmem:s13], [sflag:$0xA] =	stream.linear.gather [spmem:s0], $0x2800, $0x38;
	[tilespmem:$0x1F000] =	vst v63  }
0x67: {  	_ =	swait.ge [sflag:s7], $0x2800  }
0x68: {  	[sflag:s7] =	ssyncset.done $0x0  }
0x69: {  	s22 =	smov.u32 s30;
	s30 =	rddreg [dreg:$0xa];
	[sflag:s7] =	ssyncadd.s32 $0xFFFFD800  }
0x6a: {  	[hbm4b:s30+s2] =	stream.linear.scatter [tilespmem:s13], [sflag:$0x2], $0x2800, $0x38;
	[tilespmem:$0x1F000] =	vst v63  }
0x6b: {  	_ =	swait.ge [sflag:s17], $0x2800  }
0x6c: {  	[sflag:s17] =	ssyncset.done $0x0  }
0x6d: {  	[sflag:s17] =	ssyncadd.s32 $0xFFFFD800  }
0x6e: {  	_ =	swait.ge [sflag:s18], $0x2800  }
0x6f: {  	s19 =	sadd.s32 $0x1, s19;
	s23 =	smov.u32 s31;
	s31 =	rddreg [dreg:$0x13]  }
0x70: {  	p0 =	sne.s32 s19, s31  }
.Ltmp1:
0x71: {  	_ = 	snop;
	(pc) =	sbr.rel @!p0 .LBB2_10-.Ltmp1, $3  }
0x72: {  	_ =	sdelay $0x1  }
0x73: {  	[sflag:s18] =	ssyncset.done $0x0  }
0x74: {  	[sflag:s18] =	ssyncadd.s32 $0xFFFFD800  }
.LBB2_1:
0x75: {  	s12 =	rddreg [dreg:$0xb]  }
0x76: {  	[tilespmem:s6], [sflag:$0xA] =	stream.linear.gather [hbm4b:s12+s2], $0x2800, $0x38;
	[tilespmem:$0x1F000] =	vst v63  }
0x77: {  	_ =	swait.ge [sflag:s7], $0x2800  }
0x78: {  	[sflag:s7] =	ssyncset.done $0x0  }
0x79: {  	[sflag:s7] =	ssyncadd.s32 $0xFFFFD800  }
0x7a: {  	[tilespmem:s8], [sflag:$0xA] =	stream.linear.gather [hbm4b:s12+s2], $0x2800, $0x38;
	[tilespmem:$0x1F000] =	vst v63  }
0x7b: {  	_ =	swait.ge [sflag:s7], $0x2800  }
0x7c: {  	[sflag:s7] =	ssyncset.done $0x0  }
0x7d: {  	[sflag:s7] =	ssyncadd.s32 $0xFFFFD800  }
0x7e: {  	[spmem:s15] =	stream.linear.scatter [tilespmem:s6], [sflag:$0x4], $0x2800, $0x38;
	[tilespmem:$0x1F000] =	vst v63  }
0x7f: {  	_ = 	snop  }
0x80: {  	[spmem:s20] =	stream.linear.scatter [tilespmem:s6], [sflag:$0x4], $0x2800, $0x38;
	[tilespmem:$0x1F000] =	vst v63  }
0x81: {  	_ = 	snop  }
0x82: {  	[spmem:s21] =	stream.linear.scatter [tilespmem:s6], [sflag:$0x4], $0x2800, $0x38;
	[tilespmem:$0x1F000] =	vst v63  }
0x83: {  	_ = 	snop  }
0x84: {  	[spmem:s22] =	stream.linear.scatter [tilespmem:s6], [sflag:$0x4], $0x2800, $0x38;
	[tilespmem:$0x1F000] =	vst v63  }
0x85: {  	_ = 	snop  }
0x86: {  	[spmem:s23] =	stream.linear.scatter [tilespmem:s6], [sflag:$0x4], $0x2800, $0x38;
	[tilespmem:$0x1F000] =	vst v63  }
0x87: {  	_ = 	snop  }
0x88: {  	[spmem:s24] =	stream.linear.scatter [tilespmem:s6], [sflag:$0x4], $0x2800, $0x38;
	[tilespmem:$0x1F000] =	vst v63  }
0x89: {  	_ = 	snop  }
0x8a: {  	[spmem:s3] =	stream.linear.scatter [tilespmem:s6], [sflag:$0x4], $0x2800, $0x38;
	[tilespmem:$0x1F000] =	vst v63  }
0x8b: {  	s28 =	smov.u32 s20;
	s20 =	smov.u32 s0  }
0x8c: {  	[spmem:s20] =	stream.linear.scatter [tilespmem:s6], [sflag:$0x4], $0x2800, $0x38;
	[tilespmem:$0x1F000] =	vst v63  }
0x8d: {  	_ =	swait.ge [sflag:s9], $0x2800  }
0x8e: {  	[sflag:s9] =	ssyncset.done $0x0  }
0x8f: {  	[sflag:s9] =	ssyncadd.s32 $0xFFFFD800  }
0x90: {  	_ =	swait.ge [sflag:s9], $0x2800  }
0x91: {  	[sflag:s9] =	ssyncset.done $0x0  }
0x92: {  	[sflag:s9] =	ssyncadd.s32 $0xFFFFD800  }
0x93: {  	_ =	swait.ge [sflag:s9], $0x2800  }
0x94: {  	[sflag:s9] =	ssyncset.done $0x0  }
0x95: {  	[sflag:s9] =	ssyncadd.s32 $0xFFFFD800  }
0x96: {  	_ =	swait.ge [sflag:s9], $0x2800  }
0x97: {  	[sflag:s9] =	ssyncset.done $0x0  }
0x98: {  	[sflag:s9] =	ssyncadd.s32 $0xFFFFD800  }
0x99: {  	_ =	swait.ge [sflag:s9], $0x2800  }
0x9a: {  	[sflag:s9] =	ssyncset.done $0x0  }
0x9b: {  	[sflag:s9] =	ssyncadd.s32 $0xFFFFD800  }
0x9c: {  	_ =	swait.ge [sflag:s9], $0x2800  }
0x9d: {  	[sflag:s9] =	ssyncset.done $0x0  }
0x9e: {  	[sflag:s9] =	ssyncadd.s32 $0xFFFFD800  }
0x9f: {  	_ =	swait.ge [sflag:s9], $0x2800  }
0xa0: {  	[sflag:s9] =	ssyncset.done $0x0  }
0xa1: {  	[sflag:s9] =	ssyncadd.s32 $0xFFFFD800  }
0xa2: {  	_ =	swait.ge [sflag:s9], $0x2800  }
0xa3: {  	[sflag:s9] =	ssyncset.done $0x0  }
0xa4: {  	[sflag:s9] =	ssyncadd.s32 $0xFFFFD800  }
0xa5: {  	[bflag:$0x0] =	sbarrier.arrive $0xFFFF  }
0xa6: {  	s29 =	smov.u32 s21;
	s30 =	smov.u32 s22;
	s21 =	rddreg [dreg:$0xc]  }
0xa7: {  	[tilespmem:s2], [sflag:$0x7] =	stream.linear.gather [hbm4b:s21+s2], $0x280, $0x38;
	[tilespmem:$0x1F000] =	vst v63  }
0xa8: {  	s31 =	smov.u32 s23;
	s23 =	simm.s32 $0x800;
	s22 =	rddreg [dreg:$0xd]  }
0xa9: {  	[tilespmem:s23], [sflag:$0x7] =	stream.linear.gather [hbm4b:s22+s2], $0x280, $0x38;
	[tilespmem:$0x1F000] =	vst v63  }
0xaa: {  	_ =	swait.ge [sflag:s10], $0x280  }
0xab: {  	[sflag:s10] =	ssyncset.done $0x0  }
0xac: {  	[sflag:s10] =	ssyncadd.s32 $0xFFFFFD80  }
0xad: {  	_ =	swait.ge [sflag:s10], $0x280  }
0xae: {  	s25 =	simm.s32 $0x280;
	[sflag:s10] =	ssyncset.done $0x0  }
0xaf: {  	s0 =	smov.u32 s24;
	s24 =	rddreg [dreg:$0xe];
	[sflag:s10] =	ssyncadd.s32 $0xFFFFFD80  }
0xb0: {  	[tilespmem:s25], [sflag:$0x8] =	stream.linear.gather [hbm4b:s24+s2], $0x280, $0x38;
	[tilespmem:$0x1F000] =	vst v63  }
0xb1: {  	s21 =	simm.s32 $0xA80;
	s20 =	rddreg [dreg:$0xf]  }
0xb2: {  	[tilespmem:s21], [sflag:$0x8] =	stream.linear.gather [hbm4b:s20+s2], $0x280, $0x38;
	[tilespmem:$0x1F000] =	vst v63  }
0xb3: {  	s23 =	simm.s32 $0x500;
	s22 =	rddreg [dreg:$0x10]  }
0xb4: {  	[tilespmem:s23], [sflag:$0x9] =	stream.linear.gather [hbm4b:s22+s2], $0x280, $0x38;
	[tilespmem:$0x1F000] =	vst v63  }
0xb5: {  	s24 =	rddreg [dreg:$0x11];
	s25 =	simm.s32 $0xD00  }
0xb6: {  	[tilespmem:s25], [sflag:$0x9] =	stream.linear.gather [hbm4b:s24+s2], $0x280, $0x38;
	[tilespmem:$0x1F000] =	vst v63  }
0xb7: {  	s26 =	smov.u32 s15;
	s20 =	simm.s32 $0x0  }
0xb8: {  	[tilespmem:s6], [sflag:$0x1] =	stream.indirect.gather [hbm4b:s4+s11], $0x80, s2, s11, $0xb8;
	[tilespmem:$0x1F000] =	vst v63  }
.LBB2_2:
0xb9: {  	s22 =	smul.u32 $0xAB, s20  }
0xba: {  	s21 =	sadd.s32 $0x1, s20  }
0xbb: {  	s23 =	smul.u32 $0xCD, s21;
	s12 =	sadd.s32 $0xAB, s22  }
0xbc: {  	s12 =	sshrl.u32 s12, $0x9  }
0xbd: {  	s23 =	sshrl.u32 s23, $0xA;
	s12 =	sand.u32 $0x7F, s12  }
0xbe: {  	s24 =	sand.u32 $0x3F, s23;
	s12 =	smul.u32 $0x3, s12  }
0xbf: {  	s15 =	smul.u32 $0x5, s24  }
0xc0: {  	s12 =	ssub.s32 s21, s12  }
0xc1: {  	p0 =	seq.s32 s20, $0x7C;
	s23 =	sand.u32 $0xFF, s12;
	s12 =	ssub.s32 s21, s15  }
0xc2: {  	s25 =	sand.u32 @!p0 $0xFF, s12  }
0xc3: {  	p2 =	sne.s32 @!p0 s25, $0x0  }
0xc4: {  	p2 =	por p0, p2  }
.Ltmp2:
0xc5: {  	p1 =	slt.u32 s20, $0x2;
	(pc) =	sbr.rel @p2 .LBB2_4-.Ltmp2, $4  }
0xc6: {  	s15 =	sadd.s32 @!p1 $0x4, s23  }
0xc7: {  	_ =	swait.ge @!p1 [sflag:s15], $0x2800  }
0xc8: {  	[sflag:s15] =	ssyncset.done @!p1 $0x0  }
0xc9: {  	[sflag:s15] =	ssyncadd.s32 @!p1 $0xFFFFD800  }
0xca: {  	s12 =	smul.u32 $0x56, s24;
	_ =	sdelay $0x1  }
0xcb: {  	s12 =	sshrl.u32 s12, $0x8  }
0xcc: {  	s12 =	smul.u32 $0x3, s12;
	_ =	sdelay $0x1  }
0xcd: {  	s12 =	ssub.s32 s24, s12  }
0xce: {  	s12 =	sand.u32 $0xFF, s12  }
0xcf: {  	s12 =	sadd.s32 $0x7, s12  }
0xd0: {  	_ =	swait.ge [sflag:s12], $0x280  }
.Ltmp3:
0xd1: {  	[sflag:s12] =	ssyncset.done $0x0;
	(pc) =	sbr.rel .LBB2_7-.Ltmp3, $4  }
0xd2: {  	[sflag:s12] =	ssyncadd.s32 $0xFFFFFD80  }
0xd3: {  	_ =	swait.ge [sflag:s12], $0x280  }
0xd4: {  	[sflag:s12] =	ssyncset.done $0x0  }
0xd5: {  	[sflag:s12] =	ssyncadd.s32 $0xFFFFFD80  }
.LBB2_4:
0xd6: {  	p1 =	slt.u32 s20, $0x4  }
0xd7: {  	s12 =	sand.u32 @!p1 $0xFF, s12  }
0xd8: {  	p2 =	sne.s32 @!p1 s12, $0x3  }
0xd9: {  	p1 =	por p1, p2  }
0xda: {  	p2 =	sgt.u32 @!p1 s20, $0x71  }
0xdb: {  	p1 =	por p1, p2  }
.Ltmp4:
0xdc: {  	_ = 	snop;
	(pc) =	sbr.rel @p1 .LBB2_6-.Ltmp4, $1  }
0xdd: {  	_ =	sdelay $0x3  }
0xde: {  	s12 =	sadd.s32 $0x2, s24  }
0xdf: {  	s15 =	smul.u32 $0x56, s12;
	_ =	sdelay $0x1  }
0xe0: {  	s15 =	sshrl.u32 s15, $0x8  }
0xe1: {  	s15 =	smul.u32 $0x3, s15;
	_ =	sdelay $0x1  }
0xe2: {  	s15 =	ssub.s32 s12, s15  }
0xe3: {  	s12 =	sadd.s32 s12, s16;
	s15 =	sand.u32 $0xFF, s15  }
0xe4: {  	s12 =	sshll.u32 s12, $0x7;
	s24 =	smul.u32 $0x280, s15  }
0xe5: {  	s15 =	sadd.s32 $0x7, s15;
	s25 =	sadd.s32 s5, s12  }
0xe6: {  	[tilespmem:s24], [sflag:s15] =	stream.linear.gather [hbm4b:s25+s2], $0x280, $0x38;
	[tilespmem:$0x1F000] =	vst v63  }
0xe7: {  	s12 =	sadd.s32 s14, s12;
	s24 =	sor.u32 $0x800, s24  }
0xe8: {  	[tilespmem:s24], [sflag:s15] =	stream.linear.gather [hbm4b:s12+s2], $0x280, $0x38;
	[tilespmem:$0x1F000] =	vst v63  }
.LBB2_7:
0xe9: {  	s12 =	smul.u32 $0x89, s21;
	_ =	sdelay $0x1  }
0xea: {  	s12 =	sshrl.u32 s12, $0xB  }
0xeb: {  	s12 =	sand.u32 $0x1F, s12  }
0xec: {  	s12 =	smul.u32 $0xF, s12  }
0xed: {  	s15 =	smul.u32 $0xA000, s23  }
0xee: {  	s12 =	ssub.s32 s21, s12  }
0xef: {  	s15 =	sshrl.u32 s15, $0x2;
	s12 =	sand.u32 $0xFF, s12  }
0xf0: {  	s25 =	sadd.s32 $0x1, s23;
	s15 =	sadd.s32 $0x1000, s15;
	s12 =	sshll.u32 s12, $0x7  }
0xf1: {  	[tilespmem:s15], [sflag:s25] =	stream.indirect.gather [hbm4b:s4+s11], $0x80, s12, s11, $0xb8;
	[tilespmem:$0x1F000] =	vst v63  }
.LBB2_8:
0xf2: {  	s12 =	sshrl.u32 s22, $0x9;
	s15 =	smul.u32 $0x89, s20  }
0xf3: {  	s12 =	sand.u32 $0x7F, s12  }
0xf4: {  	s12 =	smul.u32 $0x3, s12;
	s15 =	sshrl.u32 s15, $0xB  }
0xf5: {  	s15 =	sand.u32 $0x1F, s15  }
0xf6: {  	s12 =	ssub.s32 s20, s12;
	s15 =	smul.u32 $0xF, s15  }
0xf7: {  	s12 =	sand.u32 $0xFF, s12  }
0xf8: {  	s23 =	sadd.s32 $0x1, s12;
	s15 =	ssub.s32 s20, s15;
	s24 =	smul.u32 $0xA000, s12  }
0xf9: {  	s12 =	sadd.s32 $0x4, s12;
	_ =	swait.ge [sflag:s23], $0x2800;
	s15 =	sand.u32 $0xFF, s15  }
0xfa: {  	[sflag:s23] =	ssyncset.done $0x0;
	s20 =	sshrl.u32 s24, $0x2;
	s15 =	sshll.u32 s15, $0x7  }
0xfb: {  	[sflag:s23] =	ssyncadd.s32 $0xFFFFD800;
	s20 =	sadd.s32 $0x1000, s20;
	s25 =	sor.u32 $0x800, s15  }
0xfc: {  	[spmem:s1] =	stream.indirect.scatter.add.f32 [tilespmem:s20], [sflag:s12], $0x80, s25, s11, $0xb8;
	[tilespmem:$0x1F000] =	vst v63  }
0xfd: {  	v1 =	vld [tilespmem:s25+$0x0];
	_ =	sdelay $0x7  }
0xfe: {  	s22 =	sor.u32 $0x810, s15;
	[tilespmem:v1+s8+$0x0] =	vst.idx.add.f32.msk $0xffff, v0  }
0xff: {  	v1 =	vld [tilespmem:s22+$0x0];
	_ =	sdelay $0x7  }
0x100: {  	s23 =	sor.u32 $0x820, s15;
	[tilespmem:v1+s8+$0x0] =	vst.idx.add.f32.msk $0xffff, v0  }
0x101: {  	v1 =	vld [tilespmem:s23+$0x0];
	_ =	sdelay $0x7  }
0x102: {  	s24 =	sor.u32 $0x830, s15;
	[tilespmem:v1+s8+$0x0] =	vst.idx.add.f32.msk $0xffff, v0  }
0x103: {  	v1 =	vld [tilespmem:s24+$0x0];
	_ =	sdelay $0x7  }
0x104: {  	s25 =	sor.u32 $0x840, s15;
	[tilespmem:v1+s8+$0x0] =	vst.idx.add.f32.msk $0xffff, v0  }
0x105: {  	v1 =	vld [tilespmem:s25+$0x0];
	_ =	sdelay $0x2  }
0x106: {  	p0 =	sne.s32 s21, $0x7D  }
.Ltmp5:
0x107: {  	_ = 	snop;
	(pc) =	sbr.rel @p0 .LBB2_2-.Ltmp5, $4  }
.Ltmp6:
0x108: {  	_ = 	snop;
	(pc) =	sbr.rel @!p0 .LBB2_9-.Ltmp6, $4  }
0x109: {  	_ = 	snop  }
0x10a: {  	_ = 	snop  }
0x10b: {  	s20 =	smov.u32 s21;
	[tilespmem:v1+s8+$0x0] =	vst.idx.add.f32.msk $0xffff, v0  }
0x10c: {  	_ = 	snop  }
.LBB2_6:
.Ltmp7:
0x10d: {  	(pc) =	sbr.rel @p0 .LBB2_8-.Ltmp7, $4  }
.Ltmp8:
0x10e: {  	(pc) =	sbr.rel @!p0 .LBB2_7-.Ltmp8, $4  }
0x10f: {  	_ = 	snop  }
0x110: {  	_ = 	snop  }
0x111: {  	_ = 	snop  }
0x112: {  	_ = 	snop  }
.LBB2_10:
0x113: {  	_ =	sfence.sel $0x180000  }
0x114: {  	[bflag:$0x0] =	sbarrier.arrive $0xFFFF  }
0x115: {  	_ =	strace $0x90000047  }
0x116: {  	s0 =	stileid.u32;
	[bflag:$0x2] =	sbarrier.arrive $0xFFFF  }
0x117: {  	p0 =	sne.s32 s0, $0x0;
	s0 =	rddreg [dreg:$0x2]  }
0x118: {  	s0 =	sadd.s32 @!p0 $0x100000, s0  }
0x119: {  	[sflag:s0] =	ssyncadd.tile.s32 @!p0 $0x1;
	_ =	shalt  }
.Lfunc_end2:
_tile_overlayer_lowered:
.L_overlay_start_2:
0x11a: {  	(tag) =	ssettag $0x2  }
0x11b: {  	s0 =	rddreg [dreg:$0x0];
	s2 =	stileid.u32  }
0x11c: {  	s1 =	rddreg [dreg:$0x1];
	p0 =	sne.s32 s2, $0x0  }
0x11d: {  	s3 =	rddreg [dreg:$0x2];
	[bflag:$0x3] =	sbarrier.arrive $0xFFFF;
	s2 =	simm.s32 @!p0 $0x1C0A  }
0x11e: {  	[timem:s3], [sflag:s2] =	dma.local @!p0 [hbm:s0], s1  }
0x11f: {  	s0 =	simm.s32 @!p0 $0xA  }
0x120: {  	_ =	swait.ge @!p0 [sflag:s0], s1  }
0x121: {  	s1 =	ssub.s32 @!p0 $0x0, s1;
	[sflag:s0] =	ssyncset.done @!p0 $0x0  }
0x122: {  	[sflag:s0] =	ssyncadd.s32 @!p0 s1  }
0x123: {  	[bflag:$0x3] =	sbarrier.arrive $0xFFFF  }
0x124: {  	_ =	shalt  }

// kernel: kernel.13.cloned.1.call-start
scs
__scs_entry_jumppad:
0x0: {  	(pc) =	sbr.rel $0x88, $3  }
0x1: {  	(tag) =	ssettag $0x0;
	lr =	simm.s32 $0x1  }
0x2: {  	[smem:$0x3F8F] =	sst lr;
	_ =	strace $0xD0000000  }
0x3: {  	_ = 	snop  }
0x4: {  	_ = 	snop  }
0x5: {  	_ = 	snop  }
0x6: {  	_ = 	snop  }
0x7: {  	_ = 	snop  }
__scs_overlays_trampoline_lowered:
0x8: {  	[smem:$0x3F9E] =	sst s0  }
0x9: {  	[smem:$0x3F9F] =	sst s1  }
0xa: {  	[smem:$0x3FA0] =	sst s2  }
0xb: {  	[smem:$0x3FA1] =	sst s3  }
0xc: {  	[smem:$0x3FA2] =	sst s4  }
0xd: {  	[smem:$0x3FA3] =	sst s5  }
0xe: {  	[smem:$0x3FA4] =	sst s6  }
0xf: {  	[smem:$0x3FA5] =	sst s7  }
0x10: {  	[smem:$0x3FA6] =	sst s8  }
0x11: {  	[smem:$0x3FA7] =	sst s9;
	s0 =	simm.s32 @!p0 $0x0  }
0x12: {  	s1 =	sld [smem:$0x3F8D];
	s0 =	simm.s32 @p0 $0x1  }
0x13: {  	[smem:$0x3FA8] =	sst s0;
	s0 =	simm.s32 @!p1 $0x0  }
0x14: {  	s2 =	sld [smem:$0x3F8C];
	s0 =	simm.s32 @p1 $0x1  }
0x15: {  	[smem:$0x3FA9] =	sst s0;
	s0 =	simm.s32 @!p2 $0x0  }
0x16: {  	s3 =	sld [smem:$0x3FDB];
	s0 =	simm.s32 @p2 $0x1  }
0x17: {  	s4 =	simm.s32 $0x1BF5;
	[smem:$0x3FAB] =	sst s0  }
0x18: {  	s0 =	sld [smem:$0x3F8E];
	_ =	swait.ge [sflag:s4], $0x0  }
0x19: {  	s7 =	sld [smem:$0x3F8F]  }
0x1a: {  	s8 =	sadd.s32 $0xFFFFE003, lr  }
0x1b: {  	s9 =	sadd.s32 $0xFFFFFEF7, lr;
	s5 =	simm.s32 $0xFFFFFFFF;
	p2 =	slt.u32 s8, $0xFFFFF086  }
0x1c: {  	p1 =	slt.u32 s9, $0xF7A;
	s5 =	simm.s32 @!p2 $0x0  }
0x1d: {  	s5 =	simm.s32 @p1 $0x1;
	p0 =	seq.s32 s7, s2  }
0x1e: {  	s7 =	smul.u32 @!p0 $0xF7A, s2;
	p2 =	seq.s32 @!p0 s5, $0x0  }
0x1f: {  	s9 =	smul.u32 $0xF7A, s1;
	s8 =	simm.s32 @!p0 $0x1BF5;
	p2 =	por !p2, p0  }
0x20: {  	[sflag:s8] =	ssyncset.s32 @!p0 $0xFFFFF086;
	s6 =	sadd.s32 @!p0 s3, s7;
	s7 =	simm.s32 @!p0 $0x108  }
0x21: {  	s3 =	sadd.s32 s3, s9;
	s6 =	sadd.s32 @!p0 $0x88, s6;
	s7 =	simm.s32 @p2 $0x1082  }
0x22: {  	[simem:s7], [sflag:s8] =	dma.local @!p0 [hbm:s6], $0xF7A  }
0x23: {  	s9 =	sor.u32 $0xD0000000, s2;
	s6 =	simm.s32 $0x108;
	_ =	swait.ge @!p0 [sflag:s8], $0x0  }
0x24: {  	s3 =	sadd.s32 $0x88, s3;
	s6 =	simm.s32 @!p1 $0x1082;
	[sflag:s4] =	ssyncset.s32 $0xFFFFF086  }
0x25: {  	[simem:s6], [sflag:s4] =	dma.local [hbm:s3], $0xF7A  }
0x26: {  	[smem:$0x3F8F] =	sst s1;
	(tag) =	ssettag s2;
	_ =	strace s9  }
0x27: {  	s1 =	sld [smem:$0x3F9F]  }
0x28: {  	s2 =	sld [smem:$0x3FA0]  }
0x29: {  	s4 =	sld [smem:$0x3FA2]  }
0x2a: {  	p0 =	seq.s32 s5, $0x0;
	s5 =	sld [smem:$0x3FA3]  }
0x2b: {  	s6 =	sld [smem:$0x3FA4]  }
0x2c: {  	s7 =	sld [smem:$0x3FA5]  }
0x2d: {  	s3 =	simm.s32 $0x108;
	s8 =	sld [smem:$0x3FA6]  }
0x2e: {  	s3 =	simm.s32 @!p0 $0x1082;
	s9 =	sld [smem:$0x3FA7]  }
0x2f: {  	lr =	sadd.s32 s0, s3;
	s0 =	sld [smem:$0x3F9E]  }
0x30: {  	s3 =	sld [smem:$0x3FA1]  }
0x31: {  	[smem:$0x3FAA] =	sst s10  }
0x32: {  	s10 =	sld [smem:$0x3FA8];
	_ =	sdelay $0x3  }
0x33: {  	p0 =	seq.s32 s10, $0x1;
	s10 =	sld [smem:$0x3FAA];
	_ =	sdelay $0x3  }
0x34: {  	[smem:$0x3FAA] =	sst s10  }
0x35: {  	s10 =	sld [smem:$0x3FA9];
	_ =	sdelay $0x3  }
0x36: {  	p1 =	seq.s32 s10, $0x1;
	s10 =	sld [smem:$0x3FAA];
	_ =	sdelay $0x3  }
0x37: {  	[smem:$0x3FAA] =	sst s10  }
0x38: {  	s10 =	sld [smem:$0x3FAB]  }
0x39: {  	_ = 	snop;
	(pc) =	sbr.ind lr, $3  }
0x3a: {  	_ = 	snop  }
0x3b: {  	_ = 	snop  }
0x3c: {  	p2 =	seq.s32 s10, $0x1;
	s10 =	sld [smem:$0x3FAA]  }
0x3d: {  	_ =	shalt  }
0x3e: {  	_ =	shalt  }
0x3f: {  	_ =	shalt  }
0x40: {  	_ =	shalt  }
0x41: {  	_ =	shalt  }
0x42: {  	_ =	shalt  }
0x43: {  	_ =	shalt  }
0x44: {  	_ =	shalt  }
0x45: {  	_ =	shalt  }
0x46: {  	_ =	shalt  }
0x47: {  	_ =	shalt  }
0x48: {  	_ =	shalt  }
0x49: {  	_ =	shalt  }
0x4a: {  	_ =	shalt  }
0x4b: {  	_ =	shalt  }
0x4c: {  	_ =	shalt  }
0x4d: {  	_ =	shalt  }
0x4e: {  	_ =	shalt  }
0x4f: {  	_ =	shalt  }
0x50: {  	_ =	shalt  }
0x51: {  	_ =	shalt  }
0x52: {  	_ =	shalt  }
0x53: {  	_ =	shalt  }
0x54: {  	_ =	shalt  }
0x55: {  	_ =	shalt  }
0x56: {  	_ =	shalt  }
0x57: {  	_ =	shalt  }
0x58: {  	_ =	shalt  }
0x59: {  	_ =	shalt  }
0x5a: {  	_ =	shalt  }
0x5b: {  	_ =	shalt  }
0x5c: {  	_ =	shalt  }
0x5d: {  	_ =	shalt  }
0x5e: {  	_ =	shalt  }
0x5f: {  	_ =	shalt  }
0x60: {  	_ =	shalt  }
0x61: {  	_ =	shalt  }
0x62: {  	_ =	shalt  }
0x63: {  	_ =	shalt  }
0x64: {  	_ =	shalt  }
0x65: {  	_ =	shalt  }
0x66: {  	_ =	shalt  }
0x67: {  	_ =	shalt  }
0x68: {  	_ =	shalt  }
0x69: {  	_ =	shalt  }
0x6a: {  	_ =	shalt  }
0x6b: {  	_ =	shalt  }
0x6c: {  	_ =	shalt  }
0x6d: {  	_ =	shalt  }
0x6e: {  	_ =	shalt  }
0x6f: {  	_ =	shalt  }
0x70: {  	_ =	shalt  }
0x71: {  	_ =	shalt  }
0x72: {  	_ =	shalt  }
0x73: {  	_ =	shalt  }
0x74: {  	_ =	shalt  }
0x75: {  	_ =	shalt  }
0x76: {  	_ =	shalt  }
0x77: {  	_ =	shalt  }
0x78: {  	_ =	shalt  }
0x79: {  	_ =	shalt  }
0x7a: {  	_ =	shalt  }
0x7b: {  	_ =	shalt  }
0x7c: {  	_ =	shalt  }
0x7d: {  	_ =	shalt  }
0x7e: {  	_ =	shalt  }
0x7f: {  	_ =	shalt  }
0x80: {  	_ =	shalt  }
0x81: {  	_ =	shalt  }
0x82: {  	_ =	shalt  }
0x83: {  	_ =	shalt  }
0x84: {  	_ =	shalt  }
0x85: {  	_ =	shalt  }
0x86: {  	_ =	shalt  }
0x87: {  	_ =	shalt  }
.Lfunc_end0:
.L_simem_size_0:
called_computation.1_lowered:
.L_overlay_start_0:
0x88: {  	s2 =	sld [smem:$0x3FD9]  }
0x89: {  	s3 =	sld [smem:$0x3FFE];
	_ =	sdelay $0x1  }
0x8a: {  	s1 =	srdreg.scid  }
0x8b: {  	s0 =	sand.u32 $0x1, s1  }
0x8c: {  	s16 =	sshll.u32 s0, $0xA;
	s2 =	sadd.s32 s3, s2  }
0x8d: {  	s2 =	sadd.s32 s2, s16  }
0x8e: {  	[smem:$0x3FB6] =	sst s2  }
0x8f: {  	_ = 	snop  }
0x90: {  	(tm) =	ssettm $0x1  }
0x91: {  	s17 =	sld [smem:$0x3FFB];
	_ =	sdelay $0x3  }
0x92: {  	_ =	strace s17  }
0x93: {  	s2 =	sld [smem:$0x3FFC];
	_ =	sdelay $0x3  }
0x94: {  	_ =	strace s2  }
0x95: {  	s2 =	sld [smem:$0x3FFD];
	_ =	sdelay $0x3  }
0x96: {  	_ =	strace s2  }
0x97: {  	_ =	strace $0x8FFFFFFF  }
0x98: {  	s18 =	sld [smem:$0x3FDB];
	_ =	sdelay $0x1  }
0x99: {  	s19 =	simm.s32 $_scs_section_size  }
0x9a: {  	s4 =	simm.s32 $_size__tile_overlayer_lowered;
	s5 =	simm.s32 $_tile_overlayer_lowered  }
0x9b: {  	s22 =	simm.s32 $0x1BFF;
	s21 =	sshll.u32 s5, $0x1;
	s2 =	sadd.s32 s19, s18  }
0x9c: {  	s6 =	simm.s32 $0x0;
	s20 =	sshll.u32 s4, $0x1;
	s4 =	sadd.s32 s21, s2  }
0x9d: {  	[timem:s6], [sflag:s22] =	dma.local [hbm:s4], s20  }
0x9e: {  	_ =	swait.ge [sflag:s22], s20  }
0x9f: {  	s3 =	ssub.s32 $0x0, s20;
	[sflag:s22] =	ssyncset.done $0x0  }
0xa0: {  	[sflag:s22] =	ssyncadd.s32 s3;
	_ =	sdelay $0x1  }
0xa1: {  	s23 =	simm.s32 $0x1B8B  }
0xa2: {  	_ =	swait.ge [sflag:s23], $0x1  }
0xa3: {  	[sflag:s23] =	ssyncset.done $0x0  }
0xa4: {  	s25 =	simm.s32 $0x1B8E;
	s24 =	sld [smem:$0x3FFE];
	[sflag:s23] =	ssyncadd.s32 $0xFFFFFFFF  }
0xa5: {  	s26 =	simm.s32 $execute0_lowered;
	[smem:$0x3FD2] =	sst s25  }
0xa6: {  	s4 =	sshll.u32 s26, $0x1;
	_ =	strace $0x80000049;
	[dreg:$0x1] =	wrdreg $0xFFFFFFFF  }
0xa7: {  	s28 =	simm.s32 $_size_execute0_lowered;
	s2 =	sadd.s32 s2, s4;
	[dreg:$0x0] =	wrdreg $0x0  }
0xa8: {  	s4 =	sshll.u32 s28, $0x1;
	[dreg:$0x2] =	wrdreg s2  }
0xa9: {  	[dreg:$0x3] =	wrdreg s4  }
0xaa: {  	[dreg:$0x4] =	wrdreg $0xC0  }
0xab: {  	_ =	task [dreg:s6], $0x5FFFF  }
0xac: {  	[dreg:$0x1] =	wrdreg $0xFFFFFFFF  }
0xad: {  	[dreg:$0x0] =	wrdreg $0x60  }
0xae: {  	[dreg:$0x2] =	wrdreg s24  }
0xaf: {  	[dreg:$0x3] =	wrdreg $0xB0000  }
0xb0: {  	[dreg:$0x4] =	wrdreg $0x9  }
0xb1: {  	_ =	task.clear_ibuf [dreg:s6], $0x5FFFF;
	_ =	strace $0x90000049  }
0xb2: {  	s29 =	simm.s32 $0x9;
	_ =	strace $0x8000004B  }
0xb3: {  	_ =	swait.ge [sflag:s29], $0x1  }
0xb4: {  	[sflag:s29] =	ssyncadd.s32 $0xFFFFFFFF  }
0xb5: {  	_ =	strace $0x9000004B  }
0xb6: {  	_ =	sfence  }
0xb7: {  	s30 =	sld [smem:$0x0];
	_ =	sdelay $0x2  }
0xb8: {  	s31 =	sshll.u32 s1, $0xD;
	s1 =	sshrl.u32 s1, $0x2  }
0xb9: {  	s3 =	sand.u32 $0x4000, s31;
	s1 =	sadd.s32 s1, s30  }
0xba: {  	s0 =	sor.u32 s3, s0;
	s1 =	sshll.u32 s1, $0x11  }
0xbb: {  	s0 =	sor.u32 s1, s0  }
0xbc: {  	s0 =	sadd.s32 $0x8F2B, s0  }
0xbd: {  	[sflag:s0] =	ssyncadd.remote.s32 $0x1  }
0xbe: {  	_ =	sfence.sel $0xFFFF  }
0xbf: {  	[dreg:$0x0] =	wrdreg $0xFFFFFFFF;
	(pc) =	sbr.abs _section_cstart, $3  }
0xc0: {  	[dreg:$0x1] =	wrdreg $0xFFFFFFFF  }
0xc1: {  	_ =	task.clear_ibuf [dreg:s6], $0x2FFFF;
	_ =	strace $0x9FFFFFFF  }
0xc2: {  	(tm) =	ssettm $0x7FFFFFFF  }
0xc3: {  	_ =	shalt  }
tec
execute0_lowered:
.L_overlay_start_1:
0x0: {  	(tag) =	ssettag $0x1  }
0x1: {  	s0 =	rddreg [dreg:$0x0]  }
0x2: {  	s1 =	rddreg [dreg:$0x1]  }
0x3: {  	s2 =	simm.s32 $0x0;
	s3 =	srdreg.scid;
	s20 =	stileid.u32  }
0x4: {  	[smem:$0x7FF] =	sst s2;
	s4 =	sadd.s32 $0x36200, s0;
	s5 =	sadd.s32 $0x4200, s0  }
0x5: {  	s3 =	sand.u32 $0x1, s3;
	s9 =	smul.u32 $0x14000, s20;
	s10 =	sadd.s32 $0x84C00, s0  }
0x6: {  	_ =	strace $0x8000004A;
	s6 =	ssub.s32 $0x2, s3;
	s7 =	sshll.u32 s3, $0x4  }
0x7: {  	s3 =	smul.u32 $0x140000, s3;
	s8 =	sshrl.u32 s6, $0x1;
	s7 =	sor.u32 s20, s7  }
0x8: {  	s11 =	sor.u32 $0x2800, s9;
	s12 =	sadd.s32 $0x5000, s9;
	s13 =	sadd.s32 $0x7800, s9  }
0x9: {  	s15 =	sadd.s32 $0xA000, s9;
	s17 =	sadd.s32 $0xC800, s9;
	s18 =	sadd.s32 $0xF000, s9  }
0xa: {  	s6 =	ssub.s32 s6, s8;
	s8 =	smul.u32 $0xC80, s7;
	s14 =	sadd.s32 s3, s9  }
0xb: {  	s16 =	sadd.s32 s3, s11;
	s9 =	sadd.s32 $0x11800, s9;
	s25 =	sadd.s32 s3, s12  }
0xc: {  	s26 =	sadd.s32 s3, s13;
	s19 =	sadd.s32 s3, s15;
	s23 =	sadd.s32 s3, s17  }
0xd: {  	s28 =	sadd.s32 s13, s1;
	s29 =	sadd.s32 s15, s1;
	s30 =	sadd.s32 s17, s1  }
0xe: {  	s31 =	sadd.s32 s18, s1;
	s13 =	simm.s32 $0x2;
	s14 =	sshrl.u32 s14, $0x3  }
0xf: {  	s15 =	simm.s32 $0x0;
	s16 =	sshrl.u32 s16, $0x3;
	s14 =	sadd.s32 s10, s14  }
0x10: {  	s21 =	sshrl.u32 s19, $0x3;
	s24 =	sadd.s32 s10, s16;
	[dreg:$0x3] =	wrdreg s14  }
0x11: {  	s16 =	sshrl.u32 s26, $0x3;
	s22 =	sadd.s32 s10, s21;
	[dreg:$0x4] =	wrdreg s24  }
0x12: {  	s26 =	smul.u32 $0x6400, s7;
	s14 =	sshrl.u32 s25, $0x3;
	[dreg:$0x7] =	wrdreg s22  }
0x13: {  	s24 =	sadd.s32 s3, s18;
	s3 =	sadd.s32 s3, s9;
	s22 =	smul.u32 $0x50000, s20  }
0x14: {  	s14 =	sadd.s32 s10, s14;
	s25 =	sshrl.u32 s24, $0x3;
	s3 =	sshrl.u32 s3, $0x3  }
0x15: {  	s21 =	sshrl.u32 s26, $0x3;
	[dreg:$0x5] =	wrdreg s14;
	s14 =	sadd.s32 s10, s16  }
0x16: {  	s3 =	sadd.s32 s10, s3;
	[dreg:$0x6] =	wrdreg s14;
	s14 =	sshrl.u32 s23, $0x3  }
0x17: {  	[dreg:$0xa] =	wrdreg s3;
	s3 =	sadd.s32 $0x80, s21;
	s14 =	sadd.s32 s10, s14  }
0x18: {  	s16 =	smul.u32 $0x19, s7;
	s23 =	sadd.s32 s5, s3;
	[dreg:$0x8] =	wrdreg s14  }
0x19: {  	s26 =	sshrl.u32 s22, $0x2;
	s14 =	sadd.s32 s10, s25;
	[dreg:$0xe] =	wrdreg s23  }
0x1a: {  	s7 =	simm.s32 $0x5;
	s10 =	sadd.s32 s5, s8;
	[dreg:$0x9] =	wrdreg s14  }
0x1b: {  	s25 =	smax.u32 s6, $0x1;
	s6 =	simm.s32 $0xC;
	[dreg:$0xc] =	wrdreg s10  }
0x1c: {  	s14 =	sadd.s32 $0x1D200, s0;
	s0 =	sadd.s32 $0x84600, s0;
	[dreg:$0x12] =	wrdreg s25  }
0x1d: {  	s25 =	sadd.s32 s11, s1;
	s10 =	simm.s32 $0x3800;
	s11 =	simm.s32 $0x8  }
0x1e: {  	[dreg:$0xb] =	wrdreg s0;
	s19 =	sadd.s32 s14, s8;
	s0 =	sadd.s32 $0x100, s21  }
.Ltmp0:
0x1f: {  	s3 =	sadd.s32 s14, s3;
	[dreg:$0xd] =	wrdreg s19;
	(pc) =	sbr.rel .LBB2_1-.Ltmp0, $4  }
0x20: {  	s8 =	simm.s32 $0x9;
	[dreg:$0xf] =	wrdreg s3;
	s24 =	sadd.s32 s5, s0  }
0x21: {  	s0 =	sadd.s32 s14, s0;
	s3 =	simm.s32 $0x1000;
	[dreg:$0x10] =	wrdreg s24  }
0x22: {  	[dreg:$0x11] =	wrdreg s0;
	s24 =	sadd.s32 s26, s1;
	s26 =	sadd.s32 s12, s1  }
0x23: {  	s0 =	sadd.s32 s9, s1;
	s9 =	simm.s32 $0x50;
	s12 =	simm.s32 $0x1  }
.LBB2_9:
0x24: {  	_ =	swait.ge [sflag:s11], $0x2800  }
0x25: {  	[sflag:s11] =	ssyncset.done $0x0  }
0x26: {  	[sflag:s11] =	ssyncadd.s32 $0xFFFFD800  }
0x27: {  	_ =	swait.ge [sflag:s7], $0x2800  }
0x28: {  	[sflag:s7] =	ssyncset.done $0x0  }
0x29: {  	[sflag:s7] =	ssyncadd.s32 $0xFFFFD800  }
0x2a: {  	[bflag:$0x0] =	sbarrier.arrive $0xFFFF  }
0x2b: {  	[tilespmem:s3], [sflag:$0xC] =	stream.linear.gather [spmem:s24], $0x2800, $0x38;
	[tilespmem:$0x1F000] =	vst v63  }
0x2c: {  	_ =	swait.ge [sflag:s6], $0x2800  }
0x2d: {  	[sflag:s6] =	ssyncset.done $0x0  }
0x2e: {  	s17 =	rddreg [dreg:$0x3];
	[sflag:s6] =	ssyncadd.s32 $0xFFFFD800  }
0x2f: {  	[hbm4b:s17+s2] =	stream.linear.scatter [tilespmem:s3], [sflag:$0x1], $0x2800, $0x38;
	[tilespmem:$0x1F000] =	vst v63  }
0x30: {  	_ = 	snop  }
0x31: {  	[tilespmem:s10], [sflag:$0xC] =	stream.linear.gather [spmem:s25], $0x2800, $0x38;
	[tilespmem:$0x1F000] =	vst v63  }
0x32: {  	_ =	swait.ge [sflag:s6], $0x2800  }
0x33: {  	[sflag:s6] =	ssyncset.done $0x0  }
0x34: {  	s22 =	rddreg [dreg:$0x4];
	[sflag:s6] =	ssyncadd.s32 $0xFFFFD800  }
0x35: {  	[hbm4b:s22+s2] =	stream.linear.scatter [tilespmem:s10], [sflag:$0x2], $0x2800, $0x38;
	[tilespmem:$0x1F000] =	vst v63  }
0x36: {  	_ =	swait.ge [sflag:s12], $0x2800  }
0x37: {  	[sflag:s12] =	ssyncset.done $0x0  }
0x38: {  	[sflag:s12] =	ssyncadd.s32 $0xFFFFD800  }
0x39: {  	[tilespmem:s3], [sflag:$0xC] =	stream.linear.gather [spmem:s26], $0x2800, $0x38;
	[tilespmem:$0x1F000] =	vst v63  }
0x3a: {  	_ =	swait.ge [sflag:s6], $0x2800  }
0x3b: {  	[sflag:s6] =	ssyncset.done $0x0  }
0x3c: {  	s23 =	rddreg [dreg:$0x5];
	[sflag:s6] =	ssyncadd.s32 $0xFFFFD800  }
0x3d: {  	[hbm4b:s23+s2] =	stream.linear.scatter [tilespmem:s3], [sflag:$0x1], $0x2800, $0x38;
	[tilespmem:$0x1F000] =	vst v63  }
0x3e: {  	_ =	swait.ge [sflag:s13], $0x2800  }
0x3f: {  	[sflag:s13] =	ssyncset.done $0x0  }
0x40: {  	[sflag:s13] =	ssyncadd.s32 $0xFFFFD800  }
0x41: {  	[tilespmem:s10], [sflag:$0xC] =	stream.linear.gather [spmem:s28], $0x2800, $0x38;
	[tilespmem:$0x1F000] =	vst v63  }
0x42: {  	_ =	swait.ge [sflag:s6], $0x2800  }
0x43: {  	[sflag:s6] =	ssyncset.done $0x0  }
0x44: {  	s18 =	rddreg [dreg:$0x6];
	[sflag:s6] =	ssyncadd.s32 $0xFFFFD800  }
0x45: {  	[hbm4b:s18+s2] =	stream.linear.scatter [tilespmem:s10], [sflag:$0x2], $0x2800, $0x38;
	[tilespmem:$0x1F000] =	vst v63  }
0x46: {  	_ =	swait.ge [sflag:s12], $0x2800  }
0x47: {  	[sflag:s12] =	ssyncset.done $0x0  }
0x48: {  	[sflag:s12] =	ssyncadd.s32 $0xFFFFD800  }
0x49: {  	[tilespmem:s3], [sflag:$0xC] =	stream.linear.gather [spmem:s29], $0x2800, $0x38;
	[tilespmem:$0x1F000] =	vst v63  }
0x4a: {  	_ =	swait.ge [sflag:s6], $0x2800  }
0x4b: {  	[sflag:s6] =	ssyncset.done $0x0  }
0x4c: {  	s19 =	rddreg [dreg:$0x7];
	[sflag:s6] =	ssyncadd.s32 $0xFFFFD800  }
0x4d: {  	[hbm4b:s19+s2] =	stream.linear.scatter [tilespmem:s3], [sflag:$0x1], $0x2800, $0x38;
	[tilespmem:$0x1F000] =	vst v63  }
0x4e: {  	_ =	swait.ge [sflag:s13], $0x2800  }
0x4f: {  	[sflag:s13] =	ssyncset.done $0x0  }
0x50: {  	[sflag:s13] =	ssyncadd.s32 $0xFFFFD800  }
0x51: {  	[tilespmem:s10], [sflag:$0xC] =	stream.linear.gather [spmem:s30], $0x2800, $0x38;
	[tilespmem:$0x1F000] =	vst v63  }
0x52: {  	_ =	swait.ge [sflag:s6], $0x2800  }
0x53: {  	[sflag:s6] =	ssyncset.done $0x0  }
0x54: {  	s20 =	rddreg [dreg:$0x8];
	[sflag:s6] =	ssyncadd.s32 $0xFFFFD800  }
0x55: {  	[hbm4b:s20+s2] =	stream.linear.scatter [tilespmem:s10], [sflag:$0x2], $0x2800, $0x38;
	[tilespmem:$0x1F000] =	vst v63  }
0x56: {  	_ =	swait.ge [sflag:s12], $0x2800  }
0x57: {  	[sflag:s12] =	ssyncset.done $0x0  }
0x58: {  	[sflag:s12] =	ssyncadd.s32 $0xFFFFD800  }
0x59: {  	[tilespmem:s3], [sflag:$0xC] =	stream.linear.gather [spmem:s31], $0x2800, $0x38;
	[tilespmem:$0x1F000] =	vst v63  }
0x5a: {  	_ =	swait.ge [sflag:s6], $0x2800  }
0x5b: {  	[sflag:s6] =	ssyncset.done $0x0  }
0x5c: {  	s21 =	rddreg [dreg:$0x9];
	[sflag:s6] =	ssyncadd.s32 $0xFFFFD800  }
0x5d: {  	[hbm4b:s21+s2] =	stream.linear.scatter [tilespmem:s3], [sflag:$0x1], $0x2800, $0x38;
	[tilespmem:$0x1F000] =	vst v63  }
0x5e: {  	_ =	swait.ge [sflag:s13], $0x2800  }
0x5f: {  	[sflag:s13] =	ssyncset.done $0x0  }
0x60: {  	[sflag:s13] =	ssyncadd.s32 $0xFFFFD800  }
0x61: {  	[tilespmem:s10], [sflag:$0xC] =	stream.linear.gather [spmem:s0], $0x2800, $0x38;
	[tilespmem:$0x1F000] =	vst v63  }
0x62: {  	_ =	swait.ge [sflag:s6], $0x2800  }
0x63: {  	[sflag:s6] =	ssyncset.done $0x0  }
0x64: {  	s22 =	rddreg [dreg:$0xa];
	[sflag:s6] =	ssyncadd.s32 $0xFFFFD800  }
0x65: {  	[hbm4b:s22+s2] =	stream.linear.scatter [tilespmem:s10], [sflag:$0x2], $0x2800, $0x38;
	[tilespmem:$0x1F000] =	vst v63  }
0x66: {  	_ =	swait.ge [sflag:s12], $0x2800  }
0x67: {  	[sflag:s12] =	ssyncset.done $0x0  }
0x68: {  	[sflag:s12] =	ssyncadd.s32 $0xFFFFD800  }
0x69: {  	_ =	swait.ge [sflag:s13], $0x2800  }
0x6a: {  	s15 =	sadd.s32 $0x1, s15;
	s23 =	rddreg [dreg:$0x12]  }
0x6b: {  	p0 =	sne.s32 s15, s23  }
.Ltmp1:
0x6c: {  	_ = 	snop;
	(pc) =	sbr.rel @!p0 .LBB2_10-.Ltmp1, $3  }
0x6d: {  	_ =	sdelay $0x1  }
0x6e: {  	[sflag:s13] =	ssyncset.done $0x0  }
0x6f: {  	[sflag:s13] =	ssyncadd.s32 $0xFFFFD800  }
.LBB2_1:
0x70: {  	s17 =	rddreg [dreg:$0xb]  }
0x71: {  	[tilespmem:s3], [sflag:$0xC] =	stream.linear.gather [hbm4b:s17+s2], $0x2800, $0x38;
	[tilespmem:$0x1F000] =	vst v63  }
0x72: {  	_ =	swait.ge [sflag:s6], $0x2800  }
0x73: {  	[sflag:s6] =	ssyncset.done $0x0  }
0x74: {  	[sflag:s6] =	ssyncadd.s32 $0xFFFFD800  }
0x75: {  	[spmem:s24] =	stream.linear.scatter [tilespmem:s3], [sflag:$0x5], $0x2800, $0x38;
	[tilespmem:$0x1F000] =	vst v63  }
0x76: {  	_ = 	snop  }
0x77: {  	[spmem:s25] =	stream.linear.scatter [tilespmem:s3], [sflag:$0x5], $0x2800, $0x38;
	[tilespmem:$0x1F000] =	vst v63  }
0x78: {  	_ = 	snop  }
0x79: {  	[spmem:s26] =	stream.linear.scatter [tilespmem:s3], [sflag:$0x5], $0x2800, $0x38;
	[tilespmem:$0x1F000] =	vst v63  }
0x7a: {  	_ = 	snop  }
0x7b: {  	[spmem:s28] =	stream.linear.scatter [tilespmem:s3], [sflag:$0x5], $0x2800, $0x38;
	[tilespmem:$0x1F000] =	vst v63  }
0x7c: {  	_ = 	snop  }
0x7d: {  	[spmem:s29] =	stream.linear.scatter [tilespmem:s3], [sflag:$0x5], $0x2800, $0x38;
	[tilespmem:$0x1F000] =	vst v63  }
0x7e: {  	_ = 	snop  }
0x7f: {  	[spmem:s30] =	stream.linear.scatter [tilespmem:s3], [sflag:$0x5], $0x2800, $0x38;
	[tilespmem:$0x1F000] =	vst v63  }
0x80: {  	_ = 	snop  }
0x81: {  	[spmem:s31] =	stream.linear.scatter [tilespmem:s3], [sflag:$0x5], $0x2800, $0x38;
	[tilespmem:$0x1F000] =	vst v63  }
0x82: {  	_ = 	snop  }
0x83: {  	[spmem:s0] =	stream.linear.scatter [tilespmem:s3], [sflag:$0x5], $0x2800, $0x38;
	[tilespmem:$0x1F000] =	vst v63  }
0x84: {  	_ =	swait.ge [sflag:s7], $0x2800  }
0x85: {  	[sflag:s7] =	ssyncset.done $0x0  }
0x86: {  	[sflag:s7] =	ssyncadd.s32 $0xFFFFD800  }
0x87: {  	_ =	swait.ge [sflag:s7], $0x2800  }
0x88: {  	[sflag:s7] =	ssyncset.done $0x0  }
0x89: {  	[sflag:s7] =	ssyncadd.s32 $0xFFFFD800  }
0x8a: {  	_ =	swait.ge [sflag:s7], $0x2800  }
0x8b: {  	[sflag:s7] =	ssyncset.done $0x0  }
0x8c: {  	[sflag:s7] =	ssyncadd.s32 $0xFFFFD800  }
0x8d: {  	_ =	swait.ge [sflag:s7], $0x2800  }
0x8e: {  	[sflag:s7] =	ssyncset.done $0x0  }
0x8f: {  	[sflag:s7] =	ssyncadd.s32 $0xFFFFD800  }
0x90: {  	_ =	swait.ge [sflag:s7], $0x2800  }
0x91: {  	[sflag:s7] =	ssyncset.done $0x0  }
0x92: {  	[sflag:s7] =	ssyncadd.s32 $0xFFFFD800  }
0x93: {  	_ =	swait.ge [sflag:s7], $0x2800  }
0x94: {  	[sflag:s7] =	ssyncset.done $0x0  }
0x95: {  	[sflag:s7] =	ssyncadd.s32 $0xFFFFD800  }
0x96: {  	_ =	swait.ge [sflag:s7], $0x2800  }
0x97: {  	[sflag:s7] =	ssyncset.done $0x0  }
0x98: {  	[sflag:s7] =	ssyncadd.s32 $0xFFFFD800  }
0x99: {  	_ =	swait.ge [sflag:s7], $0x2800  }
0x9a: {  	[sflag:s7] =	ssyncset.done $0x0  }
0x9b: {  	[sflag:s7] =	ssyncadd.s32 $0xFFFFD800  }
0x9c: {  	[bflag:$0x0] =	sbarrier.arrive $0xFFFF  }
0x9d: {  	s18 =	rddreg [dreg:$0xc]  }
0x9e: {  	[tilespmem:s2], [sflag:$0x9] =	stream.linear.gather [hbm4b:s18+s2], $0x280, $0x38;
	[tilespmem:$0x1F000] =	vst v63  }
0x9f: {  	s19 =	rddreg [dreg:$0xd];
	s18 =	simm.s32 $0x800  }
0xa0: {  	[tilespmem:s18], [sflag:$0x9] =	stream.linear.gather [hbm4b:s19+s2], $0x280, $0x38;
	[tilespmem:$0x1F000] =	vst v63  }
0xa1: {  	_ =	swait.ge [sflag:s8], $0x280  }
0xa2: {  	[sflag:s8] =	ssyncset.done $0x0  }
0xa3: {  	[sflag:s8] =	ssyncadd.s32 $0xFFFFFD80  }
0xa4: {  	_ =	swait.ge [sflag:s8], $0x280  }
0xa5: {  	[sflag:s8] =	ssyncset.done $0x0  }
0xa6: {  	s21 =	simm.s32 $0x280;
	s20 =	rddreg [dreg:$0xe];
	[sflag:s8] =	ssyncadd.s32 $0xFFFFFD80  }
0xa7: {  	[tilespmem:s21], [sflag:$0xA] =	stream.linear.gather [hbm4b:s20+s2], $0x280, $0x38;
	[tilespmem:$0x1F000] =	vst v63  }
0xa8: {  	s23 =	simm.s32 $0xA80;
	s22 =	rddreg [dreg:$0xf]  }
0xa9: {  	[tilespmem:s23], [sflag:$0xA] =	stream.linear.gather [hbm4b:s22+s2], $0x280, $0x38;
	[tilespmem:$0x1F000] =	vst v63  }
0xaa: {  	s19 =	rddreg [dreg:$0x10];
	s20 =	simm.s32 $0x500  }
0xab: {  	[tilespmem:s20], [sflag:$0xB] =	stream.linear.gather [hbm4b:s19+s2], $0x280, $0x38;
	[tilespmem:$0x1F000] =	vst v63  }
0xac: {  	s21 =	rddreg [dreg:$0x11];
	s22 =	simm.s32 $0xD00  }
0xad: {  	[tilespmem:s22], [sflag:$0xB] =	stream.linear.gather [hbm4b:s21+s2], $0x280, $0x38;
	[tilespmem:$0x1F000] =	vst v63  }
0xae: {  	_ = 	snop  }
0xaf: {  	[tilespmem:s3], [sflag:$0x1] =	stream.indirect.gather [hbm4b:s4+s9], $0x80, s2, s9, $0xb8;
	[tilespmem:$0x1F000] =	vst v63  }
0xb0: {  	s17 =	simm.s32 $0x2;
	s23 =	simm.s32 $0x80  }
0xb1: {  	[tilespmem:s10], [sflag:$0x2] =	stream.indirect.gather [hbm4b:s4+s9], $0x80, s23, s9, $0xb8;
	[tilespmem:$0x1F000] =	vst v63  }
.LBB2_2:
0xb2: {  	s18 =	smul.u32 $0xCD, s17;
	_ =	sdelay $0x1  }
0xb3: {  	s18 =	sshrl.u32 s18, $0xA  }
0xb4: {  	s20 =	sand.u32 $0x3F, s18  }
0xb5: {  	s21 =	smul.u32 $0x5, s20  }
0xb6: {  	s18 =	sadd.s32 $0xFFFFFFFE, s17  }
0xb7: {  	p0 =	sgt.u32 s18, $0x7A;
	s21 =	ssub.s32 s17, s21  }
0xb8: {  	s23 =	sand.u32 @!p0 $0xFF, s21  }
0xb9: {  	p2 =	sne.s32 @!p0 s23, $0x0  }
0xba: {  	p2 =	por p0, p2  }
.Ltmp2:
0xbb: {  	s19 =	sand.u32 $0x3, s17;
	p1 =	slt.u32 s18, $0x2;
	(pc) =	sbr.rel @p2 .LBB2_4-.Ltmp2, $4  }
0xbc: {  	s22 =	sadd.s32 @!p1 $0x5, s19  }
0xbd: {  	_ =	swait.ge @!p1 [sflag:s22], $0x2800  }
0xbe: {  	[sflag:s22] =	ssyncset.done @!p1 $0x0  }
0xbf: {  	[sflag:s22] =	ssyncadd.s32 @!p1 $0xFFFFD800  }
0xc0: {  	s21 =	smul.u32 $0x56, s20;
	_ =	sdelay $0x1  }
0xc1: {  	s21 =	sshrl.u32 s21, $0x8  }
0xc2: {  	s21 =	smul.u32 $0x3, s21;
	_ =	sdelay $0x1  }
0xc3: {  	s23 =	ssub.s32 s20, s21  }
0xc4: {  	s20 =	sand.u32 $0xFF, s23  }
0xc5: {  	s20 =	sadd.s32 $0x9, s20  }
0xc6: {  	_ =	swait.ge [sflag:s20], $0x280  }
.Ltmp3:
0xc7: {  	[sflag:s20] =	ssyncset.done $0x0;
	(pc) =	sbr.rel .LBB2_7-.Ltmp3, $4  }
0xc8: {  	[sflag:s20] =	ssyncadd.s32 $0xFFFFFD80  }
0xc9: {  	_ =	swait.ge [sflag:s20], $0x280  }
0xca: {  	[sflag:s20] =	ssyncset.done $0x0  }
0xcb: {  	[sflag:s20] =	ssyncadd.s32 $0xFFFFFD80  }
.LBB2_4:
0xcc: {  	p1 =	slt.u32 s18, $0x3  }
0xcd: {  	s21 =	sand.u32 @!p1 $0xFF, s21  }
0xce: {  	p2 =	sne.s32 @!p1 s21, $0x4  }
0xcf: {  	p1 =	por p1, p2  }
0xd0: {  	p2 =	sgt.u32 @!p1 s18, $0x70  }
0xd1: {  	p1 =	por p1, p2  }
.Ltmp4:
0xd2: {  	_ = 	snop;
	(pc) =	sbr.rel @p1 .LBB2_6-.Ltmp4, $1  }
0xd3: {  	_ =	sdelay $0x3  }
0xd4: {  	s20 =	sadd.s32 $0x2, s20  }
0xd5: {  	s21 =	smul.u32 $0x56, s20;
	_ =	sdelay $0x1  }
0xd6: {  	s21 =	sshrl.u32 s21, $0x8  }
0xd7: {  	s21 =	smul.u32 $0x3, s21;
	_ =	sdelay $0x1  }
0xd8: {  	s21 =	ssub.s32 s20, s21  }
0xd9: {  	s20 =	sadd.s32 s20, s16;
	s21 =	sand.u32 $0xFF, s21  }
0xda: {  	s20 =	sshll.u32 s20, $0x7;
	s22 =	smul.u32 $0x280, s21  }
0xdb: {  	s21 =	sadd.s32 $0x9, s21;
	s23 =	sadd.s32 s5, s20  }
0xdc: {  	[tilespmem:s22], [sflag:s21] =	stream.linear.gather [hbm4b:s23+s2], $0x280, $0x38;
	[tilespmem:$0x1F000] =	vst v63  }
0xdd: {  	s20 =	sadd.s32 s14, s20;
	s22 =	sor.u32 $0x800, s22  }
0xde: {  	[tilespmem:s22], [sflag:s21] =	stream.linear.gather [hbm4b:s20+s2], $0x280, $0x38;
	[tilespmem:$0x1F000] =	vst v63  }
.LBB2_7:
0xdf: {  	s20 =	smul.u32 $0x89, s17;
	_ =	sdelay $0x1  }
0xe0: {  	s20 =	sshrl.u32 s20, $0xB  }
0xe1: {  	s20 =	sand.u32 $0x1F, s20  }
0xe2: {  	s20 =	smul.u32 $0xF, s20  }
0xe3: {  	s21 =	smul.u32 $0xA000, s19  }
0xe4: {  	s20 =	ssub.s32 s17, s20  }
0xe5: {  	s21 =	sshrl.u32 s21, $0x2;
	s20 =	sand.u32 $0xFF, s20  }
0xe6: {  	s23 =	sadd.s32 $0x1, s19;
	s21 =	sadd.s32 $0x1000, s21;
	s20 =	sshll.u32 s20, $0x7  }
0xe7: {  	[tilespmem:s21], [sflag:s23] =	stream.indirect.gather [hbm4b:s4+s9], $0x80, s20, s9, $0xb8;
	[tilespmem:$0x1F000] =	vst v63  }
.LBB2_8:
0xe8: {  	s19 =	smul.u32 $0x89, s18;
	_ =	sdelay $0x1  }
0xe9: {  	s19 =	sshrl.u32 s19, $0xB  }
0xea: {  	s19 =	sand.u32 $0x1F, s19  }
0xeb: {  	s20 =	sand.u32 $0x3, s18;
	s17 =	sadd.s32 $0x1, s17;
	s19 =	smul.u32 $0xF, s19  }
0xec: {  	s21 =	sadd.s32 $0x1, s20;
	s23 =	smul.u32 $0xA000, s20;
	p0 =	sne.s32 s17, $0x7F  }
.Ltmp5:
0xed: {  	s20 =	sadd.s32 $0x5, s20;
	s22 =	ssub.s32 s18, s19;
	(pc) =	sbr.rel @p0 .LBB2_2-.Ltmp5, $4  }
.Ltmp6:
0xee: {  	_ =	swait.ge [sflag:s21], $0x2800;
	s18 =	sand.u32 $0xEF, s22;
	(pc) =	sbr.rel @!p0 .LBB2_9-.Ltmp6, $4  }
0xef: {  	[sflag:s21] =	ssyncset.done $0x0;
	s19 =	sshrl.u32 s23, $0x2;
	s18 =	sshll.u32 s18, $0x7  }
0xf0: {  	[sflag:s21] =	ssyncadd.s32 $0xFFFFD800;
	s19 =	sadd.s32 $0x1000, s19;
	s18 =	sor.u32 $0x800, s18  }
0xf1: {  	[spmem:s1] =	stream.indirect.scatter.add.f32 [tilespmem:s19], [sflag:s20], $0x80, s18, s9, $0xb8;
	[tilespmem:$0x1F000] =	vst v63  }
0xf2: {  	_ = 	snop  }
.LBB2_6:
.Ltmp7:
0xf3: {  	(pc) =	sbr.rel @p0 .LBB2_8-.Ltmp7, $4  }
.Ltmp8:
0xf4: {  	(pc) =	sbr.rel @!p0 .LBB2_7-.Ltmp8, $4  }
0xf5: {  	_ = 	snop  }
0xf6: {  	_ = 	snop  }
0xf7: {  	_ = 	snop  }
0xf8: {  	_ = 	snop  }
.LBB2_10:
0xf9: {  	_ =	sfence.sel $0x180000  }
0xfa: {  	[bflag:$0x0] =	sbarrier.arrive $0xFFFF  }
0xfb: {  	_ =	strace $0x9000004A  }
0xfc: {  	s0 =	stileid.u32;
	[bflag:$0x2] =	sbarrier.arrive $0xFFFF  }
0xfd: {  	p0 =	sne.s32 s0, $0x0;
	s0 =	rddreg [dreg:$0x2]  }
0xfe: {  	s0 =	sadd.s32 @!p0 $0x100000, s0  }
0xff: {  	[sflag:s0] =	ssyncadd.tile.s32 @!p0 $0x1;
	_ =	shalt  }
.Lfunc_end2:
_tile_overlayer_lowered:
.L_overlay_start_2:
0x100: {  	(tag) =	ssettag $0x2  }
0x101: {  	s0 =	rddreg [dreg:$0x0];
	s2 =	stileid.u32  }
0x102: {  	s1 =	rddreg [dreg:$0x1];
	p0 =	sne.s32 s2, $0x0  }
0x103: {  	s3 =	rddreg [dreg:$0x2];
	[bflag:$0x3] =	sbarrier.arrive $0xFFFF;
	s2 =	simm.s32 @!p0 $0x1C0C  }
0x104: {  	[timem:s3], [sflag:s2] =	dma.local @!p0 [hbm:s0], s1  }
0x105: {  	s0 =	simm.s32 @!p0 $0xC  }
0x106: {  	_ =	swait.ge @!p0 [sflag:s0], s1  }
0x107: {  	s1 =	ssub.s32 @!p0 $0x0, s1;
	[sflag:s0] =	ssyncset.done @!p0 $0x0  }
0x108: {  	[sflag:s0] =	ssyncadd.s32 @!p0 s1  }
0x109: {  	[bflag:$0x3] =	sbarrier.arrive $0xFFFF  }
0x10a: {  	_ =	shalt  }

// kernel: kernel.16.cloned.1.call-start
scs
__scs_entry_jumppad:
0x0: {  	(pc) =	sbr.rel $0x88, $3  }
0x1: {  	(tag) =	ssettag $0x0;
	lr =	simm.s32 $0x1  }
0x2: {  	[smem:$0x3F8F] =	sst lr;
	_ =	strace $0xD0000000  }
0x3: {  	_ = 	snop  }
0x4: {  	_ = 	snop  }
0x5: {  	_ = 	snop  }
0x6: {  	_ = 	snop  }
0x7: {  	_ = 	snop  }
__scs_overlays_trampoline_lowered:
0x8: {  	[smem:$0x3F9E] =	sst s0  }
0x9: {  	[smem:$0x3F9F] =	sst s1  }
0xa: {  	[smem:$0x3FA0] =	sst s2  }
0xb: {  	[smem:$0x3FA1] =	sst s3  }
0xc: {  	[smem:$0x3FA2] =	sst s4  }
0xd: {  	[smem:$0x3FA3] =	sst s5  }
0xe: {  	[smem:$0x3FA4] =	sst s6  }
0xf: {  	[smem:$0x3FA5] =	sst s7  }
0x10: {  	[smem:$0x3FA6] =	sst s8  }
0x11: {  	[smem:$0x3FA7] =	sst s9;
	s0 =	simm.s32 @!p0 $0x0  }
0x12: {  	s1 =	sld [smem:$0x3F8D];
	s0 =	simm.s32 @p0 $0x1  }
0x13: {  	[smem:$0x3FA8] =	sst s0;
	s0 =	simm.s32 @!p1 $0x0  }
0x14: {  	s2 =	sld [smem:$0x3F8C];
	s0 =	simm.s32 @p1 $0x1  }
0x15: {  	[smem:$0x3FA9] =	sst s0;
	s0 =	simm.s32 @!p2 $0x0  }
0x16: {  	s3 =	sld [smem:$0x3FDB];
	s0 =	simm.s32 @p2 $0x1  }
0x17: {  	s4 =	simm.s32 $0x1BF5;
	[smem:$0x3FAB] =	sst s0  }
0x18: {  	s0 =	sld [smem:$0x3F8E];
	_ =	swait.ge [sflag:s4], $0x0  }
0x19: {  	s7 =	sld [smem:$0x3F8F]  }
0x1a: {  	s8 =	sadd.s32 $0xFFFFE003, lr  }
0x1b: {  	s9 =	sadd.s32 $0xFFFFFEF7, lr;
	s5 =	simm.s32 $0xFFFFFFFF;
	p2 =	slt.u32 s8, $0xFFFFF086  }
0x1c: {  	p1 =	slt.u32 s9, $0xF7A;
	s5 =	simm.s32 @!p2 $0x0  }
0x1d: {  	s5 =	simm.s32 @p1 $0x1;
	p0 =	seq.s32 s7, s2  }
0x1e: {  	s7 =	smul.u32 @!p0 $0xF7A, s2;
	p2 =	seq.s32 @!p0 s5, $0x0  }
0x1f: {  	s9 =	smul.u32 $0xF7A, s1;
	s8 =	simm.s32 @!p0 $0x1BF5;
	p2 =	por !p2, p0  }
0x20: {  	[sflag:s8] =	ssyncset.s32 @!p0 $0xFFFFF086;
	s6 =	sadd.s32 @!p0 s3, s7;
	s7 =	simm.s32 @!p0 $0x108  }
0x21: {  	s3 =	sadd.s32 s3, s9;
	s6 =	sadd.s32 @!p0 $0x88, s6;
	s7 =	simm.s32 @p2 $0x1082  }
0x22: {  	[simem:s7], [sflag:s8] =	dma.local @!p0 [hbm:s6], $0xF7A  }
0x23: {  	s9 =	sor.u32 $0xD0000000, s2;
	s6 =	simm.s32 $0x108;
	_ =	swait.ge @!p0 [sflag:s8], $0x0  }
0x24: {  	s3 =	sadd.s32 $0x88, s3;
	s6 =	simm.s32 @!p1 $0x1082;
	[sflag:s4] =	ssyncset.s32 $0xFFFFF086  }
0x25: {  	[simem:s6], [sflag:s4] =	dma.local [hbm:s3], $0xF7A  }
0x26: {  	[smem:$0x3F8F] =	sst s1;
	(tag) =	ssettag s2;
	_ =	strace s9  }
0x27: {  	s1 =	sld [smem:$0x3F9F]  }
0x28: {  	s2 =	sld [smem:$0x3FA0]  }
0x29: {  	s4 =	sld [smem:$0x3FA2]  }
0x2a: {  	p0 =	seq.s32 s5, $0x0;
	s5 =	sld [smem:$0x3FA3]  }
0x2b: {  	s6 =	sld [smem:$0x3FA4]  }
0x2c: {  	s7 =	sld [smem:$0x3FA5]  }
0x2d: {  	s3 =	simm.s32 $0x108;
	s8 =	sld [smem:$0x3FA6]  }
0x2e: {  	s3 =	simm.s32 @!p0 $0x1082;
	s9 =	sld [smem:$0x3FA7]  }
0x2f: {  	lr =	sadd.s32 s0, s3;
	s0 =	sld [smem:$0x3F9E]  }
0x30: {  	s3 =	sld [smem:$0x3FA1]  }
0x31: {  	[smem:$0x3FAA] =	sst s10  }
0x32: {  	s10 =	sld [smem:$0x3FA8];
	_ =	sdelay $0x3  }
0x33: {  	p0 =	seq.s32 s10, $0x1;
	s10 =	sld [smem:$0x3FAA];
	_ =	sdelay $0x3  }
0x34: {  	[smem:$0x3FAA] =	sst s10  }
0x35: {  	s10 =	sld [smem:$0x3FA9];
	_ =	sdelay $0x3  }
0x36: {  	p1 =	seq.s32 s10, $0x1;
	s10 =	sld [smem:$0x3FAA];
	_ =	sdelay $0x3  }
0x37: {  	[smem:$0x3FAA] =	sst s10  }
0x38: {  	s10 =	sld [smem:$0x3FAB]  }
0x39: {  	_ = 	snop;
	(pc) =	sbr.ind lr, $3  }
0x3a: {  	_ = 	snop  }
0x3b: {  	_ = 	snop  }
0x3c: {  	p2 =	seq.s32 s10, $0x1;
	s10 =	sld [smem:$0x3FAA]  }
0x3d: {  	_ =	shalt  }
0x3e: {  	_ =	shalt  }
0x3f: {  	_ =	shalt  }
0x40: {  	_ =	shalt  }
0x41: {  	_ =	shalt  }
0x42: {  	_ =	shalt  }
0x43: {  	_ =	shalt  }
0x44: {  	_ =	shalt  }
0x45: {  	_ =	shalt  }
0x46: {  	_ =	shalt  }
0x47: {  	_ =	shalt  }
0x48: {  	_ =	shalt  }
0x49: {  	_ =	shalt  }
0x4a: {  	_ =	shalt  }
0x4b: {  	_ =	shalt  }
0x4c: {  	_ =	shalt  }
0x4d: {  	_ =	shalt  }
0x4e: {  	_ =	shalt  }
0x4f: {  	_ =	shalt  }
0x50: {  	_ =	shalt  }
0x51: {  	_ =	shalt  }
0x52: {  	_ =	shalt  }
0x53: {  	_ =	shalt  }
0x54: {  	_ =	shalt  }
0x55: {  	_ =	shalt  }
0x56: {  	_ =	shalt  }
0x57: {  	_ =	shalt  }
0x58: {  	_ =	shalt  }
0x59: {  	_ =	shalt  }
0x5a: {  	_ =	shalt  }
0x5b: {  	_ =	shalt  }
0x5c: {  	_ =	shalt  }
0x5d: {  	_ =	shalt  }
0x5e: {  	_ =	shalt  }
0x5f: {  	_ =	shalt  }
0x60: {  	_ =	shalt  }
0x61: {  	_ =	shalt  }
0x62: {  	_ =	shalt  }
0x63: {  	_ =	shalt  }
0x64: {  	_ =	shalt  }
0x65: {  	_ =	shalt  }
0x66: {  	_ =	shalt  }
0x67: {  	_ =	shalt  }
0x68: {  	_ =	shalt  }
0x69: {  	_ =	shalt  }
0x6a: {  	_ =	shalt  }
0x6b: {  	_ =	shalt  }
0x6c: {  	_ =	shalt  }
0x6d: {  	_ =	shalt  }
0x6e: {  	_ =	shalt  }
0x6f: {  	_ =	shalt  }
0x70: {  	_ =	shalt  }
0x71: {  	_ =	shalt  }
0x72: {  	_ =	shalt  }
0x73: {  	_ =	shalt  }
0x74: {  	_ =	shalt  }
0x75: {  	_ =	shalt  }
0x76: {  	_ =	shalt  }
0x77: {  	_ =	shalt  }
0x78: {  	_ =	shalt  }
0x79: {  	_ =	shalt  }
0x7a: {  	_ =	shalt  }
0x7b: {  	_ =	shalt  }
0x7c: {  	_ =	shalt  }
0x7d: {  	_ =	shalt  }
0x7e: {  	_ =	shalt  }
0x7f: {  	_ =	shalt  }
0x80: {  	_ =	shalt  }
0x81: {  	_ =	shalt  }
0x82: {  	_ =	shalt  }
0x83: {  	_ =	shalt  }
0x84: {  	_ =	shalt  }
0x85: {  	_ =	shalt  }
0x86: {  	_ =	shalt  }
0x87: {  	_ =	shalt  }
.Lfunc_end0:
.L_simem_size_0:
called_computation.2_lowered:
.L_overlay_start_0:
0x88: {  	s2 =	sld [smem:$0x3FD9]  }
0x89: {  	s3 =	sld [smem:$0x3FFE];
	_ =	sdelay $0x1  }
0x8a: {  	s1 =	srdreg.scid  }
0x8b: {  	s0 =	sand.u32 $0x1, s1  }
0x8c: {  	s16 =	sshll.u32 s0, $0xA;
	s2 =	sadd.s32 s3, s2  }
0x8d: {  	s2 =	sadd.s32 s2, s16  }
0x8e: {  	[smem:$0x3FB6] =	sst s2  }
0x8f: {  	_ = 	snop  }
0x90: {  	(tm) =	ssettm $0x1  }
0x91: {  	s17 =	sld [smem:$0x3FFB];
	_ =	sdelay $0x3  }
0x92: {  	_ =	strace s17  }
0x93: {  	s2 =	sld [smem:$0x3FFC];
	_ =	sdelay $0x3  }
0x94: {  	_ =	strace s2  }
0x95: {  	s2 =	sld [smem:$0x3FFD];
	_ =	sdelay $0x3  }
0x96: {  	_ =	strace s2  }
0x97: {  	_ =	strace $0x8FFFFFFF  }
0x98: {  	s18 =	sld [smem:$0x3FDB];
	_ =	sdelay $0x1  }
0x99: {  	s19 =	simm.s32 $_scs_section_size  }
0x9a: {  	s4 =	simm.s32 $_size__tile_overlayer_lowered;
	s5 =	simm.s32 $_tile_overlayer_lowered  }
0x9b: {  	s22 =	simm.s32 $0x1BFF;
	s21 =	sshll.u32 s5, $0x1;
	s2 =	sadd.s32 s19, s18  }
0x9c: {  	s6 =	simm.s32 $0x0;
	s20 =	sshll.u32 s4, $0x1;
	s4 =	sadd.s32 s21, s2  }
0x9d: {  	[timem:s6], [sflag:s22] =	dma.local [hbm:s4], s20  }
0x9e: {  	_ =	swait.ge [sflag:s22], s20  }
0x9f: {  	s3 =	ssub.s32 $0x0, s20;
	[sflag:s22] =	ssyncset.done $0x0  }
0xa0: {  	[sflag:s22] =	ssyncadd.s32 s3;
	_ =	sdelay $0x1  }
0xa1: {  	s23 =	simm.s32 $0x1B8B  }
0xa2: {  	_ =	swait.ge [sflag:s23], $0x1  }
0xa3: {  	[sflag:s23] =	ssyncset.done $0x0  }
0xa4: {  	s25 =	simm.s32 $0x1B8E;
	s24 =	sld [smem:$0x3FFE];
	[sflag:s23] =	ssyncadd.s32 $0xFFFFFFFF  }
0xa5: {  	s26 =	simm.s32 $execute0_lowered;
	[smem:$0x3FD2] =	sst s25  }
0xa6: {  	s4 =	sshll.u32 s26, $0x1;
	_ =	strace $0x8000004C;
	[dreg:$0x1] =	wrdreg $0xFFFFFFFF  }
0xa7: {  	s28 =	simm.s32 $_size_execute0_lowered;
	s2 =	sadd.s32 s2, s4;
	[dreg:$0x0] =	wrdreg $0x0  }
0xa8: {  	s4 =	sshll.u32 s28, $0x1;
	[dreg:$0x2] =	wrdreg s2  }
0xa9: {  	[dreg:$0x3] =	wrdreg s4  }
0xaa: {  	[dreg:$0x4] =	wrdreg $0xC0  }
0xab: {  	_ =	task [dreg:s6], $0x5FFFF  }
0xac: {  	[dreg:$0x1] =	wrdreg $0xFFFFFFFF  }
0xad: {  	[dreg:$0x0] =	wrdreg $0x60  }
0xae: {  	[dreg:$0x2] =	wrdreg s24  }
0xaf: {  	[dreg:$0x3] =	wrdreg $0xB0000  }
0xb0: {  	[dreg:$0x4] =	wrdreg $0x9  }
0xb1: {  	_ =	task.clear_ibuf [dreg:s6], $0x5FFFF;
	_ =	strace $0x9000004C  }
0xb2: {  	s29 =	simm.s32 $0x9;
	_ =	strace $0x8000004E  }
0xb3: {  	_ =	swait.ge [sflag:s29], $0x1  }
0xb4: {  	[sflag:s29] =	ssyncadd.s32 $0xFFFFFFFF  }
0xb5: {  	_ =	strace $0x9000004E  }
0xb6: {  	_ =	sfence  }
0xb7: {  	s30 =	sld [smem:$0x0];
	_ =	sdelay $0x2  }
0xb8: {  	s31 =	sshll.u32 s1, $0xD;
	s1 =	sshrl.u32 s1, $0x2  }
0xb9: {  	s3 =	sand.u32 $0x4000, s31;
	s1 =	sadd.s32 s1, s30  }
0xba: {  	s0 =	sor.u32 s3, s0;
	s1 =	sshll.u32 s1, $0x11  }
0xbb: {  	s0 =	sor.u32 s1, s0  }
0xbc: {  	s0 =	sadd.s32 $0x8F2B, s0  }
0xbd: {  	[sflag:s0] =	ssyncadd.remote.s32 $0x1  }
0xbe: {  	_ =	sfence.sel $0xFFFF  }
0xbf: {  	[dreg:$0x0] =	wrdreg $0xFFFFFFFF;
	(pc) =	sbr.abs _section_cstart, $3  }
0xc0: {  	[dreg:$0x1] =	wrdreg $0xFFFFFFFF  }
0xc1: {  	_ =	task.clear_ibuf [dreg:s6], $0x2FFFF;
	_ =	strace $0x9FFFFFFF  }
0xc2: {  	(tm) =	ssettm $0x7FFFFFFF  }
0xc3: {  	_ =	shalt  }
tec
execute0_lowered:
.L_overlay_start_1:
0x0: {  	(tag) =	ssettag $0x1  }
0x1: {  	s0 =	rddreg [dreg:$0x0]  }
0x2: {  	s1 =	rddreg [dreg:$0x1]  }
0x3: {  	s2 =	simm.s32 $0x0;
	s3 =	srdreg.scid;
	s20 =	stileid.u32  }
0x4: {  	[smem:$0x7FF] =	sst s2;
	s4 =	sadd.s32 $0x36200, s0;
	s5 =	sadd.s32 $0x4200, s0  }
0x5: {  	s3 =	sand.u32 $0x1, s3;
	s9 =	smul.u32 $0x14000, s20;
	s10 =	sadd.s32 $0x84C00, s0  }
0x6: {  	_ =	strace $0x8000004D;
	s6 =	ssub.s32 $0x2, s3;
	s7 =	sshll.u32 s3, $0x4  }
0x7: {  	s3 =	smul.u32 $0x140000, s3;
	s8 =	sshrl.u32 s6, $0x1;
	s7 =	sor.u32 s20, s7  }
0x8: {  	s11 =	sor.u32 $0x2800, s9;
	s12 =	sadd.s32 $0x5000, s9;
	s13 =	sadd.s32 $0x7800, s9  }
0x9: {  	s15 =	sadd.s32 $0xA000, s9;
	s17 =	sadd.s32 $0xC800, s9;
	s18 =	sadd.s32 $0xF000, s9  }
0xa: {  	s6 =	ssub.s32 s6, s8;
	s8 =	smul.u32 $0xC80, s7;
	s14 =	sadd.s32 s3, s9  }
0xb: {  	s16 =	sadd.s32 s3, s11;
	s9 =	sadd.s32 $0x11800, s9;
	s25 =	sadd.s32 s3, s12  }
0xc: {  	s26 =	sadd.s32 s3, s13;
	s19 =	sadd.s32 s3, s15;
	s23 =	sadd.s32 s3, s17  }
0xd: {  	s28 =	sadd.s32 s13, s1;
	s29 =	sadd.s32 s15, s1;
	s30 =	sadd.s32 s17, s1  }
0xe: {  	s31 =	sadd.s32 s18, s1;
	s13 =	simm.s32 $0x2;
	s14 =	sshrl.u32 s14, $0x3  }
0xf: {  	s15 =	simm.s32 $0x0;
	s16 =	sshrl.u32 s16, $0x3;
	s14 =	sadd.s32 s10, s14  }
0x10: {  	s21 =	sshrl.u32 s19, $0x3;
	s24 =	sadd.s32 s10, s16;
	[dreg:$0x3] =	wrdreg s14  }
0x11: {  	s16 =	sshrl.u32 s26, $0x3;
	s22 =	sadd.s32 s10, s21;
	[dreg:$0x4] =	wrdreg s24  }
0x12: {  	s26 =	smul.u32 $0x6400, s7;
	s14 =	sshrl.u32 s25, $0x3;
	[dreg:$0x7] =	wrdreg s22  }
0x13: {  	s24 =	sadd.s32 s3, s18;
	s3 =	sadd.s32 s3, s9;
	s22 =	smul.u32 $0x50000, s20  }
0x14: {  	s14 =	sadd.s32 s10, s14;
	s25 =	sshrl.u32 s24, $0x3;
	s3 =	sshrl.u32 s3, $0x3  }
0x15: {  	s21 =	sshrl.u32 s26, $0x3;
	[dreg:$0x5] =	wrdreg s14;
	s14 =	sadd.s32 s10, s16  }
0x16: {  	s3 =	sadd.s32 s10, s3;
	[dreg:$0x6] =	wrdreg s14;
	s14 =	sshrl.u32 s23, $0x3  }
0x17: {  	[dreg:$0xa] =	wrdreg s3;
	s3 =	sadd.s32 $0x80, s21;
	s14 =	sadd.s32 s10, s14  }
0x18: {  	s16 =	smul.u32 $0x19, s7;
	s23 =	sadd.s32 s5, s3;
	[dreg:$0x8] =	wrdreg s14  }
0x19: {  	s26 =	sshrl.u32 s22, $0x2;
	s14 =	sadd.s32 s10, s25;
	[dreg:$0xe] =	wrdreg s23  }
0x1a: {  	s7 =	simm.s32 $0x5;
	s10 =	sadd.s32 s5, s8;
	[dreg:$0x9] =	wrdreg s14  }
0x1b: {  	s25 =	smax.u32 s6, $0x1;
	s6 =	simm.s32 $0xC;
	[dreg:$0xc] =	wrdreg s10  }
0x1c: {  	s14 =	sadd.s32 $0x1D200, s0;
	s0 =	sadd.s32 $0x84600, s0;
	[dreg:$0x12] =	wrdreg s25  }
0x1d: {  	s25 =	sadd.s32 s11, s1;
	s10 =	simm.s32 $0x3800;
	s11 =	simm.s32 $0x8  }
0x1e: {  	[dreg:$0xb] =	wrdreg s0;
	s19 =	sadd.s32 s14, s8;
	s0 =	sadd.s32 $0x100, s21  }
.Ltmp0:
0x1f: {  	s3 =	sadd.s32 s14, s3;
	[dreg:$0xd] =	wrdreg s19;
	(pc) =	sbr.rel .LBB2_1-.Ltmp0, $4  }
0x20: {  	s8 =	simm.s32 $0x9;
	[dreg:$0xf] =	wrdreg s3;
	s24 =	sadd.s32 s5, s0  }
0x21: {  	s0 =	sadd.s32 s14, s0;
	s3 =	simm.s32 $0x1000;
	[dreg:$0x10] =	wrdreg s24  }
0x22: {  	[dreg:$0x11] =	wrdreg s0;
	s24 =	sadd.s32 s26, s1;
	s26 =	sadd.s32 s12, s1  }
0x23: {  	s0 =	sadd.s32 s9, s1;
	s9 =	simm.s32 $0x50;
	s12 =	simm.s32 $0x1  }
.LBB2_9:
0x24: {  	_ =	swait.ge [sflag:s11], $0x2800  }
0x25: {  	[sflag:s11] =	ssyncset.done $0x0  }
0x26: {  	[sflag:s11] =	ssyncadd.s32 $0xFFFFD800  }
0x27: {  	_ =	swait.ge [sflag:s7], $0x2800  }
0x28: {  	[sflag:s7] =	ssyncset.done $0x0  }
0x29: {  	[sflag:s7] =	ssyncadd.s32 $0xFFFFD800  }
0x2a: {  	[bflag:$0x0] =	sbarrier.arrive $0xFFFF  }
0x2b: {  	[tilespmem:s3], [sflag:$0xC] =	stream.linear.gather [spmem:s24], $0x2800, $0x38;
	[tilespmem:$0x1F000] =	vst v63  }
0x2c: {  	_ =	swait.ge [sflag:s6], $0x2800  }
0x2d: {  	[sflag:s6] =	ssyncset.done $0x0  }
0x2e: {  	s17 =	rddreg [dreg:$0x3];
	[sflag:s6] =	ssyncadd.s32 $0xFFFFD800  }
0x2f: {  	[hbm4b:s17+s2] =	stream.linear.scatter [tilespmem:s3], [sflag:$0x1], $0x2800, $0x38;
	[tilespmem:$0x1F000] =	vst v63  }
0x30: {  	_ = 	snop  }
0x31: {  	[tilespmem:s10], [sflag:$0xC] =	stream.linear.gather [spmem:s25], $0x2800, $0x38;
	[tilespmem:$0x1F000] =	vst v63  }
0x32: {  	_ =	swait.ge [sflag:s6], $0x2800  }
0x33: {  	[sflag:s6] =	ssyncset.done $0x0  }
0x34: {  	s22 =	rddreg [dreg:$0x4];
	[sflag:s6] =	ssyncadd.s32 $0xFFFFD800  }
0x35: {  	[hbm4b:s22+s2] =	stream.linear.scatter [tilespmem:s10], [sflag:$0x2], $0x2800, $0x38;
	[tilespmem:$0x1F000] =	vst v63  }
0x36: {  	_ =	swait.ge [sflag:s12], $0x2800  }
0x37: {  	[sflag:s12] =	ssyncset.done $0x0  }
0x38: {  	[sflag:s12] =	ssyncadd.s32 $0xFFFFD800  }
0x39: {  	[tilespmem:s3], [sflag:$0xC] =	stream.linear.gather [spmem:s26], $0x2800, $0x38;
	[tilespmem:$0x1F000] =	vst v63  }
0x3a: {  	_ =	swait.ge [sflag:s6], $0x2800  }
0x3b: {  	[sflag:s6] =	ssyncset.done $0x0  }
0x3c: {  	s23 =	rddreg [dreg:$0x5];
	[sflag:s6] =	ssyncadd.s32 $0xFFFFD800  }
0x3d: {  	[hbm4b:s23+s2] =	stream.linear.scatter [tilespmem:s3], [sflag:$0x1], $0x2800, $0x38;
	[tilespmem:$0x1F000] =	vst v63  }
0x3e: {  	_ =	swait.ge [sflag:s13], $0x2800  }
0x3f: {  	[sflag:s13] =	ssyncset.done $0x0  }
0x40: {  	[sflag:s13] =	ssyncadd.s32 $0xFFFFD800  }
0x41: {  	[tilespmem:s10], [sflag:$0xC] =	stream.linear.gather [spmem:s28], $0x2800, $0x38;
	[tilespmem:$0x1F000] =	vst v63  }
0x42: {  	_ =	swait.ge [sflag:s6], $0x2800  }
0x43: {  	[sflag:s6] =	ssyncset.done $0x0  }
0x44: {  	s18 =	rddreg [dreg:$0x6];
	[sflag:s6] =	ssyncadd.s32 $0xFFFFD800  }
0x45: {  	[hbm4b:s18+s2] =	stream.linear.scatter [tilespmem:s10], [sflag:$0x2], $0x2800, $0x38;
	[tilespmem:$0x1F000] =	vst v63  }
0x46: {  	_ =	swait.ge [sflag:s12], $0x2800  }
0x47: {  	[sflag:s12] =	ssyncset.done $0x0  }
0x48: {  	[sflag:s12] =	ssyncadd.s32 $0xFFFFD800  }
0x49: {  	[tilespmem:s3], [sflag:$0xC] =	stream.linear.gather [spmem:s29], $0x2800, $0x38;
	[tilespmem:$0x1F000] =	vst v63  }
0x4a: {  	_ =	swait.ge [sflag:s6], $0x2800  }
0x4b: {  	[sflag:s6] =	ssyncset.done $0x0  }
0x4c: {  	s19 =	rddreg [dreg:$0x7];
	[sflag:s6] =	ssyncadd.s32 $0xFFFFD800  }
0x4d: {  	[hbm4b:s19+s2] =	stream.linear.scatter [tilespmem:s3], [sflag:$0x1], $0x2800, $0x38;
	[tilespmem:$0x1F000] =	vst v63  }
0x4e: {  	_ =	swait.ge [sflag:s13], $0x2800  }
0x4f: {  	[sflag:s13] =	ssyncset.done $0x0  }
0x50: {  	[sflag:s13] =	ssyncadd.s32 $0xFFFFD800  }
0x51: {  	[tilespmem:s10], [sflag:$0xC] =	stream.linear.gather [spmem:s30], $0x2800, $0x38;
	[tilespmem:$0x1F000] =	vst v63  }
0x52: {  	_ =	swait.ge [sflag:s6], $0x2800  }
0x53: {  	[sflag:s6] =	ssyncset.done $0x0  }
0x54: {  	s20 =	rddreg [dreg:$0x8];
	[sflag:s6] =	ssyncadd.s32 $0xFFFFD800  }
0x55: {  	[hbm4b:s20+s2] =	stream.linear.scatter [tilespmem:s10], [sflag:$0x2], $0x2800, $0x38;
	[tilespmem:$0x1F000] =	vst v63  }
0x56: {  	_ =	swait.ge [sflag:s12], $0x2800  }
0x57: {  	[sflag:s12] =	ssyncset.done $0x0  }
0x58: {  	[sflag:s12] =	ssyncadd.s32 $0xFFFFD800  }
0x59: {  	[tilespmem:s3], [sflag:$0xC] =	stream.linear.gather [spmem:s31], $0x2800, $0x38;
	[tilespmem:$0x1F000] =	vst v63  }
0x5a: {  	_ =	swait.ge [sflag:s6], $0x2800  }
0x5b: {  	[sflag:s6] =	ssyncset.done $0x0  }
0x5c: {  	s21 =	rddreg [dreg:$0x9];
	[sflag:s6] =	ssyncadd.s32 $0xFFFFD800  }
0x5d: {  	[hbm4b:s21+s2] =	stream.linear.scatter [tilespmem:s3], [sflag:$0x1], $0x2800, $0x38;
	[tilespmem:$0x1F000] =	vst v63  }
0x5e: {  	_ =	swait.ge [sflag:s13], $0x2800  }
0x5f: {  	[sflag:s13] =	ssyncset.done $0x0  }
0x60: {  	[sflag:s13] =	ssyncadd.s32 $0xFFFFD800  }
0x61: {  	[tilespmem:s10], [sflag:$0xC] =	stream.linear.gather [spmem:s0], $0x2800, $0x38;
	[tilespmem:$0x1F000] =	vst v63  }
0x62: {  	_ =	swait.ge [sflag:s6], $0x2800  }
0x63: {  	[sflag:s6] =	ssyncset.done $0x0  }
0x64: {  	s22 =	rddreg [dreg:$0xa];
	[sflag:s6] =	ssyncadd.s32 $0xFFFFD800  }
0x65: {  	[hbm4b:s22+s2] =	stream.linear.scatter [tilespmem:s10], [sflag:$0x2], $0x2800, $0x38;
	[tilespmem:$0x1F000] =	vst v63  }
0x66: {  	_ =	swait.ge [sflag:s12], $0x2800  }
0x67: {  	[sflag:s12] =	ssyncset.done $0x0  }
0x68: {  	[sflag:s12] =	ssyncadd.s32 $0xFFFFD800  }
0x69: {  	_ =	swait.ge [sflag:s13], $0x2800  }
0x6a: {  	s15 =	sadd.s32 $0x1, s15;
	s23 =	rddreg [dreg:$0x12]  }
0x6b: {  	p0 =	sne.s32 s15, s23  }
.Ltmp1:
0x6c: {  	_ = 	snop;
	(pc) =	sbr.rel @!p0 .LBB2_10-.Ltmp1, $3  }
0x6d: {  	_ =	sdelay $0x1  }
0x6e: {  	[sflag:s13] =	ssyncset.done $0x0  }
0x6f: {  	[sflag:s13] =	ssyncadd.s32 $0xFFFFD800  }
.LBB2_1:
0x70: {  	s17 =	rddreg [dreg:$0xb]  }
0x71: {  	[tilespmem:s3], [sflag:$0xC] =	stream.linear.gather [hbm4b:s17+s2], $0x2800, $0x38;
	[tilespmem:$0x1F000] =	vst v63  }
0x72: {  	_ =	swait.ge [sflag:s6], $0x2800  }
0x73: {  	[sflag:s6] =	ssyncset.done $0x0  }
0x74: {  	[sflag:s6] =	ssyncadd.s32 $0xFFFFD800  }
0x75: {  	[spmem:s24] =	stream.linear.scatter [tilespmem:s3], [sflag:$0x5], $0x2800, $0x38;
	[tilespmem:$0x1F000] =	vst v63  }
0x76: {  	_ = 	snop  }
0x77: {  	[spmem:s25] =	stream.linear.scatter [tilespmem:s3], [sflag:$0x5], $0x2800, $0x38;
	[tilespmem:$0x1F000] =	vst v63  }
0x78: {  	_ = 	snop  }
0x79: {  	[spmem:s26] =	stream.linear.scatter [tilespmem:s3], [sflag:$0x5], $0x2800, $0x38;
	[tilespmem:$0x1F000] =	vst v63  }
0x7a: {  	_ = 	snop  }
0x7b: {  	[spmem:s28] =	stream.linear.scatter [tilespmem:s3], [sflag:$0x5], $0x2800, $0x38;
	[tilespmem:$0x1F000] =	vst v63  }
0x7c: {  	_ = 	snop  }
0x7d: {  	[spmem:s29] =	stream.linear.scatter [tilespmem:s3], [sflag:$0x5], $0x2800, $0x38;
	[tilespmem:$0x1F000] =	vst v63  }
0x7e: {  	_ = 	snop  }
0x7f: {  	[spmem:s30] =	stream.linear.scatter [tilespmem:s3], [sflag:$0x5], $0x2800, $0x38;
	[tilespmem:$0x1F000] =	vst v63  }
0x80: {  	_ = 	snop  }
0x81: {  	[spmem:s31] =	stream.linear.scatter [tilespmem:s3], [sflag:$0x5], $0x2800, $0x38;
	[tilespmem:$0x1F000] =	vst v63  }
0x82: {  	_ = 	snop  }
0x83: {  	[spmem:s0] =	stream.linear.scatter [tilespmem:s3], [sflag:$0x5], $0x2800, $0x38;
	[tilespmem:$0x1F000] =	vst v63  }
0x84: {  	_ =	swait.ge [sflag:s7], $0x2800  }
0x85: {  	[sflag:s7] =	ssyncset.done $0x0  }
0x86: {  	[sflag:s7] =	ssyncadd.s32 $0xFFFFD800  }
0x87: {  	_ =	swait.ge [sflag:s7], $0x2800  }
0x88: {  	[sflag:s7] =	ssyncset.done $0x0  }
0x89: {  	[sflag:s7] =	ssyncadd.s32 $0xFFFFD800  }
0x8a: {  	_ =	swait.ge [sflag:s7], $0x2800  }
0x8b: {  	[sflag:s7] =	ssyncset.done $0x0  }
0x8c: {  	[sflag:s7] =	ssyncadd.s32 $0xFFFFD800  }
0x8d: {  	_ =	swait.ge [sflag:s7], $0x2800  }
0x8e: {  	[sflag:s7] =	ssyncset.done $0x0  }
0x8f: {  	[sflag:s7] =	ssyncadd.s32 $0xFFFFD800  }
0x90: {  	_ =	swait.ge [sflag:s7], $0x2800  }
0x91: {  	[sflag:s7] =	ssyncset.done $0x0  }
0x92: {  	[sflag:s7] =	ssyncadd.s32 $0xFFFFD800  }
0x93: {  	_ =	swait.ge [sflag:s7], $0x2800  }
0x94: {  	[sflag:s7] =	ssyncset.done $0x0  }
0x95: {  	[sflag:s7] =	ssyncadd.s32 $0xFFFFD800  }
0x96: {  	_ =	swait.ge [sflag:s7], $0x2800  }
0x97: {  	[sflag:s7] =	ssyncset.done $0x0  }
0x98: {  	[sflag:s7] =	ssyncadd.s32 $0xFFFFD800  }
0x99: {  	_ =	swait.ge [sflag:s7], $0x2800  }
0x9a: {  	[sflag:s7] =	ssyncset.done $0x0  }
0x9b: {  	[sflag:s7] =	ssyncadd.s32 $0xFFFFD800  }
0x9c: {  	[bflag:$0x0] =	sbarrier.arrive $0xFFFF  }
0x9d: {  	s18 =	rddreg [dreg:$0xc]  }
0x9e: {  	[tilespmem:s2], [sflag:$0x9] =	stream.linear.gather [hbm4b:s18+s2], $0x280, $0x38;
	[tilespmem:$0x1F000] =	vst v63  }
0x9f: {  	s19 =	rddreg [dreg:$0xd];
	s18 =	simm.s32 $0x800  }
0xa0: {  	[tilespmem:s18], [sflag:$0x9] =	stream.linear.gather [hbm4b:s19+s2], $0x280, $0x38;
	[tilespmem:$0x1F000] =	vst v63  }
0xa1: {  	_ =	swait.ge [sflag:s8], $0x280  }
0xa2: {  	[sflag:s8] =	ssyncset.done $0x0  }
0xa3: {  	[sflag:s8] =	ssyncadd.s32 $0xFFFFFD80  }
0xa4: {  	_ =	swait.ge [sflag:s8], $0x280  }
0xa5: {  	[sflag:s8] =	ssyncset.done $0x0  }
0xa6: {  	s21 =	simm.s32 $0x280;
	s20 =	rddreg [dreg:$0xe];
	[sflag:s8] =	ssyncadd.s32 $0xFFFFFD80  }
0xa7: {  	[tilespmem:s21], [sflag:$0xA] =	stream.linear.gather [hbm4b:s20+s2], $0x280, $0x38;
	[tilespmem:$0x1F000] =	vst v63  }
0xa8: {  	s23 =	simm.s32 $0xA80;
	s22 =	rddreg [dreg:$0xf]  }
0xa9: {  	[tilespmem:s23], [sflag:$0xA] =	stream.linear.gather [hbm4b:s22+s2], $0x280, $0x38;
	[tilespmem:$0x1F000] =	vst v63  }
0xaa: {  	s19 =	rddreg [dreg:$0x10];
	s20 =	simm.s32 $0x500  }
0xab: {  	[tilespmem:s20], [sflag:$0xB] =	stream.linear.gather [hbm4b:s19+s2], $0x280, $0x38;
	[tilespmem:$0x1F000] =	vst v63  }
0xac: {  	s21 =	rddreg [dreg:$0x11];
	s22 =	simm.s32 $0xD00  }
0xad: {  	[tilespmem:s22], [sflag:$0xB] =	stream.linear.gather [hbm4b:s21+s2], $0x280, $0x38;
	[tilespmem:$0x1F000] =	vst v63  }
0xae: {  	_ = 	snop  }
0xaf: {  	[tilespmem:s3], [sflag:$0x1] =	stream.indirect.gather [hbm4b:s4+s9], $0x80, s2, s9, $0xb8;
	[tilespmem:$0x1F000] =	vst v63  }
0xb0: {  	s17 =	simm.s32 $0x2;
	s23 =	simm.s32 $0x80  }
0xb1: {  	[tilespmem:s10], [sflag:$0x2] =	stream.indirect.gather [hbm4b:s4+s9], $0x80, s23, s9, $0xb8;
	[tilespmem:$0x1F000] =	vst v63  }
.LBB2_2:
0xb2: {  	s18 =	smul.u32 $0xCD, s17;
	_ =	sdelay $0x1  }
0xb3: {  	s18 =	sshrl.u32 s18, $0xA  }
0xb4: {  	s20 =	sand.u32 $0x3F, s18  }
0xb5: {  	s21 =	smul.u32 $0x5, s20  }
0xb6: {  	s18 =	sadd.s32 $0xFFFFFFFE, s17  }
0xb7: {  	p0 =	sgt.u32 s18, $0x7A;
	s21 =	ssub.s32 s17, s21  }
0xb8: {  	s23 =	sand.u32 @!p0 $0xFF, s21  }
0xb9: {  	p2 =	sne.s32 @!p0 s23, $0x0  }
0xba: {  	p2 =	por p0, p2  }
.Ltmp2:
0xbb: {  	s19 =	sand.u32 $0x3, s17;
	p1 =	slt.u32 s18, $0x2;
	(pc) =	sbr.rel @p2 .LBB2_4-.Ltmp2, $4  }
0xbc: {  	s22 =	sadd.s32 @!p1 $0x5, s19  }
0xbd: {  	_ =	swait.ge @!p1 [sflag:s22], $0x2800  }
0xbe: {  	[sflag:s22] =	ssyncset.done @!p1 $0x0  }
0xbf: {  	[sflag:s22] =	ssyncadd.s32 @!p1 $0xFFFFD800  }
0xc0: {  	s21 =	smul.u32 $0x56, s20;
	_ =	sdelay $0x1  }
0xc1: {  	s21 =	sshrl.u32 s21, $0x8  }
0xc2: {  	s21 =	smul.u32 $0x3, s21;
	_ =	sdelay $0x1  }
0xc3: {  	s23 =	ssub.s32 s20, s21  }
0xc4: {  	s20 =	sand.u32 $0xFF, s23  }
0xc5: {  	s20 =	sadd.s32 $0x9, s20  }
0xc6: {  	_ =	swait.ge [sflag:s20], $0x280  }
.Ltmp3:
0xc7: {  	[sflag:s20] =	ssyncset.done $0x0;
	(pc) =	sbr.rel .LBB2_7-.Ltmp3, $4  }
0xc8: {  	[sflag:s20] =	ssyncadd.s32 $0xFFFFFD80  }
0xc9: {  	_ =	swait.ge [sflag:s20], $0x280  }
0xca: {  	[sflag:s20] =	ssyncset.done $0x0  }
0xcb: {  	[sflag:s20] =	ssyncadd.s32 $0xFFFFFD80  }
.LBB2_4:
0xcc: {  	p1 =	slt.u32 s18, $0x3  }
0xcd: {  	s21 =	sand.u32 @!p1 $0xFF, s21  }
0xce: {  	p2 =	sne.s32 @!p1 s21, $0x4  }
0xcf: {  	p1 =	por p1, p2  }
0xd0: {  	p2 =	sgt.u32 @!p1 s18, $0x70  }
0xd1: {  	p1 =	por p1, p2  }
.Ltmp4:
0xd2: {  	_ = 	snop;
	(pc) =	sbr.rel @p1 .LBB2_6-.Ltmp4, $1  }
0xd3: {  	_ =	sdelay $0x3  }
0xd4: {  	s20 =	sadd.s32 $0x2, s20  }
0xd5: {  	s21 =	smul.u32 $0x56, s20;
	_ =	sdelay $0x1  }
0xd6: {  	s21 =	sshrl.u32 s21, $0x8  }
0xd7: {  	s21 =	smul.u32 $0x3, s21;
	_ =	sdelay $0x1  }
0xd8: {  	s21 =	ssub.s32 s20, s21  }
0xd9: {  	s20 =	sadd.s32 s20, s16;
	s21 =	sand.u32 $0xFF, s21  }
0xda: {  	s20 =	sshll.u32 s20, $0x7;
	s22 =	smul.u32 $0x280, s21  }
0xdb: {  	s21 =	sadd.s32 $0x9, s21;
	s23 =	sadd.s32 s5, s20  }
0xdc: {  	[tilespmem:s22], [sflag:s21] =	stream.linear.gather [hbm4b:s23+s2], $0x280, $0x38;
	[tilespmem:$0x1F000] =	vst v63  }
0xdd: {  	s20 =	sadd.s32 s14, s20;
	s22 =	sor.u32 $0x800, s22  }
0xde: {  	[tilespmem:s22], [sflag:s21] =	stream.linear.gather [hbm4b:s20+s2], $0x280, $0x38;
	[tilespmem:$0x1F000] =	vst v63  }
.LBB2_7:
0xdf: {  	s20 =	smul.u32 $0x89, s17;
	_ =	sdelay $0x1  }
0xe0: {  	s20 =	sshrl.u32 s20, $0xB  }
0xe1: {  	s20 =	sand.u32 $0x1F, s20  }
0xe2: {  	s20 =	smul.u32 $0xF, s20  }
0xe3: {  	s21 =	smul.u32 $0xA000, s19  }
0xe4: {  	s20 =	ssub.s32 s17, s20  }
0xe5: {  	s21 =	sshrl.u32 s21, $0x2;
	s20 =	sand.u32 $0xFF, s20  }
0xe6: {  	s23 =	sadd.s32 $0x1, s19;
	s21 =	sadd.s32 $0x1000, s21;
	s20 =	sshll.u32 s20, $0x7  }
0xe7: {  	[tilespmem:s21], [sflag:s23] =	stream.indirect.gather [hbm4b:s4+s9], $0x80, s20, s9, $0xb8;
	[tilespmem:$0x1F000] =	vst v63  }
.LBB2_8:
0xe8: {  	s19 =	smul.u32 $0x89, s18;
	_ =	sdelay $0x1  }
0xe9: {  	s19 =	sshrl.u32 s19, $0xB  }
0xea: {  	s19 =	sand.u32 $0x1F, s19  }
0xeb: {  	s20 =	sand.u32 $0x3, s18;
	s17 =	sadd.s32 $0x1, s17;
	s19 =	smul.u32 $0xF, s19  }
0xec: {  	s21 =	sadd.s32 $0x1, s20;
	s23 =	smul.u32 $0xA000, s20;
	p0 =	sne.s32 s17, $0x7F  }
.Ltmp5:
0xed: {  	s20 =	sadd.s32 $0x5, s20;
	s22 =	ssub.s32 s18, s19;
	(pc) =	sbr.rel @p0 .LBB2_2-.Ltmp5, $4  }
.Ltmp6:
0xee: {  	_ =	swait.ge [sflag:s21], $0x2800;
	s18 =	sand.u32 $0xEF, s22;
	(pc) =	sbr.rel @!p0 .LBB2_9-.Ltmp6, $4  }
0xef: {  	[sflag:s21] =	ssyncset.done $0x0;
	s19 =	sshrl.u32 s23, $0x2;
	s18 =	sshll.u32 s18, $0x7  }
0xf0: {  	[sflag:s21] =	ssyncadd.s32 $0xFFFFD800;
	s19 =	sadd.s32 $0x1000, s19;
	s18 =	sor.u32 $0x800, s18  }
0xf1: {  	[spmem:s1] =	stream.indirect.scatter.add.f32 [tilespmem:s19], [sflag:s20], $0x80, s18, s9, $0xb8;
	[tilespmem:$0x1F000] =	vst v63  }
0xf2: {  	_ = 	snop  }
.LBB2_6:
.Ltmp7:
0xf3: {  	(pc) =	sbr.rel @p0 .LBB2_8-.Ltmp7, $4  }
.Ltmp8:
0xf4: {  	(pc) =	sbr.rel @!p0 .LBB2_7-.Ltmp8, $4  }
0xf5: {  	_ = 	snop  }
0xf6: {  	_ = 	snop  }
0xf7: {  	_ = 	snop  }
0xf8: {  	_ = 	snop  }
.LBB2_10:
0xf9: {  	_ =	sfence.sel $0x180000  }
0xfa: {  	[bflag:$0x0] =	sbarrier.arrive $0xFFFF  }
0xfb: {  	_ =	strace $0x9000004D  }
0xfc: {  	s0 =	stileid.u32;
	[bflag:$0x2] =	sbarrier.arrive $0xFFFF  }
0xfd: {  	p0 =	sne.s32 s0, $0x0;
	s0 =	rddreg [dreg:$0x2]  }
0xfe: {  	s0 =	sadd.s32 @!p0 $0x100000, s0  }
0xff: {  	[sflag:s0] =	ssyncadd.tile.s32 @!p0 $0x1;
	_ =	shalt  }
.Lfunc_end2:
_tile_overlayer_lowered:
.L_overlay_start_2:
0x100: {  	(tag) =	ssettag $0x2  }
0x101: {  	s0 =	rddreg [dreg:$0x0];
	s2 =	stileid.u32  }
0x102: {  	s1 =	rddreg [dreg:$0x1];
	p0 =	sne.s32 s2, $0x0  }
0x103: {  	s3 =	rddreg [dreg:$0x2];
	[bflag:$0x3] =	sbarrier.arrive $0xFFFF;
	s2 =	simm.s32 @!p0 $0x1C0C  }
0x104: {  	[timem:s3], [sflag:s2] =	dma.local @!p0 [hbm:s0], s1  }
0x105: {  	s0 =	simm.s32 @!p0 $0xC  }
0x106: {  	_ =	swait.ge @!p0 [sflag:s0], s1  }
0x107: {  	s1 =	ssub.s32 @!p0 $0x0, s1;
	[sflag:s0] =	ssyncset.done @!p0 $0x0  }
0x108: {  	[sflag:s0] =	ssyncadd.s32 @!p0 s1  }
0x109: {  	[bflag:$0x3] =	sbarrier.arrive $0xFFFF  }
0x10a: {  	_ =	shalt  }

</sc_bundles>
